<compile_context>
chip_gen: v7x
topology: tpu7x:2x2x1
jax: 0.10.2.dev20260603
libtpu: 0.0.44.dev20260713+nightly
codegen_flags: <defaults>
</compile_context>

<pallas_src>
import functools

import jax
import jax.numpy as jnp
from jax import lax
from jax.experimental import pallas as pl
from jax.experimental.pallas import tpu as pltpu
from jax.experimental.pallas import tpu_sc as plsc

NC = 2
NS = 16
NW = NC * NS
L = 16

BATCH = 4096
SEQ = 200
HIDDEN = 64
NJ = HIDDEN // L

ROWS_PER_W = BATCH // NW
CHUNK = SEQ
NG = SEQ // L
REM = SEQ - NG * L

_mesh = plsc.VectorSubcoreMesh(
    core_axis_name="c", subcore_axis_name="s", num_cores=NC, num_subcores=NS
)

_TAKE_DNUMS = lax.GatherDimensionNumbers(
    offset_dims=(), collapsed_slice_dims=(0,), start_index_map=(0,)
)


def _splat(vec, lane):
    idx = jnp.full((L,), lane, jnp.int32)
    return lax.gather(vec, idx[:, None], _TAKE_DNUMS, (1,),
                      mode=lax.GatherScatterMode.PROMISE_IN_BOUNDS)


@functools.partial(
    pl.kernel,
    out_type=(
        jax.ShapeDtypeStruct((BATCH, SEQ, HIDDEN), jnp.float32),
        jax.ShapeDtypeStruct((BATCH, HIDDEN), jnp.float32),
    ),
    mesh=_mesh,
    compiler_params=pltpu.CompilerParams(use_tc_tiling_on_sc=False,
                                         needs_layout_passes=False),
    scratch_types=[
        pltpu.VMEM((ROWS_PER_W, CHUNK), jnp.int32),
        pltpu.VMEM((ROWS_PER_W, CHUNK), jnp.int32),
        pltpu.VMEM((2, CHUNK, HIDDEN), jnp.float32),
        pltpu.VMEM((2, CHUNK, HIDDEN), jnp.float32),
        pltpu.VMEM((SEQ, HIDDEN), jnp.float32),
        pltpu.VMEM((ROWS_PER_W, HIDDEN), jnp.float32),
        pltpu.SemaphoreType.DMA,
        pltpu.SemaphoreType.DMA,
        pltpu.SemaphoreType.DMA,
        pltpu.SemaphoreType.DMA,
    ],
)
def _encoder_sc(ids_hbm, pos_hbm, emb_hbm, pot_hbm, summed_hbm, pooled_hbm,
                ids_v, pos_v, e_buf, s_buf, pot_v, pool_buf,
                g_sem0, g_sem1, o_sem0, o_sem1):
    wid = lax.axis_index("s") * NC + lax.axis_index("c")
    row0 = wid * ROWS_PER_W
    inv_seq = jnp.float32(1.0 / SEQ)
    g_sems = (g_sem0, g_sem1)
    o_sems = (o_sem0, o_sem1)
    cols = tuple(lax.iota(jnp.int32, L) + (j * L) for j in range(NJ))

    pltpu.sync_copy(pot_hbm, pot_v)
    pltpu.sync_copy(ids_hbm.at[pl.ds(row0, ROWS_PER_W)], ids_v)
    pltpu.sync_copy(pos_hbm.at[pl.ds(row0, ROWS_PER_W)], pos_v)

    def fetch(c, slot):
        pltpu.async_copy(emb_hbm.at[ids_v.at[c]], e_buf.at[slot],
                         g_sems[slot])

    def wait_gather(slot):
        pltpu.make_async_copy(emb_hbm.at[pl.ds(0, CHUNK)], e_buf.at[slot],
                              g_sems[slot]).wait()

    def wait_out(slot):
        pltpu.make_async_copy(s_buf.at[slot], summed_hbm.at[row0],
                              o_sems[slot]).wait()

    def half(c2, c, slot):
        wait_gather(slot)

        @pl.when(c2 > 0)
        def _():
            wait_out(slot)

        def tokens(tg, pv, lanes, acc):
            for i in lanes:
                row = tg + i
                prow = _splat(pv, i)
                for j in range(NJ):
                    e = e_buf[slot, row, pl.ds(j * L, L)]
                    p = plsc.load_gather(pot_v, [prow, cols[j]])
                    s = e + p
                    s_buf[slot, row, pl.ds(j * L, L)] = s
                    acc[j] = acc[j] + s
            return acc

        def g_body(g, acc):
            tg = pl.multiple_of(g * L, L)
            pv = pos_v[c, pl.ds(tg, L)]
            return tuple(tokens(tg, pv, range(L), list(acc)))

        zeros = tuple(jnp.zeros((L,), jnp.float32) for _ in range(NJ))
        acc = lax.fori_loop(0, NG, g_body, zeros)
        tg = SEQ - L
        pv = pos_v[c, pl.ds(tg, L)]
        acc = tokens(tg, pv, range(L - REM, L), list(acc))

        for j in range(NJ):
            pool_buf[c, pl.ds(j * L, L)] = acc[j] * inv_seq

        pltpu.async_copy(s_buf.at[slot], summed_hbm.at[row0 + c],
                         o_sems[slot])

        @pl.when(c + 2 < ROWS_PER_W)
        def _():
            fetch(c + 2, slot)

    def pair_body(c2, carry):
        half(c2, 2 * c2, 0)
        half(c2, 2 * c2 + 1, 1)
        return carry

    fetch(0, 0)
    fetch(1, 1)
    lax.fori_loop(0, ROWS_PER_W // 2, pair_body, jnp.int32(0))

    wait_out(0)
    wait_out(1)
    pltpu.sync_copy(pool_buf, pooled_hbm.at[pl.ds(row0, ROWS_PER_W)])


def kernel(input, positions, hidden, emb_table, pos_table):
    del hidden
    summed, pooled = _encoder_sc(input, positions, emb_table, pos_table)
    return (pooled[None], summed)

# --- scband reference (transcript-rebuilt; emitter-appended) ---
"""Pipeline reference for scband-encoder-69045894251236 (READ-ONLY COPY).

The authoritative reference and input builder live on the scoring server;
editing this copy changes nothing except your own understanding.
"""

import jax, jax.numpy as jnp
import numpy as np

VOCAB = 1000000
MAX_POS = 200
HIDDEN = 64
BATCH = 4096
SEQ = 200

def setup_inputs(seed: int = 0) -> dict:
    key = jax.random.key(seed)
    k1, k2, k3, k4, k5 = jax.random.split(key, 5)
    input_ids = jax.random.randint(k1, (BATCH, SEQ), 0, VOCAB, dtype=jnp.int64 if jax.config.read('jax_enable_x64') else jnp.int32).astype(jnp.int32)
    positions = jax.random.randint(k2, (BATCH, SEQ), 0, MAX_POS).astype(jnp.int32)
    hidden = jax.random.normal(k3, (2, BATCH, HIDDEN), dtype=jnp.float32)
    emb_table = jax.random.normal(k4, (VOCAB, HIDDEN), dtype=jnp.float32) * 0.02
    pos_table = jax.random.normal(k5, (MAX_POS, HIDDEN), dtype=jnp.float32) * 0.02
    return {"input": input_ids, "positions": positions, "hidden": hidden, "emb_table": emb_table, "pos_table": pos_table}

def reference(input, positions, hidden, emb_table, pos_table):
    # dropout=0.0 -> identity; faithful to torch forward with p=0.0
    input_embeddings = jnp.take(emb_table, input, axis=0)
    positions_embeddings = jnp.take(pos_table, positions, axis=0)
    summed = input_embeddings + positions_embeddings
    pooled = jnp.mean(summed, axis=1)[None, ...]
    return (pooled, summed)

if __name__ == "__main__":
    import jax
    _d = setup_inputs()
    print(jax.jit(kernel)(*tuple(_d.values())))

</pallas_src>

<mosaic_0001>
#map = affine_map<(d0, d1) -> (0, 0)>
#map1 = affine_map<(d0, d1) -> (0, 0, 0)>
module attributes {stable_mosaic.version = 14 : i64} {
  func.func @_encoder_sc(%arg0: i32, %arg1: i32, %arg2: memref<4096x200xi32, #tpu.memory_space<hbm>>, %arg3: memref<4096x200xi32, #tpu.memory_space<hbm>>, %arg4: memref<1000000x64xf32, #tpu.memory_space<hbm>>, %arg5: memref<200x64xf32, #tpu.memory_space<hbm>>, %arg6: memref<4096x200x64xf32, #tpu.memory_space<hbm>>, %arg7: memref<4096x64xf32, #tpu.memory_space<hbm>>, %arg8: memref<128x200xi32, #tpu.memory_space<vmem>>, %arg9: memref<128x200xi32, #tpu.memory_space<vmem>>, %arg10: memref<2x200x64xf32, #tpu.memory_space<vmem>>, %arg11: memref<2x200x64xf32, #tpu.memory_space<vmem>>, %arg12: memref<200x64xf32, #tpu.memory_space<vmem>>, %arg13: memref<128x64xf32, #tpu.memory_space<vmem>>, %arg14: memref<!tpu.dma_semaphore, #tpu.memory_space<semaphore_mem>>, %arg15: memref<!tpu.dma_semaphore, #tpu.memory_space<semaphore_mem>>, %arg16: memref<!tpu.dma_semaphore, #tpu.memory_space<semaphore_mem>>, %arg17: memref<!tpu.dma_semaphore, #tpu.memory_space<semaphore_mem>>) attributes {dimension_semantics = [#tpu.dimension_semantics<core_parallel>, #tpu.dimension_semantics<subcore_parallel>], iteration_bounds = array<i64: 2, 16>, scalar_prefetch = 0 : i64, scratch_operands = 10 : i64, tpu.core_type = #tpu.core_type<sc_vector_subcore>, window_params = [{transform_indices = #map}, {transform_indices = #map}, {transform_indices = #map}, {transform_indices = #map}, {transform_indices = #map1}, {transform_indices = #map}]} {
    %mul3A = arith.constant 2 : i32
    %mul3A_0 = arith.muli %arg1, %mul3A : i32
    %add3A = arith.addi %mul3A_0, %arg0 : i32
    %mul3A_1 = arith.constant 128 : i32
    %mul3A_2 = arith.muli %add3A, %mul3A_1 : i32
    %iota3A = tpu.iota {dimensions = array<i32: 0>} : vector<16xi32>
    %add3A_3 = arith.constant 0 : i32
    %add3A_4 = vector.broadcast %add3A_3 : i32 to vector<16xi32>
    %add3A_5 = arith.addi %iota3A, %add3A_4 : vector<16xi32>
    %iota3A_6 = tpu.iota {dimensions = array<i32: 0>} : vector<16xi32>
    %add3A_7 = arith.constant 16 : i32
    %add3A_8 = vector.broadcast %add3A_7 : i32 to vector<16xi32>
    %add3A_9 = arith.addi %iota3A_6, %add3A_8 : vector<16xi32>
    %iota3A_10 = tpu.iota {dimensions = array<i32: 0>} : vector<16xi32>
    %add3A_11 = arith.constant 32 : i32
    %add3A_12 = vector.broadcast %add3A_11 : i32 to vector<16xi32>
    %add3A_13 = arith.addi %iota3A_10, %add3A_12 : vector<16xi32>
    %iota3A_14 = tpu.iota {dimensions = array<i32: 0>} : vector<16xi32>
    %add3A_15 = arith.constant 48 : i32
    %add3A_16 = vector.broadcast %add3A_15 : i32 to vector<16xi32>
    %add3A_17 = arith.addi %iota3A_14, %add3A_16 : vector<16xi32>
    "tpu.region"() ({
      %run_scoped3A = tpu.sem_alloc : memref<!tpu.dma_semaphore, #tpu.memory_space<semaphore_mem>>
      tpu.enqueue_dma source(%arg5 : memref<200x64xf32, #tpu.memory_space<hbm>>) target(%arg12 : memref<200x64xf32, #tpu.memory_space<vmem>>) target_semaphore(%run_scoped3A : memref<!tpu.dma_semaphore, #tpu.memory_space<semaphore_mem>>)
      tpu.wait_dma2 semaphore(%run_scoped3A : memref<!tpu.dma_semaphore, #tpu.memory_space<semaphore_mem>>) src(%arg5 : memref<200x64xf32, #tpu.memory_space<hbm>>) dst(%arg12 : memref<200x64xf32, #tpu.memory_space<vmem>>)
      tpu.yield
    }) : () -> ()
    "tpu.region"() ({
      %run_scoped3A = tpu.sem_alloc : memref<!tpu.dma_semaphore, #tpu.memory_space<semaphore_mem>>
      %dma_start3A_80 = arith.constant 0 : i32
      %dma_start3A_81 = tpu.memref_slice %arg2[%mul3A_2, %dma_start3A_80] : memref<4096x200xi32, #tpu.memory_space<hbm>> -> memref<128x200xi32, #tpu.memory_space<hbm>>
      %dma_start3A_82 = arith.constant 0 : i32
      %dma_start3A_83 = tpu.memref_slice %arg2[%mul3A_2, %dma_start3A_82] : memref<4096x200xi32, #tpu.memory_space<hbm>> -> memref<128x200xi32, #tpu.memory_space<hbm>>
      tpu.enqueue_dma source(%dma_start3A_83 : memref<128x200xi32, #tpu.memory_space<hbm>>) target(%arg8 : memref<128x200xi32, #tpu.memory_space<vmem>>) target_semaphore(%run_scoped3A : memref<!tpu.dma_semaphore, #tpu.memory_space<semaphore_mem>>)
      %dma_wait3A_84 = arith.constant 0 : i32
      %dma_wait3A_85 = tpu.memref_slice %arg2[%mul3A_2, %dma_wait3A_84] : memref<4096x200xi32, #tpu.memory_space<hbm>> -> memref<128x200xi32, #tpu.memory_space<hbm>>
      %dma_wait3A_86 = arith.constant 0 : i32
      %dma_wait3A_87 = tpu.memref_slice %arg2[%mul3A_2, %dma_wait3A_86] : memref<4096x200xi32, #tpu.memory_space<hbm>> -> memref<128x200xi32, #tpu.memory_space<hbm>>
      tpu.wait_dma2 semaphore(%run_scoped3A : memref<!tpu.dma_semaphore, #tpu.memory_space<semaphore_mem>>) src(%dma_wait3A_87 : memref<128x200xi32, #tpu.memory_space<hbm>>) dst(%arg8 : memref<128x200xi32, #tpu.memory_space<vmem>>)
      tpu.yield
    }) : () -> ()
    "tpu.region"() ({
      %run_scoped3A = tpu.sem_alloc : memref<!tpu.dma_semaphore, #tpu.memory_space<semaphore_mem>>
      %dma_start3A_80 = arith.constant 0 : i32
      %dma_start3A_81 = tpu.memref_slice %arg3[%mul3A_2, %dma_start3A_80] : memref<4096x200xi32, #tpu.memory_space<hbm>> -> memref<128x200xi32, #tpu.memory_space<hbm>>
      %dma_start3A_82 = arith.constant 0 : i32
      %dma_start3A_83 = tpu.memref_slice %arg3[%mul3A_2, %dma_start3A_82] : memref<4096x200xi32, #tpu.memory_space<hbm>> -> memref<128x200xi32, #tpu.memory_space<hbm>>
      tpu.enqueue_dma source(%dma_start3A_83 : memref<128x200xi32, #tpu.memory_space<hbm>>) target(%arg9 : memref<128x200xi32, #tpu.memory_space<vmem>>) target_semaphore(%run_scoped3A : memref<!tpu.dma_semaphore, #tpu.memory_space<semaphore_mem>>)
      %dma_wait3A_84 = arith.constant 0 : i32
      %dma_wait3A_85 = tpu.memref_slice %arg3[%mul3A_2, %dma_wait3A_84] : memref<4096x200xi32, #tpu.memory_space<hbm>> -> memref<128x200xi32, #tpu.memory_space<hbm>>
      %dma_wait3A_86 = arith.constant 0 : i32
      %dma_wait3A_87 = tpu.memref_slice %arg3[%mul3A_2, %dma_wait3A_86] : memref<4096x200xi32, #tpu.memory_space<hbm>> -> memref<128x200xi32, #tpu.memory_space<hbm>>
      tpu.wait_dma2 semaphore(%run_scoped3A : memref<!tpu.dma_semaphore, #tpu.memory_space<semaphore_mem>>) src(%dma_wait3A_87 : memref<128x200xi32, #tpu.memory_space<hbm>>) dst(%arg9 : memref<128x200xi32, #tpu.memory_space<vmem>>)
      tpu.yield
    }) : () -> ()
    %dma_start3A = arith.constant 0 : i32
    %dma_start3A_18 = arith.constant 0 : i32
    %dma_start3A_19 = arith.constant 0 : i32
    %dma_start3A_20 = arith.constant 0 : i32
    %dma_start3A_21 = tpu.memref_slice %arg10[%dma_start3A_18, %dma_start3A_19, %dma_start3A_20] : memref<2x200x64xf32, #tpu.memory_space<vmem>> -> memref<1x200x64xf32, #tpu.memory_space<vmem>>
    %dma_start3A_22 = tpu.memref_squeeze %dma_start3A_21 : memref<1x200x64xf32, #tpu.memory_space<vmem>> -> memref<200x64xf32, #tpu.memory_space<vmem>>
    %dma_start3A_23 = arith.constant 0 : i32
    %dma_start3A_24 = tpu.memref_slice %arg8[%dma_start3A, %dma_start3A_23] : memref<128x200xi32, #tpu.memory_space<vmem>> -> memref<1x200xi32, #tpu.memory_space<vmem>>
    %dma_start3A_25 = tpu.memref_squeeze %dma_start3A_24 : memref<1x200xi32, #tpu.memory_space<vmem>> -> memref<200xi32, #tpu.memory_space<vmem>>
    %dma_start3A_26 = arith.constant 0 : i32
    %dma_start3A_27 = arith.constant 0 : i32
    %dma_start3A_28 = tpu.memref_slice %arg4[%dma_start3A_26, %dma_start3A_27] : memref<1000000x64xf32, #tpu.memory_space<hbm>> -> memref<1000000x64xf32, #tpu.memory_space<hbm>>
    tpu.enqueue_indirect_dma source(%dma_start3A_28 : memref<1000000x64xf32, #tpu.memory_space<hbm>>) target(%dma_start3A_22 : memref<200x64xf32, #tpu.memory_space<vmem>>) offsets(%dma_start3A_25 : memref<200xi32, #tpu.memory_space<vmem>>) semaphore(%arg14 : memref<!tpu.dma_semaphore, #tpu.memory_space<semaphore_mem>>)
    %dma_start3A_29 = arith.constant 1 : i32
    %dma_start3A_30 = arith.constant 1 : i32
    %dma_start3A_31 = arith.constant 0 : i32
    %dma_start3A_32 = arith.constant 0 : i32
    %dma_start3A_33 = tpu.memref_slice %arg10[%dma_start3A_30, %dma_start3A_31, %dma_start3A_32] : memref<2x200x64xf32, #tpu.memory_space<vmem>> -> memref<1x200x64xf32, #tpu.memory_space<vmem>>
    %dma_start3A_34 = tpu.memref_squeeze %dma_start3A_33 : memref<1x200x64xf32, #tpu.memory_space<vmem>> -> memref<200x64xf32, #tpu.memory_space<vmem>>
    %dma_start3A_35 = arith.constant 0 : i32
    %dma_start3A_36 = tpu.memref_slice %arg8[%dma_start3A_29, %dma_start3A_35] : memref<128x200xi32, #tpu.memory_space<vmem>> -> memref<1x200xi32, #tpu.memory_space<vmem>>
    %dma_start3A_37 = tpu.memref_squeeze %dma_start3A_36 : memref<1x200xi32, #tpu.memory_space<vmem>> -> memref<200xi32, #tpu.memory_space<vmem>>
    %dma_start3A_38 = arith.constant 0 : i32
    %dma_start3A_39 = arith.constant 0 : i32
    %dma_start3A_40 = tpu.memref_slice %arg4[%dma_start3A_38, %dma_start3A_39] : memref<1000000x64xf32, #tpu.memory_space<hbm>> -> memref<1000000x64xf32, #tpu.memory_space<hbm>>
    tpu.enqueue_indirect_dma source(%dma_start3A_40 : memref<1000000x64xf32, #tpu.memory_space<hbm>>) target(%dma_start3A_34 : memref<200x64xf32, #tpu.memory_space<vmem>>) offsets(%dma_start3A_37 : memref<200xi32, #tpu.memory_space<vmem>>) semaphore(%arg15 : memref<!tpu.dma_semaphore, #tpu.memory_space<semaphore_mem>>)
    %scan3A = arith.constant 0 : i32
    %scan3A_41 = arith.constant 5.000000e-03 : f32
    %scan3A_42 = arith.constant 0 : i32
    %scan3A_43 = arith.constant 64 : i32
    %scan3A_44 = arith.addi %scan3A_42, %scan3A_43 : i32
    %scan3A_45 = arith.constant 1 : i32
    scf.for %scan3A_80 = %scan3A_42 to %scan3A_44 step %scan3A_45  : i32 {
      %mul3A_81 = arith.constant 2 : i32
      %mul3A_82 = arith.muli %mul3A_81, %scan3A_80 : i32
      %dma_wait3A_83 = arith.constant 0 : i32
      %dma_wait3A_84 = arith.constant 0 : i32
      %dma_wait3A_85 = arith.constant 0 : i32
      %dma_wait3A_86 = tpu.memref_slice %arg10[%dma_wait3A_83, %dma_wait3A_84, %dma_wait3A_85] : memref<2x200x64xf32, #tpu.memory_space<vmem>> -> memref<1x200x64xf32, #tpu.memory_space<vmem>>
      %dma_wait3A_87 = tpu.memref_squeeze %dma_wait3A_86 : memref<1x200x64xf32, #tpu.memory_space<vmem>> -> memref<200x64xf32, #tpu.memory_space<vmem>>
      %dma_wait3A_88 = arith.constant 0 : i32
      %dma_wait3A_89 = arith.constant 0 : i32
      %dma_wait3A_90 = tpu.memref_slice %arg4[%dma_wait3A_88, %dma_wait3A_89] : memref<1000000x64xf32, #tpu.memory_space<hbm>> -> memref<200x64xf32, #tpu.memory_space<hbm>>
      %dma_wait3A_91 = arith.constant 0 : i32
      %dma_wait3A_92 = arith.constant 0 : i32
      %dma_wait3A_93 = tpu.memref_slice %arg10[%dma_wait3A_83, %dma_wait3A_91, %dma_wait3A_92] : memref<2x200x64xf32, #tpu.memory_space<vmem>> -> memref<1x200x64xf32, #tpu.memory_space<vmem>>
      %dma_wait3A_94 = tpu.memref_squeeze %dma_wait3A_93 : memref<1x200x64xf32, #tpu.memory_space<vmem>> -> memref<200x64xf32, #tpu.memory_space<vmem>>
      %dma_wait3A_95 = arith.constant 0 : i32
      %dma_wait3A_96 = arith.constant 0 : i32
      %dma_wait3A_97 = tpu.memref_slice %arg4[%dma_wait3A_95, %dma_wait3A_96] : memref<1000000x64xf32, #tpu.memory_space<hbm>> -> memref<200x64xf32, #tpu.memory_space<hbm>>
      tpu.wait_dma2 semaphore(%arg14 : memref<!tpu.dma_semaphore, #tpu.memory_space<semaphore_mem>>) src(%dma_wait3A_97 : memref<200x64xf32, #tpu.memory_space<hbm>>) dst(%dma_wait3A_94 : memref<200x64xf32, #tpu.memory_space<vmem>>)
      %gt3A = arith.constant 0 : i32
      %gt3A_98 = arith.cmpi sgt, %scan3A_80, %gt3A : i32
      %convert_element_type3A = arith.extui %gt3A_98 : i1 to i32
      %cond3A = arith.constant 0 : i32
      %cond3A_99 = arith.cmpi ne, %convert_element_type3A, %cond3A : i32
      scf.if %cond3A_99 {
        %dma_wait3A_1283 = arith.constant 0 : i32
        %dma_wait3A_1284 = arith.constant 0 : i32
        %dma_wait3A_1285 = arith.constant 0 : i32
        %dma_wait3A_1286 = tpu.memref_slice %arg11[%dma_wait3A_1283, %dma_wait3A_1284, %dma_wait3A_1285] : memref<2x200x64xf32, #tpu.memory_space<vmem>> -> memref<1x200x64xf32, #tpu.memory_space<vmem>>
        %dma_wait3A_1287 = tpu.memref_squeeze %dma_wait3A_1286 : memref<1x200x64xf32, #tpu.memory_space<vmem>> -> memref<200x64xf32, #tpu.memory_space<vmem>>
        %dma_wait3A_1288 = arith.constant 0 : i32
        %dma_wait3A_1289 = arith.constant 0 : i32
        %dma_wait3A_1290 = tpu.memref_slice %arg6[%mul3A_2, %dma_wait3A_1288, %dma_wait3A_1289] : memref<4096x200x64xf32, #tpu.memory_space<hbm>> -> memref<1x200x64xf32, #tpu.memory_space<hbm>>
        %dma_wait3A_1291 = tpu.memref_squeeze %dma_wait3A_1290 : memref<1x200x64xf32, #tpu.memory_space<hbm>> -> memref<200x64xf32, #tpu.memory_space<hbm>>
        %dma_wait3A_1292 = arith.constant 0 : i32
        %dma_wait3A_1293 = arith.constant 0 : i32
        %dma_wait3A_1294 = tpu.memref_slice %arg6[%mul3A_2, %dma_wait3A_1292, %dma_wait3A_1293] : memref<4096x200x64xf32, #tpu.memory_space<hbm>> -> memref<1x200x64xf32, #tpu.memory_space<hbm>>
        %dma_wait3A_1295 = tpu.memref_squeeze %dma_wait3A_1294 : memref<1x200x64xf32, #tpu.memory_space<hbm>> -> memref<200x64xf32, #tpu.memory_space<hbm>>
        %dma_wait3A_1296 = arith.constant 0 : i32
        %dma_wait3A_1297 = arith.constant 0 : i32
        %dma_wait3A_1298 = tpu.memref_slice %arg11[%dma_wait3A_1283, %dma_wait3A_1296, %dma_wait3A_1297] : memref<2x200x64xf32, #tpu.memory_space<vmem>> -> memref<1x200x64xf32, #tpu.memory_space<vmem>>
        %dma_wait3A_1299 = tpu.memref_squeeze %dma_wait3A_1298 : memref<1x200x64xf32, #tpu.memory_space<vmem>> -> memref<200x64xf32, #tpu.memory_space<vmem>>
        tpu.wait_dma2 semaphore(%arg16 : memref<!tpu.dma_semaphore, #tpu.memory_space<semaphore_mem>>) src(%dma_wait3A_1299 : memref<200x64xf32, #tpu.memory_space<vmem>>) dst(%dma_wait3A_1295 : memref<200x64xf32, #tpu.memory_space<hbm>>)
      } else {
      }
      %broadcast_in_dim3A = arith.constant 0.000000e+00 : f32
      %broadcast_in_dim3A_100 = vector.broadcast %broadcast_in_dim3A : f32 to vector<16xf32>
      %broadcast_in_dim3A_101 = arith.constant 0.000000e+00 : f32
      %broadcast_in_dim3A_102 = vector.broadcast %broadcast_in_dim3A_101 : f32 to vector<16xf32>
      %broadcast_in_dim3A_103 = arith.constant 0.000000e+00 : f32
      %broadcast_in_dim3A_104 = vector.broadcast %broadcast_in_dim3A_103 : f32 to vector<16xf32>
      %broadcast_in_dim3A_105 = arith.constant 0.000000e+00 : f32
      %broadcast_in_dim3A_106 = vector.broadcast %broadcast_in_dim3A_105 : f32 to vector<16xf32>
      %scan3A_107 = arith.constant 0 : i32
      %scan3A_108 = arith.constant 12 : i32
      %scan3A_109 = arith.addi %scan3A_107, %scan3A_108 : i32
      %scan3A_110 = arith.constant 1 : i32
      %scan3A_111:4 = scf.for %scan3A_1283 = %scan3A_107 to %scan3A_109 step %scan3A_110 iter_args(%scan3A_1284 = %broadcast_in_dim3A_100, %scan3A_1285 = %broadcast_in_dim3A_102, %scan3A_1286 = %broadcast_in_dim3A_104, %scan3A_1287 = %broadcast_in_dim3A_106) -> (vector<16xf32>, vector<16xf32>, vector<16xf32>, vector<16xf32>)  : i32 {
        %mul3A_1288 = arith.constant 16 : i32
        %mul3A_1289 = arith.muli %scan3A_1283, %mul3A_1288 : i32
        %multiple_of3A = tpu.assume_multiple %mul3A_1289, 16 : i32
        %get3A_1290 = arith.index_cast %mul3A_82 : i32 to index
        %get3A_1291 = arith.index_cast %multiple_of3A : i32 to index
        %get3A_1292 = tpu.vector_load %arg9[%get3A_1290, %get3A_1291] {strides = array<i32>} : memref<128x200xi32, #tpu.memory_space<vmem>>, vector<16xi32>,
        %add3A_1293 = arith.constant 0 : i32
        %add3A_1294 = arith.addi %multiple_of3A, %add3A_1293 : i32
        %broadcast_in_dim3A_1295 = arith.constant 0 : i32
        %broadcast_in_dim3A_1296 = vector.broadcast %broadcast_in_dim3A_1295 : i32 to vector<16xi32>
        %broadcast_in_dim3A_1297 = vector.shape_cast %broadcast_in_dim3A_1296 : vector<16xi32> to vector<16x1xi32>
        %gather3A_1298 = vector.shape_cast %broadcast_in_dim3A_1297 : vector<16x1xi32> to vector<16xi32>
        %gather3A_1299 = tpu.dynamic_gather %get3A_1292[%gather3A_1298] in [0] : vector<16xi32>, vector<16xi32> -> vector<16xi32>
        %get3A_1300 = arith.constant 0 : i32
        %get3A_1301 = arith.index_cast %get3A_1300 : i32 to index
        %get3A_1302 = arith.index_cast %add3A_1294 : i32 to index
        %get3A_1303 = arith.constant 0 : index
        %get3A_1304 = tpu.vector_load %arg10[%get3A_1301, %get3A_1302, %get3A_1303] {strides = array<i32>} : memref<2x200x64xf32, #tpu.memory_space<vmem>>, vector<16xf32>,
        %gather3A_1305 = tpu.vector_load_idx %arg12[%gather3A_1299, %add3A_5] : memref<200x64xf32, #tpu.memory_space<vmem>>[vector<16xi32>, vector<16xi32>], vector<16xf32>,
        %add3A_1306 = arith.addf %get3A_1304, %gather3A_1305 : vector<16xf32>
        %swap3A_1307 = arith.constant 0 : i32
        %swap3A_1308 = arith.index_cast %swap3A_1307 : i32 to index
        %swap3A_1309 = arith.index_cast %add3A_1294 : i32 to index
        %swap3A_1310 = arith.constant 0 : index
        %swap3A_1311 = tpu.vector_load %arg11[%swap3A_1308, %swap3A_1309, %swap3A_1310] {strides = array<i32>} : memref<2x200x64xf32, #tpu.memory_space<vmem>>, vector<16xf32>,
        tpu.vector_store %arg11[%swap3A_1308, %swap3A_1309, %swap3A_1310], %add3A_1306 {strides = array<i32>} : memref<2x200x64xf32, #tpu.memory_space<vmem>>, vector<16xf32>,
        %add3A_1312 = arith.addf %scan3A_1284, %add3A_1306 : vector<16xf32>
        %get3A_1313 = arith.constant 0 : i32
        %get3A_1314 = arith.index_cast %get3A_1313 : i32 to index
        %get3A_1315 = arith.index_cast %add3A_1294 : i32 to index
        %get3A_1316 = arith.constant 16 : index
        %get3A_1317 = tpu.vector_load %arg10[%get3A_1314, %get3A_1315, %get3A_1316] {strides = array<i32>} : memref<2x200x64xf32, #tpu.memory_space<vmem>>, vector<16xf32>,
        %gather3A_1318 = tpu.vector_load_idx %arg12[%gather3A_1299, %add3A_9] : memref<200x64xf32, #tpu.memory_space<vmem>>[vector<16xi32>, vector<16xi32>], vector<16xf32>,
        %add3A_1319 = arith.addf %get3A_1317, %gather3A_1318 : vector<16xf32>
        %swap3A_1320 = arith.constant 0 : i32
        %swap3A_1321 = arith.index_cast %swap3A_1320 : i32 to index
        %swap3A_1322 = arith.index_cast %add3A_1294 : i32 to index
        %swap3A_1323 = arith.constant 16 : index
        %swap3A_1324 = tpu.vector_load %arg11[%swap3A_1321, %swap3A_1322, %swap3A_1323] {strides = array<i32>} : memref<2x200x64xf32, #tpu.memory_space<vmem>>, vector<16xf32>,
        tpu.vector_store %arg11[%swap3A_1321, %swap3A_1322, %swap3A_1323], %add3A_1319 {strides = array<i32>} : memref<2x200x64xf32, #tpu.memory_space<vmem>>, vector<16xf32>,
        %add3A_1325 = arith.addf %scan3A_1285, %add3A_1319 : vector<16xf32>
        %get3A_1326 = arith.constant 0 : i32
        %get3A_1327 = arith.index_cast %get3A_1326 : i32 to index
        %get3A_1328 = arith.index_cast %add3A_1294 : i32 to index
        %get3A_1329 = arith.constant 32 : index
        %get3A_1330 = tpu.vector_load %arg10[%get3A_1327, %get3A_1328, %get3A_1329] {strides = array<i32>} : memref<2x200x64xf32, #tpu.memory_space<vmem>>, vector<16xf32>,
        %gather3A_1331 = tpu.vector_load_idx %arg12[%gather3A_1299, %add3A_13] : memref<200x64xf32, #tpu.memory_space<vmem>>[vector<16xi32>, vector<16xi32>], vector<16xf32>,
        %add3A_1332 = arith.addf %get3A_1330, %gather3A_1331 : vector<16xf32>
        %swap3A_1333 = arith.constant 0 : i32
        %swap3A_1334 = arith.index_cast %swap3A_1333 : i32 to index
        %swap3A_1335 = arith.index_cast %add3A_1294 : i32 to index
        %swap3A_1336 = arith.constant 32 : index
        %swap3A_1337 = tpu.vector_load %arg11[%swap3A_1334, %swap3A_1335, %swap3A_1336] {strides = array<i32>} : memref<2x200x64xf32, #tpu.memory_space<vmem>>, vector<16xf32>,
        tpu.vector_store %arg11[%swap3A_1334, %swap3A_1335, %swap3A_1336], %add3A_1332 {strides = array<i32>} : memref<2x200x64xf32, #tpu.memory_space<vmem>>, vector<16xf32>,
        %add3A_1338 = arith.addf %scan3A_1286, %add3A_1332 : vector<16xf32>
        %get3A_1339 = arith.constant 0 : i32
        %get3A_1340 = arith.index_cast %get3A_1339 : i32 to index
        %get3A_1341 = arith.index_cast %add3A_1294 : i32 to index
        %get3A_1342 = arith.constant 48 : index
        %get3A_1343 = tpu.vector_load %arg10[%get3A_1340, %get3A_1341, %get3A_1342] {strides = array<i32>} : memref<2x200x64xf32, #tpu.memory_space<vmem>>, vector<16xf32>,
        %gather3A_1344 = tpu.vector_load_idx %arg12[%gather3A_1299, %add3A_17] : memref<200x64xf32, #tpu.memory_space<vmem>>[vector<16xi32>, vector<16xi32>], vector<16xf32>,
        %add3A_1345 = arith.addf %get3A_1343, %gather3A_1344 : vector<16xf32>
        %swap3A_1346 = arith.constant 0 : i32
        %swap3A_1347 = arith.index_cast %swap3A_1346 : i32 to index
        %swap3A_1348 = arith.index_cast %add3A_1294 : i32 to index
        %swap3A_1349 = arith.constant 48 : index
        %swap3A_1350 = tpu.vector_load %arg11[%swap3A_1347, %swap3A_1348, %swap3A_1349] {strides = array<i32>} : memref<2x200x64xf32, #tpu.memory_space<vmem>>, vector<16xf32>,
        tpu.vector_store %arg11[%swap3A_1347, %swap3A_1348, %swap3A_1349], %add3A_1345 {strides = array<i32>} : memref<2x200x64xf32, #tpu.memory_space<vmem>>, vector<16xf32>,
        %add3A_1351 = arith.addf %scan3A_1287, %add3A_1345 : vector<16xf32>
        %add3A_1352 = arith.constant 1 : i32
        %add3A_1353 = arith.addi %multiple_of3A, %add3A_1352 : i32
        %broadcast_in_dim3A_1354 = arith.constant 1 : i32
        %broadcast_in_dim3A_1355 = vector.broadcast %broadcast_in_dim3A_1354 : i32 to vector<16xi32>
        %broadcast_in_dim3A_1356 = vector.shape_cast %broadcast_in_dim3A_1355 : vector<16xi32> to vector<16x1xi32>
        %gather3A_1357 = vector.shape_cast %broadcast_in_dim3A_1356 : vector<16x1xi32> to vector<16xi32>
        %gather3A_1358 = tpu.dynamic_gather %get3A_1292[%gather3A_1357] in [0] : vector<16xi32>, vector<16xi32> -> vector<16xi32>
        %get3A_1359 = arith.constant 0 : i32
        %get3A_1360 = arith.index_cast %get3A_1359 : i32 to index
        %get3A_1361 = arith.index_cast %add3A_1353 : i32 to index
        %get3A_1362 = arith.constant 0 : index
        %get3A_1363 = tpu.vector_load %arg10[%get3A_1360, %get3A_1361, %get3A_1362] {strides = array<i32>} : memref<2x200x64xf32, #tpu.memory_space<vmem>>, vector<16xf32>,
        %gather3A_1364 = tpu.vector_load_idx %arg12[%gather3A_1358, %add3A_5] : memref<200x64xf32, #tpu.memory_space<vmem>>[vector<16xi32>, vector<16xi32>], vector<16xf32>,
        %add3A_1365 = arith.addf %get3A_1363, %gather3A_1364 : vector<16xf32>
        %swap3A_1366 = arith.constant 0 : i32
        %swap3A_1367 = arith.index_cast %swap3A_1366 : i32 to index
        %swap3A_1368 = arith.index_cast %add3A_1353 : i32 to index
        %swap3A_1369 = arith.constant 0 : index
        %swap3A_1370 = tpu.vector_load %arg11[%swap3A_1367, %swap3A_1368, %swap3A_1369] {strides = array<i32>} : memref<2x200x64xf32, #tpu.memory_space<vmem>>, vector<16xf32>,
        tpu.vector_store %arg11[%swap3A_1367, %swap3A_1368, %swap3A_1369], %add3A_1365 {strides = array<i32>} : memref<2x200x64xf32, #tpu.memory_space<vmem>>, vector<16xf32>,
        %add3A_1371 = arith.addf %add3A_1312, %add3A_1365 : vector<16xf32>
        %get3A_1372 = arith.constant 0 : i32
        %get3A_1373 = arith.index_cast %get3A_1372 : i32 to index
        %get3A_1374 = arith.index_cast %add3A_1353 : i32 to index
        %get3A_1375 = arith.constant 16 : index
        %get3A_1376 = tpu.vector_load %arg10[%get3A_1373, %get3A_1374, %get3A_1375] {strides = array<i32>} : memref<2x200x64xf32, #tpu.memory_space<vmem>>, vector<16xf32>,
        %gather3A_1377 = tpu.vector_load_idx %arg12[%gather3A_1358, %add3A_9] : memref<200x64xf32, #tpu.memory_space<vmem>>[vector<16xi32>, vector<16xi32>], vector<16xf32>,
        %add3A_1378 = arith.addf %get3A_1376, %gather3A_1377 : vector<16xf32>
        %swap3A_1379 = arith.constant 0 : i32
        %swap3A_1380 = arith.index_cast %swap3A_1379 : i32 to index
        %swap3A_1381 = arith.index_cast %add3A_1353 : i32 to index
        %swap3A_1382 = arith.constant 16 : index
        %swap3A_1383 = tpu.vector_load %arg11[%swap3A_1380, %swap3A_1381, %swap3A_1382] {strides = array<i32>} : memref<2x200x64xf32, #tpu.memory_space<vmem>>, vector<16xf32>,
        tpu.vector_store %arg11[%swap3A_1380, %swap3A_1381, %swap3A_1382], %add3A_1378 {strides = array<i32>} : memref<2x200x64xf32, #tpu.memory_space<vmem>>, vector<16xf32>,
        %add3A_1384 = arith.addf %add3A_1325, %add3A_1378 : vector<16xf32>
        %get3A_1385 = arith.constant 0 : i32
        %get3A_1386 = arith.index_cast %get3A_1385 : i32 to index
        %get3A_1387 = arith.index_cast %add3A_1353 : i32 to index
        %get3A_1388 = arith.constant 32 : index
        %get3A_1389 = tpu.vector_load %arg10[%get3A_1386, %get3A_1387, %get3A_1388] {strides = array<i32>} : memref<2x200x64xf32, #tpu.memory_space<vmem>>, vector<16xf32>,
        %gather3A_1390 = tpu.vector_load_idx %arg12[%gather3A_1358, %add3A_13] : memref<200x64xf32, #tpu.memory_space<vmem>>[vector<16xi32>, vector<16xi32>], vector<16xf32>,
        %add3A_1391 = arith.addf %get3A_1389, %gather3A_1390 : vector<16xf32>
        %swap3A_1392 = arith.constant 0 : i32
        %swap3A_1393 = arith.index_cast %swap3A_1392 : i32 to index
        %swap3A_1394 = arith.index_cast %add3A_1353 : i32 to index
        %swap3A_1395 = arith.constant 32 : index
        %swap3A_1396 = tpu.vector_load %arg11[%swap3A_1393, %swap3A_1394, %swap3A_1395] {strides = array<i32>} : memref<2x200x64xf32, #tpu.memory_space<vmem>>, vector<16xf32>,
        tpu.vector_store %arg11[%swap3A_1393, %swap3A_1394, %swap3A_1395], %add3A_1391 {strides = array<i32>} : memref<2x200x64xf32, #tpu.memory_space<vmem>>, vector<16xf32>,
        %add3A_1397 = arith.addf %add3A_1338, %add3A_1391 : vector<16xf32>
        %get3A_1398 = arith.constant 0 : i32
        %get3A_1399 = arith.index_cast %get3A_1398 : i32 to index
        %get3A_1400 = arith.index_cast %add3A_1353 : i32 to index
        %get3A_1401 = arith.constant 48 : index
        %get3A_1402 = tpu.vector_load %arg10[%get3A_1399, %get3A_1400, %get3A_1401] {strides = array<i32>} : memref<2x200x64xf32, #tpu.memory_space<vmem>>, vector<16xf32>,
        %gather3A_1403 = tpu.vector_load_idx %arg12[%gather3A_1358, %add3A_17] : memref<200x64xf32, #tpu.memory_space<vmem>>[vector<16xi32>, vector<16xi32>], vector<16xf32>,
        %add3A_1404 = arith.addf %get3A_1402, %gather3A_1403 : vector<16xf32>
        %swap3A_1405 = arith.constant 0 : i32
        %swap3A_1406 = arith.index_cast %swap3A_1405 : i32 to index
        %swap3A_1407 = arith.index_cast %add3A_1353 : i32 to index
        %swap3A_1408 = arith.constant 48 : index
        %swap3A_1409 = tpu.vector_load %arg11[%swap3A_1406, %swap3A_1407, %swap3A_1408] {strides = array<i32>} : memref<2x200x64xf32, #tpu.memory_space<vmem>>, vector<16xf32>,
        tpu.vector_store %arg11[%swap3A_1406, %swap3A_1407, %swap3A_1408], %add3A_1404 {strides = array<i32>} : memref<2x200x64xf32, #tpu.memory_space<vmem>>, vector<16xf32>,
        %add3A_1410 = arith.addf %add3A_1351, %add3A_1404 : vector<16xf32>
        %add3A_1411 = arith.constant 2 : i32
        %add3A_1412 = arith.addi %multiple_of3A, %add3A_1411 : i32
        %broadcast_in_dim3A_1413 = arith.constant 2 : i32
        %broadcast_in_dim3A_1414 = vector.broadcast %broadcast_in_dim3A_1413 : i32 to vector<16xi32>
        %broadcast_in_dim3A_1415 = vector.shape_cast %broadcast_in_dim3A_1414 : vector<16xi32> to vector<16x1xi32>
        %gather3A_1416 = vector.shape_cast %broadcast_in_dim3A_1415 : vector<16x1xi32> to vector<16xi32>
        %gather3A_1417 = tpu.dynamic_gather %get3A_1292[%gather3A_1416] in [0] : vector<16xi32>, vector<16xi32> -> vector<16xi32>
        %get3A_1418 = arith.constant 0 : i32
        %get3A_1419 = arith.index_cast %get3A_1418 : i32 to index
        %get3A_1420 = arith.index_cast %add3A_1412 : i32 to index
        %get3A_1421 = arith.constant 0 : index
        %get3A_1422 = tpu.vector_load %arg10[%get3A_1419, %get3A_1420, %get3A_1421] {strides = array<i32>} : memref<2x200x64xf32, #tpu.memory_space<vmem>>, vector<16xf32>,
        %gather3A_1423 = tpu.vector_load_idx %arg12[%gather3A_1417, %add3A_5] : memref<200x64xf32, #tpu.memory_space<vmem>>[vector<16xi32>, vector<16xi32>], vector<16xf32>,
        %add3A_1424 = arith.addf %get3A_1422, %gather3A_1423 : vector<16xf32>
        %swap3A_1425 = arith.constant 0 : i32
        %swap3A_1426 = arith.index_cast %swap3A_1425 : i32 to index
        %swap3A_1427 = arith.index_cast %add3A_1412 : i32 to index
        %swap3A_1428 = arith.constant 0 : index
        %swap3A_1429 = tpu.vector_load %arg11[%swap3A_1426, %swap3A_1427, %swap3A_1428] {strides = array<i32>} : memref<2x200x64xf32, #tpu.memory_space<vmem>>, vector<16xf32>,
        tpu.vector_store %arg11[%swap3A_1426, %swap3A_1427, %swap3A_1428], %add3A_1424 {strides = array<i32>} : memref<2x200x64xf32, #tpu.memory_space<vmem>>, vector<16xf32>,
        %add3A_1430 = arith.addf %add3A_1371, %add3A_1424 : vector<16xf32>
        %get3A_1431 = arith.constant 0 : i32
        %get3A_1432 = arith.index_cast %get3A_1431 : i32 to index
        %get3A_1433 = arith.index_cast %add3A_1412 : i32 to index
        %get3A_1434 = arith.constant 16 : index
        %get3A_1435 = tpu.vector_load %arg10[%get3A_1432, %get3A_1433, %get3A_1434] {strides = array<i32>} : memref<2x200x64xf32, #tpu.memory_space<vmem>>, vector<16xf32>,
        %gather3A_1436 = tpu.vector_load_idx %arg12[%gather3A_1417, %add3A_9] : memref<200x64xf32, #tpu.memory_space<vmem>>[vector<16xi32>, vector<16xi32>], vector<16xf32>,
        %add3A_1437 = arith.addf %get3A_1435, %gather3A_1436 : vector<16xf32>
        %swap3A_1438 = arith.constant 0 : i32
        %swap3A_1439 = arith.index_cast %swap3A_1438 : i32 to index
        %swap3A_1440 = arith.index_cast %add3A_1412 : i32 to index
        %swap3A_1441 = arith.constant 16 : index
        %swap3A_1442 = tpu.vector_load %arg11[%swap3A_1439, %swap3A_1440, %swap3A_1441] {strides = array<i32>} : memref<2x200x64xf32, #tpu.memory_space<vmem>>, vector<16xf32>,
        tpu.vector_store %arg11[%swap3A_1439, %swap3A_1440, %swap3A_1441], %add3A_1437 {strides = array<i32>} : memref<2x200x64xf32, #tpu.memory_space<vmem>>, vector<16xf32>,
        %add3A_1443 = arith.addf %add3A_1384, %add3A_1437 : vector<16xf32>
        %get3A_1444 = arith.constant 0 : i32
        %get3A_1445 = arith.index_cast %get3A_1444 : i32 to index
        %get3A_1446 = arith.index_cast %add3A_1412 : i32 to index
        %get3A_1447 = arith.constant 32 : index
        %get3A_1448 = tpu.vector_load %arg10[%get3A_1445, %get3A_1446, %get3A_1447] {strides = array<i32>} : memref<2x200x64xf32, #tpu.memory_space<vmem>>, vector<16xf32>,
        %gather3A_1449 = tpu.vector_load_idx %arg12[%gather3A_1417, %add3A_13] : memref<200x64xf32, #tpu.memory_space<vmem>>[vector<16xi32>, vector<16xi32>], vector<16xf32>,
        %add3A_1450 = arith.addf %get3A_1448, %gather3A_1449 : vector<16xf32>
        %swap3A_1451 = arith.constant 0 : i32
        %swap3A_1452 = arith.index_cast %swap3A_1451 : i32 to index
        %swap3A_1453 = arith.index_cast %add3A_1412 : i32 to index
        %swap3A_1454 = arith.constant 32 : index
        %swap3A_1455 = tpu.vector_load %arg11[%swap3A_1452, %swap3A_1453, %swap3A_1454] {strides = array<i32>} : memref<2x200x64xf32, #tpu.memory_space<vmem>>, vector<16xf32>,
        tpu.vector_store %arg11[%swap3A_1452, %swap3A_1453, %swap3A_1454], %add3A_1450 {strides = array<i32>} : memref<2x200x64xf32, #tpu.memory_space<vmem>>, vector<16xf32>,
        %add3A_1456 = arith.addf %add3A_1397, %add3A_1450 : vector<16xf32>
        %get3A_1457 = arith.constant 0 : i32
        %get3A_1458 = arith.index_cast %get3A_1457 : i32 to index
        %get3A_1459 = arith.index_cast %add3A_1412 : i32 to index
        %get3A_1460 = arith.constant 48 : index
        %get3A_1461 = tpu.vector_load %arg10[%get3A_1458, %get3A_1459, %get3A_1460] {strides = array<i32>} : memref<2x200x64xf32, #tpu.memory_space<vmem>>, vector<16xf32>,
        %gather3A_1462 = tpu.vector_load_idx %arg12[%gather3A_1417, %add3A_17] : memref<200x64xf32, #tpu.memory_space<vmem>>[vector<16xi32>, vector<16xi32>], vector<16xf32>,
        %add3A_1463 = arith.addf %get3A_1461, %gather3A_1462 : vector<16xf32>
        %swap3A_1464 = arith.constant 0 : i32
        %swap3A_1465 = arith.index_cast %swap3A_1464 : i32 to index
        %swap3A_1466 = arith.index_cast %add3A_1412 : i32 to index
        %swap3A_1467 = arith.constant 48 : index
        %swap3A_1468 = tpu.vector_load %arg11[%swap3A_1465, %swap3A_1466, %swap3A_1467] {strides = array<i32>} : memref<2x200x64xf32, #tpu.memory_space<vmem>>, vector<16xf32>,
        tpu.vector_store %arg11[%swap3A_1465, %swap3A_1466, %swap3A_1467], %add3A_1463 {strides = array<i32>} : memref<2x200x64xf32, #tpu.memory_space<vmem>>, vector<16xf32>,
        %add3A_1469 = arith.addf %add3A_1410, %add3A_1463 : vector<16xf32>
        %add3A_1470 = arith.constant 3 : i32
        %add3A_1471 = arith.addi %multiple_of3A, %add3A_1470 : i32
        %broadcast_in_dim3A_1472 = arith.constant 3 : i32
        %broadcast_in_dim3A_1473 = vector.broadcast %broadcast_in_dim3A_1472 : i32 to vector<16xi32>
        %broadcast_in_dim3A_1474 = vector.shape_cast %broadcast_in_dim3A_1473 : vector<16xi32> to vector<16x1xi32>
        %gather3A_1475 = vector.shape_cast %broadcast_in_dim3A_1474 : vector<16x1xi32> to vector<16xi32>
        %gather3A_1476 = tpu.dynamic_gather %get3A_1292[%gather3A_1475] in [0] : vector<16xi32>, vector<16xi32> -> vector<16xi32>
        %get3A_1477 = arith.constant 0 : i32
        %get3A_1478 = arith.index_cast %get3A_1477 : i32 to index
        %get3A_1479 = arith.index_cast %add3A_1471 : i32 to index
        %get3A_1480 = arith.constant 0 : index
        %get3A_1481 = tpu.vector_load %arg10[%get3A_1478, %get3A_1479, %get3A_1480] {strides = array<i32>} : memref<2x200x64xf32, #tpu.memory_space<vmem>>, vector<16xf32>,
        %gather3A_1482 = tpu.vector_load_idx %arg12[%gather3A_1476, %add3A_5] : memref<200x64xf32, #tpu.memory_space<vmem>>[vector<16xi32>, vector<16xi32>], vector<16xf32>,
        %add3A_1483 = arith.addf %get3A_1481, %gather3A_1482 : vector<16xf32>
        %swap3A_1484 = arith.constant 0 : i32
        %swap3A_1485 = arith.index_cast %swap3A_1484 : i32 to index
        %swap3A_1486 = arith.index_cast %add3A_1471 : i32 to index
        %swap3A_1487 = arith.constant 0 : index
        %swap3A_1488 = tpu.vector_load %arg11[%swap3A_1485, %swap3A_1486, %swap3A_1487] {strides = array<i32>} : memref<2x200x64xf32, #tpu.memory_space<vmem>>, vector<16xf32>,
        tpu.vector_store %arg11[%swap3A_1485, %swap3A_1486, %swap3A_1487], %add3A_1483 {strides = array<i32>} : memref<2x200x64xf32, #tpu.memory_space<vmem>>, vector<16xf32>,
        %add3A_1489 = arith.addf %add3A_1430, %add3A_1483 : vector<16xf32>
        %get3A_1490 = arith.constant 0 : i32
        %get3A_1491 = arith.index_cast %get3A_1490 : i32 to index
        %get3A_1492 = arith.index_cast %add3A_1471 : i32 to index
        %get3A_1493 = arith.constant 16 : index
        %get3A_1494 = tpu.vector_load %arg10[%get3A_1491, %get3A_1492, %get3A_1493] {strides = array<i32>} : memref<2x200x64xf32, #tpu.memory_space<vmem>>, vector<16xf32>,
        %gather3A_1495 = tpu.vector_load_idx %arg12[%gather3A_1476, %add3A_9] : memref<200x64xf32, #tpu.memory_space<vmem>>[vector<16xi32>, vector<16xi32>], vector<16xf32>,
        %add3A_1496 = arith.addf %get3A_1494, %gather3A_1495 : vector<16xf32>
        %swap3A_1497 = arith.constant 0 : i32
        %swap3A_1498 = arith.index_cast %swap3A_1497 : i32 to index
        %swap3A_1499 = arith.index_cast %add3A_1471 : i32 to index
        %swap3A_1500 = arith.constant 16 : index
        %swap3A_1501 = tpu.vector_load %arg11[%swap3A_1498, %swap3A_1499, %swap3A_1500] {strides = array<i32>} : memref<2x200x64xf32, #tpu.memory_space<vmem>>, vector<16xf32>,
        tpu.vector_store %arg11[%swap3A_1498, %swap3A_1499, %swap3A_1500], %add3A_1496 {strides = array<i32>} : memref<2x200x64xf32, #tpu.memory_space<vmem>>, vector<16xf32>,
        %add3A_1502 = arith.addf %add3A_1443, %add3A_1496 : vector<16xf32>
        %get3A_1503 = arith.constant 0 : i32
        %get3A_1504 = arith.index_cast %get3A_1503 : i32 to index
        %get3A_1505 = arith.index_cast %add3A_1471 : i32 to index
        %get3A_1506 = arith.constant 32 : index
        %get3A_1507 = tpu.vector_load %arg10[%get3A_1504, %get3A_1505, %get3A_1506] {strides = array<i32>} : memref<2x200x64xf32, #tpu.memory_space<vmem>>, vector<16xf32>,
        %gather3A_1508 = tpu.vector_load_idx %arg12[%gather3A_1476, %add3A_13] : memref<200x64xf32, #tpu.memory_space<vmem>>[vector<16xi32>, vector<16xi32>], vector<16xf32>,
        %add3A_1509 = arith.addf %get3A_1507, %gather3A_1508 : vector<16xf32>
        %swap3A_1510 = arith.constant 0 : i32
        %swap3A_1511 = arith.index_cast %swap3A_1510 : i32 to index
        %swap3A_1512 = arith.index_cast %add3A_1471 : i32 to index
        %swap3A_1513 = arith.constant 32 : index
        %swap3A_1514 = tpu.vector_load %arg11[%swap3A_1511, %swap3A_1512, %swap3A_1513] {strides = array<i32>} : memref<2x200x64xf32, #tpu.memory_space<vmem>>, vector<16xf32>,
        tpu.vector_store %arg11[%swap3A_1511, %swap3A_1512, %swap3A_1513], %add3A_1509 {strides = array<i32>} : memref<2x200x64xf32, #tpu.memory_space<vmem>>, vector<16xf32>,
        %add3A_1515 = arith.addf %add3A_1456, %add3A_1509 : vector<16xf32>
        %get3A_1516 = arith.constant 0 : i32
        %get3A_1517 = arith.index_cast %get3A_1516 : i32 to index
        %get3A_1518 = arith.index_cast %add3A_1471 : i32 to index
        %get3A_1519 = arith.constant 48 : index
        %get3A_1520 = tpu.vector_load %arg10[%get3A_1517, %get3A_1518, %get3A_1519] {strides = array<i32>} : memref<2x200x64xf32, #tpu.memory_space<vmem>>, vector<16xf32>,
        %gather3A_1521 = tpu.vector_load_idx %arg12[%gather3A_1476, %add3A_17] : memref<200x64xf32, #tpu.memory_space<vmem>>[vector<16xi32>, vector<16xi32>], vector<16xf32>,
        %add3A_1522 = arith.addf %get3A_1520, %gather3A_1521 : vector<16xf32>
        %swap3A_1523 = arith.constant 0 : i32
        %swap3A_1524 = arith.index_cast %swap3A_1523 : i32 to index
        %swap3A_1525 = arith.index_cast %add3A_1471 : i32 to index
        %swap3A_1526 = arith.constant 48 : index
        %swap3A_1527 = tpu.vector_load %arg11[%swap3A_1524, %swap3A_1525, %swap3A_1526] {strides = array<i32>} : memref<2x200x64xf32, #tpu.memory_space<vmem>>, vector<16xf32>,
        tpu.vector_store %arg11[%swap3A_1524, %swap3A_1525, %swap3A_1526], %add3A_1522 {strides = array<i32>} : memref<2x200x64xf32, #tpu.memory_space<vmem>>, vector<16xf32>,
        %add3A_1528 = arith.addf %add3A_1469, %add3A_1522 : vector<16xf32>
        %add3A_1529 = arith.constant 4 : i32
        %add3A_1530 = arith.addi %multiple_of3A, %add3A_1529 : i32
        %broadcast_in_dim3A_1531 = arith.constant 4 : i32
        %broadcast_in_dim3A_1532 = vector.broadcast %broadcast_in_dim3A_1531 : i32 to vector<16xi32>
        %broadcast_in_dim3A_1533 = vector.shape_cast %broadcast_in_dim3A_1532 : vector<16xi32> to vector<16x1xi32>
        %gather3A_1534 = vector.shape_cast %broadcast_in_dim3A_1533 : vector<16x1xi32> to vector<16xi32>
        %gather3A_1535 = tpu.dynamic_gather %get3A_1292[%gather3A_1534] in [0] : vector<16xi32>, vector<16xi32> -> vector<16xi32>
        %get3A_1536 = arith.constant 0 : i32
        %get3A_1537 = arith.index_cast %get3A_1536 : i32 to index
        %get3A_1538 = arith.index_cast %add3A_1530 : i32 to index
        %get3A_1539 = arith.constant 0 : index
        %get3A_1540 = tpu.vector_load %arg10[%get3A_1537, %get3A_1538, %get3A_1539] {strides = array<i32>} : memref<2x200x64xf32, #tpu.memory_space<vmem>>, vector<16xf32>,
        %gather3A_1541 = tpu.vector_load_idx %arg12[%gather3A_1535, %add3A_5] : memref<200x64xf32, #tpu.memory_space<vmem>>[vector<16xi32>, vector<16xi32>], vector<16xf32>,
        %add3A_1542 = arith.addf %get3A_1540, %gather3A_1541 : vector<16xf32>
        %swap3A_1543 = arith.constant 0 : i32
        %swap3A_1544 = arith.index_cast %swap3A_1543 : i32 to index
        %swap3A_1545 = arith.index_cast %add3A_1530 : i32 to index
        %swap3A_1546 = arith.constant 0 : index
        %swap3A_1547 = tpu.vector_load %arg11[%swap3A_1544, %swap3A_1545, %swap3A_1546] {strides = array<i32>} : memref<2x200x64xf32, #tpu.memory_space<vmem>>, vector<16xf32>,
        tpu.vector_store %arg11[%swap3A_1544, %swap3A_1545, %swap3A_1546], %add3A_1542 {strides = array<i32>} : memref<2x200x64xf32, #tpu.memory_space<vmem>>, vector<16xf32>,
        %add3A_1548 = arith.addf %add3A_1489, %add3A_1542 : vector<16xf32>
        %get3A_1549 = arith.constant 0 : i32
        %get3A_1550 = arith.index_cast %get3A_1549 : i32 to index
        %get3A_1551 = arith.index_cast %add3A_1530 : i32 to index
        %get3A_1552 = arith.constant 16 : index
        %get3A_1553 = tpu.vector_load %arg10[%get3A_1550, %get3A_1551, %get3A_1552] {strides = array<i32>} : memref<2x200x64xf32, #tpu.memory_space<vmem>>, vector<16xf32>,
        %gather3A_1554 = tpu.vector_load_idx %arg12[%gather3A_1535, %add3A_9] : memref<200x64xf32, #tpu.memory_space<vmem>>[vector<16xi32>, vector<16xi32>], vector<16xf32>,
        %add3A_1555 = arith.addf %get3A_1553, %gather3A_1554 : vector<16xf32>
        %swap3A_1556 = arith.constant 0 : i32
        %swap3A_1557 = arith.index_cast %swap3A_1556 : i32 to index
        %swap3A_1558 = arith.index_cast %add3A_1530 : i32 to index
        %swap3A_1559 = arith.constant 16 : index
        %swap3A_1560 = tpu.vector_load %arg11[%swap3A_1557, %swap3A_1558, %swap3A_1559] {strides = array<i32>} : memref<2x200x64xf32, #tpu.memory_space<vmem>>, vector<16xf32>,
        tpu.vector_store %arg11[%swap3A_1557, %swap3A_1558, %swap3A_1559], %add3A_1555 {strides = array<i32>} : memref<2x200x64xf32, #tpu.memory_space<vmem>>, vector<16xf32>,
        %add3A_1561 = arith.addf %add3A_1502, %add3A_1555 : vector<16xf32>
        %get3A_1562 = arith.constant 0 : i32
        %get3A_1563 = arith.index_cast %get3A_1562 : i32 to index
        %get3A_1564 = arith.index_cast %add3A_1530 : i32 to index
        %get3A_1565 = arith.constant 32 : index
        %get3A_1566 = tpu.vector_load %arg10[%get3A_1563, %get3A_1564, %get3A_1565] {strides = array<i32>} : memref<2x200x64xf32, #tpu.memory_space<vmem>>, vector<16xf32>,
        %gather3A_1567 = tpu.vector_load_idx %arg12[%gather3A_1535, %add3A_13] : memref<200x64xf32, #tpu.memory_space<vmem>>[vector<16xi32>, vector<16xi32>], vector<16xf32>,
        %add3A_1568 = arith.addf %get3A_1566, %gather3A_1567 : vector<16xf32>
        %swap3A_1569 = arith.constant 0 : i32
        %swap3A_1570 = arith.index_cast %swap3A_1569 : i32 to index
        %swap3A_1571 = arith.index_cast %add3A_1530 : i32 to index
        %swap3A_1572 = arith.constant 32 : index
        %swap3A_1573 = tpu.vector_load %arg11[%swap3A_1570, %swap3A_1571, %swap3A_1572] {strides = array<i32>} : memref<2x200x64xf32, #tpu.memory_space<vmem>>, vector<16xf32>,
        tpu.vector_store %arg11[%swap3A_1570, %swap3A_1571, %swap3A_1572], %add3A_1568 {strides = array<i32>} : memref<2x200x64xf32, #tpu.memory_space<vmem>>, vector<16xf32>,
        %add3A_1574 = arith.addf %add3A_1515, %add3A_1568 : vector<16xf32>
        %get3A_1575 = arith.constant 0 : i32
        %get3A_1576 = arith.index_cast %get3A_1575 : i32 to index
        %get3A_1577 = arith.index_cast %add3A_1530 : i32 to index
        %get3A_1578 = arith.constant 48 : index
        %get3A_1579 = tpu.vector_load %arg10[%get3A_1576, %get3A_1577, %get3A_1578] {strides = array<i32>} : memref<2x200x64xf32, #tpu.memory_space<vmem>>, vector<16xf32>,
        %gather3A_1580 = tpu.vector_load_idx %arg12[%gather3A_1535, %add3A_17] : memref<200x64xf32, #tpu.memory_space<vmem>>[vector<16xi32>, vector<16xi32>], vector<16xf32>,
        %add3A_1581 = arith.addf %get3A_1579, %gather3A_1580 : vector<16xf32>
        %swap3A_1582 = arith.constant 0 : i32
        %swap3A_1583 = arith.index_cast %swap3A_1582 : i32 to index
        %swap3A_1584 = arith.index_cast %add3A_1530 : i32 to index
        %swap3A_1585 = arith.constant 48 : index
        %swap3A_1586 = tpu.vector_load %arg11[%swap3A_1583, %swap3A_1584, %swap3A_1585] {strides = array<i32>} : memref<2x200x64xf32, #tpu.memory_space<vmem>>, vector<16xf32>,
        tpu.vector_store %arg11[%swap3A_1583, %swap3A_1584, %swap3A_1585], %add3A_1581 {strides = array<i32>} : memref<2x200x64xf32, #tpu.memory_space<vmem>>, vector<16xf32>,
        %add3A_1587 = arith.addf %add3A_1528, %add3A_1581 : vector<16xf32>
        %add3A_1588 = arith.constant 5 : i32
        %add3A_1589 = arith.addi %multiple_of3A, %add3A_1588 : i32
        %broadcast_in_dim3A_1590 = arith.constant 5 : i32
        %broadcast_in_dim3A_1591 = vector.broadcast %broadcast_in_dim3A_1590 : i32 to vector<16xi32>
        %broadcast_in_dim3A_1592 = vector.shape_cast %broadcast_in_dim3A_1591 : vector<16xi32> to vector<16x1xi32>
        %gather3A_1593 = vector.shape_cast %broadcast_in_dim3A_1592 : vector<16x1xi32> to vector<16xi32>
        %gather3A_1594 = tpu.dynamic_gather %get3A_1292[%gather3A_1593] in [0] : vector<16xi32>, vector<16xi32> -> vector<16xi32>
        %get3A_1595 = arith.constant 0 : i32
        %get3A_1596 = arith.index_cast %get3A_1595 : i32 to index
        %get3A_1597 = arith.index_cast %add3A_1589 : i32 to index
        %get3A_1598 = arith.constant 0 : index
        %get3A_1599 = tpu.vector_load %arg10[%get3A_1596, %get3A_1597, %get3A_1598] {strides = array<i32>} : memref<2x200x64xf32, #tpu.memory_space<vmem>>, vector<16xf32>,
        %gather3A_1600 = tpu.vector_load_idx %arg12[%gather3A_1594, %add3A_5] : memref<200x64xf32, #tpu.memory_space<vmem>>[vector<16xi32>, vector<16xi32>], vector<16xf32>,
        %add3A_1601 = arith.addf %get3A_1599, %gather3A_1600 : vector<16xf32>
        %swap3A_1602 = arith.constant 0 : i32
        %swap3A_1603 = arith.index_cast %swap3A_1602 : i32 to index
        %swap3A_1604 = arith.index_cast %add3A_1589 : i32 to index
        %swap3A_1605 = arith.constant 0 : index
        %swap3A_1606 = tpu.vector_load %arg11[%swap3A_1603, %swap3A_1604, %swap3A_1605] {strides = array<i32>} : memref<2x200x64xf32, #tpu.memory_space<vmem>>, vector<16xf32>,
        tpu.vector_store %arg11[%swap3A_1603, %swap3A_1604, %swap3A_1605], %add3A_1601 {strides = array<i32>} : memref<2x200x64xf32, #tpu.memory_space<vmem>>, vector<16xf32>,
        %add3A_1607 = arith.addf %add3A_1548, %add3A_1601 : vector<16xf32>
        %get3A_1608 = arith.constant 0 : i32
        %get3A_1609 = arith.index_cast %get3A_1608 : i32 to index
        %get3A_1610 = arith.index_cast %add3A_1589 : i32 to index
        %get3A_1611 = arith.constant 16 : index
        %get3A_1612 = tpu.vector_load %arg10[%get3A_1609, %get3A_1610, %get3A_1611] {strides = array<i32>} : memref<2x200x64xf32, #tpu.memory_space<vmem>>, vector<16xf32>,
        %gather3A_1613 = tpu.vector_load_idx %arg12[%gather3A_1594, %add3A_9] : memref<200x64xf32, #tpu.memory_space<vmem>>[vector<16xi32>, vector<16xi32>], vector<16xf32>,
        %add3A_1614 = arith.addf %get3A_1612, %gather3A_1613 : vector<16xf32>
        %swap3A_1615 = arith.constant 0 : i32
        %swap3A_1616 = arith.index_cast %swap3A_1615 : i32 to index
        %swap3A_1617 = arith.index_cast %add3A_1589 : i32 to index
        %swap3A_1618 = arith.constant 16 : index
        %swap3A_1619 = tpu.vector_load %arg11[%swap3A_1616, %swap3A_1617, %swap3A_1618] {strides = array<i32>} : memref<2x200x64xf32, #tpu.memory_space<vmem>>, vector<16xf32>,
        tpu.vector_store %arg11[%swap3A_1616, %swap3A_1617, %swap3A_1618], %add3A_1614 {strides = array<i32>} : memref<2x200x64xf32, #tpu.memory_space<vmem>>, vector<16xf32>,
        %add3A_1620 = arith.addf %add3A_1561, %add3A_1614 : vector<16xf32>
        %get3A_1621 = arith.constant 0 : i32
        %get3A_1622 = arith.index_cast %get3A_1621 : i32 to index
        %get3A_1623 = arith.index_cast %add3A_1589 : i32 to index
        %get3A_1624 = arith.constant 32 : index
        %get3A_1625 = tpu.vector_load %arg10[%get3A_1622, %get3A_1623, %get3A_1624] {strides = array<i32>} : memref<2x200x64xf32, #tpu.memory_space<vmem>>, vector<16xf32>,
        %gather3A_1626 = tpu.vector_load_idx %arg12[%gather3A_1594, %add3A_13] : memref<200x64xf32, #tpu.memory_space<vmem>>[vector<16xi32>, vector<16xi32>], vector<16xf32>,
        %add3A_1627 = arith.addf %get3A_1625, %gather3A_1626 : vector<16xf32>
        %swap3A_1628 = arith.constant 0 : i32
        %swap3A_1629 = arith.index_cast %swap3A_1628 : i32 to index
        %swap3A_1630 = arith.index_cast %add3A_1589 : i32 to index
        %swap3A_1631 = arith.constant 32 : index
        %swap3A_1632 = tpu.vector_load %arg11[%swap3A_1629, %swap3A_1630, %swap3A_1631] {strides = array<i32>} : memref<2x200x64xf32, #tpu.memory_space<vmem>>, vector<16xf32>,
        tpu.vector_store %arg11[%swap3A_1629, %swap3A_1630, %swap3A_1631], %add3A_1627 {strides = array<i32>} : memref<2x200x64xf32, #tpu.memory_space<vmem>>, vector<16xf32>,
        %add3A_1633 = arith.addf %add3A_1574, %add3A_1627 : vector<16xf32>
        %get3A_1634 = arith.constant 0 : i32
        %get3A_1635 = arith.index_cast %get3A_1634 : i32 to index
        %get3A_1636 = arith.index_cast %add3A_1589 : i32 to index
        %get3A_1637 = arith.constant 48 : index
        %get3A_1638 = tpu.vector_load %arg10[%get3A_1635, %get3A_1636, %get3A_1637] {strides = array<i32>} : memref<2x200x64xf32, #tpu.memory_space<vmem>>, vector<16xf32>,
        %gather3A_1639 = tpu.vector_load_idx %arg12[%gather3A_1594, %add3A_17] : memref<200x64xf32, #tpu.memory_space<vmem>>[vector<16xi32>, vector<16xi32>], vector<16xf32>,
        %add3A_1640 = arith.addf %get3A_1638, %gather3A_1639 : vector<16xf32>
        %swap3A_1641 = arith.constant 0 : i32
        %swap3A_1642 = arith.index_cast %swap3A_1641 : i32 to index
        %swap3A_1643 = arith.index_cast %add3A_1589 : i32 to index
        %swap3A_1644 = arith.constant 48 : index
        %swap3A_1645 = tpu.vector_load %arg11[%swap3A_1642, %swap3A_1643, %swap3A_1644] {strides = array<i32>} : memref<2x200x64xf32, #tpu.memory_space<vmem>>, vector<16xf32>,
        tpu.vector_store %arg11[%swap3A_1642, %swap3A_1643, %swap3A_1644], %add3A_1640 {strides = array<i32>} : memref<2x200x64xf32, #tpu.memory_space<vmem>>, vector<16xf32>,
        %add3A_1646 = arith.addf %add3A_1587, %add3A_1640 : vector<16xf32>
        %add3A_1647 = arith.constant 6 : i32
        %add3A_1648 = arith.addi %multiple_of3A, %add3A_1647 : i32
        %broadcast_in_dim3A_1649 = arith.constant 6 : i32
        %broadcast_in_dim3A_1650 = vector.broadcast %broadcast_in_dim3A_1649 : i32 to vector<16xi32>
        %broadcast_in_dim3A_1651 = vector.shape_cast %broadcast_in_dim3A_1650 : vector<16xi32> to vector<16x1xi32>
        %gather3A_1652 = vector.shape_cast %broadcast_in_dim3A_1651 : vector<16x1xi32> to vector<16xi32>
        %gather3A_1653 = tpu.dynamic_gather %get3A_1292[%gather3A_1652] in [0] : vector<16xi32>, vector<16xi32> -> vector<16xi32>
        %get3A_1654 = arith.constant 0 : i32
        %get3A_1655 = arith.index_cast %get3A_1654 : i32 to index
        %get3A_1656 = arith.index_cast %add3A_1648 : i32 to index
        %get3A_1657 = arith.constant 0 : index
        %get3A_1658 = tpu.vector_load %arg10[%get3A_1655, %get3A_1656, %get3A_1657] {strides = array<i32>} : memref<2x200x64xf32, #tpu.memory_space<vmem>>, vector<16xf32>,
        %gather3A_1659 = tpu.vector_load_idx %arg12[%gather3A_1653, %add3A_5] : memref<200x64xf32, #tpu.memory_space<vmem>>[vector<16xi32>, vector<16xi32>], vector<16xf32>,
        %add3A_1660 = arith.addf %get3A_1658, %gather3A_1659 : vector<16xf32>
        %swap3A_1661 = arith.constant 0 : i32
        %swap3A_1662 = arith.index_cast %swap3A_1661 : i32 to index
        %swap3A_1663 = arith.index_cast %add3A_1648 : i32 to index
        %swap3A_1664 = arith.constant 0 : index
        %swap3A_1665 = tpu.vector_load %arg11[%swap3A_1662, %swap3A_1663, %swap3A_1664] {strides = array<i32>} : memref<2x200x64xf32, #tpu.memory_space<vmem>>, vector<16xf32>,
        tpu.vector_store %arg11[%swap3A_1662, %swap3A_1663, %swap3A_1664], %add3A_1660 {strides = array<i32>} : memref<2x200x64xf32, #tpu.memory_space<vmem>>, vector<16xf32>,
        %add3A_1666 = arith.addf %add3A_1607, %add3A_1660 : vector<16xf32>
        %get3A_1667 = arith.constant 0 : i32
        %get3A_1668 = arith.index_cast %get3A_1667 : i32 to index
        %get3A_1669 = arith.index_cast %add3A_1648 : i32 to index
        %get3A_1670 = arith.constant 16 : index
        %get3A_1671 = tpu.vector_load %arg10[%get3A_1668, %get3A_1669, %get3A_1670] {strides = array<i32>} : memref<2x200x64xf32, #tpu.memory_space<vmem>>, vector<16xf32>,
        %gather3A_1672 = tpu.vector_load_idx %arg12[%gather3A_1653, %add3A_9] : memref<200x64xf32, #tpu.memory_space<vmem>>[vector<16xi32>, vector<16xi32>], vector<16xf32>,
        %add3A_1673 = arith.addf %get3A_1671, %gather3A_1672 : vector<16xf32>
        %swap3A_1674 = arith.constant 0 : i32
        %swap3A_1675 = arith.index_cast %swap3A_1674 : i32 to index
        %swap3A_1676 = arith.index_cast %add3A_1648 : i32 to index
        %swap3A_1677 = arith.constant 16 : index
        %swap3A_1678 = tpu.vector_load %arg11[%swap3A_1675, %swap3A_1676, %swap3A_1677] {strides = array<i32>} : memref<2x200x64xf32, #tpu.memory_space<vmem>>, vector<16xf32>,
        tpu.vector_store %arg11[%swap3A_1675, %swap3A_1676, %swap3A_1677], %add3A_1673 {strides = array<i32>} : memref<2x200x64xf32, #tpu.memory_space<vmem>>, vector<16xf32>,
        %add3A_1679 = arith.addf %add3A_1620, %add3A_1673 : vector<16xf32>
        %get3A_1680 = arith.constant 0 : i32
        %get3A_1681 = arith.index_cast %get3A_1680 : i32 to index
        %get3A_1682 = arith.index_cast %add3A_1648 : i32 to index
        %get3A_1683 = arith.constant 32 : index
        %get3A_1684 = tpu.vector_load %arg10[%get3A_1681, %get3A_1682, %get3A_1683] {strides = array<i32>} : memref<2x200x64xf32, #tpu.memory_space<vmem>>, vector<16xf32>,
        %gather3A_1685 = tpu.vector_load_idx %arg12[%gather3A_1653, %add3A_13] : memref<200x64xf32, #tpu.memory_space<vmem>>[vector<16xi32>, vector<16xi32>], vector<16xf32>,
        %add3A_1686 = arith.addf %get3A_1684, %gather3A_1685 : vector<16xf32>
        %swap3A_1687 = arith.constant 0 : i32
        %swap3A_1688 = arith.index_cast %swap3A_1687 : i32 to index
        %swap3A_1689 = arith.index_cast %add3A_1648 : i32 to index
        %swap3A_1690 = arith.constant 32 : index
        %swap3A_1691 = tpu.vector_load %arg11[%swap3A_1688, %swap3A_1689, %swap3A_1690] {strides = array<i32>} : memref<2x200x64xf32, #tpu.memory_space<vmem>>, vector<16xf32>,
        tpu.vector_store %arg11[%swap3A_1688, %swap3A_1689, %swap3A_1690], %add3A_1686 {strides = array<i32>} : memref<2x200x64xf32, #tpu.memory_space<vmem>>, vector<16xf32>,
        %add3A_1692 = arith.addf %add3A_1633, %add3A_1686 : vector<16xf32>
        %get3A_1693 = arith.constant 0 : i32
        %get3A_1694 = arith.index_cast %get3A_1693 : i32 to index
        %get3A_1695 = arith.index_cast %add3A_1648 : i32 to index
        %get3A_1696 = arith.constant 48 : index
        %get3A_1697 = tpu.vector_load %arg10[%get3A_1694, %get3A_1695, %get3A_1696] {strides = array<i32>} : memref<2x200x64xf32, #tpu.memory_space<vmem>>, vector<16xf32>,
        %gather3A_1698 = tpu.vector_load_idx %arg12[%gather3A_1653, %add3A_17] : memref<200x64xf32, #tpu.memory_space<vmem>>[vector<16xi32>, vector<16xi32>], vector<16xf32>,
        %add3A_1699 = arith.addf %get3A_1697, %gather3A_1698 : vector<16xf32>
        %swap3A_1700 = arith.constant 0 : i32
        %swap3A_1701 = arith.index_cast %swap3A_1700 : i32 to index
        %swap3A_1702 = arith.index_cast %add3A_1648 : i32 to index
        %swap3A_1703 = arith.constant 48 : index
        %swap3A_1704 = tpu.vector_load %arg11[%swap3A_1701, %swap3A_1702, %swap3A_1703] {strides = array<i32>} : memref<2x200x64xf32, #tpu.memory_space<vmem>>, vector<16xf32>,
        tpu.vector_store %arg11[%swap3A_1701, %swap3A_1702, %swap3A_1703], %add3A_1699 {strides = array<i32>} : memref<2x200x64xf32, #tpu.memory_space<vmem>>, vector<16xf32>,
        %add3A_1705 = arith.addf %add3A_1646, %add3A_1699 : vector<16xf32>
        %add3A_1706 = arith.constant 7 : i32
        %add3A_1707 = arith.addi %multiple_of3A, %add3A_1706 : i32
        %broadcast_in_dim3A_1708 = arith.constant 7 : i32
        %broadcast_in_dim3A_1709 = vector.broadcast %broadcast_in_dim3A_1708 : i32 to vector<16xi32>
        %broadcast_in_dim3A_1710 = vector.shape_cast %broadcast_in_dim3A_1709 : vector<16xi32> to vector<16x1xi32>
        %gather3A_1711 = vector.shape_cast %broadcast_in_dim3A_1710 : vector<16x1xi32> to vector<16xi32>
        %gather3A_1712 = tpu.dynamic_gather %get3A_1292[%gather3A_1711] in [0] : vector<16xi32>, vector<16xi32> -> vector<16xi32>
        %get3A_1713 = arith.constant 0 : i32
        %get3A_1714 = arith.index_cast %get3A_1713 : i32 to index
        %get3A_1715 = arith.index_cast %add3A_1707 : i32 to index
        %get3A_1716 = arith.constant 0 : index
        %get3A_1717 = tpu.vector_load %arg10[%get3A_1714, %get3A_1715, %get3A_1716] {strides = array<i32>} : memref<2x200x64xf32, #tpu.memory_space<vmem>>, vector<16xf32>,
        %gather3A_1718 = tpu.vector_load_idx %arg12[%gather3A_1712, %add3A_5] : memref<200x64xf32, #tpu.memory_space<vmem>>[vector<16xi32>, vector<16xi32>], vector<16xf32>,
        %add3A_1719 = arith.addf %get3A_1717, %gather3A_1718 : vector<16xf32>
        %swap3A_1720 = arith.constant 0 : i32
        %swap3A_1721 = arith.index_cast %swap3A_1720 : i32 to index
        %swap3A_1722 = arith.index_cast %add3A_1707 : i32 to index
        %swap3A_1723 = arith.constant 0 : index
        %swap3A_1724 = tpu.vector_load %arg11[%swap3A_1721, %swap3A_1722, %swap3A_1723] {strides = array<i32>} : memref<2x200x64xf32, #tpu.memory_space<vmem>>, vector<16xf32>,
        tpu.vector_store %arg11[%swap3A_1721, %swap3A_1722, %swap3A_1723], %add3A_1719 {strides = array<i32>} : memref<2x200x64xf32, #tpu.memory_space<vmem>>, vector<16xf32>,
        %add3A_1725 = arith.addf %add3A_1666, %add3A_1719 : vector<16xf32>
        %get3A_1726 = arith.constant 0 : i32
        %get3A_1727 = arith.index_cast %get3A_1726 : i32 to index
        %get3A_1728 = arith.index_cast %add3A_1707 : i32 to index
        %get3A_1729 = arith.constant 16 : index
        %get3A_1730 = tpu.vector_load %arg10[%get3A_1727, %get3A_1728, %get3A_1729] {strides = array<i32>} : memref<2x200x64xf32, #tpu.memory_space<vmem>>, vector<16xf32>,
        %gather3A_1731 = tpu.vector_load_idx %arg12[%gather3A_1712, %add3A_9] : memref<200x64xf32, #tpu.memory_space<vmem>>[vector<16xi32>, vector<16xi32>], vector<16xf32>,
        %add3A_1732 = arith.addf %get3A_1730, %gather3A_1731 : vector<16xf32>
        %swap3A_1733 = arith.constant 0 : i32
        %swap3A_1734 = arith.index_cast %swap3A_1733 : i32 to index
        %swap3A_1735 = arith.index_cast %add3A_1707 : i32 to index
        %swap3A_1736 = arith.constant 16 : index
        %swap3A_1737 = tpu.vector_load %arg11[%swap3A_1734, %swap3A_1735, %swap3A_1736] {strides = array<i32>} : memref<2x200x64xf32, #tpu.memory_space<vmem>>, vector<16xf32>,
        tpu.vector_store %arg11[%swap3A_1734, %swap3A_1735, %swap3A_1736], %add3A_1732 {strides = array<i32>} : memref<2x200x64xf32, #tpu.memory_space<vmem>>, vector<16xf32>,
        %add3A_1738 = arith.addf %add3A_1679, %add3A_1732 : vector<16xf32>
        %get3A_1739 = arith.constant 0 : i32
        %get3A_1740 = arith.index_cast %get3A_1739 : i32 to index
        %get3A_1741 = arith.index_cast %add3A_1707 : i32 to index
        %get3A_1742 = arith.constant 32 : index
        %get3A_1743 = tpu.vector_load %arg10[%get3A_1740, %get3A_1741, %get3A_1742] {strides = array<i32>} : memref<2x200x64xf32, #tpu.memory_space<vmem>>, vector<16xf32>,
        %gather3A_1744 = tpu.vector_load_idx %arg12[%gather3A_1712, %add3A_13] : memref<200x64xf32, #tpu.memory_space<vmem>>[vector<16xi32>, vector<16xi32>], vector<16xf32>,
        %add3A_1745 = arith.addf %get3A_1743, %gather3A_1744 : vector<16xf32>
        %swap3A_1746 = arith.constant 0 : i32
        %swap3A_1747 = arith.index_cast %swap3A_1746 : i32 to index
        %swap3A_1748 = arith.index_cast %add3A_1707 : i32 to index
        %swap3A_1749 = arith.constant 32 : index
        %swap3A_1750 = tpu.vector_load %arg11[%swap3A_1747, %swap3A_1748, %swap3A_1749] {strides = array<i32>} : memref<2x200x64xf32, #tpu.memory_space<vmem>>, vector<16xf32>,
        tpu.vector_store %arg11[%swap3A_1747, %swap3A_1748, %swap3A_1749], %add3A_1745 {strides = array<i32>} : memref<2x200x64xf32, #tpu.memory_space<vmem>>, vector<16xf32>,
        %add3A_1751 = arith.addf %add3A_1692, %add3A_1745 : vector<16xf32>
        %get3A_1752 = arith.constant 0 : i32
        %get3A_1753 = arith.index_cast %get3A_1752 : i32 to index
        %get3A_1754 = arith.index_cast %add3A_1707 : i32 to index
        %get3A_1755 = arith.constant 48 : index
        %get3A_1756 = tpu.vector_load %arg10[%get3A_1753, %get3A_1754, %get3A_1755] {strides = array<i32>} : memref<2x200x64xf32, #tpu.memory_space<vmem>>, vector<16xf32>,
        %gather3A_1757 = tpu.vector_load_idx %arg12[%gather3A_1712, %add3A_17] : memref<200x64xf32, #tpu.memory_space<vmem>>[vector<16xi32>, vector<16xi32>], vector<16xf32>,
        %add3A_1758 = arith.addf %get3A_1756, %gather3A_1757 : vector<16xf32>
        %swap3A_1759 = arith.constant 0 : i32
        %swap3A_1760 = arith.index_cast %swap3A_1759 : i32 to index
        %swap3A_1761 = arith.index_cast %add3A_1707 : i32 to index
        %swap3A_1762 = arith.constant 48 : index
        %swap3A_1763 = tpu.vector_load %arg11[%swap3A_1760, %swap3A_1761, %swap3A_1762] {strides = array<i32>} : memref<2x200x64xf32, #tpu.memory_space<vmem>>, vector<16xf32>,
        tpu.vector_store %arg11[%swap3A_1760, %swap3A_1761, %swap3A_1762], %add3A_1758 {strides = array<i32>} : memref<2x200x64xf32, #tpu.memory_space<vmem>>, vector<16xf32>,
        %add3A_1764 = arith.addf %add3A_1705, %add3A_1758 : vector<16xf32>
        %add3A_1765 = arith.constant 8 : i32
        %add3A_1766 = arith.addi %multiple_of3A, %add3A_1765 : i32
        %broadcast_in_dim3A_1767 = arith.constant 8 : i32
        %broadcast_in_dim3A_1768 = vector.broadcast %broadcast_in_dim3A_1767 : i32 to vector<16xi32>
        %broadcast_in_dim3A_1769 = vector.shape_cast %broadcast_in_dim3A_1768 : vector<16xi32> to vector<16x1xi32>
        %gather3A_1770 = vector.shape_cast %broadcast_in_dim3A_1769 : vector<16x1xi32> to vector<16xi32>
        %gather3A_1771 = tpu.dynamic_gather %get3A_1292[%gather3A_1770] in [0] : vector<16xi32>, vector<16xi32> -> vector<16xi32>
        %get3A_1772 = arith.constant 0 : i32
        %get3A_1773 = arith.index_cast %get3A_1772 : i32 to index
        %get3A_1774 = arith.index_cast %add3A_1766 : i32 to index
        %get3A_1775 = arith.constant 0 : index
        %get3A_1776 = tpu.vector_load %arg10[%get3A_1773, %get3A_1774, %get3A_1775] {strides = array<i32>} : memref<2x200x64xf32, #tpu.memory_space<vmem>>, vector<16xf32>,
        %gather3A_1777 = tpu.vector_load_idx %arg12[%gather3A_1771, %add3A_5] : memref<200x64xf32, #tpu.memory_space<vmem>>[vector<16xi32>, vector<16xi32>], vector<16xf32>,
        %add3A_1778 = arith.addf %get3A_1776, %gather3A_1777 : vector<16xf32>
        %swap3A_1779 = arith.constant 0 : i32
        %swap3A_1780 = arith.index_cast %swap3A_1779 : i32 to index
        %swap3A_1781 = arith.index_cast %add3A_1766 : i32 to index
        %swap3A_1782 = arith.constant 0 : index
        %swap3A_1783 = tpu.vector_load %arg11[%swap3A_1780, %swap3A_1781, %swap3A_1782] {strides = array<i32>} : memref<2x200x64xf32, #tpu.memory_space<vmem>>, vector<16xf32>,
        tpu.vector_store %arg11[%swap3A_1780, %swap3A_1781, %swap3A_1782], %add3A_1778 {strides = array<i32>} : memref<2x200x64xf32, #tpu.memory_space<vmem>>, vector<16xf32>,
        %add3A_1784 = arith.addf %add3A_1725, %add3A_1778 : vector<16xf32>
        %get3A_1785 = arith.constant 0 : i32
        %get3A_1786 = arith.index_cast %get3A_1785 : i32 to index
        %get3A_1787 = arith.index_cast %add3A_1766 : i32 to index
        %get3A_1788 = arith.constant 16 : index
        %get3A_1789 = tpu.vector_load %arg10[%get3A_1786, %get3A_1787, %get3A_1788] {strides = array<i32>} : memref<2x200x64xf32, #tpu.memory_space<vmem>>, vector<16xf32>,
        %gather3A_1790 = tpu.vector_load_idx %arg12[%gather3A_1771, %add3A_9] : memref<200x64xf32, #tpu.memory_space<vmem>>[vector<16xi32>, vector<16xi32>], vector<16xf32>,
        %add3A_1791 = arith.addf %get3A_1789, %gather3A_1790 : vector<16xf32>
        %swap3A_1792 = arith.constant 0 : i32
        %swap3A_1793 = arith.index_cast %swap3A_1792 : i32 to index
        %swap3A_1794 = arith.index_cast %add3A_1766 : i32 to index
        %swap3A_1795 = arith.constant 16 : index
        %swap3A_1796 = tpu.vector_load %arg11[%swap3A_1793, %swap3A_1794, %swap3A_1795] {strides = array<i32>} : memref<2x200x64xf32, #tpu.memory_space<vmem>>, vector<16xf32>,
        tpu.vector_store %arg11[%swap3A_1793, %swap3A_1794, %swap3A_1795], %add3A_1791 {strides = array<i32>} : memref<2x200x64xf32, #tpu.memory_space<vmem>>, vector<16xf32>,
        %add3A_1797 = arith.addf %add3A_1738, %add3A_1791 : vector<16xf32>
        %get3A_1798 = arith.constant 0 : i32
        %get3A_1799 = arith.index_cast %get3A_1798 : i32 to index
        %get3A_1800 = arith.index_cast %add3A_1766 : i32 to index
        %get3A_1801 = arith.constant 32 : index
        %get3A_1802 = tpu.vector_load %arg10[%get3A_1799, %get3A_1800, %get3A_1801] {strides = array<i32>} : memref<2x200x64xf32, #tpu.memory_space<vmem>>, vector<16xf32>,
        %gather3A_1803 = tpu.vector_load_idx %arg12[%gather3A_1771, %add3A_13] : memref<200x64xf32, #tpu.memory_space<vmem>>[vector<16xi32>, vector<16xi32>], vector<16xf32>,
        %add3A_1804 = arith.addf %get3A_1802, %gather3A_1803 : vector<16xf32>
        %swap3A_1805 = arith.constant 0 : i32
        %swap3A_1806 = arith.index_cast %swap3A_1805 : i32 to index
        %swap3A_1807 = arith.index_cast %add3A_1766 : i32 to index
        %swap3A_1808 = arith.constant 32 : index
        %swap3A_1809 = tpu.vector_load %arg11[%swap3A_1806, %swap3A_1807, %swap3A_1808] {strides = array<i32>} : memref<2x200x64xf32, #tpu.memory_space<vmem>>, vector<16xf32>,
        tpu.vector_store %arg11[%swap3A_1806, %swap3A_1807, %swap3A_1808], %add3A_1804 {strides = array<i32>} : memref<2x200x64xf32, #tpu.memory_space<vmem>>, vector<16xf32>,
        %add3A_1810 = arith.addf %add3A_1751, %add3A_1804 : vector<16xf32>
        %get3A_1811 = arith.constant 0 : i32
        %get3A_1812 = arith.index_cast %get3A_1811 : i32 to index
        %get3A_1813 = arith.index_cast %add3A_1766 : i32 to index
        %get3A_1814 = arith.constant 48 : index
        %get3A_1815 = tpu.vector_load %arg10[%get3A_1812, %get3A_1813, %get3A_1814] {strides = array<i32>} : memref<2x200x64xf32, #tpu.memory_space<vmem>>, vector<16xf32>,
        %gather3A_1816 = tpu.vector_load_idx %arg12[%gather3A_1771, %add3A_17] : memref<200x64xf32, #tpu.memory_space<vmem>>[vector<16xi32>, vector<16xi32>], vector<16xf32>,
        %add3A_1817 = arith.addf %get3A_1815, %gather3A_1816 : vector<16xf32>
        %swap3A_1818 = arith.constant 0 : i32
        %swap3A_1819 = arith.index_cast %swap3A_1818 : i32 to index
        %swap3A_1820 = arith.index_cast %add3A_1766 : i32 to index
        %swap3A_1821 = arith.constant 48 : index
        %swap3A_1822 = tpu.vector_load %arg11[%swap3A_1819, %swap3A_1820, %swap3A_1821] {strides = array<i32>} : memref<2x200x64xf32, #tpu.memory_space<vmem>>, vector<16xf32>,
        tpu.vector_store %arg11[%swap3A_1819, %swap3A_1820, %swap3A_1821], %add3A_1817 {strides = array<i32>} : memref<2x200x64xf32, #tpu.memory_space<vmem>>, vector<16xf32>,
        %add3A_1823 = arith.addf %add3A_1764, %add3A_1817 : vector<16xf32>
        %add3A_1824 = arith.constant 9 : i32
        %add3A_1825 = arith.addi %multiple_of3A, %add3A_1824 : i32
        %broadcast_in_dim3A_1826 = arith.constant 9 : i32
        %broadcast_in_dim3A_1827 = vector.broadcast %broadcast_in_dim3A_1826 : i32 to vector<16xi32>
        %broadcast_in_dim3A_1828 = vector.shape_cast %broadcast_in_dim3A_1827 : vector<16xi32> to vector<16x1xi32>
        %gather3A_1829 = vector.shape_cast %broadcast_in_dim3A_1828 : vector<16x1xi32> to vector<16xi32>
        %gather3A_1830 = tpu.dynamic_gather %get3A_1292[%gather3A_1829] in [0] : vector<16xi32>, vector<16xi32> -> vector<16xi32>
        %get3A_1831 = arith.constant 0 : i32
        %get3A_1832 = arith.index_cast %get3A_1831 : i32 to index
        %get3A_1833 = arith.index_cast %add3A_1825 : i32 to index
        %get3A_1834 = arith.constant 0 : index
        %get3A_1835 = tpu.vector_load %arg10[%get3A_1832, %get3A_1833, %get3A_1834] {strides = array<i32>} : memref<2x200x64xf32, #tpu.memory_space<vmem>>, vector<16xf32>,
        %gather3A_1836 = tpu.vector_load_idx %arg12[%gather3A_1830, %add3A_5] : memref<200x64xf32, #tpu.memory_space<vmem>>[vector<16xi32>, vector<16xi32>], vector<16xf32>,
        %add3A_1837 = arith.addf %get3A_1835, %gather3A_1836 : vector<16xf32>
        %swap3A_1838 = arith.constant 0 : i32
        %swap3A_1839 = arith.index_cast %swap3A_1838 : i32 to index
        %swap3A_1840 = arith.index_cast %add3A_1825 : i32 to index
        %swap3A_1841 = arith.constant 0 : index
        %swap3A_1842 = tpu.vector_load %arg11[%swap3A_1839, %swap3A_1840, %swap3A_1841] {strides = array<i32>} : memref<2x200x64xf32, #tpu.memory_space<vmem>>, vector<16xf32>,
        tpu.vector_store %arg11[%swap3A_1839, %swap3A_1840, %swap3A_1841], %add3A_1837 {strides = array<i32>} : memref<2x200x64xf32, #tpu.memory_space<vmem>>, vector<16xf32>,
        %add3A_1843 = arith.addf %add3A_1784, %add3A_1837 : vector<16xf32>
        %get3A_1844 = arith.constant 0 : i32
        %get3A_1845 = arith.index_cast %get3A_1844 : i32 to index
        %get3A_1846 = arith.index_cast %add3A_1825 : i32 to index
        %get3A_1847 = arith.constant 16 : index
        %get3A_1848 = tpu.vector_load %arg10[%get3A_1845, %get3A_1846, %get3A_1847] {strides = array<i32>} : memref<2x200x64xf32, #tpu.memory_space<vmem>>, vector<16xf32>,
        %gather3A_1849 = tpu.vector_load_idx %arg12[%gather3A_1830, %add3A_9] : memref<200x64xf32, #tpu.memory_space<vmem>>[vector<16xi32>, vector<16xi32>], vector<16xf32>,
        %add3A_1850 = arith.addf %get3A_1848, %gather3A_1849 : vector<16xf32>
        %swap3A_1851 = arith.constant 0 : i32
        %swap3A_1852 = arith.index_cast %swap3A_1851 : i32 to index
        %swap3A_1853 = arith.index_cast %add3A_1825 : i32 to index
        %swap3A_1854 = arith.constant 16 : index
        %swap3A_1855 = tpu.vector_load %arg11[%swap3A_1852, %swap3A_1853, %swap3A_1854] {strides = array<i32>} : memref<2x200x64xf32, #tpu.memory_space<vmem>>, vector<16xf32>,
        tpu.vector_store %arg11[%swap3A_1852, %swap3A_1853, %swap3A_1854], %add3A_1850 {strides = array<i32>} : memref<2x200x64xf32, #tpu.memory_space<vmem>>, vector<16xf32>,
        %add3A_1856 = arith.addf %add3A_1797, %add3A_1850 : vector<16xf32>
        %get3A_1857 = arith.constant 0 : i32
        %get3A_1858 = arith.index_cast %get3A_1857 : i32 to index
        %get3A_1859 = arith.index_cast %add3A_1825 : i32 to index
        %get3A_1860 = arith.constant 32 : index
        %get3A_1861 = tpu.vector_load %arg10[%get3A_1858, %get3A_1859, %get3A_1860] {strides = array<i32>} : memref<2x200x64xf32, #tpu.memory_space<vmem>>, vector<16xf32>,
        %gather3A_1862 = tpu.vector_load_idx %arg12[%gather3A_1830, %add3A_13] : memref<200x64xf32, #tpu.memory_space<vmem>>[vector<16xi32>, vector<16xi32>], vector<16xf32>,
        %add3A_1863 = arith.addf %get3A_1861, %gather3A_1862 : vector<16xf32>
        %swap3A_1864 = arith.constant 0 : i32
        %swap3A_1865 = arith.index_cast %swap3A_1864 : i32 to index
        %swap3A_1866 = arith.index_cast %add3A_1825 : i32 to index
        %swap3A_1867 = arith.constant 32 : index
        %swap3A_1868 = tpu.vector_load %arg11[%swap3A_1865, %swap3A_1866, %swap3A_1867] {strides = array<i32>} : memref<2x200x64xf32, #tpu.memory_space<vmem>>, vector<16xf32>,
        tpu.vector_store %arg11[%swap3A_1865, %swap3A_1866, %swap3A_1867], %add3A_1863 {strides = array<i32>} : memref<2x200x64xf32, #tpu.memory_space<vmem>>, vector<16xf32>,
        %add3A_1869 = arith.addf %add3A_1810, %add3A_1863 : vector<16xf32>
        %get3A_1870 = arith.constant 0 : i32
        %get3A_1871 = arith.index_cast %get3A_1870 : i32 to index
        %get3A_1872 = arith.index_cast %add3A_1825 : i32 to index
        %get3A_1873 = arith.constant 48 : index
        %get3A_1874 = tpu.vector_load %arg10[%get3A_1871, %get3A_1872, %get3A_1873] {strides = array<i32>} : memref<2x200x64xf32, #tpu.memory_space<vmem>>, vector<16xf32>,
        %gather3A_1875 = tpu.vector_load_idx %arg12[%gather3A_1830, %add3A_17] : memref<200x64xf32, #tpu.memory_space<vmem>>[vector<16xi32>, vector<16xi32>], vector<16xf32>,
        %add3A_1876 = arith.addf %get3A_1874, %gather3A_1875 : vector<16xf32>
        %swap3A_1877 = arith.constant 0 : i32
        %swap3A_1878 = arith.index_cast %swap3A_1877 : i32 to index
        %swap3A_1879 = arith.index_cast %add3A_1825 : i32 to index
        %swap3A_1880 = arith.constant 48 : index
        %swap3A_1881 = tpu.vector_load %arg11[%swap3A_1878, %swap3A_1879, %swap3A_1880] {strides = array<i32>} : memref<2x200x64xf32, #tpu.memory_space<vmem>>, vector<16xf32>,
        tpu.vector_store %arg11[%swap3A_1878, %swap3A_1879, %swap3A_1880], %add3A_1876 {strides = array<i32>} : memref<2x200x64xf32, #tpu.memory_space<vmem>>, vector<16xf32>,
        %add3A_1882 = arith.addf %add3A_1823, %add3A_1876 : vector<16xf32>
        %add3A_1883 = arith.constant 10 : i32
        %add3A_1884 = arith.addi %multiple_of3A, %add3A_1883 : i32
        %broadcast_in_dim3A_1885 = arith.constant 10 : i32
        %broadcast_in_dim3A_1886 = vector.broadcast %broadcast_in_dim3A_1885 : i32 to vector<16xi32>
        %broadcast_in_dim3A_1887 = vector.shape_cast %broadcast_in_dim3A_1886 : vector<16xi32> to vector<16x1xi32>
        %gather3A_1888 = vector.shape_cast %broadcast_in_dim3A_1887 : vector<16x1xi32> to vector<16xi32>
        %gather3A_1889 = tpu.dynamic_gather %get3A_1292[%gather3A_1888] in [0] : vector<16xi32>, vector<16xi32> -> vector<16xi32>
        %get3A_1890 = arith.constant 0 : i32
        %get3A_1891 = arith.index_cast %get3A_1890 : i32 to index
        %get3A_1892 = arith.index_cast %add3A_1884 : i32 to index
        %get3A_1893 = arith.constant 0 : index
        %get3A_1894 = tpu.vector_load %arg10[%get3A_1891, %get3A_1892, %get3A_1893] {strides = array<i32>} : memref<2x200x64xf32, #tpu.memory_space<vmem>>, vector<16xf32>,
        %gather3A_1895 = tpu.vector_load_idx %arg12[%gather3A_1889, %add3A_5] : memref<200x64xf32, #tpu.memory_space<vmem>>[vector<16xi32>, vector<16xi32>], vector<16xf32>,
        %add3A_1896 = arith.addf %get3A_1894, %gather3A_1895 : vector<16xf32>
        %swap3A_1897 = arith.constant 0 : i32
        %swap3A_1898 = arith.index_cast %swap3A_1897 : i32 to index
        %swap3A_1899 = arith.index_cast %add3A_1884 : i32 to index
        %swap3A_1900 = arith.constant 0 : index
        %swap3A_1901 = tpu.vector_load %arg11[%swap3A_1898, %swap3A_1899, %swap3A_1900] {strides = array<i32>} : memref<2x200x64xf32, #tpu.memory_space<vmem>>, vector<16xf32>,
        tpu.vector_store %arg11[%swap3A_1898, %swap3A_1899, %swap3A_1900], %add3A_1896 {strides = array<i32>} : memref<2x200x64xf32, #tpu.memory_space<vmem>>, vector<16xf32>,
        %add3A_1902 = arith.addf %add3A_1843, %add3A_1896 : vector<16xf32>
        %get3A_1903 = arith.constant 0 : i32
        %get3A_1904 = arith.index_cast %get3A_1903 : i32 to index
        %get3A_1905 = arith.index_cast %add3A_1884 : i32 to index
        %get3A_1906 = arith.constant 16 : index
        %get3A_1907 = tpu.vector_load %arg10[%get3A_1904, %get3A_1905, %get3A_1906] {strides = array<i32>} : memref<2x200x64xf32, #tpu.memory_space<vmem>>, vector<16xf32>,
        %gather3A_1908 = tpu.vector_load_idx %arg12[%gather3A_1889, %add3A_9] : memref<200x64xf32, #tpu.memory_space<vmem>>[vector<16xi32>, vector<16xi32>], vector<16xf32>,
        %add3A_1909 = arith.addf %get3A_1907, %gather3A_1908 : vector<16xf32>
        %swap3A_1910 = arith.constant 0 : i32
        %swap3A_1911 = arith.index_cast %swap3A_1910 : i32 to index
        %swap3A_1912 = arith.index_cast %add3A_1884 : i32 to index
        %swap3A_1913 = arith.constant 16 : index
        %swap3A_1914 = tpu.vector_load %arg11[%swap3A_1911, %swap3A_1912, %swap3A_1913] {strides = array<i32>} : memref<2x200x64xf32, #tpu.memory_space<vmem>>, vector<16xf32>,
        tpu.vector_store %arg11[%swap3A_1911, %swap3A_1912, %swap3A_1913], %add3A_1909 {strides = array<i32>} : memref<2x200x64xf32, #tpu.memory_space<vmem>>, vector<16xf32>,
        %add3A_1915 = arith.addf %add3A_1856, %add3A_1909 : vector<16xf32>
        %get3A_1916 = arith.constant 0 : i32
        %get3A_1917 = arith.index_cast %get3A_1916 : i32 to index
        %get3A_1918 = arith.index_cast %add3A_1884 : i32 to index
        %get3A_1919 = arith.constant 32 : index
        %get3A_1920 = tpu.vector_load %arg10[%get3A_1917, %get3A_1918, %get3A_1919] {strides = array<i32>} : memref<2x200x64xf32, #tpu.memory_space<vmem>>, vector<16xf32>,
        %gather3A_1921 = tpu.vector_load_idx %arg12[%gather3A_1889, %add3A_13] : memref<200x64xf32, #tpu.memory_space<vmem>>[vector<16xi32>, vector<16xi32>], vector<16xf32>,
        %add3A_1922 = arith.addf %get3A_1920, %gather3A_1921 : vector<16xf32>
        %swap3A_1923 = arith.constant 0 : i32
        %swap3A_1924 = arith.index_cast %swap3A_1923 : i32 to index
        %swap3A_1925 = arith.index_cast %add3A_1884 : i32 to index
        %swap3A_1926 = arith.constant 32 : index
        %swap3A_1927 = tpu.vector_load %arg11[%swap3A_1924, %swap3A_1925, %swap3A_1926] {strides = array<i32>} : memref<2x200x64xf32, #tpu.memory_space<vmem>>, vector<16xf32>,
        tpu.vector_store %arg11[%swap3A_1924, %swap3A_1925, %swap3A_1926], %add3A_1922 {strides = array<i32>} : memref<2x200x64xf32, #tpu.memory_space<vmem>>, vector<16xf32>,
        %add3A_1928 = arith.addf %add3A_1869, %add3A_1922 : vector<16xf32>
        %get3A_1929 = arith.constant 0 : i32
        %get3A_1930 = arith.index_cast %get3A_1929 : i32 to index
        %get3A_1931 = arith.index_cast %add3A_1884 : i32 to index
        %get3A_1932 = arith.constant 48 : index
        %get3A_1933 = tpu.vector_load %arg10[%get3A_1930, %get3A_1931, %get3A_1932] {strides = array<i32>} : memref<2x200x64xf32, #tpu.memory_space<vmem>>, vector<16xf32>,
        %gather3A_1934 = tpu.vector_load_idx %arg12[%gather3A_1889, %add3A_17] : memref<200x64xf32, #tpu.memory_space<vmem>>[vector<16xi32>, vector<16xi32>], vector<16xf32>,
        %add3A_1935 = arith.addf %get3A_1933, %gather3A_1934 : vector<16xf32>
        %swap3A_1936 = arith.constant 0 : i32
        %swap3A_1937 = arith.index_cast %swap3A_1936 : i32 to index
        %swap3A_1938 = arith.index_cast %add3A_1884 : i32 to index
        %swap3A_1939 = arith.constant 48 : index
        %swap3A_1940 = tpu.vector_load %arg11[%swap3A_1937, %swap3A_1938, %swap3A_1939] {strides = array<i32>} : memref<2x200x64xf32, #tpu.memory_space<vmem>>, vector<16xf32>,
        tpu.vector_store %arg11[%swap3A_1937, %swap3A_1938, %swap3A_1939], %add3A_1935 {strides = array<i32>} : memref<2x200x64xf32, #tpu.memory_space<vmem>>, vector<16xf32>,
        %add3A_1941 = arith.addf %add3A_1882, %add3A_1935 : vector<16xf32>
        %add3A_1942 = arith.constant 11 : i32
        %add3A_1943 = arith.addi %multiple_of3A, %add3A_1942 : i32
        %broadcast_in_dim3A_1944 = arith.constant 11 : i32
        %broadcast_in_dim3A_1945 = vector.broadcast %broadcast_in_dim3A_1944 : i32 to vector<16xi32>
        %broadcast_in_dim3A_1946 = vector.shape_cast %broadcast_in_dim3A_1945 : vector<16xi32> to vector<16x1xi32>
        %gather3A_1947 = vector.shape_cast %broadcast_in_dim3A_1946 : vector<16x1xi32> to vector<16xi32>
        %gather3A_1948 = tpu.dynamic_gather %get3A_1292[%gather3A_1947] in [0] : vector<16xi32>, vector<16xi32> -> vector<16xi32>
        %get3A_1949 = arith.constant 0 : i32
        %get3A_1950 = arith.index_cast %get3A_1949 : i32 to index
        %get3A_1951 = arith.index_cast %add3A_1943 : i32 to index
        %get3A_1952 = arith.constant 0 : index
        %get3A_1953 = tpu.vector_load %arg10[%get3A_1950, %get3A_1951, %get3A_1952] {strides = array<i32>} : memref<2x200x64xf32, #tpu.memory_space<vmem>>, vector<16xf32>,
        %gather3A_1954 = tpu.vector_load_idx %arg12[%gather3A_1948, %add3A_5] : memref<200x64xf32, #tpu.memory_space<vmem>>[vector<16xi32>, vector<16xi32>], vector<16xf32>,
        %add3A_1955 = arith.addf %get3A_1953, %gather3A_1954 : vector<16xf32>
        %swap3A_1956 = arith.constant 0 : i32
        %swap3A_1957 = arith.index_cast %swap3A_1956 : i32 to index
        %swap3A_1958 = arith.index_cast %add3A_1943 : i32 to index
        %swap3A_1959 = arith.constant 0 : index
        %swap3A_1960 = tpu.vector_load %arg11[%swap3A_1957, %swap3A_1958, %swap3A_1959] {strides = array<i32>} : memref<2x200x64xf32, #tpu.memory_space<vmem>>, vector<16xf32>,
        tpu.vector_store %arg11[%swap3A_1957, %swap3A_1958, %swap3A_1959], %add3A_1955 {strides = array<i32>} : memref<2x200x64xf32, #tpu.memory_space<vmem>>, vector<16xf32>,
        %add3A_1961 = arith.addf %add3A_1902, %add3A_1955 : vector<16xf32>
        %get3A_1962 = arith.constant 0 : i32
        %get3A_1963 = arith.index_cast %get3A_1962 : i32 to index
        %get3A_1964 = arith.index_cast %add3A_1943 : i32 to index
        %get3A_1965 = arith.constant 16 : index
        %get3A_1966 = tpu.vector_load %arg10[%get3A_1963, %get3A_1964, %get3A_1965] {strides = array<i32>} : memref<2x200x64xf32, #tpu.memory_space<vmem>>, vector<16xf32>,
        %gather3A_1967 = tpu.vector_load_idx %arg12[%gather3A_1948, %add3A_9] : memref<200x64xf32, #tpu.memory_space<vmem>>[vector<16xi32>, vector<16xi32>], vector<16xf32>,
        %add3A_1968 = arith.addf %get3A_1966, %gather3A_1967 : vector<16xf32>
        %swap3A_1969 = arith.constant 0 : i32
        %swap3A_1970 = arith.index_cast %swap3A_1969 : i32 to index
        %swap3A_1971 = arith.index_cast %add3A_1943 : i32 to index
        %swap3A_1972 = arith.constant 16 : index
        %swap3A_1973 = tpu.vector_load %arg11[%swap3A_1970, %swap3A_1971, %swap3A_1972] {strides = array<i32>} : memref<2x200x64xf32, #tpu.memory_space<vmem>>, vector<16xf32>,
        tpu.vector_store %arg11[%swap3A_1970, %swap3A_1971, %swap3A_1972], %add3A_1968 {strides = array<i32>} : memref<2x200x64xf32, #tpu.memory_space<vmem>>, vector<16xf32>,
        %add3A_1974 = arith.addf %add3A_1915, %add3A_1968 : vector<16xf32>
        %get3A_1975 = arith.constant 0 : i32
        %get3A_1976 = arith.index_cast %get3A_1975 : i32 to index
        %get3A_1977 = arith.index_cast %add3A_1943 : i32 to index
        %get3A_1978 = arith.constant 32 : index
        %get3A_1979 = tpu.vector_load %arg10[%get3A_1976, %get3A_1977, %get3A_1978] {strides = array<i32>} : memref<2x200x64xf32, #tpu.memory_space<vmem>>, vector<16xf32>,
        %gather3A_1980 = tpu.vector_load_idx %arg12[%gather3A_1948, %add3A_13] : memref<200x64xf32, #tpu.memory_space<vmem>>[vector<16xi32>, vector<16xi32>], vector<16xf32>,
        %add3A_1981 = arith.addf %get3A_1979, %gather3A_1980 : vector<16xf32>
        %swap3A_1982 = arith.constant 0 : i32
        %swap3A_1983 = arith.index_cast %swap3A_1982 : i32 to index
        %swap3A_1984 = arith.index_cast %add3A_1943 : i32 to index
        %swap3A_1985 = arith.constant 32 : index
        %swap3A_1986 = tpu.vector_load %arg11[%swap3A_1983, %swap3A_1984, %swap3A_1985] {strides = array<i32>} : memref<2x200x64xf32, #tpu.memory_space<vmem>>, vector<16xf32>,
        tpu.vector_store %arg11[%swap3A_1983, %swap3A_1984, %swap3A_1985], %add3A_1981 {strides = array<i32>} : memref<2x200x64xf32, #tpu.memory_space<vmem>>, vector<16xf32>,
        %add3A_1987 = arith.addf %add3A_1928, %add3A_1981 : vector<16xf32>
        %get3A_1988 = arith.constant 0 : i32
        %get3A_1989 = arith.index_cast %get3A_1988 : i32 to index
        %get3A_1990 = arith.index_cast %add3A_1943 : i32 to index
        %get3A_1991 = arith.constant 48 : index
        %get3A_1992 = tpu.vector_load %arg10[%get3A_1989, %get3A_1990, %get3A_1991] {strides = array<i32>} : memref<2x200x64xf32, #tpu.memory_space<vmem>>, vector<16xf32>,
        %gather3A_1993 = tpu.vector_load_idx %arg12[%gather3A_1948, %add3A_17] : memref<200x64xf32, #tpu.memory_space<vmem>>[vector<16xi32>, vector<16xi32>], vector<16xf32>,
        %add3A_1994 = arith.addf %get3A_1992, %gather3A_1993 : vector<16xf32>
        %swap3A_1995 = arith.constant 0 : i32
        %swap3A_1996 = arith.index_cast %swap3A_1995 : i32 to index
        %swap3A_1997 = arith.index_cast %add3A_1943 : i32 to index
        %swap3A_1998 = arith.constant 48 : index
        %swap3A_1999 = tpu.vector_load %arg11[%swap3A_1996, %swap3A_1997, %swap3A_1998] {strides = array<i32>} : memref<2x200x64xf32, #tpu.memory_space<vmem>>, vector<16xf32>,
        tpu.vector_store %arg11[%swap3A_1996, %swap3A_1997, %swap3A_1998], %add3A_1994 {strides = array<i32>} : memref<2x200x64xf32, #tpu.memory_space<vmem>>, vector<16xf32>,
        %add3A_2000 = arith.addf %add3A_1941, %add3A_1994 : vector<16xf32>
        %add3A_2001 = arith.constant 12 : i32
        %add3A_2002 = arith.addi %multiple_of3A, %add3A_2001 : i32
        %broadcast_in_dim3A_2003 = arith.constant 12 : i32
        %broadcast_in_dim3A_2004 = vector.broadcast %broadcast_in_dim3A_2003 : i32 to vector<16xi32>
        %broadcast_in_dim3A_2005 = vector.shape_cast %broadcast_in_dim3A_2004 : vector<16xi32> to vector<16x1xi32>
        %gather3A_2006 = vector.shape_cast %broadcast_in_dim3A_2005 : vector<16x1xi32> to vector<16xi32>
        %gather3A_2007 = tpu.dynamic_gather %get3A_1292[%gather3A_2006] in [0] : vector<16xi32>, vector<16xi32> -> vector<16xi32>
        %get3A_2008 = arith.constant 0 : i32
        %get3A_2009 = arith.index_cast %get3A_2008 : i32 to index
        %get3A_2010 = arith.index_cast %add3A_2002 : i32 to index
        %get3A_2011 = arith.constant 0 : index
        %get3A_2012 = tpu.vector_load %arg10[%get3A_2009, %get3A_2010, %get3A_2011] {strides = array<i32>} : memref<2x200x64xf32, #tpu.memory_space<vmem>>, vector<16xf32>,
        %gather3A_2013 = tpu.vector_load_idx %arg12[%gather3A_2007, %add3A_5] : memref<200x64xf32, #tpu.memory_space<vmem>>[vector<16xi32>, vector<16xi32>], vector<16xf32>,
        %add3A_2014 = arith.addf %get3A_2012, %gather3A_2013 : vector<16xf32>
        %swap3A_2015 = arith.constant 0 : i32
        %swap3A_2016 = arith.index_cast %swap3A_2015 : i32 to index
        %swap3A_2017 = arith.index_cast %add3A_2002 : i32 to index
        %swap3A_2018 = arith.constant 0 : index
        %swap3A_2019 = tpu.vector_load %arg11[%swap3A_2016, %swap3A_2017, %swap3A_2018] {strides = array<i32>} : memref<2x200x64xf32, #tpu.memory_space<vmem>>, vector<16xf32>,
        tpu.vector_store %arg11[%swap3A_2016, %swap3A_2017, %swap3A_2018], %add3A_2014 {strides = array<i32>} : memref<2x200x64xf32, #tpu.memory_space<vmem>>, vector<16xf32>,
        %add3A_2020 = arith.addf %add3A_1961, %add3A_2014 : vector<16xf32>
        %get3A_2021 = arith.constant 0 : i32
        %get3A_2022 = arith.index_cast %get3A_2021 : i32 to index
        %get3A_2023 = arith.index_cast %add3A_2002 : i32 to index
        %get3A_2024 = arith.constant 16 : index
        %get3A_2025 = tpu.vector_load %arg10[%get3A_2022, %get3A_2023, %get3A_2024] {strides = array<i32>} : memref<2x200x64xf32, #tpu.memory_space<vmem>>, vector<16xf32>,
        %gather3A_2026 = tpu.vector_load_idx %arg12[%gather3A_2007, %add3A_9] : memref<200x64xf32, #tpu.memory_space<vmem>>[vector<16xi32>, vector<16xi32>], vector<16xf32>,
        %add3A_2027 = arith.addf %get3A_2025, %gather3A_2026 : vector<16xf32>
        %swap3A_2028 = arith.constant 0 : i32
        %swap3A_2029 = arith.index_cast %swap3A_2028 : i32 to index
        %swap3A_2030 = arith.index_cast %add3A_2002 : i32 to index
        %swap3A_2031 = arith.constant 16 : index
        %swap3A_2032 = tpu.vector_load %arg11[%swap3A_2029, %swap3A_2030, %swap3A_2031] {strides = array<i32>} : memref<2x200x64xf32, #tpu.memory_space<vmem>>, vector<16xf32>,
        tpu.vector_store %arg11[%swap3A_2029, %swap3A_2030, %swap3A_2031], %add3A_2027 {strides = array<i32>} : memref<2x200x64xf32, #tpu.memory_space<vmem>>, vector<16xf32>,
        %add3A_2033 = arith.addf %add3A_1974, %add3A_2027 : vector<16xf32>
        %get3A_2034 = arith.constant 0 : i32
        %get3A_2035 = arith.index_cast %get3A_2034 : i32 to index
        %get3A_2036 = arith.index_cast %add3A_2002 : i32 to index
        %get3A_2037 = arith.constant 32 : index
        %get3A_2038 = tpu.vector_load %arg10[%get3A_2035, %get3A_2036, %get3A_2037] {strides = array<i32>} : memref<2x200x64xf32, #tpu.memory_space<vmem>>, vector<16xf32>,
        %gather3A_2039 = tpu.vector_load_idx %arg12[%gather3A_2007, %add3A_13] : memref<200x64xf32, #tpu.memory_space<vmem>>[vector<16xi32>, vector<16xi32>], vector<16xf32>,
        %add3A_2040 = arith.addf %get3A_2038, %gather3A_2039 : vector<16xf32>
        %swap3A_2041 = arith.constant 0 : i32
        %swap3A_2042 = arith.index_cast %swap3A_2041 : i32 to index
        %swap3A_2043 = arith.index_cast %add3A_2002 : i32 to index
        %swap3A_2044 = arith.constant 32 : index
        %swap3A_2045 = tpu.vector_load %arg11[%swap3A_2042, %swap3A_2043, %swap3A_2044] {strides = array<i32>} : memref<2x200x64xf32, #tpu.memory_space<vmem>>, vector<16xf32>,
        tpu.vector_store %arg11[%swap3A_2042, %swap3A_2043, %swap3A_2044], %add3A_2040 {strides = array<i32>} : memref<2x200x64xf32, #tpu.memory_space<vmem>>, vector<16xf32>,
        %add3A_2046 = arith.addf %add3A_1987, %add3A_2040 : vector<16xf32>
        %get3A_2047 = arith.constant 0 : i32
        %get3A_2048 = arith.index_cast %get3A_2047 : i32 to index
        %get3A_2049 = arith.index_cast %add3A_2002 : i32 to index
        %get3A_2050 = arith.constant 48 : index
        %get3A_2051 = tpu.vector_load %arg10[%get3A_2048, %get3A_2049, %get3A_2050] {strides = array<i32>} : memref<2x200x64xf32, #tpu.memory_space<vmem>>, vector<16xf32>,
        %gather3A_2052 = tpu.vector_load_idx %arg12[%gather3A_2007, %add3A_17] : memref<200x64xf32, #tpu.memory_space<vmem>>[vector<16xi32>, vector<16xi32>], vector<16xf32>,
        %add3A_2053 = arith.addf %get3A_2051, %gather3A_2052 : vector<16xf32>
        %swap3A_2054 = arith.constant 0 : i32
        %swap3A_2055 = arith.index_cast %swap3A_2054 : i32 to index
        %swap3A_2056 = arith.index_cast %add3A_2002 : i32 to index
        %swap3A_2057 = arith.constant 48 : index
        %swap3A_2058 = tpu.vector_load %arg11[%swap3A_2055, %swap3A_2056, %swap3A_2057] {strides = array<i32>} : memref<2x200x64xf32, #tpu.memory_space<vmem>>, vector<16xf32>,
        tpu.vector_store %arg11[%swap3A_2055, %swap3A_2056, %swap3A_2057], %add3A_2053 {strides = array<i32>} : memref<2x200x64xf32, #tpu.memory_space<vmem>>, vector<16xf32>,
        %add3A_2059 = arith.addf %add3A_2000, %add3A_2053 : vector<16xf32>
        %add3A_2060 = arith.constant 13 : i32
        %add3A_2061 = arith.addi %multiple_of3A, %add3A_2060 : i32
        %broadcast_in_dim3A_2062 = arith.constant 13 : i32
        %broadcast_in_dim3A_2063 = vector.broadcast %broadcast_in_dim3A_2062 : i32 to vector<16xi32>
        %broadcast_in_dim3A_2064 = vector.shape_cast %broadcast_in_dim3A_2063 : vector<16xi32> to vector<16x1xi32>
        %gather3A_2065 = vector.shape_cast %broadcast_in_dim3A_2064 : vector<16x1xi32> to vector<16xi32>
        %gather3A_2066 = tpu.dynamic_gather %get3A_1292[%gather3A_2065] in [0] : vector<16xi32>, vector<16xi32> -> vector<16xi32>
        %get3A_2067 = arith.constant 0 : i32
        %get3A_2068 = arith.index_cast %get3A_2067 : i32 to index
        %get3A_2069 = arith.index_cast %add3A_2061 : i32 to index
        %get3A_2070 = arith.constant 0 : index
        %get3A_2071 = tpu.vector_load %arg10[%get3A_2068, %get3A_2069, %get3A_2070] {strides = array<i32>} : memref<2x200x64xf32, #tpu.memory_space<vmem>>, vector<16xf32>,
        %gather3A_2072 = tpu.vector_load_idx %arg12[%gather3A_2066, %add3A_5] : memref<200x64xf32, #tpu.memory_space<vmem>>[vector<16xi32>, vector<16xi32>], vector<16xf32>,
        %add3A_2073 = arith.addf %get3A_2071, %gather3A_2072 : vector<16xf32>
        %swap3A_2074 = arith.constant 0 : i32
        %swap3A_2075 = arith.index_cast %swap3A_2074 : i32 to index
        %swap3A_2076 = arith.index_cast %add3A_2061 : i32 to index
        %swap3A_2077 = arith.constant 0 : index
        %swap3A_2078 = tpu.vector_load %arg11[%swap3A_2075, %swap3A_2076, %swap3A_2077] {strides = array<i32>} : memref<2x200x64xf32, #tpu.memory_space<vmem>>, vector<16xf32>,
        tpu.vector_store %arg11[%swap3A_2075, %swap3A_2076, %swap3A_2077], %add3A_2073 {strides = array<i32>} : memref<2x200x64xf32, #tpu.memory_space<vmem>>, vector<16xf32>,
        %add3A_2079 = arith.addf %add3A_2020, %add3A_2073 : vector<16xf32>
        %get3A_2080 = arith.constant 0 : i32
        %get3A_2081 = arith.index_cast %get3A_2080 : i32 to index
        %get3A_2082 = arith.index_cast %add3A_2061 : i32 to index
        %get3A_2083 = arith.constant 16 : index
        %get3A_2084 = tpu.vector_load %arg10[%get3A_2081, %get3A_2082, %get3A_2083] {strides = array<i32>} : memref<2x200x64xf32, #tpu.memory_space<vmem>>, vector<16xf32>,
        %gather3A_2085 = tpu.vector_load_idx %arg12[%gather3A_2066, %add3A_9] : memref<200x64xf32, #tpu.memory_space<vmem>>[vector<16xi32>, vector<16xi32>], vector<16xf32>,
        %add3A_2086 = arith.addf %get3A_2084, %gather3A_2085 : vector<16xf32>
        %swap3A_2087 = arith.constant 0 : i32
        %swap3A_2088 = arith.index_cast %swap3A_2087 : i32 to index
        %swap3A_2089 = arith.index_cast %add3A_2061 : i32 to index
        %swap3A_2090 = arith.constant 16 : index
        %swap3A_2091 = tpu.vector_load %arg11[%swap3A_2088, %swap3A_2089, %swap3A_2090] {strides = array<i32>} : memref<2x200x64xf32, #tpu.memory_space<vmem>>, vector<16xf32>,
        tpu.vector_store %arg11[%swap3A_2088, %swap3A_2089, %swap3A_2090], %add3A_2086 {strides = array<i32>} : memref<2x200x64xf32, #tpu.memory_space<vmem>>, vector<16xf32>,
        %add3A_2092 = arith.addf %add3A_2033, %add3A_2086 : vector<16xf32>
        %get3A_2093 = arith.constant 0 : i32
        %get3A_2094 = arith.index_cast %get3A_2093 : i32 to index
        %get3A_2095 = arith.index_cast %add3A_2061 : i32 to index
        %get3A_2096 = arith.constant 32 : index
        %get3A_2097 = tpu.vector_load %arg10[%get3A_2094, %get3A_2095, %get3A_2096] {strides = array<i32>} : memref<2x200x64xf32, #tpu.memory_space<vmem>>, vector<16xf32>,
        %gather3A_2098 = tpu.vector_load_idx %arg12[%gather3A_2066, %add3A_13] : memref<200x64xf32, #tpu.memory_space<vmem>>[vector<16xi32>, vector<16xi32>], vector<16xf32>,
        %add3A_2099 = arith.addf %get3A_2097, %gather3A_2098 : vector<16xf32>
        %swap3A_2100 = arith.constant 0 : i32
        %swap3A_2101 = arith.index_cast %swap3A_2100 : i32 to index
        %swap3A_2102 = arith.index_cast %add3A_2061 : i32 to index
        %swap3A_2103 = arith.constant 32 : index
        %swap3A_2104 = tpu.vector_load %arg11[%swap3A_2101, %swap3A_2102, %swap3A_2103] {strides = array<i32>} : memref<2x200x64xf32, #tpu.memory_space<vmem>>, vector<16xf32>,
        tpu.vector_store %arg11[%swap3A_2101, %swap3A_2102, %swap3A_2103], %add3A_2099 {strides = array<i32>} : memref<2x200x64xf32, #tpu.memory_space<vmem>>, vector<16xf32>,
        %add3A_2105 = arith.addf %add3A_2046, %add3A_2099 : vector<16xf32>
        %get3A_2106 = arith.constant 0 : i32
        %get3A_2107 = arith.index_cast %get3A_2106 : i32 to index
        %get3A_2108 = arith.index_cast %add3A_2061 : i32 to index
        %get3A_2109 = arith.constant 48 : index
        %get3A_2110 = tpu.vector_load %arg10[%get3A_2107, %get3A_2108, %get3A_2109] {strides = array<i32>} : memref<2x200x64xf32, #tpu.memory_space<vmem>>, vector<16xf32>,
        %gather3A_2111 = tpu.vector_load_idx %arg12[%gather3A_2066, %add3A_17] : memref<200x64xf32, #tpu.memory_space<vmem>>[vector<16xi32>, vector<16xi32>], vector<16xf32>,
        %add3A_2112 = arith.addf %get3A_2110, %gather3A_2111 : vector<16xf32>
        %swap3A_2113 = arith.constant 0 : i32
        %swap3A_2114 = arith.index_cast %swap3A_2113 : i32 to index
        %swap3A_2115 = arith.index_cast %add3A_2061 : i32 to index
        %swap3A_2116 = arith.constant 48 : index
        %swap3A_2117 = tpu.vector_load %arg11[%swap3A_2114, %swap3A_2115, %swap3A_2116] {strides = array<i32>} : memref<2x200x64xf32, #tpu.memory_space<vmem>>, vector<16xf32>,
        tpu.vector_store %arg11[%swap3A_2114, %swap3A_2115, %swap3A_2116], %add3A_2112 {strides = array<i32>} : memref<2x200x64xf32, #tpu.memory_space<vmem>>, vector<16xf32>,
        %add3A_2118 = arith.addf %add3A_2059, %add3A_2112 : vector<16xf32>
        %add3A_2119 = arith.constant 14 : i32
        %add3A_2120 = arith.addi %multiple_of3A, %add3A_2119 : i32
        %broadcast_in_dim3A_2121 = arith.constant 14 : i32
        %broadcast_in_dim3A_2122 = vector.broadcast %broadcast_in_dim3A_2121 : i32 to vector<16xi32>
        %broadcast_in_dim3A_2123 = vector.shape_cast %broadcast_in_dim3A_2122 : vector<16xi32> to vector<16x1xi32>
        %gather3A_2124 = vector.shape_cast %broadcast_in_dim3A_2123 : vector<16x1xi32> to vector<16xi32>
        %gather3A_2125 = tpu.dynamic_gather %get3A_1292[%gather3A_2124] in [0] : vector<16xi32>, vector<16xi32> -> vector<16xi32>
        %get3A_2126 = arith.constant 0 : i32
        %get3A_2127 = arith.index_cast %get3A_2126 : i32 to index
        %get3A_2128 = arith.index_cast %add3A_2120 : i32 to index
        %get3A_2129 = arith.constant 0 : index
        %get3A_2130 = tpu.vector_load %arg10[%get3A_2127, %get3A_2128, %get3A_2129] {strides = array<i32>} : memref<2x200x64xf32, #tpu.memory_space<vmem>>, vector<16xf32>,
        %gather3A_2131 = tpu.vector_load_idx %arg12[%gather3A_2125, %add3A_5] : memref<200x64xf32, #tpu.memory_space<vmem>>[vector<16xi32>, vector<16xi32>], vector<16xf32>,
        %add3A_2132 = arith.addf %get3A_2130, %gather3A_2131 : vector<16xf32>
        %swap3A_2133 = arith.constant 0 : i32
        %swap3A_2134 = arith.index_cast %swap3A_2133 : i32 to index
        %swap3A_2135 = arith.index_cast %add3A_2120 : i32 to index
        %swap3A_2136 = arith.constant 0 : index
        %swap3A_2137 = tpu.vector_load %arg11[%swap3A_2134, %swap3A_2135, %swap3A_2136] {strides = array<i32>} : memref<2x200x64xf32, #tpu.memory_space<vmem>>, vector<16xf32>,
        tpu.vector_store %arg11[%swap3A_2134, %swap3A_2135, %swap3A_2136], %add3A_2132 {strides = array<i32>} : memref<2x200x64xf32, #tpu.memory_space<vmem>>, vector<16xf32>,
        %add3A_2138 = arith.addf %add3A_2079, %add3A_2132 : vector<16xf32>
        %get3A_2139 = arith.constant 0 : i32
        %get3A_2140 = arith.index_cast %get3A_2139 : i32 to index
        %get3A_2141 = arith.index_cast %add3A_2120 : i32 to index
        %get3A_2142 = arith.constant 16 : index
        %get3A_2143 = tpu.vector_load %arg10[%get3A_2140, %get3A_2141, %get3A_2142] {strides = array<i32>} : memref<2x200x64xf32, #tpu.memory_space<vmem>>, vector<16xf32>,
        %gather3A_2144 = tpu.vector_load_idx %arg12[%gather3A_2125, %add3A_9] : memref<200x64xf32, #tpu.memory_space<vmem>>[vector<16xi32>, vector<16xi32>], vector<16xf32>,
        %add3A_2145 = arith.addf %get3A_2143, %gather3A_2144 : vector<16xf32>
        %swap3A_2146 = arith.constant 0 : i32
        %swap3A_2147 = arith.index_cast %swap3A_2146 : i32 to index
        %swap3A_2148 = arith.index_cast %add3A_2120 : i32 to index
        %swap3A_2149 = arith.constant 16 : index
        %swap3A_2150 = tpu.vector_load %arg11[%swap3A_2147, %swap3A_2148, %swap3A_2149] {strides = array<i32>} : memref<2x200x64xf32, #tpu.memory_space<vmem>>, vector<16xf32>,
        tpu.vector_store %arg11[%swap3A_2147, %swap3A_2148, %swap3A_2149], %add3A_2145 {strides = array<i32>} : memref<2x200x64xf32, #tpu.memory_space<vmem>>, vector<16xf32>,
        %add3A_2151 = arith.addf %add3A_2092, %add3A_2145 : vector<16xf32>
        %get3A_2152 = arith.constant 0 : i32
        %get3A_2153 = arith.index_cast %get3A_2152 : i32 to index
        %get3A_2154 = arith.index_cast %add3A_2120 : i32 to index
        %get3A_2155 = arith.constant 32 : index
        %get3A_2156 = tpu.vector_load %arg10[%get3A_2153, %get3A_2154, %get3A_2155] {strides = array<i32>} : memref<2x200x64xf32, #tpu.memory_space<vmem>>, vector<16xf32>,
        %gather3A_2157 = tpu.vector_load_idx %arg12[%gather3A_2125, %add3A_13] : memref<200x64xf32, #tpu.memory_space<vmem>>[vector<16xi32>, vector<16xi32>], vector<16xf32>,
        %add3A_2158 = arith.addf %get3A_2156, %gather3A_2157 : vector<16xf32>
        %swap3A_2159 = arith.constant 0 : i32
        %swap3A_2160 = arith.index_cast %swap3A_2159 : i32 to index
        %swap3A_2161 = arith.index_cast %add3A_2120 : i32 to index
        %swap3A_2162 = arith.constant 32 : index
        %swap3A_2163 = tpu.vector_load %arg11[%swap3A_2160, %swap3A_2161, %swap3A_2162] {strides = array<i32>} : memref<2x200x64xf32, #tpu.memory_space<vmem>>, vector<16xf32>,
        tpu.vector_store %arg11[%swap3A_2160, %swap3A_2161, %swap3A_2162], %add3A_2158 {strides = array<i32>} : memref<2x200x64xf32, #tpu.memory_space<vmem>>, vector<16xf32>,
        %add3A_2164 = arith.addf %add3A_2105, %add3A_2158 : vector<16xf32>
        %get3A_2165 = arith.constant 0 : i32
        %get3A_2166 = arith.index_cast %get3A_2165 : i32 to index
        %get3A_2167 = arith.index_cast %add3A_2120 : i32 to index
        %get3A_2168 = arith.constant 48 : index
        %get3A_2169 = tpu.vector_load %arg10[%get3A_2166, %get3A_2167, %get3A_2168] {strides = array<i32>} : memref<2x200x64xf32, #tpu.memory_space<vmem>>, vector<16xf32>,
        %gather3A_2170 = tpu.vector_load_idx %arg12[%gather3A_2125, %add3A_17] : memref<200x64xf32, #tpu.memory_space<vmem>>[vector<16xi32>, vector<16xi32>], vector<16xf32>,
        %add3A_2171 = arith.addf %get3A_2169, %gather3A_2170 : vector<16xf32>
        %swap3A_2172 = arith.constant 0 : i32
        %swap3A_2173 = arith.index_cast %swap3A_2172 : i32 to index
        %swap3A_2174 = arith.index_cast %add3A_2120 : i32 to index
        %swap3A_2175 = arith.constant 48 : index
        %swap3A_2176 = tpu.vector_load %arg11[%swap3A_2173, %swap3A_2174, %swap3A_2175] {strides = array<i32>} : memref<2x200x64xf32, #tpu.memory_space<vmem>>, vector<16xf32>,
        tpu.vector_store %arg11[%swap3A_2173, %swap3A_2174, %swap3A_2175], %add3A_2171 {strides = array<i32>} : memref<2x200x64xf32, #tpu.memory_space<vmem>>, vector<16xf32>,
        %add3A_2177 = arith.addf %add3A_2118, %add3A_2171 : vector<16xf32>
        %add3A_2178 = arith.constant 15 : i32
        %add3A_2179 = arith.addi %multiple_of3A, %add3A_2178 : i32
        %broadcast_in_dim3A_2180 = arith.constant 15 : i32
        %broadcast_in_dim3A_2181 = vector.broadcast %broadcast_in_dim3A_2180 : i32 to vector<16xi32>
        %broadcast_in_dim3A_2182 = vector.shape_cast %broadcast_in_dim3A_2181 : vector<16xi32> to vector<16x1xi32>
        %gather3A_2183 = vector.shape_cast %broadcast_in_dim3A_2182 : vector<16x1xi32> to vector<16xi32>
        %gather3A_2184 = tpu.dynamic_gather %get3A_1292[%gather3A_2183] in [0] : vector<16xi32>, vector<16xi32> -> vector<16xi32>
        %get3A_2185 = arith.constant 0 : i32
        %get3A_2186 = arith.index_cast %get3A_2185 : i32 to index
        %get3A_2187 = arith.index_cast %add3A_2179 : i32 to index
        %get3A_2188 = arith.constant 0 : index
        %get3A_2189 = tpu.vector_load %arg10[%get3A_2186, %get3A_2187, %get3A_2188] {strides = array<i32>} : memref<2x200x64xf32, #tpu.memory_space<vmem>>, vector<16xf32>,
        %gather3A_2190 = tpu.vector_load_idx %arg12[%gather3A_2184, %add3A_5] : memref<200x64xf32, #tpu.memory_space<vmem>>[vector<16xi32>, vector<16xi32>], vector<16xf32>,
        %add3A_2191 = arith.addf %get3A_2189, %gather3A_2190 : vector<16xf32>
        %swap3A_2192 = arith.constant 0 : i32
        %swap3A_2193 = arith.index_cast %swap3A_2192 : i32 to index
        %swap3A_2194 = arith.index_cast %add3A_2179 : i32 to index
        %swap3A_2195 = arith.constant 0 : index
        %swap3A_2196 = tpu.vector_load %arg11[%swap3A_2193, %swap3A_2194, %swap3A_2195] {strides = array<i32>} : memref<2x200x64xf32, #tpu.memory_space<vmem>>, vector<16xf32>,
        tpu.vector_store %arg11[%swap3A_2193, %swap3A_2194, %swap3A_2195], %add3A_2191 {strides = array<i32>} : memref<2x200x64xf32, #tpu.memory_space<vmem>>, vector<16xf32>,
        %add3A_2197 = arith.addf %add3A_2138, %add3A_2191 : vector<16xf32>
        %get3A_2198 = arith.constant 0 : i32
        %get3A_2199 = arith.index_cast %get3A_2198 : i32 to index
        %get3A_2200 = arith.index_cast %add3A_2179 : i32 to index
        %get3A_2201 = arith.constant 16 : index
        %get3A_2202 = tpu.vector_load %arg10[%get3A_2199, %get3A_2200, %get3A_2201] {strides = array<i32>} : memref<2x200x64xf32, #tpu.memory_space<vmem>>, vector<16xf32>,
        %gather3A_2203 = tpu.vector_load_idx %arg12[%gather3A_2184, %add3A_9] : memref<200x64xf32, #tpu.memory_space<vmem>>[vector<16xi32>, vector<16xi32>], vector<16xf32>,
        %add3A_2204 = arith.addf %get3A_2202, %gather3A_2203 : vector<16xf32>
        %swap3A_2205 = arith.constant 0 : i32
        %swap3A_2206 = arith.index_cast %swap3A_2205 : i32 to index
        %swap3A_2207 = arith.index_cast %add3A_2179 : i32 to index
        %swap3A_2208 = arith.constant 16 : index
        %swap3A_2209 = tpu.vector_load %arg11[%swap3A_2206, %swap3A_2207, %swap3A_2208] {strides = array<i32>} : memref<2x200x64xf32, #tpu.memory_space<vmem>>, vector<16xf32>,
        tpu.vector_store %arg11[%swap3A_2206, %swap3A_2207, %swap3A_2208], %add3A_2204 {strides = array<i32>} : memref<2x200x64xf32, #tpu.memory_space<vmem>>, vector<16xf32>,
        %add3A_2210 = arith.addf %add3A_2151, %add3A_2204 : vector<16xf32>
        %get3A_2211 = arith.constant 0 : i32
        %get3A_2212 = arith.index_cast %get3A_2211 : i32 to index
        %get3A_2213 = arith.index_cast %add3A_2179 : i32 to index
        %get3A_2214 = arith.constant 32 : index
        %get3A_2215 = tpu.vector_load %arg10[%get3A_2212, %get3A_2213, %get3A_2214] {strides = array<i32>} : memref<2x200x64xf32, #tpu.memory_space<vmem>>, vector<16xf32>,
        %gather3A_2216 = tpu.vector_load_idx %arg12[%gather3A_2184, %add3A_13] : memref<200x64xf32, #tpu.memory_space<vmem>>[vector<16xi32>, vector<16xi32>], vector<16xf32>,
        %add3A_2217 = arith.addf %get3A_2215, %gather3A_2216 : vector<16xf32>
        %swap3A_2218 = arith.constant 0 : i32
        %swap3A_2219 = arith.index_cast %swap3A_2218 : i32 to index
        %swap3A_2220 = arith.index_cast %add3A_2179 : i32 to index
        %swap3A_2221 = arith.constant 32 : index
        %swap3A_2222 = tpu.vector_load %arg11[%swap3A_2219, %swap3A_2220, %swap3A_2221] {strides = array<i32>} : memref<2x200x64xf32, #tpu.memory_space<vmem>>, vector<16xf32>,
        tpu.vector_store %arg11[%swap3A_2219, %swap3A_2220, %swap3A_2221], %add3A_2217 {strides = array<i32>} : memref<2x200x64xf32, #tpu.memory_space<vmem>>, vector<16xf32>,
        %add3A_2223 = arith.addf %add3A_2164, %add3A_2217 : vector<16xf32>
        %get3A_2224 = arith.constant 0 : i32
        %get3A_2225 = arith.index_cast %get3A_2224 : i32 to index
        %get3A_2226 = arith.index_cast %add3A_2179 : i32 to index
        %get3A_2227 = arith.constant 48 : index
        %get3A_2228 = tpu.vector_load %arg10[%get3A_2225, %get3A_2226, %get3A_2227] {strides = array<i32>} : memref<2x200x64xf32, #tpu.memory_space<vmem>>, vector<16xf32>,
        %gather3A_2229 = tpu.vector_load_idx %arg12[%gather3A_2184, %add3A_17] : memref<200x64xf32, #tpu.memory_space<vmem>>[vector<16xi32>, vector<16xi32>], vector<16xf32>,
        %add3A_2230 = arith.addf %get3A_2228, %gather3A_2229 : vector<16xf32>
        %swap3A_2231 = arith.constant 0 : i32
        %swap3A_2232 = arith.index_cast %swap3A_2231 : i32 to index
        %swap3A_2233 = arith.index_cast %add3A_2179 : i32 to index
        %swap3A_2234 = arith.constant 48 : index
        %swap3A_2235 = tpu.vector_load %arg11[%swap3A_2232, %swap3A_2233, %swap3A_2234] {strides = array<i32>} : memref<2x200x64xf32, #tpu.memory_space<vmem>>, vector<16xf32>,
        tpu.vector_store %arg11[%swap3A_2232, %swap3A_2233, %swap3A_2234], %add3A_2230 {strides = array<i32>} : memref<2x200x64xf32, #tpu.memory_space<vmem>>, vector<16xf32>,
        %add3A_2236 = arith.addf %add3A_2177, %add3A_2230 : vector<16xf32>
        scf.yield %add3A_2197, %add3A_2210, %add3A_2223, %add3A_2236 : vector<16xf32>, vector<16xf32>, vector<16xf32>, vector<16xf32>
      }
      %scan3A_112 = arith.constant 12 : i32
      %get3A = arith.index_cast %mul3A_82 : i32 to index
      %get3A_113 = arith.constant 184 : index
      %get3A_114 = tpu.vector_load %arg9[%get3A, %get3A_113] {strides = array<i32>} : memref<128x200xi32, #tpu.memory_space<vmem>>, vector<16xi32>,
      %broadcast_in_dim3A_115 = arith.constant 8 : i32
      %broadcast_in_dim3A_116 = vector.broadcast %broadcast_in_dim3A_115 : i32 to vector<16xi32>
      %broadcast_in_dim3A_117 = vector.shape_cast %broadcast_in_dim3A_116 : vector<16xi32> to vector<16x1xi32>
      %gather3A = vector.shape_cast %broadcast_in_dim3A_117 : vector<16x1xi32> to vector<16xi32>
      %gather3A_118 = tpu.dynamic_gather %get3A_114[%gather3A] in [0] : vector<16xi32>, vector<16xi32> -> vector<16xi32>
      %get3A_119 = arith.constant 0 : i32
      %get3A_120 = arith.constant 192 : i32
      %get3A_121 = arith.index_cast %get3A_119 : i32 to index
      %get3A_122 = arith.index_cast %get3A_120 : i32 to index
      %get3A_123 = arith.constant 0 : index
      %get3A_124 = tpu.vector_load %arg10[%get3A_121, %get3A_122, %get3A_123] {strides = array<i32>} : memref<2x200x64xf32, #tpu.memory_space<vmem>>, vector<16xf32>,
      %gather3A_125 = tpu.vector_load_idx %arg12[%gather3A_118, %add3A_5] : memref<200x64xf32, #tpu.memory_space<vmem>>[vector<16xi32>, vector<16xi32>], vector<16xf32>,
      %add3A_126 = arith.addf %get3A_124, %gather3A_125 : vector<16xf32>
      %swap3A = arith.constant 0 : i32
      %swap3A_127 = arith.constant 192 : i32
      %swap3A_128 = arith.index_cast %swap3A : i32 to index
      %swap3A_129 = arith.index_cast %swap3A_127 : i32 to index
      %swap3A_130 = arith.constant 0 : index
      %swap3A_131 = tpu.vector_load %arg11[%swap3A_128, %swap3A_129, %swap3A_130] {strides = array<i32>} : memref<2x200x64xf32, #tpu.memory_space<vmem>>, vector<16xf32>,
      tpu.vector_store %arg11[%swap3A_128, %swap3A_129, %swap3A_130], %add3A_126 {strides = array<i32>} : memref<2x200x64xf32, #tpu.memory_space<vmem>>, vector<16xf32>,
      %add3A_132 = arith.addf %scan3A_111#0, %add3A_126 : vector<16xf32>
      %get3A_133 = arith.constant 0 : i32
      %get3A_134 = arith.constant 192 : i32
      %get3A_135 = arith.index_cast %get3A_133 : i32 to index
      %get3A_136 = arith.index_cast %get3A_134 : i32 to index
      %get3A_137 = arith.constant 16 : index
      %get3A_138 = tpu.vector_load %arg10[%get3A_135, %get3A_136, %get3A_137] {strides = array<i32>} : memref<2x200x64xf32, #tpu.memory_space<vmem>>, vector<16xf32>,
      %gather3A_139 = tpu.vector_load_idx %arg12[%gather3A_118, %add3A_9] : memref<200x64xf32, #tpu.memory_space<vmem>>[vector<16xi32>, vector<16xi32>], vector<16xf32>,
      %add3A_140 = arith.addf %get3A_138, %gather3A_139 : vector<16xf32>
      %swap3A_141 = arith.constant 0 : i32
      %swap3A_142 = arith.constant 192 : i32
      %swap3A_143 = arith.index_cast %swap3A_141 : i32 to index
      %swap3A_144 = arith.index_cast %swap3A_142 : i32 to index
      %swap3A_145 = arith.constant 16 : index
      %swap3A_146 = tpu.vector_load %arg11[%swap3A_143, %swap3A_144, %swap3A_145] {strides = array<i32>} : memref<2x200x64xf32, #tpu.memory_space<vmem>>, vector<16xf32>,
      tpu.vector_store %arg11[%swap3A_143, %swap3A_144, %swap3A_145], %add3A_140 {strides = array<i32>} : memref<2x200x64xf32, #tpu.memory_space<vmem>>, vector<16xf32>,
      %add3A_147 = arith.addf %scan3A_111#1, %add3A_140 : vector<16xf32>
      %get3A_148 = arith.constant 0 : i32
      %get3A_149 = arith.constant 192 : i32
      %get3A_150 = arith.index_cast %get3A_148 : i32 to index
      %get3A_151 = arith.index_cast %get3A_149 : i32 to index
      %get3A_152 = arith.constant 32 : index
      %get3A_153 = tpu.vector_load %arg10[%get3A_150, %get3A_151, %get3A_152] {strides = array<i32>} : memref<2x200x64xf32, #tpu.memory_space<vmem>>, vector<16xf32>,
      %gather3A_154 = tpu.vector_load_idx %arg12[%gather3A_118, %add3A_13] : memref<200x64xf32, #tpu.memory_space<vmem>>[vector<16xi32>, vector<16xi32>], vector<16xf32>,
      %add3A_155 = arith.addf %get3A_153, %gather3A_154 : vector<16xf32>
      %swap3A_156 = arith.constant 0 : i32
      %swap3A_157 = arith.constant 192 : i32
      %swap3A_158 = arith.index_cast %swap3A_156 : i32 to index
      %swap3A_159 = arith.index_cast %swap3A_157 : i32 to index
      %swap3A_160 = arith.constant 32 : index
      %swap3A_161 = tpu.vector_load %arg11[%swap3A_158, %swap3A_159, %swap3A_160] {strides = array<i32>} : memref<2x200x64xf32, #tpu.memory_space<vmem>>, vector<16xf32>,
      tpu.vector_store %arg11[%swap3A_158, %swap3A_159, %swap3A_160], %add3A_155 {strides = array<i32>} : memref<2x200x64xf32, #tpu.memory_space<vmem>>, vector<16xf32>,
      %add3A_162 = arith.addf %scan3A_111#2, %add3A_155 : vector<16xf32>
      %get3A_163 = arith.constant 0 : i32
      %get3A_164 = arith.constant 192 : i32
      %get3A_165 = arith.index_cast %get3A_163 : i32 to index
      %get3A_166 = arith.index_cast %get3A_164 : i32 to index
      %get3A_167 = arith.constant 48 : index
      %get3A_168 = tpu.vector_load %arg10[%get3A_165, %get3A_166, %get3A_167] {strides = array<i32>} : memref<2x200x64xf32, #tpu.memory_space<vmem>>, vector<16xf32>,
      %gather3A_169 = tpu.vector_load_idx %arg12[%gather3A_118, %add3A_17] : memref<200x64xf32, #tpu.memory_space<vmem>>[vector<16xi32>, vector<16xi32>], vector<16xf32>,
      %add3A_170 = arith.addf %get3A_168, %gather3A_169 : vector<16xf32>
      %swap3A_171 = arith.constant 0 : i32
      %swap3A_172 = arith.constant 192 : i32
      %swap3A_173 = arith.index_cast %swap3A_171 : i32 to index
      %swap3A_174 = arith.index_cast %swap3A_172 : i32 to index
      %swap3A_175 = arith.constant 48 : index
      %swap3A_176 = tpu.vector_load %arg11[%swap3A_173, %swap3A_174, %swap3A_175] {strides = array<i32>} : memref<2x200x64xf32, #tpu.memory_space<vmem>>, vector<16xf32>,
      tpu.vector_store %arg11[%swap3A_173, %swap3A_174, %swap3A_175], %add3A_170 {strides = array<i32>} : memref<2x200x64xf32, #tpu.memory_space<vmem>>, vector<16xf32>,
      %add3A_177 = arith.addf %scan3A_111#3, %add3A_170 : vector<16xf32>
      %broadcast_in_dim3A_178 = arith.constant 9 : i32
      %broadcast_in_dim3A_179 = vector.broadcast %broadcast_in_dim3A_178 : i32 to vector<16xi32>
      %broadcast_in_dim3A_180 = vector.shape_cast %broadcast_in_dim3A_179 : vector<16xi32> to vector<16x1xi32>
      %gather3A_181 = vector.shape_cast %broadcast_in_dim3A_180 : vector<16x1xi32> to vector<16xi32>
      %gather3A_182 = tpu.dynamic_gather %get3A_114[%gather3A_181] in [0] : vector<16xi32>, vector<16xi32> -> vector<16xi32>
      %get3A_183 = arith.constant 0 : i32
      %get3A_184 = arith.constant 193 : i32
      %get3A_185 = arith.index_cast %get3A_183 : i32 to index
      %get3A_186 = arith.index_cast %get3A_184 : i32 to index
      %get3A_187 = arith.constant 0 : index
      %get3A_188 = tpu.vector_load %arg10[%get3A_185, %get3A_186, %get3A_187] {strides = array<i32>} : memref<2x200x64xf32, #tpu.memory_space<vmem>>, vector<16xf32>,
      %gather3A_189 = tpu.vector_load_idx %arg12[%gather3A_182, %add3A_5] : memref<200x64xf32, #tpu.memory_space<vmem>>[vector<16xi32>, vector<16xi32>], vector<16xf32>,
      %add3A_190 = arith.addf %get3A_188, %gather3A_189 : vector<16xf32>
      %swap3A_191 = arith.constant 0 : i32
      %swap3A_192 = arith.constant 193 : i32
      %swap3A_193 = arith.index_cast %swap3A_191 : i32 to index
      %swap3A_194 = arith.index_cast %swap3A_192 : i32 to index
      %swap3A_195 = arith.constant 0 : index
      %swap3A_196 = tpu.vector_load %arg11[%swap3A_193, %swap3A_194, %swap3A_195] {strides = array<i32>} : memref<2x200x64xf32, #tpu.memory_space<vmem>>, vector<16xf32>,
      tpu.vector_store %arg11[%swap3A_193, %swap3A_194, %swap3A_195], %add3A_190 {strides = array<i32>} : memref<2x200x64xf32, #tpu.memory_space<vmem>>, vector<16xf32>,
      %add3A_197 = arith.addf %add3A_132, %add3A_190 : vector<16xf32>
      %get3A_198 = arith.constant 0 : i32
      %get3A_199 = arith.constant 193 : i32
      %get3A_200 = arith.index_cast %get3A_198 : i32 to index
      %get3A_201 = arith.index_cast %get3A_199 : i32 to index
      %get3A_202 = arith.constant 16 : index
      %get3A_203 = tpu.vector_load %arg10[%get3A_200, %get3A_201, %get3A_202] {strides = array<i32>} : memref<2x200x64xf32, #tpu.memory_space<vmem>>, vector<16xf32>,
      %gather3A_204 = tpu.vector_load_idx %arg12[%gather3A_182, %add3A_9] : memref<200x64xf32, #tpu.memory_space<vmem>>[vector<16xi32>, vector<16xi32>], vector<16xf32>,
      %add3A_205 = arith.addf %get3A_203, %gather3A_204 : vector<16xf32>
      %swap3A_206 = arith.constant 0 : i32
      %swap3A_207 = arith.constant 193 : i32
      %swap3A_208 = arith.index_cast %swap3A_206 : i32 to index
      %swap3A_209 = arith.index_cast %swap3A_207 : i32 to index
      %swap3A_210 = arith.constant 16 : index
      %swap3A_211 = tpu.vector_load %arg11[%swap3A_208, %swap3A_209, %swap3A_210] {strides = array<i32>} : memref<2x200x64xf32, #tpu.memory_space<vmem>>, vector<16xf32>,
      tpu.vector_store %arg11[%swap3A_208, %swap3A_209, %swap3A_210], %add3A_205 {strides = array<i32>} : memref<2x200x64xf32, #tpu.memory_space<vmem>>, vector<16xf32>,
      %add3A_212 = arith.addf %add3A_147, %add3A_205 : vector<16xf32>
      %get3A_213 = arith.constant 0 : i32
      %get3A_214 = arith.constant 193 : i32
      %get3A_215 = arith.index_cast %get3A_213 : i32 to index
      %get3A_216 = arith.index_cast %get3A_214 : i32 to index
      %get3A_217 = arith.constant 32 : index
      %get3A_218 = tpu.vector_load %arg10[%get3A_215, %get3A_216, %get3A_217] {strides = array<i32>} : memref<2x200x64xf32, #tpu.memory_space<vmem>>, vector<16xf32>,
      %gather3A_219 = tpu.vector_load_idx %arg12[%gather3A_182, %add3A_13] : memref<200x64xf32, #tpu.memory_space<vmem>>[vector<16xi32>, vector<16xi32>], vector<16xf32>,
      %add3A_220 = arith.addf %get3A_218, %gather3A_219 : vector<16xf32>
      %swap3A_221 = arith.constant 0 : i32
      %swap3A_222 = arith.constant 193 : i32
      %swap3A_223 = arith.index_cast %swap3A_221 : i32 to index
      %swap3A_224 = arith.index_cast %swap3A_222 : i32 to index
      %swap3A_225 = arith.constant 32 : index
      %swap3A_226 = tpu.vector_load %arg11[%swap3A_223, %swap3A_224, %swap3A_225] {strides = array<i32>} : memref<2x200x64xf32, #tpu.memory_space<vmem>>, vector<16xf32>,
      tpu.vector_store %arg11[%swap3A_223, %swap3A_224, %swap3A_225], %add3A_220 {strides = array<i32>} : memref<2x200x64xf32, #tpu.memory_space<vmem>>, vector<16xf32>,
      %add3A_227 = arith.addf %add3A_162, %add3A_220 : vector<16xf32>
      %get3A_228 = arith.constant 0 : i32
      %get3A_229 = arith.constant 193 : i32
      %get3A_230 = arith.index_cast %get3A_228 : i32 to index
      %get3A_231 = arith.index_cast %get3A_229 : i32 to index
      %get3A_232 = arith.constant 48 : index
      %get3A_233 = tpu.vector_load %arg10[%get3A_230, %get3A_231, %get3A_232] {strides = array<i32>} : memref<2x200x64xf32, #tpu.memory_space<vmem>>, vector<16xf32>,
      %gather3A_234 = tpu.vector_load_idx %arg12[%gather3A_182, %add3A_17] : memref<200x64xf32, #tpu.memory_space<vmem>>[vector<16xi32>, vector<16xi32>], vector<16xf32>,
      %add3A_235 = arith.addf %get3A_233, %gather3A_234 : vector<16xf32>
      %swap3A_236 = arith.constant 0 : i32
      %swap3A_237 = arith.constant 193 : i32
      %swap3A_238 = arith.index_cast %swap3A_236 : i32 to index
      %swap3A_239 = arith.index_cast %swap3A_237 : i32 to index
      %swap3A_240 = arith.constant 48 : index
      %swap3A_241 = tpu.vector_load %arg11[%swap3A_238, %swap3A_239, %swap3A_240] {strides = array<i32>} : memref<2x200x64xf32, #tpu.memory_space<vmem>>, vector<16xf32>,
      tpu.vector_store %arg11[%swap3A_238, %swap3A_239, %swap3A_240], %add3A_235 {strides = array<i32>} : memref<2x200x64xf32, #tpu.memory_space<vmem>>, vector<16xf32>,
      %add3A_242 = arith.addf %add3A_177, %add3A_235 : vector<16xf32>
      %broadcast_in_dim3A_243 = arith.constant 10 : i32
      %broadcast_in_dim3A_244 = vector.broadcast %broadcast_in_dim3A_243 : i32 to vector<16xi32>
      %broadcast_in_dim3A_245 = vector.shape_cast %broadcast_in_dim3A_244 : vector<16xi32> to vector<16x1xi32>
      %gather3A_246 = vector.shape_cast %broadcast_in_dim3A_245 : vector<16x1xi32> to vector<16xi32>
      %gather3A_247 = tpu.dynamic_gather %get3A_114[%gather3A_246] in [0] : vector<16xi32>, vector<16xi32> -> vector<16xi32>
      %get3A_248 = arith.constant 0 : i32
      %get3A_249 = arith.constant 194 : i32
      %get3A_250 = arith.index_cast %get3A_248 : i32 to index
      %get3A_251 = arith.index_cast %get3A_249 : i32 to index
      %get3A_252 = arith.constant 0 : index
      %get3A_253 = tpu.vector_load %arg10[%get3A_250, %get3A_251, %get3A_252] {strides = array<i32>} : memref<2x200x64xf32, #tpu.memory_space<vmem>>, vector<16xf32>,
      %gather3A_254 = tpu.vector_load_idx %arg12[%gather3A_247, %add3A_5] : memref<200x64xf32, #tpu.memory_space<vmem>>[vector<16xi32>, vector<16xi32>], vector<16xf32>,
      %add3A_255 = arith.addf %get3A_253, %gather3A_254 : vector<16xf32>
      %swap3A_256 = arith.constant 0 : i32
      %swap3A_257 = arith.constant 194 : i32
      %swap3A_258 = arith.index_cast %swap3A_256 : i32 to index
      %swap3A_259 = arith.index_cast %swap3A_257 : i32 to index
      %swap3A_260 = arith.constant 0 : index
      %swap3A_261 = tpu.vector_load %arg11[%swap3A_258, %swap3A_259, %swap3A_260] {strides = array<i32>} : memref<2x200x64xf32, #tpu.memory_space<vmem>>, vector<16xf32>,
      tpu.vector_store %arg11[%swap3A_258, %swap3A_259, %swap3A_260], %add3A_255 {strides = array<i32>} : memref<2x200x64xf32, #tpu.memory_space<vmem>>, vector<16xf32>,
      %add3A_262 = arith.addf %add3A_197, %add3A_255 : vector<16xf32>
      %get3A_263 = arith.constant 0 : i32
      %get3A_264 = arith.constant 194 : i32
      %get3A_265 = arith.index_cast %get3A_263 : i32 to index
      %get3A_266 = arith.index_cast %get3A_264 : i32 to index
      %get3A_267 = arith.constant 16 : index
      %get3A_268 = tpu.vector_load %arg10[%get3A_265, %get3A_266, %get3A_267] {strides = array<i32>} : memref<2x200x64xf32, #tpu.memory_space<vmem>>, vector<16xf32>,
      %gather3A_269 = tpu.vector_load_idx %arg12[%gather3A_247, %add3A_9] : memref<200x64xf32, #tpu.memory_space<vmem>>[vector<16xi32>, vector<16xi32>], vector<16xf32>,
      %add3A_270 = arith.addf %get3A_268, %gather3A_269 : vector<16xf32>
      %swap3A_271 = arith.constant 0 : i32
      %swap3A_272 = arith.constant 194 : i32
      %swap3A_273 = arith.index_cast %swap3A_271 : i32 to index
      %swap3A_274 = arith.index_cast %swap3A_272 : i32 to index
      %swap3A_275 = arith.constant 16 : index
      %swap3A_276 = tpu.vector_load %arg11[%swap3A_273, %swap3A_274, %swap3A_275] {strides = array<i32>} : memref<2x200x64xf32, #tpu.memory_space<vmem>>, vector<16xf32>,
      tpu.vector_store %arg11[%swap3A_273, %swap3A_274, %swap3A_275], %add3A_270 {strides = array<i32>} : memref<2x200x64xf32, #tpu.memory_space<vmem>>, vector<16xf32>,
      %add3A_277 = arith.addf %add3A_212, %add3A_270 : vector<16xf32>
      %get3A_278 = arith.constant 0 : i32
      %get3A_279 = arith.constant 194 : i32
      %get3A_280 = arith.index_cast %get3A_278 : i32 to index
      %get3A_281 = arith.index_cast %get3A_279 : i32 to index
      %get3A_282 = arith.constant 32 : index
      %get3A_283 = tpu.vector_load %arg10[%get3A_280, %get3A_281, %get3A_282] {strides = array<i32>} : memref<2x200x64xf32, #tpu.memory_space<vmem>>, vector<16xf32>,
      %gather3A_284 = tpu.vector_load_idx %arg12[%gather3A_247, %add3A_13] : memref<200x64xf32, #tpu.memory_space<vmem>>[vector<16xi32>, vector<16xi32>], vector<16xf32>,
      %add3A_285 = arith.addf %get3A_283, %gather3A_284 : vector<16xf32>
      %swap3A_286 = arith.constant 0 : i32
      %swap3A_287 = arith.constant 194 : i32
      %swap3A_288 = arith.index_cast %swap3A_286 : i32 to index
      %swap3A_289 = arith.index_cast %swap3A_287 : i32 to index
      %swap3A_290 = arith.constant 32 : index
      %swap3A_291 = tpu.vector_load %arg11[%swap3A_288, %swap3A_289, %swap3A_290] {strides = array<i32>} : memref<2x200x64xf32, #tpu.memory_space<vmem>>, vector<16xf32>,
      tpu.vector_store %arg11[%swap3A_288, %swap3A_289, %swap3A_290], %add3A_285 {strides = array<i32>} : memref<2x200x64xf32, #tpu.memory_space<vmem>>, vector<16xf32>,
      %add3A_292 = arith.addf %add3A_227, %add3A_285 : vector<16xf32>
      %get3A_293 = arith.constant 0 : i32
      %get3A_294 = arith.constant 194 : i32
      %get3A_295 = arith.index_cast %get3A_293 : i32 to index
      %get3A_296 = arith.index_cast %get3A_294 : i32 to index
      %get3A_297 = arith.constant 48 : index
      %get3A_298 = tpu.vector_load %arg10[%get3A_295, %get3A_296, %get3A_297] {strides = array<i32>} : memref<2x200x64xf32, #tpu.memory_space<vmem>>, vector<16xf32>,
      %gather3A_299 = tpu.vector_load_idx %arg12[%gather3A_247, %add3A_17] : memref<200x64xf32, #tpu.memory_space<vmem>>[vector<16xi32>, vector<16xi32>], vector<16xf32>,
      %add3A_300 = arith.addf %get3A_298, %gather3A_299 : vector<16xf32>
      %swap3A_301 = arith.constant 0 : i32
      %swap3A_302 = arith.constant 194 : i32
      %swap3A_303 = arith.index_cast %swap3A_301 : i32 to index
      %swap3A_304 = arith.index_cast %swap3A_302 : i32 to index
      %swap3A_305 = arith.constant 48 : index
      %swap3A_306 = tpu.vector_load %arg11[%swap3A_303, %swap3A_304, %swap3A_305] {strides = array<i32>} : memref<2x200x64xf32, #tpu.memory_space<vmem>>, vector<16xf32>,
      tpu.vector_store %arg11[%swap3A_303, %swap3A_304, %swap3A_305], %add3A_300 {strides = array<i32>} : memref<2x200x64xf32, #tpu.memory_space<vmem>>, vector<16xf32>,
      %add3A_307 = arith.addf %add3A_242, %add3A_300 : vector<16xf32>
      %broadcast_in_dim3A_308 = arith.constant 11 : i32
      %broadcast_in_dim3A_309 = vector.broadcast %broadcast_in_dim3A_308 : i32 to vector<16xi32>
      %broadcast_in_dim3A_310 = vector.shape_cast %broadcast_in_dim3A_309 : vector<16xi32> to vector<16x1xi32>
      %gather3A_311 = vector.shape_cast %broadcast_in_dim3A_310 : vector<16x1xi32> to vector<16xi32>
      %gather3A_312 = tpu.dynamic_gather %get3A_114[%gather3A_311] in [0] : vector<16xi32>, vector<16xi32> -> vector<16xi32>
      %get3A_313 = arith.constant 0 : i32
      %get3A_314 = arith.constant 195 : i32
      %get3A_315 = arith.index_cast %get3A_313 : i32 to index
      %get3A_316 = arith.index_cast %get3A_314 : i32 to index
      %get3A_317 = arith.constant 0 : index
      %get3A_318 = tpu.vector_load %arg10[%get3A_315, %get3A_316, %get3A_317] {strides = array<i32>} : memref<2x200x64xf32, #tpu.memory_space<vmem>>, vector<16xf32>,
      %gather3A_319 = tpu.vector_load_idx %arg12[%gather3A_312, %add3A_5] : memref<200x64xf32, #tpu.memory_space<vmem>>[vector<16xi32>, vector<16xi32>], vector<16xf32>,
      %add3A_320 = arith.addf %get3A_318, %gather3A_319 : vector<16xf32>
      %swap3A_321 = arith.constant 0 : i32
      %swap3A_322 = arith.constant 195 : i32
      %swap3A_323 = arith.index_cast %swap3A_321 : i32 to index
      %swap3A_324 = arith.index_cast %swap3A_322 : i32 to index
      %swap3A_325 = arith.constant 0 : index
      %swap3A_326 = tpu.vector_load %arg11[%swap3A_323, %swap3A_324, %swap3A_325] {strides = array<i32>} : memref<2x200x64xf32, #tpu.memory_space<vmem>>, vector<16xf32>,
      tpu.vector_store %arg11[%swap3A_323, %swap3A_324, %swap3A_325], %add3A_320 {strides = array<i32>} : memref<2x200x64xf32, #tpu.memory_space<vmem>>, vector<16xf32>,
      %add3A_327 = arith.addf %add3A_262, %add3A_320 : vector<16xf32>
      %get3A_328 = arith.constant 0 : i32
      %get3A_329 = arith.constant 195 : i32
      %get3A_330 = arith.index_cast %get3A_328 : i32 to index
      %get3A_331 = arith.index_cast %get3A_329 : i32 to index
      %get3A_332 = arith.constant 16 : index
      %get3A_333 = tpu.vector_load %arg10[%get3A_330, %get3A_331, %get3A_332] {strides = array<i32>} : memref<2x200x64xf32, #tpu.memory_space<vmem>>, vector<16xf32>,
      %gather3A_334 = tpu.vector_load_idx %arg12[%gather3A_312, %add3A_9] : memref<200x64xf32, #tpu.memory_space<vmem>>[vector<16xi32>, vector<16xi32>], vector<16xf32>,
      %add3A_335 = arith.addf %get3A_333, %gather3A_334 : vector<16xf32>
      %swap3A_336 = arith.constant 0 : i32
      %swap3A_337 = arith.constant 195 : i32
      %swap3A_338 = arith.index_cast %swap3A_336 : i32 to index
      %swap3A_339 = arith.index_cast %swap3A_337 : i32 to index
      %swap3A_340 = arith.constant 16 : index
      %swap3A_341 = tpu.vector_load %arg11[%swap3A_338, %swap3A_339, %swap3A_340] {strides = array<i32>} : memref<2x200x64xf32, #tpu.memory_space<vmem>>, vector<16xf32>,
      tpu.vector_store %arg11[%swap3A_338, %swap3A_339, %swap3A_340], %add3A_335 {strides = array<i32>} : memref<2x200x64xf32, #tpu.memory_space<vmem>>, vector<16xf32>,
      %add3A_342 = arith.addf %add3A_277, %add3A_335 : vector<16xf32>
      %get3A_343 = arith.constant 0 : i32
      %get3A_344 = arith.constant 195 : i32
      %get3A_345 = arith.index_cast %get3A_343 : i32 to index
      %get3A_346 = arith.index_cast %get3A_344 : i32 to index
      %get3A_347 = arith.constant 32 : index
      %get3A_348 = tpu.vector_load %arg10[%get3A_345, %get3A_346, %get3A_347] {strides = array<i32>} : memref<2x200x64xf32, #tpu.memory_space<vmem>>, vector<16xf32>,
      %gather3A_349 = tpu.vector_load_idx %arg12[%gather3A_312, %add3A_13] : memref<200x64xf32, #tpu.memory_space<vmem>>[vector<16xi32>, vector<16xi32>], vector<16xf32>,
      %add3A_350 = arith.addf %get3A_348, %gather3A_349 : vector<16xf32>
      %swap3A_351 = arith.constant 0 : i32
      %swap3A_352 = arith.constant 195 : i32
      %swap3A_353 = arith.index_cast %swap3A_351 : i32 to index
      %swap3A_354 = arith.index_cast %swap3A_352 : i32 to index
      %swap3A_355 = arith.constant 32 : index
      %swap3A_356 = tpu.vector_load %arg11[%swap3A_353, %swap3A_354, %swap3A_355] {strides = array<i32>} : memref<2x200x64xf32, #tpu.memory_space<vmem>>, vector<16xf32>,
      tpu.vector_store %arg11[%swap3A_353, %swap3A_354, %swap3A_355], %add3A_350 {strides = array<i32>} : memref<2x200x64xf32, #tpu.memory_space<vmem>>, vector<16xf32>,
      %add3A_357 = arith.addf %add3A_292, %add3A_350 : vector<16xf32>
      %get3A_358 = arith.constant 0 : i32
      %get3A_359 = arith.constant 195 : i32
      %get3A_360 = arith.index_cast %get3A_358 : i32 to index
      %get3A_361 = arith.index_cast %get3A_359 : i32 to index
      %get3A_362 = arith.constant 48 : index
      %get3A_363 = tpu.vector_load %arg10[%get3A_360, %get3A_361, %get3A_362] {strides = array<i32>} : memref<2x200x64xf32, #tpu.memory_space<vmem>>, vector<16xf32>,
      %gather3A_364 = tpu.vector_load_idx %arg12[%gather3A_312, %add3A_17] : memref<200x64xf32, #tpu.memory_space<vmem>>[vector<16xi32>, vector<16xi32>], vector<16xf32>,
      %add3A_365 = arith.addf %get3A_363, %gather3A_364 : vector<16xf32>
      %swap3A_366 = arith.constant 0 : i32
      %swap3A_367 = arith.constant 195 : i32
      %swap3A_368 = arith.index_cast %swap3A_366 : i32 to index
      %swap3A_369 = arith.index_cast %swap3A_367 : i32 to index
      %swap3A_370 = arith.constant 48 : index
      %swap3A_371 = tpu.vector_load %arg11[%swap3A_368, %swap3A_369, %swap3A_370] {strides = array<i32>} : memref<2x200x64xf32, #tpu.memory_space<vmem>>, vector<16xf32>,
      tpu.vector_store %arg11[%swap3A_368, %swap3A_369, %swap3A_370], %add3A_365 {strides = array<i32>} : memref<2x200x64xf32, #tpu.memory_space<vmem>>, vector<16xf32>,
      %add3A_372 = arith.addf %add3A_307, %add3A_365 : vector<16xf32>
      %broadcast_in_dim3A_373 = arith.constant 12 : i32
      %broadcast_in_dim3A_374 = vector.broadcast %broadcast_in_dim3A_373 : i32 to vector<16xi32>
      %broadcast_in_dim3A_375 = vector.shape_cast %broadcast_in_dim3A_374 : vector<16xi32> to vector<16x1xi32>
      %gather3A_376 = vector.shape_cast %broadcast_in_dim3A_375 : vector<16x1xi32> to vector<16xi32>
      %gather3A_377 = tpu.dynamic_gather %get3A_114[%gather3A_376] in [0] : vector<16xi32>, vector<16xi32> -> vector<16xi32>
      %get3A_378 = arith.constant 0 : i32
      %get3A_379 = arith.constant 196 : i32
      %get3A_380 = arith.index_cast %get3A_378 : i32 to index
      %get3A_381 = arith.index_cast %get3A_379 : i32 to index
      %get3A_382 = arith.constant 0 : index
      %get3A_383 = tpu.vector_load %arg10[%get3A_380, %get3A_381, %get3A_382] {strides = array<i32>} : memref<2x200x64xf32, #tpu.memory_space<vmem>>, vector<16xf32>,
      %gather3A_384 = tpu.vector_load_idx %arg12[%gather3A_377, %add3A_5] : memref<200x64xf32, #tpu.memory_space<vmem>>[vector<16xi32>, vector<16xi32>], vector<16xf32>,
      %add3A_385 = arith.addf %get3A_383, %gather3A_384 : vector<16xf32>
      %swap3A_386 = arith.constant 0 : i32
      %swap3A_387 = arith.constant 196 : i32
      %swap3A_388 = arith.index_cast %swap3A_386 : i32 to index
      %swap3A_389 = arith.index_cast %swap3A_387 : i32 to index
      %swap3A_390 = arith.constant 0 : index
      %swap3A_391 = tpu.vector_load %arg11[%swap3A_388, %swap3A_389, %swap3A_390] {strides = array<i32>} : memref<2x200x64xf32, #tpu.memory_space<vmem>>, vector<16xf32>,
      tpu.vector_store %arg11[%swap3A_388, %swap3A_389, %swap3A_390], %add3A_385 {strides = array<i32>} : memref<2x200x64xf32, #tpu.memory_space<vmem>>, vector<16xf32>,
      %add3A_392 = arith.addf %add3A_327, %add3A_385 : vector<16xf32>
      %get3A_393 = arith.constant 0 : i32
      %get3A_394 = arith.constant 196 : i32
      %get3A_395 = arith.index_cast %get3A_393 : i32 to index
      %get3A_396 = arith.index_cast %get3A_394 : i32 to index
      %get3A_397 = arith.constant 16 : index
      %get3A_398 = tpu.vector_load %arg10[%get3A_395, %get3A_396, %get3A_397] {strides = array<i32>} : memref<2x200x64xf32, #tpu.memory_space<vmem>>, vector<16xf32>,
      %gather3A_399 = tpu.vector_load_idx %arg12[%gather3A_377, %add3A_9] : memref<200x64xf32, #tpu.memory_space<vmem>>[vector<16xi32>, vector<16xi32>], vector<16xf32>,
      %add3A_400 = arith.addf %get3A_398, %gather3A_399 : vector<16xf32>
      %swap3A_401 = arith.constant 0 : i32
      %swap3A_402 = arith.constant 196 : i32
      %swap3A_403 = arith.index_cast %swap3A_401 : i32 to index
      %swap3A_404 = arith.index_cast %swap3A_402 : i32 to index
      %swap3A_405 = arith.constant 16 : index
      %swap3A_406 = tpu.vector_load %arg11[%swap3A_403, %swap3A_404, %swap3A_405] {strides = array<i32>} : memref<2x200x64xf32, #tpu.memory_space<vmem>>, vector<16xf32>,
      tpu.vector_store %arg11[%swap3A_403, %swap3A_404, %swap3A_405], %add3A_400 {strides = array<i32>} : memref<2x200x64xf32, #tpu.memory_space<vmem>>, vector<16xf32>,
      %add3A_407 = arith.addf %add3A_342, %add3A_400 : vector<16xf32>
      %get3A_408 = arith.constant 0 : i32
      %get3A_409 = arith.constant 196 : i32
      %get3A_410 = arith.index_cast %get3A_408 : i32 to index
      %get3A_411 = arith.index_cast %get3A_409 : i32 to index
      %get3A_412 = arith.constant 32 : index
      %get3A_413 = tpu.vector_load %arg10[%get3A_410, %get3A_411, %get3A_412] {strides = array<i32>} : memref<2x200x64xf32, #tpu.memory_space<vmem>>, vector<16xf32>,
      %gather3A_414 = tpu.vector_load_idx %arg12[%gather3A_377, %add3A_13] : memref<200x64xf32, #tpu.memory_space<vmem>>[vector<16xi32>, vector<16xi32>], vector<16xf32>,
      %add3A_415 = arith.addf %get3A_413, %gather3A_414 : vector<16xf32>
      %swap3A_416 = arith.constant 0 : i32
      %swap3A_417 = arith.constant 196 : i32
      %swap3A_418 = arith.index_cast %swap3A_416 : i32 to index
      %swap3A_419 = arith.index_cast %swap3A_417 : i32 to index
      %swap3A_420 = arith.constant 32 : index
      %swap3A_421 = tpu.vector_load %arg11[%swap3A_418, %swap3A_419, %swap3A_420] {strides = array<i32>} : memref<2x200x64xf32, #tpu.memory_space<vmem>>, vector<16xf32>,
      tpu.vector_store %arg11[%swap3A_418, %swap3A_419, %swap3A_420], %add3A_415 {strides = array<i32>} : memref<2x200x64xf32, #tpu.memory_space<vmem>>, vector<16xf32>,
      %add3A_422 = arith.addf %add3A_357, %add3A_415 : vector<16xf32>
      %get3A_423 = arith.constant 0 : i32
      %get3A_424 = arith.constant 196 : i32
      %get3A_425 = arith.index_cast %get3A_423 : i32 to index
      %get3A_426 = arith.index_cast %get3A_424 : i32 to index
      %get3A_427 = arith.constant 48 : index
      %get3A_428 = tpu.vector_load %arg10[%get3A_425, %get3A_426, %get3A_427] {strides = array<i32>} : memref<2x200x64xf32, #tpu.memory_space<vmem>>, vector<16xf32>,
      %gather3A_429 = tpu.vector_load_idx %arg12[%gather3A_377, %add3A_17] : memref<200x64xf32, #tpu.memory_space<vmem>>[vector<16xi32>, vector<16xi32>], vector<16xf32>,
      %add3A_430 = arith.addf %get3A_428, %gather3A_429 : vector<16xf32>
      %swap3A_431 = arith.constant 0 : i32
      %swap3A_432 = arith.constant 196 : i32
      %swap3A_433 = arith.index_cast %swap3A_431 : i32 to index
      %swap3A_434 = arith.index_cast %swap3A_432 : i32 to index
      %swap3A_435 = arith.constant 48 : index
      %swap3A_436 = tpu.vector_load %arg11[%swap3A_433, %swap3A_434, %swap3A_435] {strides = array<i32>} : memref<2x200x64xf32, #tpu.memory_space<vmem>>, vector<16xf32>,
      tpu.vector_store %arg11[%swap3A_433, %swap3A_434, %swap3A_435], %add3A_430 {strides = array<i32>} : memref<2x200x64xf32, #tpu.memory_space<vmem>>, vector<16xf32>,
      %add3A_437 = arith.addf %add3A_372, %add3A_430 : vector<16xf32>
      %broadcast_in_dim3A_438 = arith.constant 13 : i32
      %broadcast_in_dim3A_439 = vector.broadcast %broadcast_in_dim3A_438 : i32 to vector<16xi32>
      %broadcast_in_dim3A_440 = vector.shape_cast %broadcast_in_dim3A_439 : vector<16xi32> to vector<16x1xi32>
      %gather3A_441 = vector.shape_cast %broadcast_in_dim3A_440 : vector<16x1xi32> to vector<16xi32>
      %gather3A_442 = tpu.dynamic_gather %get3A_114[%gather3A_441] in [0] : vector<16xi32>, vector<16xi32> -> vector<16xi32>
      %get3A_443 = arith.constant 0 : i32
      %get3A_444 = arith.constant 197 : i32
      %get3A_445 = arith.index_cast %get3A_443 : i32 to index
      %get3A_446 = arith.index_cast %get3A_444 : i32 to index
      %get3A_447 = arith.constant 0 : index
      %get3A_448 = tpu.vector_load %arg10[%get3A_445, %get3A_446, %get3A_447] {strides = array<i32>} : memref<2x200x64xf32, #tpu.memory_space<vmem>>, vector<16xf32>,
      %gather3A_449 = tpu.vector_load_idx %arg12[%gather3A_442, %add3A_5] : memref<200x64xf32, #tpu.memory_space<vmem>>[vector<16xi32>, vector<16xi32>], vector<16xf32>,
      %add3A_450 = arith.addf %get3A_448, %gather3A_449 : vector<16xf32>
      %swap3A_451 = arith.constant 0 : i32
      %swap3A_452 = arith.constant 197 : i32
      %swap3A_453 = arith.index_cast %swap3A_451 : i32 to index
      %swap3A_454 = arith.index_cast %swap3A_452 : i32 to index
      %swap3A_455 = arith.constant 0 : index
      %swap3A_456 = tpu.vector_load %arg11[%swap3A_453, %swap3A_454, %swap3A_455] {strides = array<i32>} : memref<2x200x64xf32, #tpu.memory_space<vmem>>, vector<16xf32>,
      tpu.vector_store %arg11[%swap3A_453, %swap3A_454, %swap3A_455], %add3A_450 {strides = array<i32>} : memref<2x200x64xf32, #tpu.memory_space<vmem>>, vector<16xf32>,
      %add3A_457 = arith.addf %add3A_392, %add3A_450 : vector<16xf32>
      %get3A_458 = arith.constant 0 : i32
      %get3A_459 = arith.constant 197 : i32
      %get3A_460 = arith.index_cast %get3A_458 : i32 to index
      %get3A_461 = arith.index_cast %get3A_459 : i32 to index
      %get3A_462 = arith.constant 16 : index
      %get3A_463 = tpu.vector_load %arg10[%get3A_460, %get3A_461, %get3A_462] {strides = array<i32>} : memref<2x200x64xf32, #tpu.memory_space<vmem>>, vector<16xf32>,
      %gather3A_464 = tpu.vector_load_idx %arg12[%gather3A_442, %add3A_9] : memref<200x64xf32, #tpu.memory_space<vmem>>[vector<16xi32>, vector<16xi32>], vector<16xf32>,
      %add3A_465 = arith.addf %get3A_463, %gather3A_464 : vector<16xf32>
      %swap3A_466 = arith.constant 0 : i32
      %swap3A_467 = arith.constant 197 : i32
      %swap3A_468 = arith.index_cast %swap3A_466 : i32 to index
      %swap3A_469 = arith.index_cast %swap3A_467 : i32 to index
      %swap3A_470 = arith.constant 16 : index
      %swap3A_471 = tpu.vector_load %arg11[%swap3A_468, %swap3A_469, %swap3A_470] {strides = array<i32>} : memref<2x200x64xf32, #tpu.memory_space<vmem>>, vector<16xf32>,
      tpu.vector_store %arg11[%swap3A_468, %swap3A_469, %swap3A_470], %add3A_465 {strides = array<i32>} : memref<2x200x64xf32, #tpu.memory_space<vmem>>, vector<16xf32>,
      %add3A_472 = arith.addf %add3A_407, %add3A_465 : vector<16xf32>
      %get3A_473 = arith.constant 0 : i32
      %get3A_474 = arith.constant 197 : i32
      %get3A_475 = arith.index_cast %get3A_473 : i32 to index
      %get3A_476 = arith.index_cast %get3A_474 : i32 to index
      %get3A_477 = arith.constant 32 : index
      %get3A_478 = tpu.vector_load %arg10[%get3A_475, %get3A_476, %get3A_477] {strides = array<i32>} : memref<2x200x64xf32, #tpu.memory_space<vmem>>, vector<16xf32>,
      %gather3A_479 = tpu.vector_load_idx %arg12[%gather3A_442, %add3A_13] : memref<200x64xf32, #tpu.memory_space<vmem>>[vector<16xi32>, vector<16xi32>], vector<16xf32>,
      %add3A_480 = arith.addf %get3A_478, %gather3A_479 : vector<16xf32>
      %swap3A_481 = arith.constant 0 : i32
      %swap3A_482 = arith.constant 197 : i32
      %swap3A_483 = arith.index_cast %swap3A_481 : i32 to index
      %swap3A_484 = arith.index_cast %swap3A_482 : i32 to index
      %swap3A_485 = arith.constant 32 : index
      %swap3A_486 = tpu.vector_load %arg11[%swap3A_483, %swap3A_484, %swap3A_485] {strides = array<i32>} : memref<2x200x64xf32, #tpu.memory_space<vmem>>, vector<16xf32>,
      tpu.vector_store %arg11[%swap3A_483, %swap3A_484, %swap3A_485], %add3A_480 {strides = array<i32>} : memref<2x200x64xf32, #tpu.memory_space<vmem>>, vector<16xf32>,
      %add3A_487 = arith.addf %add3A_422, %add3A_480 : vector<16xf32>
      %get3A_488 = arith.constant 0 : i32
      %get3A_489 = arith.constant 197 : i32
      %get3A_490 = arith.index_cast %get3A_488 : i32 to index
      %get3A_491 = arith.index_cast %get3A_489 : i32 to index
      %get3A_492 = arith.constant 48 : index
      %get3A_493 = tpu.vector_load %arg10[%get3A_490, %get3A_491, %get3A_492] {strides = array<i32>} : memref<2x200x64xf32, #tpu.memory_space<vmem>>, vector<16xf32>,
      %gather3A_494 = tpu.vector_load_idx %arg12[%gather3A_442, %add3A_17] : memref<200x64xf32, #tpu.memory_space<vmem>>[vector<16xi32>, vector<16xi32>], vector<16xf32>,
      %add3A_495 = arith.addf %get3A_493, %gather3A_494 : vector<16xf32>
      %swap3A_496 = arith.constant 0 : i32
      %swap3A_497 = arith.constant 197 : i32
      %swap3A_498 = arith.index_cast %swap3A_496 : i32 to index
      %swap3A_499 = arith.index_cast %swap3A_497 : i32 to index
      %swap3A_500 = arith.constant 48 : index
      %swap3A_501 = tpu.vector_load %arg11[%swap3A_498, %swap3A_499, %swap3A_500] {strides = array<i32>} : memref<2x200x64xf32, #tpu.memory_space<vmem>>, vector<16xf32>,
      tpu.vector_store %arg11[%swap3A_498, %swap3A_499, %swap3A_500], %add3A_495 {strides = array<i32>} : memref<2x200x64xf32, #tpu.memory_space<vmem>>, vector<16xf32>,
      %add3A_502 = arith.addf %add3A_437, %add3A_495 : vector<16xf32>
      %broadcast_in_dim3A_503 = arith.constant 14 : i32
      %broadcast_in_dim3A_504 = vector.broadcast %broadcast_in_dim3A_503 : i32 to vector<16xi32>
      %broadcast_in_dim3A_505 = vector.shape_cast %broadcast_in_dim3A_504 : vector<16xi32> to vector<16x1xi32>
      %gather3A_506 = vector.shape_cast %broadcast_in_dim3A_505 : vector<16x1xi32> to vector<16xi32>
      %gather3A_507 = tpu.dynamic_gather %get3A_114[%gather3A_506] in [0] : vector<16xi32>, vector<16xi32> -> vector<16xi32>
      %get3A_508 = arith.constant 0 : i32
      %get3A_509 = arith.constant 198 : i32
      %get3A_510 = arith.index_cast %get3A_508 : i32 to index
      %get3A_511 = arith.index_cast %get3A_509 : i32 to index
      %get3A_512 = arith.constant 0 : index
      %get3A_513 = tpu.vector_load %arg10[%get3A_510, %get3A_511, %get3A_512] {strides = array<i32>} : memref<2x200x64xf32, #tpu.memory_space<vmem>>, vector<16xf32>,
      %gather3A_514 = tpu.vector_load_idx %arg12[%gather3A_507, %add3A_5] : memref<200x64xf32, #tpu.memory_space<vmem>>[vector<16xi32>, vector<16xi32>], vector<16xf32>,
      %add3A_515 = arith.addf %get3A_513, %gather3A_514 : vector<16xf32>
      %swap3A_516 = arith.constant 0 : i32
      %swap3A_517 = arith.constant 198 : i32
      %swap3A_518 = arith.index_cast %swap3A_516 : i32 to index
      %swap3A_519 = arith.index_cast %swap3A_517 : i32 to index
      %swap3A_520 = arith.constant 0 : index
      %swap3A_521 = tpu.vector_load %arg11[%swap3A_518, %swap3A_519, %swap3A_520] {strides = array<i32>} : memref<2x200x64xf32, #tpu.memory_space<vmem>>, vector<16xf32>,
      tpu.vector_store %arg11[%swap3A_518, %swap3A_519, %swap3A_520], %add3A_515 {strides = array<i32>} : memref<2x200x64xf32, #tpu.memory_space<vmem>>, vector<16xf32>,
      %add3A_522 = arith.addf %add3A_457, %add3A_515 : vector<16xf32>
      %get3A_523 = arith.constant 0 : i32
      %get3A_524 = arith.constant 198 : i32
      %get3A_525 = arith.index_cast %get3A_523 : i32 to index
      %get3A_526 = arith.index_cast %get3A_524 : i32 to index
      %get3A_527 = arith.constant 16 : index
      %get3A_528 = tpu.vector_load %arg10[%get3A_525, %get3A_526, %get3A_527] {strides = array<i32>} : memref<2x200x64xf32, #tpu.memory_space<vmem>>, vector<16xf32>,
      %gather3A_529 = tpu.vector_load_idx %arg12[%gather3A_507, %add3A_9] : memref<200x64xf32, #tpu.memory_space<vmem>>[vector<16xi32>, vector<16xi32>], vector<16xf32>,
      %add3A_530 = arith.addf %get3A_528, %gather3A_529 : vector<16xf32>
      %swap3A_531 = arith.constant 0 : i32
      %swap3A_532 = arith.constant 198 : i32
      %swap3A_533 = arith.index_cast %swap3A_531 : i32 to index
      %swap3A_534 = arith.index_cast %swap3A_532 : i32 to index
      %swap3A_535 = arith.constant 16 : index
      %swap3A_536 = tpu.vector_load %arg11[%swap3A_533, %swap3A_534, %swap3A_535] {strides = array<i32>} : memref<2x200x64xf32, #tpu.memory_space<vmem>>, vector<16xf32>,
      tpu.vector_store %arg11[%swap3A_533, %swap3A_534, %swap3A_535], %add3A_530 {strides = array<i32>} : memref<2x200x64xf32, #tpu.memory_space<vmem>>, vector<16xf32>,
      %add3A_537 = arith.addf %add3A_472, %add3A_530 : vector<16xf32>
      %get3A_538 = arith.constant 0 : i32
      %get3A_539 = arith.constant 198 : i32
      %get3A_540 = arith.index_cast %get3A_538 : i32 to index
      %get3A_541 = arith.index_cast %get3A_539 : i32 to index
      %get3A_542 = arith.constant 32 : index
      %get3A_543 = tpu.vector_load %arg10[%get3A_540, %get3A_541, %get3A_542] {strides = array<i32>} : memref<2x200x64xf32, #tpu.memory_space<vmem>>, vector<16xf32>,
      %gather3A_544 = tpu.vector_load_idx %arg12[%gather3A_507, %add3A_13] : memref<200x64xf32, #tpu.memory_space<vmem>>[vector<16xi32>, vector<16xi32>], vector<16xf32>,
      %add3A_545 = arith.addf %get3A_543, %gather3A_544 : vector<16xf32>
      %swap3A_546 = arith.constant 0 : i32
      %swap3A_547 = arith.constant 198 : i32
      %swap3A_548 = arith.index_cast %swap3A_546 : i32 to index
      %swap3A_549 = arith.index_cast %swap3A_547 : i32 to index
      %swap3A_550 = arith.constant 32 : index
      %swap3A_551 = tpu.vector_load %arg11[%swap3A_548, %swap3A_549, %swap3A_550] {strides = array<i32>} : memref<2x200x64xf32, #tpu.memory_space<vmem>>, vector<16xf32>,
      tpu.vector_store %arg11[%swap3A_548, %swap3A_549, %swap3A_550], %add3A_545 {strides = array<i32>} : memref<2x200x64xf32, #tpu.memory_space<vmem>>, vector<16xf32>,
      %add3A_552 = arith.addf %add3A_487, %add3A_545 : vector<16xf32>
      %get3A_553 = arith.constant 0 : i32
      %get3A_554 = arith.constant 198 : i32
      %get3A_555 = arith.index_cast %get3A_553 : i32 to index
      %get3A_556 = arith.index_cast %get3A_554 : i32 to index
      %get3A_557 = arith.constant 48 : index
      %get3A_558 = tpu.vector_load %arg10[%get3A_555, %get3A_556, %get3A_557] {strides = array<i32>} : memref<2x200x64xf32, #tpu.memory_space<vmem>>, vector<16xf32>,
      %gather3A_559 = tpu.vector_load_idx %arg12[%gather3A_507, %add3A_17] : memref<200x64xf32, #tpu.memory_space<vmem>>[vector<16xi32>, vector<16xi32>], vector<16xf32>,
      %add3A_560 = arith.addf %get3A_558, %gather3A_559 : vector<16xf32>
      %swap3A_561 = arith.constant 0 : i32
      %swap3A_562 = arith.constant 198 : i32
      %swap3A_563 = arith.index_cast %swap3A_561 : i32 to index
      %swap3A_564 = arith.index_cast %swap3A_562 : i32 to index
      %swap3A_565 = arith.constant 48 : index
      %swap3A_566 = tpu.vector_load %arg11[%swap3A_563, %swap3A_564, %swap3A_565] {strides = array<i32>} : memref<2x200x64xf32, #tpu.memory_space<vmem>>, vector<16xf32>,
      tpu.vector_store %arg11[%swap3A_563, %swap3A_564, %swap3A_565], %add3A_560 {strides = array<i32>} : memref<2x200x64xf32, #tpu.memory_space<vmem>>, vector<16xf32>,
      %add3A_567 = arith.addf %add3A_502, %add3A_560 : vector<16xf32>
      %broadcast_in_dim3A_568 = arith.constant 15 : i32
      %broadcast_in_dim3A_569 = vector.broadcast %broadcast_in_dim3A_568 : i32 to vector<16xi32>
      %broadcast_in_dim3A_570 = vector.shape_cast %broadcast_in_dim3A_569 : vector<16xi32> to vector<16x1xi32>
      %gather3A_571 = vector.shape_cast %broadcast_in_dim3A_570 : vector<16x1xi32> to vector<16xi32>
      %gather3A_572 = tpu.dynamic_gather %get3A_114[%gather3A_571] in [0] : vector<16xi32>, vector<16xi32> -> vector<16xi32>
      %get3A_573 = arith.constant 0 : i32
      %get3A_574 = arith.constant 199 : i32
      %get3A_575 = arith.index_cast %get3A_573 : i32 to index
      %get3A_576 = arith.index_cast %get3A_574 : i32 to index
      %get3A_577 = arith.constant 0 : index
      %get3A_578 = tpu.vector_load %arg10[%get3A_575, %get3A_576, %get3A_577] {strides = array<i32>} : memref<2x200x64xf32, #tpu.memory_space<vmem>>, vector<16xf32>,
      %gather3A_579 = tpu.vector_load_idx %arg12[%gather3A_572, %add3A_5] : memref<200x64xf32, #tpu.memory_space<vmem>>[vector<16xi32>, vector<16xi32>], vector<16xf32>,
      %add3A_580 = arith.addf %get3A_578, %gather3A_579 : vector<16xf32>
      %swap3A_581 = arith.constant 0 : i32
      %swap3A_582 = arith.constant 199 : i32
      %swap3A_583 = arith.index_cast %swap3A_581 : i32 to index
      %swap3A_584 = arith.index_cast %swap3A_582 : i32 to index
      %swap3A_585 = arith.constant 0 : index
      %swap3A_586 = tpu.vector_load %arg11[%swap3A_583, %swap3A_584, %swap3A_585] {strides = array<i32>} : memref<2x200x64xf32, #tpu.memory_space<vmem>>, vector<16xf32>,
      tpu.vector_store %arg11[%swap3A_583, %swap3A_584, %swap3A_585], %add3A_580 {strides = array<i32>} : memref<2x200x64xf32, #tpu.memory_space<vmem>>, vector<16xf32>,
      %add3A_587 = arith.addf %add3A_522, %add3A_580 : vector<16xf32>
      %get3A_588 = arith.constant 0 : i32
      %get3A_589 = arith.constant 199 : i32
      %get3A_590 = arith.index_cast %get3A_588 : i32 to index
      %get3A_591 = arith.index_cast %get3A_589 : i32 to index
      %get3A_592 = arith.constant 16 : index
      %get3A_593 = tpu.vector_load %arg10[%get3A_590, %get3A_591, %get3A_592] {strides = array<i32>} : memref<2x200x64xf32, #tpu.memory_space<vmem>>, vector<16xf32>,
      %gather3A_594 = tpu.vector_load_idx %arg12[%gather3A_572, %add3A_9] : memref<200x64xf32, #tpu.memory_space<vmem>>[vector<16xi32>, vector<16xi32>], vector<16xf32>,
      %add3A_595 = arith.addf %get3A_593, %gather3A_594 : vector<16xf32>
      %swap3A_596 = arith.constant 0 : i32
      %swap3A_597 = arith.constant 199 : i32
      %swap3A_598 = arith.index_cast %swap3A_596 : i32 to index
      %swap3A_599 = arith.index_cast %swap3A_597 : i32 to index
      %swap3A_600 = arith.constant 16 : index
      %swap3A_601 = tpu.vector_load %arg11[%swap3A_598, %swap3A_599, %swap3A_600] {strides = array<i32>} : memref<2x200x64xf32, #tpu.memory_space<vmem>>, vector<16xf32>,
      tpu.vector_store %arg11[%swap3A_598, %swap3A_599, %swap3A_600], %add3A_595 {strides = array<i32>} : memref<2x200x64xf32, #tpu.memory_space<vmem>>, vector<16xf32>,
      %add3A_602 = arith.addf %add3A_537, %add3A_595 : vector<16xf32>
      %get3A_603 = arith.constant 0 : i32
      %get3A_604 = arith.constant 199 : i32
      %get3A_605 = arith.index_cast %get3A_603 : i32 to index
      %get3A_606 = arith.index_cast %get3A_604 : i32 to index
      %get3A_607 = arith.constant 32 : index
      %get3A_608 = tpu.vector_load %arg10[%get3A_605, %get3A_606, %get3A_607] {strides = array<i32>} : memref<2x200x64xf32, #tpu.memory_space<vmem>>, vector<16xf32>,
      %gather3A_609 = tpu.vector_load_idx %arg12[%gather3A_572, %add3A_13] : memref<200x64xf32, #tpu.memory_space<vmem>>[vector<16xi32>, vector<16xi32>], vector<16xf32>,
      %add3A_610 = arith.addf %get3A_608, %gather3A_609 : vector<16xf32>
      %swap3A_611 = arith.constant 0 : i32
      %swap3A_612 = arith.constant 199 : i32
      %swap3A_613 = arith.index_cast %swap3A_611 : i32 to index
      %swap3A_614 = arith.index_cast %swap3A_612 : i32 to index
      %swap3A_615 = arith.constant 32 : index
      %swap3A_616 = tpu.vector_load %arg11[%swap3A_613, %swap3A_614, %swap3A_615] {strides = array<i32>} : memref<2x200x64xf32, #tpu.memory_space<vmem>>, vector<16xf32>,
      tpu.vector_store %arg11[%swap3A_613, %swap3A_614, %swap3A_615], %add3A_610 {strides = array<i32>} : memref<2x200x64xf32, #tpu.memory_space<vmem>>, vector<16xf32>,
      %add3A_617 = arith.addf %add3A_552, %add3A_610 : vector<16xf32>
      %get3A_618 = arith.constant 0 : i32
      %get3A_619 = arith.constant 199 : i32
      %get3A_620 = arith.index_cast %get3A_618 : i32 to index
      %get3A_621 = arith.index_cast %get3A_619 : i32 to index
      %get3A_622 = arith.constant 48 : index
      %get3A_623 = tpu.vector_load %arg10[%get3A_620, %get3A_621, %get3A_622] {strides = array<i32>} : memref<2x200x64xf32, #tpu.memory_space<vmem>>, vector<16xf32>,
      %gather3A_624 = tpu.vector_load_idx %arg12[%gather3A_572, %add3A_17] : memref<200x64xf32, #tpu.memory_space<vmem>>[vector<16xi32>, vector<16xi32>], vector<16xf32>,
      %add3A_625 = arith.addf %get3A_623, %gather3A_624 : vector<16xf32>
      %swap3A_626 = arith.constant 0 : i32
      %swap3A_627 = arith.constant 199 : i32
      %swap3A_628 = arith.index_cast %swap3A_626 : i32 to index
      %swap3A_629 = arith.index_cast %swap3A_627 : i32 to index
      %swap3A_630 = arith.constant 48 : index
      %swap3A_631 = tpu.vector_load %arg11[%swap3A_628, %swap3A_629, %swap3A_630] {strides = array<i32>} : memref<2x200x64xf32, #tpu.memory_space<vmem>>, vector<16xf32>,
      tpu.vector_store %arg11[%swap3A_628, %swap3A_629, %swap3A_630], %add3A_625 {strides = array<i32>} : memref<2x200x64xf32, #tpu.memory_space<vmem>>, vector<16xf32>,
      %add3A_632 = arith.addf %add3A_567, %add3A_625 : vector<16xf32>
      %mul3A_633 = vector.broadcast %scan3A_41 : f32 to vector<16xf32>
      %mul3A_634 = arith.mulf %add3A_587, %mul3A_633 : vector<16xf32>
      %swap3A_635 = arith.index_cast %mul3A_82 : i32 to index
      %swap3A_636 = arith.constant 0 : index
      %swap3A_637 = tpu.vector_load %arg13[%swap3A_635, %swap3A_636] {strides = array<i32>} : memref<128x64xf32, #tpu.memory_space<vmem>>, vector<16xf32>,
      tpu.vector_store %arg13[%swap3A_635, %swap3A_636], %mul3A_634 {strides = array<i32>} : memref<128x64xf32, #tpu.memory_space<vmem>>, vector<16xf32>,
      %mul3A_638 = vector.broadcast %scan3A_41 : f32 to vector<16xf32>
      %mul3A_639 = arith.mulf %add3A_602, %mul3A_638 : vector<16xf32>
      %swap3A_640 = arith.index_cast %mul3A_82 : i32 to index
      %swap3A_641 = arith.constant 16 : index
      %swap3A_642 = tpu.vector_load %arg13[%swap3A_640, %swap3A_641] {strides = array<i32>} : memref<128x64xf32, #tpu.memory_space<vmem>>, vector<16xf32>,
      tpu.vector_store %arg13[%swap3A_640, %swap3A_641], %mul3A_639 {strides = array<i32>} : memref<128x64xf32, #tpu.memory_space<vmem>>, vector<16xf32>,
      %mul3A_643 = vector.broadcast %scan3A_41 : f32 to vector<16xf32>
      %mul3A_644 = arith.mulf %add3A_617, %mul3A_643 : vector<16xf32>
      %swap3A_645 = arith.index_cast %mul3A_82 : i32 to index
      %swap3A_646 = arith.constant 32 : index
      %swap3A_647 = tpu.vector_load %arg13[%swap3A_645, %swap3A_646] {strides = array<i32>} : memref<128x64xf32, #tpu.memory_space<vmem>>, vector<16xf32>,
      tpu.vector_store %arg13[%swap3A_645, %swap3A_646], %mul3A_644 {strides = array<i32>} : memref<128x64xf32, #tpu.memory_space<vmem>>, vector<16xf32>,
      %mul3A_648 = vector.broadcast %scan3A_41 : f32 to vector<16xf32>
      %mul3A_649 = arith.mulf %add3A_632, %mul3A_648 : vector<16xf32>
      %swap3A_650 = arith.index_cast %mul3A_82 : i32 to index
      %swap3A_651 = arith.constant 48 : index
      %swap3A_652 = tpu.vector_load %arg13[%swap3A_650, %swap3A_651] {strides = array<i32>} : memref<128x64xf32, #tpu.memory_space<vmem>>, vector<16xf32>,
      tpu.vector_store %arg13[%swap3A_650, %swap3A_651], %mul3A_649 {strides = array<i32>} : memref<128x64xf32, #tpu.memory_space<vmem>>, vector<16xf32>,
      %add3A_653 = arith.addi %mul3A_2, %mul3A_82 : i32
      %dma_start3A_654 = arith.constant 0 : i32
      %dma_start3A_655 = arith.constant 0 : i32
      %dma_start3A_656 = arith.constant 0 : i32
      %dma_start3A_657 = tpu.memref_slice %arg11[%dma_start3A_654, %dma_start3A_655, %dma_start3A_656] : memref<2x200x64xf32, #tpu.memory_space<vmem>> -> memref<1x200x64xf32, #tpu.memory_space<vmem>>
      %dma_start3A_658 = tpu.memref_squeeze %dma_start3A_657 : memref<1x200x64xf32, #tpu.memory_space<vmem>> -> memref<200x64xf32, #tpu.memory_space<vmem>>
      %dma_start3A_659 = arith.constant 0 : i32
      %dma_start3A_660 = arith.constant 0 : i32
      %dma_start3A_661 = tpu.memref_slice %arg6[%add3A_653, %dma_start3A_659, %dma_start3A_660] : memref<4096x200x64xf32, #tpu.memory_space<hbm>> -> memref<1x200x64xf32, #tpu.memory_space<hbm>>
      %dma_start3A_662 = tpu.memref_squeeze %dma_start3A_661 : memref<1x200x64xf32, #tpu.memory_space<hbm>> -> memref<200x64xf32, #tpu.memory_space<hbm>>
      %dma_start3A_663 = arith.constant 0 : i32
      %dma_start3A_664 = arith.constant 0 : i32
      %dma_start3A_665 = tpu.memref_slice %arg6[%add3A_653, %dma_start3A_663, %dma_start3A_664] : memref<4096x200x64xf32, #tpu.memory_space<hbm>> -> memref<1x200x64xf32, #tpu.memory_space<hbm>>
      %dma_start3A_666 = tpu.memref_squeeze %dma_start3A_665 : memref<1x200x64xf32, #tpu.memory_space<hbm>> -> memref<200x64xf32, #tpu.memory_space<hbm>>
      %dma_start3A_667 = arith.constant 0 : i32
      %dma_start3A_668 = arith.constant 0 : i32
      %dma_start3A_669 = tpu.memref_slice %arg11[%dma_start3A_654, %dma_start3A_667, %dma_start3A_668] : memref<2x200x64xf32, #tpu.memory_space<vmem>> -> memref<1x200x64xf32, #tpu.memory_space<vmem>>
      %dma_start3A_670 = tpu.memref_squeeze %dma_start3A_669 : memref<1x200x64xf32, #tpu.memory_space<vmem>> -> memref<200x64xf32, #tpu.memory_space<vmem>>
      tpu.enqueue_dma source(%dma_start3A_670 : memref<200x64xf32, #tpu.memory_space<vmem>>) target(%dma_start3A_666 : memref<200x64xf32, #tpu.memory_space<hbm>>) target_semaphore(%arg16 : memref<!tpu.dma_semaphore, #tpu.memory_space<semaphore_mem>>)
      %add3A_671 = arith.constant 2 : i32
      %add3A_672 = arith.addi %mul3A_82, %add3A_671 : i32
      %lt3A = arith.constant 128 : i32
      %lt3A_673 = arith.cmpi slt, %add3A_672, %lt3A : i32
      %convert_element_type3A_674 = arith.extui %lt3A_673 : i1 to i32
      %cond3A_675 = arith.constant 0 : i32
      %cond3A_676 = arith.cmpi ne, %convert_element_type3A_674, %cond3A_675 : i32
      scf.if %cond3A_676 {
        %add3A_1283 = arith.constant 2 : i32
        %add3A_1284 = arith.addi %mul3A_82, %add3A_1283 : i32
        %dma_start3A_1285 = arith.constant 0 : i32
        %dma_start3A_1286 = arith.constant 0 : i32
        %dma_start3A_1287 = arith.constant 0 : i32
        %dma_start3A_1288 = tpu.memref_slice %arg10[%dma_start3A_1285, %dma_start3A_1286, %dma_start3A_1287] : memref<2x200x64xf32, #tpu.memory_space<vmem>> -> memref<1x200x64xf32, #tpu.memory_space<vmem>>
        %dma_start3A_1289 = tpu.memref_squeeze %dma_start3A_1288 : memref<1x200x64xf32, #tpu.memory_space<vmem>> -> memref<200x64xf32, #tpu.memory_space<vmem>>
        %dma_start3A_1290 = arith.constant 0 : i32
        %dma_start3A_1291 = tpu.memref_slice %arg8[%add3A_1284, %dma_start3A_1290] : memref<128x200xi32, #tpu.memory_space<vmem>> -> memref<1x200xi32, #tpu.memory_space<vmem>>
        %dma_start3A_1292 = tpu.memref_squeeze %dma_start3A_1291 : memref<1x200xi32, #tpu.memory_space<vmem>> -> memref<200xi32, #tpu.memory_space<vmem>>
        %dma_start3A_1293 = arith.constant 0 : i32
        %dma_start3A_1294 = arith.constant 0 : i32
        %dma_start3A_1295 = tpu.memref_slice %arg4[%dma_start3A_1293, %dma_start3A_1294] : memref<1000000x64xf32, #tpu.memory_space<hbm>> -> memref<1000000x64xf32, #tpu.memory_space<hbm>>
        tpu.enqueue_indirect_dma source(%dma_start3A_1295 : memref<1000000x64xf32, #tpu.memory_space<hbm>>) target(%dma_start3A_1289 : memref<200x64xf32, #tpu.memory_space<vmem>>) offsets(%dma_start3A_1292 : memref<200xi32, #tpu.memory_space<vmem>>) semaphore(%arg14 : memref<!tpu.dma_semaphore, #tpu.memory_space<semaphore_mem>>)
      } else {
      }
      %mul3A_677 = arith.constant 2 : i32
      %mul3A_678 = arith.muli %mul3A_677, %scan3A_80 : i32
      %add3A_679 = arith.constant 1 : i32
      %add3A_680 = arith.addi %mul3A_678, %add3A_679 : i32
      %dma_wait3A_681 = arith.constant 1 : i32
      %dma_wait3A_682 = arith.constant 0 : i32
      %dma_wait3A_683 = arith.constant 0 : i32
      %dma_wait3A_684 = tpu.memref_slice %arg10[%dma_wait3A_681, %dma_wait3A_682, %dma_wait3A_683] : memref<2x200x64xf32, #tpu.memory_space<vmem>> -> memref<1x200x64xf32, #tpu.memory_space<vmem>>
      %dma_wait3A_685 = tpu.memref_squeeze %dma_wait3A_684 : memref<1x200x64xf32, #tpu.memory_space<vmem>> -> memref<200x64xf32, #tpu.memory_space<vmem>>
      %dma_wait3A_686 = arith.constant 0 : i32
      %dma_wait3A_687 = arith.constant 0 : i32
      %dma_wait3A_688 = tpu.memref_slice %arg4[%dma_wait3A_686, %dma_wait3A_687] : memref<1000000x64xf32, #tpu.memory_space<hbm>> -> memref<200x64xf32, #tpu.memory_space<hbm>>
      %dma_wait3A_689 = arith.constant 0 : i32
      %dma_wait3A_690 = arith.constant 0 : i32
      %dma_wait3A_691 = tpu.memref_slice %arg10[%dma_wait3A_681, %dma_wait3A_689, %dma_wait3A_690] : memref<2x200x64xf32, #tpu.memory_space<vmem>> -> memref<1x200x64xf32, #tpu.memory_space<vmem>>
      %dma_wait3A_692 = tpu.memref_squeeze %dma_wait3A_691 : memref<1x200x64xf32, #tpu.memory_space<vmem>> -> memref<200x64xf32, #tpu.memory_space<vmem>>
      %dma_wait3A_693 = arith.constant 0 : i32
      %dma_wait3A_694 = arith.constant 0 : i32
      %dma_wait3A_695 = tpu.memref_slice %arg4[%dma_wait3A_693, %dma_wait3A_694] : memref<1000000x64xf32, #tpu.memory_space<hbm>> -> memref<200x64xf32, #tpu.memory_space<hbm>>
      tpu.wait_dma2 semaphore(%arg15 : memref<!tpu.dma_semaphore, #tpu.memory_space<semaphore_mem>>) src(%dma_wait3A_695 : memref<200x64xf32, #tpu.memory_space<hbm>>) dst(%dma_wait3A_692 : memref<200x64xf32, #tpu.memory_space<vmem>>)
      %gt3A_696 = arith.constant 0 : i32
      %gt3A_697 = arith.cmpi sgt, %scan3A_80, %gt3A_696 : i32
      %convert_element_type3A_698 = arith.extui %gt3A_697 : i1 to i32
      %cond3A_699 = arith.constant 0 : i32
      %cond3A_700 = arith.cmpi ne, %convert_element_type3A_698, %cond3A_699 : i32
      scf.if %cond3A_700 {
        %dma_wait3A_1283 = arith.constant 1 : i32
        %dma_wait3A_1284 = arith.constant 0 : i32
        %dma_wait3A_1285 = arith.constant 0 : i32
        %dma_wait3A_1286 = tpu.memref_slice %arg11[%dma_wait3A_1283, %dma_wait3A_1284, %dma_wait3A_1285] : memref<2x200x64xf32, #tpu.memory_space<vmem>> -> memref<1x200x64xf32, #tpu.memory_space<vmem>>
        %dma_wait3A_1287 = tpu.memref_squeeze %dma_wait3A_1286 : memref<1x200x64xf32, #tpu.memory_space<vmem>> -> memref<200x64xf32, #tpu.memory_space<vmem>>
        %dma_wait3A_1288 = arith.constant 0 : i32
        %dma_wait3A_1289 = arith.constant 0 : i32
        %dma_wait3A_1290 = tpu.memref_slice %arg6[%mul3A_2, %dma_wait3A_1288, %dma_wait3A_1289] : memref<4096x200x64xf32, #tpu.memory_space<hbm>> -> memref<1x200x64xf32, #tpu.memory_space<hbm>>
        %dma_wait3A_1291 = tpu.memref_squeeze %dma_wait3A_1290 : memref<1x200x64xf32, #tpu.memory_space<hbm>> -> memref<200x64xf32, #tpu.memory_space<hbm>>
        %dma_wait3A_1292 = arith.constant 0 : i32
        %dma_wait3A_1293 = arith.constant 0 : i32
        %dma_wait3A_1294 = tpu.memref_slice %arg6[%mul3A_2, %dma_wait3A_1292, %dma_wait3A_1293] : memref<4096x200x64xf32, #tpu.memory_space<hbm>> -> memref<1x200x64xf32, #tpu.memory_space<hbm>>
        %dma_wait3A_1295 = tpu.memref_squeeze %dma_wait3A_1294 : memref<1x200x64xf32, #tpu.memory_space<hbm>> -> memref<200x64xf32, #tpu.memory_space<hbm>>
        %dma_wait3A_1296 = arith.constant 0 : i32
        %dma_wait3A_1297 = arith.constant 0 : i32
        %dma_wait3A_1298 = tpu.memref_slice %arg11[%dma_wait3A_1283, %dma_wait3A_1296, %dma_wait3A_1297] : memref<2x200x64xf32, #tpu.memory_space<vmem>> -> memref<1x200x64xf32, #tpu.memory_space<vmem>>
        %dma_wait3A_1299 = tpu.memref_squeeze %dma_wait3A_1298 : memref<1x200x64xf32, #tpu.memory_space<vmem>> -> memref<200x64xf32, #tpu.memory_space<vmem>>
        tpu.wait_dma2 semaphore(%arg17 : memref<!tpu.dma_semaphore, #tpu.memory_space<semaphore_mem>>) src(%dma_wait3A_1299 : memref<200x64xf32, #tpu.memory_space<vmem>>) dst(%dma_wait3A_1295 : memref<200x64xf32, #tpu.memory_space<hbm>>)
      } else {
      }
      %broadcast_in_dim3A_701 = arith.constant 0.000000e+00 : f32
      %broadcast_in_dim3A_702 = vector.broadcast %broadcast_in_dim3A_701 : f32 to vector<16xf32>
      %broadcast_in_dim3A_703 = arith.constant 0.000000e+00 : f32
      %broadcast_in_dim3A_704 = vector.broadcast %broadcast_in_dim3A_703 : f32 to vector<16xf32>
      %broadcast_in_dim3A_705 = arith.constant 0.000000e+00 : f32
      %broadcast_in_dim3A_706 = vector.broadcast %broadcast_in_dim3A_705 : f32 to vector<16xf32>
      %broadcast_in_dim3A_707 = arith.constant 0.000000e+00 : f32
      %broadcast_in_dim3A_708 = vector.broadcast %broadcast_in_dim3A_707 : f32 to vector<16xf32>
      %scan3A_709 = arith.constant 0 : i32
      %scan3A_710 = arith.constant 12 : i32
      %scan3A_711 = arith.addi %scan3A_709, %scan3A_710 : i32
      %scan3A_712 = arith.constant 1 : i32
      %scan3A_713:4 = scf.for %scan3A_1283 = %scan3A_709 to %scan3A_711 step %scan3A_712 iter_args(%scan3A_1284 = %broadcast_in_dim3A_702, %scan3A_1285 = %broadcast_in_dim3A_704, %scan3A_1286 = %broadcast_in_dim3A_706, %scan3A_1287 = %broadcast_in_dim3A_708) -> (vector<16xf32>, vector<16xf32>, vector<16xf32>, vector<16xf32>)  : i32 {
        %mul3A_1288 = arith.constant 16 : i32
        %mul3A_1289 = arith.muli %scan3A_1283, %mul3A_1288 : i32
        %multiple_of3A = tpu.assume_multiple %mul3A_1289, 16 : i32
        %get3A_1290 = arith.index_cast %add3A_680 : i32 to index
        %get3A_1291 = arith.index_cast %multiple_of3A : i32 to index
        %get3A_1292 = tpu.vector_load %arg9[%get3A_1290, %get3A_1291] {strides = array<i32>} : memref<128x200xi32, #tpu.memory_space<vmem>>, vector<16xi32>,
        %add3A_1293 = arith.constant 0 : i32
        %add3A_1294 = arith.addi %multiple_of3A, %add3A_1293 : i32
        %broadcast_in_dim3A_1295 = arith.constant 0 : i32
        %broadcast_in_dim3A_1296 = vector.broadcast %broadcast_in_dim3A_1295 : i32 to vector<16xi32>
        %broadcast_in_dim3A_1297 = vector.shape_cast %broadcast_in_dim3A_1296 : vector<16xi32> to vector<16x1xi32>
        %gather3A_1298 = vector.shape_cast %broadcast_in_dim3A_1297 : vector<16x1xi32> to vector<16xi32>
        %gather3A_1299 = tpu.dynamic_gather %get3A_1292[%gather3A_1298] in [0] : vector<16xi32>, vector<16xi32> -> vector<16xi32>
        %get3A_1300 = arith.constant 1 : i32
        %get3A_1301 = arith.index_cast %get3A_1300 : i32 to index
        %get3A_1302 = arith.index_cast %add3A_1294 : i32 to index
        %get3A_1303 = arith.constant 0 : index
        %get3A_1304 = tpu.vector_load %arg10[%get3A_1301, %get3A_1302, %get3A_1303] {strides = array<i32>} : memref<2x200x64xf32, #tpu.memory_space<vmem>>, vector<16xf32>,
        %gather3A_1305 = tpu.vector_load_idx %arg12[%gather3A_1299, %add3A_5] : memref<200x64xf32, #tpu.memory_space<vmem>>[vector<16xi32>, vector<16xi32>], vector<16xf32>,
        %add3A_1306 = arith.addf %get3A_1304, %gather3A_1305 : vector<16xf32>
        %swap3A_1307 = arith.constant 1 : i32
        %swap3A_1308 = arith.index_cast %swap3A_1307 : i32 to index
        %swap3A_1309 = arith.index_cast %add3A_1294 : i32 to index
        %swap3A_1310 = arith.constant 0 : index
        %swap3A_1311 = tpu.vector_load %arg11[%swap3A_1308, %swap3A_1309, %swap3A_1310] {strides = array<i32>} : memref<2x200x64xf32, #tpu.memory_space<vmem>>, vector<16xf32>,
        tpu.vector_store %arg11[%swap3A_1308, %swap3A_1309, %swap3A_1310], %add3A_1306 {strides = array<i32>} : memref<2x200x64xf32, #tpu.memory_space<vmem>>, vector<16xf32>,
        %add3A_1312 = arith.addf %scan3A_1284, %add3A_1306 : vector<16xf32>
        %get3A_1313 = arith.constant 1 : i32
        %get3A_1314 = arith.index_cast %get3A_1313 : i32 to index
        %get3A_1315 = arith.index_cast %add3A_1294 : i32 to index
        %get3A_1316 = arith.constant 16 : index
        %get3A_1317 = tpu.vector_load %arg10[%get3A_1314, %get3A_1315, %get3A_1316] {strides = array<i32>} : memref<2x200x64xf32, #tpu.memory_space<vmem>>, vector<16xf32>,
        %gather3A_1318 = tpu.vector_load_idx %arg12[%gather3A_1299, %add3A_9] : memref<200x64xf32, #tpu.memory_space<vmem>>[vector<16xi32>, vector<16xi32>], vector<16xf32>,
        %add3A_1319 = arith.addf %get3A_1317, %gather3A_1318 : vector<16xf32>
        %swap3A_1320 = arith.constant 1 : i32
        %swap3A_1321 = arith.index_cast %swap3A_1320 : i32 to index
        %swap3A_1322 = arith.index_cast %add3A_1294 : i32 to index
        %swap3A_1323 = arith.constant 16 : index
        %swap3A_1324 = tpu.vector_load %arg11[%swap3A_1321, %swap3A_1322, %swap3A_1323] {strides = array<i32>} : memref<2x200x64xf32, #tpu.memory_space<vmem>>, vector<16xf32>,
        tpu.vector_store %arg11[%swap3A_1321, %swap3A_1322, %swap3A_1323], %add3A_1319 {strides = array<i32>} : memref<2x200x64xf32, #tpu.memory_space<vmem>>, vector<16xf32>,
        %add3A_1325 = arith.addf %scan3A_1285, %add3A_1319 : vector<16xf32>
        %get3A_1326 = arith.constant 1 : i32
        %get3A_1327 = arith.index_cast %get3A_1326 : i32 to index
        %get3A_1328 = arith.index_cast %add3A_1294 : i32 to index
        %get3A_1329 = arith.constant 32 : index
        %get3A_1330 = tpu.vector_load %arg10[%get3A_1327, %get3A_1328, %get3A_1329] {strides = array<i32>} : memref<2x200x64xf32, #tpu.memory_space<vmem>>, vector<16xf32>,
        %gather3A_1331 = tpu.vector_load_idx %arg12[%gather3A_1299, %add3A_13] : memref<200x64xf32, #tpu.memory_space<vmem>>[vector<16xi32>, vector<16xi32>], vector<16xf32>,
        %add3A_1332 = arith.addf %get3A_1330, %gather3A_1331 : vector<16xf32>
        %swap3A_1333 = arith.constant 1 : i32
        %swap3A_1334 = arith.index_cast %swap3A_1333 : i32 to index
        %swap3A_1335 = arith.index_cast %add3A_1294 : i32 to index
        %swap3A_1336 = arith.constant 32 : index
        %swap3A_1337 = tpu.vector_load %arg11[%swap3A_1334, %swap3A_1335, %swap3A_1336] {strides = array<i32>} : memref<2x200x64xf32, #tpu.memory_space<vmem>>, vector<16xf32>,
        tpu.vector_store %arg11[%swap3A_1334, %swap3A_1335, %swap3A_1336], %add3A_1332 {strides = array<i32>} : memref<2x200x64xf32, #tpu.memory_space<vmem>>, vector<16xf32>,
        %add3A_1338 = arith.addf %scan3A_1286, %add3A_1332 : vector<16xf32>
        %get3A_1339 = arith.constant 1 : i32
        %get3A_1340 = arith.index_cast %get3A_1339 : i32 to index
        %get3A_1341 = arith.index_cast %add3A_1294 : i32 to index
        %get3A_1342 = arith.constant 48 : index
        %get3A_1343 = tpu.vector_load %arg10[%get3A_1340, %get3A_1341, %get3A_1342] {strides = array<i32>} : memref<2x200x64xf32, #tpu.memory_space<vmem>>, vector<16xf32>,
        %gather3A_1344 = tpu.vector_load_idx %arg12[%gather3A_1299, %add3A_17] : memref<200x64xf32, #tpu.memory_space<vmem>>[vector<16xi32>, vector<16xi32>], vector<16xf32>,
        %add3A_1345 = arith.addf %get3A_1343, %gather3A_1344 : vector<16xf32>
        %swap3A_1346 = arith.constant 1 : i32
        %swap3A_1347 = arith.index_cast %swap3A_1346 : i32 to index
        %swap3A_1348 = arith.index_cast %add3A_1294 : i32 to index
        %swap3A_1349 = arith.constant 48 : index
        %swap3A_1350 = tpu.vector_load %arg11[%swap3A_1347, %swap3A_1348, %swap3A_1349] {strides = array<i32>} : memref<2x200x64xf32, #tpu.memory_space<vmem>>, vector<16xf32>,
        tpu.vector_store %arg11[%swap3A_1347, %swap3A_1348, %swap3A_1349], %add3A_1345 {strides = array<i32>} : memref<2x200x64xf32, #tpu.memory_space<vmem>>, vector<16xf32>,
        %add3A_1351 = arith.addf %scan3A_1287, %add3A_1345 : vector<16xf32>
        %add3A_1352 = arith.constant 1 : i32
        %add3A_1353 = arith.addi %multiple_of3A, %add3A_1352 : i32
        %broadcast_in_dim3A_1354 = arith.constant 1 : i32
        %broadcast_in_dim3A_1355 = vector.broadcast %broadcast_in_dim3A_1354 : i32 to vector<16xi32>
        %broadcast_in_dim3A_1356 = vector.shape_cast %broadcast_in_dim3A_1355 : vector<16xi32> to vector<16x1xi32>
        %gather3A_1357 = vector.shape_cast %broadcast_in_dim3A_1356 : vector<16x1xi32> to vector<16xi32>
        %gather3A_1358 = tpu.dynamic_gather %get3A_1292[%gather3A_1357] in [0] : vector<16xi32>, vector<16xi32> -> vector<16xi32>
        %get3A_1359 = arith.constant 1 : i32
        %get3A_1360 = arith.index_cast %get3A_1359 : i32 to index
        %get3A_1361 = arith.index_cast %add3A_1353 : i32 to index
        %get3A_1362 = arith.constant 0 : index
        %get3A_1363 = tpu.vector_load %arg10[%get3A_1360, %get3A_1361, %get3A_1362] {strides = array<i32>} : memref<2x200x64xf32, #tpu.memory_space<vmem>>, vector<16xf32>,
        %gather3A_1364 = tpu.vector_load_idx %arg12[%gather3A_1358, %add3A_5] : memref<200x64xf32, #tpu.memory_space<vmem>>[vector<16xi32>, vector<16xi32>], vector<16xf32>,
        %add3A_1365 = arith.addf %get3A_1363, %gather3A_1364 : vector<16xf32>
        %swap3A_1366 = arith.constant 1 : i32
        %swap3A_1367 = arith.index_cast %swap3A_1366 : i32 to index
        %swap3A_1368 = arith.index_cast %add3A_1353 : i32 to index
        %swap3A_1369 = arith.constant 0 : index
        %swap3A_1370 = tpu.vector_load %arg11[%swap3A_1367, %swap3A_1368, %swap3A_1369] {strides = array<i32>} : memref<2x200x64xf32, #tpu.memory_space<vmem>>, vector<16xf32>,
        tpu.vector_store %arg11[%swap3A_1367, %swap3A_1368, %swap3A_1369], %add3A_1365 {strides = array<i32>} : memref<2x200x64xf32, #tpu.memory_space<vmem>>, vector<16xf32>,
        %add3A_1371 = arith.addf %add3A_1312, %add3A_1365 : vector<16xf32>
        %get3A_1372 = arith.constant 1 : i32
        %get3A_1373 = arith.index_cast %get3A_1372 : i32 to index
        %get3A_1374 = arith.index_cast %add3A_1353 : i32 to index
        %get3A_1375 = arith.constant 16 : index
        %get3A_1376 = tpu.vector_load %arg10[%get3A_1373, %get3A_1374, %get3A_1375] {strides = array<i32>} : memref<2x200x64xf32, #tpu.memory_space<vmem>>, vector<16xf32>,
        %gather3A_1377 = tpu.vector_load_idx %arg12[%gather3A_1358, %add3A_9] : memref<200x64xf32, #tpu.memory_space<vmem>>[vector<16xi32>, vector<16xi32>], vector<16xf32>,
        %add3A_1378 = arith.addf %get3A_1376, %gather3A_1377 : vector<16xf32>
        %swap3A_1379 = arith.constant 1 : i32
        %swap3A_1380 = arith.index_cast %swap3A_1379 : i32 to index
        %swap3A_1381 = arith.index_cast %add3A_1353 : i32 to index
        %swap3A_1382 = arith.constant 16 : index
        %swap3A_1383 = tpu.vector_load %arg11[%swap3A_1380, %swap3A_1381, %swap3A_1382] {strides = array<i32>} : memref<2x200x64xf32, #tpu.memory_space<vmem>>, vector<16xf32>,
        tpu.vector_store %arg11[%swap3A_1380, %swap3A_1381, %swap3A_1382], %add3A_1378 {strides = array<i32>} : memref<2x200x64xf32, #tpu.memory_space<vmem>>, vector<16xf32>,
        %add3A_1384 = arith.addf %add3A_1325, %add3A_1378 : vector<16xf32>
        %get3A_1385 = arith.constant 1 : i32
        %get3A_1386 = arith.index_cast %get3A_1385 : i32 to index
        %get3A_1387 = arith.index_cast %add3A_1353 : i32 to index
        %get3A_1388 = arith.constant 32 : index
        %get3A_1389 = tpu.vector_load %arg10[%get3A_1386, %get3A_1387, %get3A_1388] {strides = array<i32>} : memref<2x200x64xf32, #tpu.memory_space<vmem>>, vector<16xf32>,
        %gather3A_1390 = tpu.vector_load_idx %arg12[%gather3A_1358, %add3A_13] : memref<200x64xf32, #tpu.memory_space<vmem>>[vector<16xi32>, vector<16xi32>], vector<16xf32>,
        %add3A_1391 = arith.addf %get3A_1389, %gather3A_1390 : vector<16xf32>
        %swap3A_1392 = arith.constant 1 : i32
        %swap3A_1393 = arith.index_cast %swap3A_1392 : i32 to index
        %swap3A_1394 = arith.index_cast %add3A_1353 : i32 to index
        %swap3A_1395 = arith.constant 32 : index
        %swap3A_1396 = tpu.vector_load %arg11[%swap3A_1393, %swap3A_1394, %swap3A_1395] {strides = array<i32>} : memref<2x200x64xf32, #tpu.memory_space<vmem>>, vector<16xf32>,
        tpu.vector_store %arg11[%swap3A_1393, %swap3A_1394, %swap3A_1395], %add3A_1391 {strides = array<i32>} : memref<2x200x64xf32, #tpu.memory_space<vmem>>, vector<16xf32>,
        %add3A_1397 = arith.addf %add3A_1338, %add3A_1391 : vector<16xf32>
        %get3A_1398 = arith.constant 1 : i32
        %get3A_1399 = arith.index_cast %get3A_1398 : i32 to index
        %get3A_1400 = arith.index_cast %add3A_1353 : i32 to index
        %get3A_1401 = arith.constant 48 : index
        %get3A_1402 = tpu.vector_load %arg10[%get3A_1399, %get3A_1400, %get3A_1401] {strides = array<i32>} : memref<2x200x64xf32, #tpu.memory_space<vmem>>, vector<16xf32>,
        %gather3A_1403 = tpu.vector_load_idx %arg12[%gather3A_1358, %add3A_17] : memref<200x64xf32, #tpu.memory_space<vmem>>[vector<16xi32>, vector<16xi32>], vector<16xf32>,
        %add3A_1404 = arith.addf %get3A_1402, %gather3A_1403 : vector<16xf32>
        %swap3A_1405 = arith.constant 1 : i32
        %swap3A_1406 = arith.index_cast %swap3A_1405 : i32 to index
        %swap3A_1407 = arith.index_cast %add3A_1353 : i32 to index
        %swap3A_1408 = arith.constant 48 : index
        %swap3A_1409 = tpu.vector_load %arg11[%swap3A_1406, %swap3A_1407, %swap3A_1408] {strides = array<i32>} : memref<2x200x64xf32, #tpu.memory_space<vmem>>, vector<16xf32>,
        tpu.vector_store %arg11[%swap3A_1406, %swap3A_1407, %swap3A_1408], %add3A_1404 {strides = array<i32>} : memref<2x200x64xf32, #tpu.memory_space<vmem>>, vector<16xf32>,
        %add3A_1410 = arith.addf %add3A_1351, %add3A_1404 : vector<16xf32>
        %add3A_1411 = arith.constant 2 : i32
        %add3A_1412 = arith.addi %multiple_of3A, %add3A_1411 : i32
        %broadcast_in_dim3A_1413 = arith.constant 2 : i32
        %broadcast_in_dim3A_1414 = vector.broadcast %broadcast_in_dim3A_1413 : i32 to vector<16xi32>
        %broadcast_in_dim3A_1415 = vector.shape_cast %broadcast_in_dim3A_1414 : vector<16xi32> to vector<16x1xi32>
        %gather3A_1416 = vector.shape_cast %broadcast_in_dim3A_1415 : vector<16x1xi32> to vector<16xi32>
        %gather3A_1417 = tpu.dynamic_gather %get3A_1292[%gather3A_1416] in [0] : vector<16xi32>, vector<16xi32> -> vector<16xi32>
        %get3A_1418 = arith.constant 1 : i32
        %get3A_1419 = arith.index_cast %get3A_1418 : i32 to index
        %get3A_1420 = arith.index_cast %add3A_1412 : i32 to index
        %get3A_1421 = arith.constant 0 : index
        %get3A_1422 = tpu.vector_load %arg10[%get3A_1419, %get3A_1420, %get3A_1421] {strides = array<i32>} : memref<2x200x64xf32, #tpu.memory_space<vmem>>, vector<16xf32>,
        %gather3A_1423 = tpu.vector_load_idx %arg12[%gather3A_1417, %add3A_5] : memref<200x64xf32, #tpu.memory_space<vmem>>[vector<16xi32>, vector<16xi32>], vector<16xf32>,
        %add3A_1424 = arith.addf %get3A_1422, %gather3A_1423 : vector<16xf32>
        %swap3A_1425 = arith.constant 1 : i32
        %swap3A_1426 = arith.index_cast %swap3A_1425 : i32 to index
        %swap3A_1427 = arith.index_cast %add3A_1412 : i32 to index
        %swap3A_1428 = arith.constant 0 : index
        %swap3A_1429 = tpu.vector_load %arg11[%swap3A_1426, %swap3A_1427, %swap3A_1428] {strides = array<i32>} : memref<2x200x64xf32, #tpu.memory_space<vmem>>, vector<16xf32>,
        tpu.vector_store %arg11[%swap3A_1426, %swap3A_1427, %swap3A_1428], %add3A_1424 {strides = array<i32>} : memref<2x200x64xf32, #tpu.memory_space<vmem>>, vector<16xf32>,
        %add3A_1430 = arith.addf %add3A_1371, %add3A_1424 : vector<16xf32>
        %get3A_1431 = arith.constant 1 : i32
        %get3A_1432 = arith.index_cast %get3A_1431 : i32 to index
        %get3A_1433 = arith.index_cast %add3A_1412 : i32 to index
        %get3A_1434 = arith.constant 16 : index
        %get3A_1435 = tpu.vector_load %arg10[%get3A_1432, %get3A_1433, %get3A_1434] {strides = array<i32>} : memref<2x200x64xf32, #tpu.memory_space<vmem>>, vector<16xf32>,
        %gather3A_1436 = tpu.vector_load_idx %arg12[%gather3A_1417, %add3A_9] : memref<200x64xf32, #tpu.memory_space<vmem>>[vector<16xi32>, vector<16xi32>], vector<16xf32>,
        %add3A_1437 = arith.addf %get3A_1435, %gather3A_1436 : vector<16xf32>
        %swap3A_1438 = arith.constant 1 : i32
        %swap3A_1439 = arith.index_cast %swap3A_1438 : i32 to index
        %swap3A_1440 = arith.index_cast %add3A_1412 : i32 to index
        %swap3A_1441 = arith.constant 16 : index
        %swap3A_1442 = tpu.vector_load %arg11[%swap3A_1439, %swap3A_1440, %swap3A_1441] {strides = array<i32>} : memref<2x200x64xf32, #tpu.memory_space<vmem>>, vector<16xf32>,
        tpu.vector_store %arg11[%swap3A_1439, %swap3A_1440, %swap3A_1441], %add3A_1437 {strides = array<i32>} : memref<2x200x64xf32, #tpu.memory_space<vmem>>, vector<16xf32>,
        %add3A_1443 = arith.addf %add3A_1384, %add3A_1437 : vector<16xf32>
        %get3A_1444 = arith.constant 1 : i32
        %get3A_1445 = arith.index_cast %get3A_1444 : i32 to index
        %get3A_1446 = arith.index_cast %add3A_1412 : i32 to index
        %get3A_1447 = arith.constant 32 : index
        %get3A_1448 = tpu.vector_load %arg10[%get3A_1445, %get3A_1446, %get3A_1447] {strides = array<i32>} : memref<2x200x64xf32, #tpu.memory_space<vmem>>, vector<16xf32>,
        %gather3A_1449 = tpu.vector_load_idx %arg12[%gather3A_1417, %add3A_13] : memref<200x64xf32, #tpu.memory_space<vmem>>[vector<16xi32>, vector<16xi32>], vector<16xf32>,
        %add3A_1450 = arith.addf %get3A_1448, %gather3A_1449 : vector<16xf32>
        %swap3A_1451 = arith.constant 1 : i32
        %swap3A_1452 = arith.index_cast %swap3A_1451 : i32 to index
        %swap3A_1453 = arith.index_cast %add3A_1412 : i32 to index
        %swap3A_1454 = arith.constant 32 : index
        %swap3A_1455 = tpu.vector_load %arg11[%swap3A_1452, %swap3A_1453, %swap3A_1454] {strides = array<i32>} : memref<2x200x64xf32, #tpu.memory_space<vmem>>, vector<16xf32>,
        tpu.vector_store %arg11[%swap3A_1452, %swap3A_1453, %swap3A_1454], %add3A_1450 {strides = array<i32>} : memref<2x200x64xf32, #tpu.memory_space<vmem>>, vector<16xf32>,
        %add3A_1456 = arith.addf %add3A_1397, %add3A_1450 : vector<16xf32>
        %get3A_1457 = arith.constant 1 : i32
        %get3A_1458 = arith.index_cast %get3A_1457 : i32 to index
        %get3A_1459 = arith.index_cast %add3A_1412 : i32 to index
        %get3A_1460 = arith.constant 48 : index
        %get3A_1461 = tpu.vector_load %arg10[%get3A_1458, %get3A_1459, %get3A_1460] {strides = array<i32>} : memref<2x200x64xf32, #tpu.memory_space<vmem>>, vector<16xf32>,
        %gather3A_1462 = tpu.vector_load_idx %arg12[%gather3A_1417, %add3A_17] : memref<200x64xf32, #tpu.memory_space<vmem>>[vector<16xi32>, vector<16xi32>], vector<16xf32>,
        %add3A_1463 = arith.addf %get3A_1461, %gather3A_1462 : vector<16xf32>
        %swap3A_1464 = arith.constant 1 : i32
        %swap3A_1465 = arith.index_cast %swap3A_1464 : i32 to index
        %swap3A_1466 = arith.index_cast %add3A_1412 : i32 to index
        %swap3A_1467 = arith.constant 48 : index
        %swap3A_1468 = tpu.vector_load %arg11[%swap3A_1465, %swap3A_1466, %swap3A_1467] {strides = array<i32>} : memref<2x200x64xf32, #tpu.memory_space<vmem>>, vector<16xf32>,
        tpu.vector_store %arg11[%swap3A_1465, %swap3A_1466, %swap3A_1467], %add3A_1463 {strides = array<i32>} : memref<2x200x64xf32, #tpu.memory_space<vmem>>, vector<16xf32>,
        %add3A_1469 = arith.addf %add3A_1410, %add3A_1463 : vector<16xf32>
        %add3A_1470 = arith.constant 3 : i32
        %add3A_1471 = arith.addi %multiple_of3A, %add3A_1470 : i32
        %broadcast_in_dim3A_1472 = arith.constant 3 : i32
        %broadcast_in_dim3A_1473 = vector.broadcast %broadcast_in_dim3A_1472 : i32 to vector<16xi32>
        %broadcast_in_dim3A_1474 = vector.shape_cast %broadcast_in_dim3A_1473 : vector<16xi32> to vector<16x1xi32>
        %gather3A_1475 = vector.shape_cast %broadcast_in_dim3A_1474 : vector<16x1xi32> to vector<16xi32>
        %gather3A_1476 = tpu.dynamic_gather %get3A_1292[%gather3A_1475] in [0] : vector<16xi32>, vector<16xi32> -> vector<16xi32>
        %get3A_1477 = arith.constant 1 : i32
        %get3A_1478 = arith.index_cast %get3A_1477 : i32 to index
        %get3A_1479 = arith.index_cast %add3A_1471 : i32 to index
        %get3A_1480 = arith.constant 0 : index
        %get3A_1481 = tpu.vector_load %arg10[%get3A_1478, %get3A_1479, %get3A_1480] {strides = array<i32>} : memref<2x200x64xf32, #tpu.memory_space<vmem>>, vector<16xf32>,
        %gather3A_1482 = tpu.vector_load_idx %arg12[%gather3A_1476, %add3A_5] : memref<200x64xf32, #tpu.memory_space<vmem>>[vector<16xi32>, vector<16xi32>], vector<16xf32>,
        %add3A_1483 = arith.addf %get3A_1481, %gather3A_1482 : vector<16xf32>
        %swap3A_1484 = arith.constant 1 : i32
        %swap3A_1485 = arith.index_cast %swap3A_1484 : i32 to index
        %swap3A_1486 = arith.index_cast %add3A_1471 : i32 to index
        %swap3A_1487 = arith.constant 0 : index
        %swap3A_1488 = tpu.vector_load %arg11[%swap3A_1485, %swap3A_1486, %swap3A_1487] {strides = array<i32>} : memref<2x200x64xf32, #tpu.memory_space<vmem>>, vector<16xf32>,
        tpu.vector_store %arg11[%swap3A_1485, %swap3A_1486, %swap3A_1487], %add3A_1483 {strides = array<i32>} : memref<2x200x64xf32, #tpu.memory_space<vmem>>, vector<16xf32>,
        %add3A_1489 = arith.addf %add3A_1430, %add3A_1483 : vector<16xf32>
        %get3A_1490 = arith.constant 1 : i32
        %get3A_1491 = arith.index_cast %get3A_1490 : i32 to index
        %get3A_1492 = arith.index_cast %add3A_1471 : i32 to index
        %get3A_1493 = arith.constant 16 : index
        %get3A_1494 = tpu.vector_load %arg10[%get3A_1491, %get3A_1492, %get3A_1493] {strides = array<i32>} : memref<2x200x64xf32, #tpu.memory_space<vmem>>, vector<16xf32>,
        %gather3A_1495 = tpu.vector_load_idx %arg12[%gather3A_1476, %add3A_9] : memref<200x64xf32, #tpu.memory_space<vmem>>[vector<16xi32>, vector<16xi32>], vector<16xf32>,
        %add3A_1496 = arith.addf %get3A_1494, %gather3A_1495 : vector<16xf32>
        %swap3A_1497 = arith.constant 1 : i32
        %swap3A_1498 = arith.index_cast %swap3A_1497 : i32 to index
        %swap3A_1499 = arith.index_cast %add3A_1471 : i32 to index
        %swap3A_1500 = arith.constant 16 : index
        %swap3A_1501 = tpu.vector_load %arg11[%swap3A_1498, %swap3A_1499, %swap3A_1500] {strides = array<i32>} : memref<2x200x64xf32, #tpu.memory_space<vmem>>, vector<16xf32>,
        tpu.vector_store %arg11[%swap3A_1498, %swap3A_1499, %swap3A_1500], %add3A_1496 {strides = array<i32>} : memref<2x200x64xf32, #tpu.memory_space<vmem>>, vector<16xf32>,
        %add3A_1502 = arith.addf %add3A_1443, %add3A_1496 : vector<16xf32>
        %get3A_1503 = arith.constant 1 : i32
        %get3A_1504 = arith.index_cast %get3A_1503 : i32 to index
        %get3A_1505 = arith.index_cast %add3A_1471 : i32 to index
        %get3A_1506 = arith.constant 32 : index
        %get3A_1507 = tpu.vector_load %arg10[%get3A_1504, %get3A_1505, %get3A_1506] {strides = array<i32>} : memref<2x200x64xf32, #tpu.memory_space<vmem>>, vector<16xf32>,
        %gather3A_1508 = tpu.vector_load_idx %arg12[%gather3A_1476, %add3A_13] : memref<200x64xf32, #tpu.memory_space<vmem>>[vector<16xi32>, vector<16xi32>], vector<16xf32>,
        %add3A_1509 = arith.addf %get3A_1507, %gather3A_1508 : vector<16xf32>
        %swap3A_1510 = arith.constant 1 : i32
        %swap3A_1511 = arith.index_cast %swap3A_1510 : i32 to index
        %swap3A_1512 = arith.index_cast %add3A_1471 : i32 to index
        %swap3A_1513 = arith.constant 32 : index
        %swap3A_1514 = tpu.vector_load %arg11[%swap3A_1511, %swap3A_1512, %swap3A_1513] {strides = array<i32>} : memref<2x200x64xf32, #tpu.memory_space<vmem>>, vector<16xf32>,
        tpu.vector_store %arg11[%swap3A_1511, %swap3A_1512, %swap3A_1513], %add3A_1509 {strides = array<i32>} : memref<2x200x64xf32, #tpu.memory_space<vmem>>, vector<16xf32>,
        %add3A_1515 = arith.addf %add3A_1456, %add3A_1509 : vector<16xf32>
        %get3A_1516 = arith.constant 1 : i32
        %get3A_1517 = arith.index_cast %get3A_1516 : i32 to index
        %get3A_1518 = arith.index_cast %add3A_1471 : i32 to index
        %get3A_1519 = arith.constant 48 : index
        %get3A_1520 = tpu.vector_load %arg10[%get3A_1517, %get3A_1518, %get3A_1519] {strides = array<i32>} : memref<2x200x64xf32, #tpu.memory_space<vmem>>, vector<16xf32>,
        %gather3A_1521 = tpu.vector_load_idx %arg12[%gather3A_1476, %add3A_17] : memref<200x64xf32, #tpu.memory_space<vmem>>[vector<16xi32>, vector<16xi32>], vector<16xf32>,
        %add3A_1522 = arith.addf %get3A_1520, %gather3A_1521 : vector<16xf32>
        %swap3A_1523 = arith.constant 1 : i32
        %swap3A_1524 = arith.index_cast %swap3A_1523 : i32 to index
        %swap3A_1525 = arith.index_cast %add3A_1471 : i32 to index
        %swap3A_1526 = arith.constant 48 : index
        %swap3A_1527 = tpu.vector_load %arg11[%swap3A_1524, %swap3A_1525, %swap3A_1526] {strides = array<i32>} : memref<2x200x64xf32, #tpu.memory_space<vmem>>, vector<16xf32>,
        tpu.vector_store %arg11[%swap3A_1524, %swap3A_1525, %swap3A_1526], %add3A_1522 {strides = array<i32>} : memref<2x200x64xf32, #tpu.memory_space<vmem>>, vector<16xf32>,
        %add3A_1528 = arith.addf %add3A_1469, %add3A_1522 : vector<16xf32>
        %add3A_1529 = arith.constant 4 : i32
        %add3A_1530 = arith.addi %multiple_of3A, %add3A_1529 : i32
        %broadcast_in_dim3A_1531 = arith.constant 4 : i32
        %broadcast_in_dim3A_1532 = vector.broadcast %broadcast_in_dim3A_1531 : i32 to vector<16xi32>
        %broadcast_in_dim3A_1533 = vector.shape_cast %broadcast_in_dim3A_1532 : vector<16xi32> to vector<16x1xi32>
        %gather3A_1534 = vector.shape_cast %broadcast_in_dim3A_1533 : vector<16x1xi32> to vector<16xi32>
        %gather3A_1535 = tpu.dynamic_gather %get3A_1292[%gather3A_1534] in [0] : vector<16xi32>, vector<16xi32> -> vector<16xi32>
        %get3A_1536 = arith.constant 1 : i32
        %get3A_1537 = arith.index_cast %get3A_1536 : i32 to index
        %get3A_1538 = arith.index_cast %add3A_1530 : i32 to index
        %get3A_1539 = arith.constant 0 : index
        %get3A_1540 = tpu.vector_load %arg10[%get3A_1537, %get3A_1538, %get3A_1539] {strides = array<i32>} : memref<2x200x64xf32, #tpu.memory_space<vmem>>, vector<16xf32>,
        %gather3A_1541 = tpu.vector_load_idx %arg12[%gather3A_1535, %add3A_5] : memref<200x64xf32, #tpu.memory_space<vmem>>[vector<16xi32>, vector<16xi32>], vector<16xf32>,
        %add3A_1542 = arith.addf %get3A_1540, %gather3A_1541 : vector<16xf32>
        %swap3A_1543 = arith.constant 1 : i32
        %swap3A_1544 = arith.index_cast %swap3A_1543 : i32 to index
        %swap3A_1545 = arith.index_cast %add3A_1530 : i32 to index
        %swap3A_1546 = arith.constant 0 : index
        %swap3A_1547 = tpu.vector_load %arg11[%swap3A_1544, %swap3A_1545, %swap3A_1546] {strides = array<i32>} : memref<2x200x64xf32, #tpu.memory_space<vmem>>, vector<16xf32>,
        tpu.vector_store %arg11[%swap3A_1544, %swap3A_1545, %swap3A_1546], %add3A_1542 {strides = array<i32>} : memref<2x200x64xf32, #tpu.memory_space<vmem>>, vector<16xf32>,
        %add3A_1548 = arith.addf %add3A_1489, %add3A_1542 : vector<16xf32>
        %get3A_1549 = arith.constant 1 : i32
        %get3A_1550 = arith.index_cast %get3A_1549 : i32 to index
        %get3A_1551 = arith.index_cast %add3A_1530 : i32 to index
        %get3A_1552 = arith.constant 16 : index
        %get3A_1553 = tpu.vector_load %arg10[%get3A_1550, %get3A_1551, %get3A_1552] {strides = array<i32>} : memref<2x200x64xf32, #tpu.memory_space<vmem>>, vector<16xf32>,
        %gather3A_1554 = tpu.vector_load_idx %arg12[%gather3A_1535, %add3A_9] : memref<200x64xf32, #tpu.memory_space<vmem>>[vector<16xi32>, vector<16xi32>], vector<16xf32>,
        %add3A_1555 = arith.addf %get3A_1553, %gather3A_1554 : vector<16xf32>
        %swap3A_1556 = arith.constant 1 : i32
        %swap3A_1557 = arith.index_cast %swap3A_1556 : i32 to index
        %swap3A_1558 = arith.index_cast %add3A_1530 : i32 to index
        %swap3A_1559 = arith.constant 16 : index
        %swap3A_1560 = tpu.vector_load %arg11[%swap3A_1557, %swap3A_1558, %swap3A_1559] {strides = array<i32>} : memref<2x200x64xf32, #tpu.memory_space<vmem>>, vector<16xf32>,
        tpu.vector_store %arg11[%swap3A_1557, %swap3A_1558, %swap3A_1559], %add3A_1555 {strides = array<i32>} : memref<2x200x64xf32, #tpu.memory_space<vmem>>, vector<16xf32>,
        %add3A_1561 = arith.addf %add3A_1502, %add3A_1555 : vector<16xf32>
        %get3A_1562 = arith.constant 1 : i32
        %get3A_1563 = arith.index_cast %get3A_1562 : i32 to index
        %get3A_1564 = arith.index_cast %add3A_1530 : i32 to index
        %get3A_1565 = arith.constant 32 : index
        %get3A_1566 = tpu.vector_load %arg10[%get3A_1563, %get3A_1564, %get3A_1565] {strides = array<i32>} : memref<2x200x64xf32, #tpu.memory_space<vmem>>, vector<16xf32>,
        %gather3A_1567 = tpu.vector_load_idx %arg12[%gather3A_1535, %add3A_13] : memref<200x64xf32, #tpu.memory_space<vmem>>[vector<16xi32>, vector<16xi32>], vector<16xf32>,
        %add3A_1568 = arith.addf %get3A_1566, %gather3A_1567 : vector<16xf32>
        %swap3A_1569 = arith.constant 1 : i32
        %swap3A_1570 = arith.index_cast %swap3A_1569 : i32 to index
        %swap3A_1571 = arith.index_cast %add3A_1530 : i32 to index
        %swap3A_1572 = arith.constant 32 : index
        %swap3A_1573 = tpu.vector_load %arg11[%swap3A_1570, %swap3A_1571, %swap3A_1572] {strides = array<i32>} : memref<2x200x64xf32, #tpu.memory_space<vmem>>, vector<16xf32>,
        tpu.vector_store %arg11[%swap3A_1570, %swap3A_1571, %swap3A_1572], %add3A_1568 {strides = array<i32>} : memref<2x200x64xf32, #tpu.memory_space<vmem>>, vector<16xf32>,
        %add3A_1574 = arith.addf %add3A_1515, %add3A_1568 : vector<16xf32>
        %get3A_1575 = arith.constant 1 : i32
        %get3A_1576 = arith.index_cast %get3A_1575 : i32 to index
        %get3A_1577 = arith.index_cast %add3A_1530 : i32 to index
        %get3A_1578 = arith.constant 48 : index
        %get3A_1579 = tpu.vector_load %arg10[%get3A_1576, %get3A_1577, %get3A_1578] {strides = array<i32>} : memref<2x200x64xf32, #tpu.memory_space<vmem>>, vector<16xf32>,
        %gather3A_1580 = tpu.vector_load_idx %arg12[%gather3A_1535, %add3A_17] : memref<200x64xf32, #tpu.memory_space<vmem>>[vector<16xi32>, vector<16xi32>], vector<16xf32>,
        %add3A_1581 = arith.addf %get3A_1579, %gather3A_1580 : vector<16xf32>
        %swap3A_1582 = arith.constant 1 : i32
        %swap3A_1583 = arith.index_cast %swap3A_1582 : i32 to index
        %swap3A_1584 = arith.index_cast %add3A_1530 : i32 to index
        %swap3A_1585 = arith.constant 48 : index
        %swap3A_1586 = tpu.vector_load %arg11[%swap3A_1583, %swap3A_1584, %swap3A_1585] {strides = array<i32>} : memref<2x200x64xf32, #tpu.memory_space<vmem>>, vector<16xf32>,
        tpu.vector_store %arg11[%swap3A_1583, %swap3A_1584, %swap3A_1585], %add3A_1581 {strides = array<i32>} : memref<2x200x64xf32, #tpu.memory_space<vmem>>, vector<16xf32>,
        %add3A_1587 = arith.addf %add3A_1528, %add3A_1581 : vector<16xf32>
        %add3A_1588 = arith.constant 5 : i32
        %add3A_1589 = arith.addi %multiple_of3A, %add3A_1588 : i32
        %broadcast_in_dim3A_1590 = arith.constant 5 : i32
        %broadcast_in_dim3A_1591 = vector.broadcast %broadcast_in_dim3A_1590 : i32 to vector<16xi32>
        %broadcast_in_dim3A_1592 = vector.shape_cast %broadcast_in_dim3A_1591 : vector<16xi32> to vector<16x1xi32>
        %gather3A_1593 = vector.shape_cast %broadcast_in_dim3A_1592 : vector<16x1xi32> to vector<16xi32>
        %gather3A_1594 = tpu.dynamic_gather %get3A_1292[%gather3A_1593] in [0] : vector<16xi32>, vector<16xi32> -> vector<16xi32>
        %get3A_1595 = arith.constant 1 : i32
        %get3A_1596 = arith.index_cast %get3A_1595 : i32 to index
        %get3A_1597 = arith.index_cast %add3A_1589 : i32 to index
        %get3A_1598 = arith.constant 0 : index
        %get3A_1599 = tpu.vector_load %arg10[%get3A_1596, %get3A_1597, %get3A_1598] {strides = array<i32>} : memref<2x200x64xf32, #tpu.memory_space<vmem>>, vector<16xf32>,
        %gather3A_1600 = tpu.vector_load_idx %arg12[%gather3A_1594, %add3A_5] : memref<200x64xf32, #tpu.memory_space<vmem>>[vector<16xi32>, vector<16xi32>], vector<16xf32>,
        %add3A_1601 = arith.addf %get3A_1599, %gather3A_1600 : vector<16xf32>
        %swap3A_1602 = arith.constant 1 : i32
        %swap3A_1603 = arith.index_cast %swap3A_1602 : i32 to index
        %swap3A_1604 = arith.index_cast %add3A_1589 : i32 to index
        %swap3A_1605 = arith.constant 0 : index
        %swap3A_1606 = tpu.vector_load %arg11[%swap3A_1603, %swap3A_1604, %swap3A_1605] {strides = array<i32>} : memref<2x200x64xf32, #tpu.memory_space<vmem>>, vector<16xf32>,
        tpu.vector_store %arg11[%swap3A_1603, %swap3A_1604, %swap3A_1605], %add3A_1601 {strides = array<i32>} : memref<2x200x64xf32, #tpu.memory_space<vmem>>, vector<16xf32>,
        %add3A_1607 = arith.addf %add3A_1548, %add3A_1601 : vector<16xf32>
        %get3A_1608 = arith.constant 1 : i32
        %get3A_1609 = arith.index_cast %get3A_1608 : i32 to index
        %get3A_1610 = arith.index_cast %add3A_1589 : i32 to index
        %get3A_1611 = arith.constant 16 : index
        %get3A_1612 = tpu.vector_load %arg10[%get3A_1609, %get3A_1610, %get3A_1611] {strides = array<i32>} : memref<2x200x64xf32, #tpu.memory_space<vmem>>, vector<16xf32>,
        %gather3A_1613 = tpu.vector_load_idx %arg12[%gather3A_1594, %add3A_9] : memref<200x64xf32, #tpu.memory_space<vmem>>[vector<16xi32>, vector<16xi32>], vector<16xf32>,
        %add3A_1614 = arith.addf %get3A_1612, %gather3A_1613 : vector<16xf32>
        %swap3A_1615 = arith.constant 1 : i32
        %swap3A_1616 = arith.index_cast %swap3A_1615 : i32 to index
        %swap3A_1617 = arith.index_cast %add3A_1589 : i32 to index
        %swap3A_1618 = arith.constant 16 : index
        %swap3A_1619 = tpu.vector_load %arg11[%swap3A_1616, %swap3A_1617, %swap3A_1618] {strides = array<i32>} : memref<2x200x64xf32, #tpu.memory_space<vmem>>, vector<16xf32>,
        tpu.vector_store %arg11[%swap3A_1616, %swap3A_1617, %swap3A_1618], %add3A_1614 {strides = array<i32>} : memref<2x200x64xf32, #tpu.memory_space<vmem>>, vector<16xf32>,
        %add3A_1620 = arith.addf %add3A_1561, %add3A_1614 : vector<16xf32>
        %get3A_1621 = arith.constant 1 : i32
        %get3A_1622 = arith.index_cast %get3A_1621 : i32 to index
        %get3A_1623 = arith.index_cast %add3A_1589 : i32 to index
        %get3A_1624 = arith.constant 32 : index
        %get3A_1625 = tpu.vector_load %arg10[%get3A_1622, %get3A_1623, %get3A_1624] {strides = array<i32>} : memref<2x200x64xf32, #tpu.memory_space<vmem>>, vector<16xf32>,
        %gather3A_1626 = tpu.vector_load_idx %arg12[%gather3A_1594, %add3A_13] : memref<200x64xf32, #tpu.memory_space<vmem>>[vector<16xi32>, vector<16xi32>], vector<16xf32>,
        %add3A_1627 = arith.addf %get3A_1625, %gather3A_1626 : vector<16xf32>
        %swap3A_1628 = arith.constant 1 : i32
        %swap3A_1629 = arith.index_cast %swap3A_1628 : i32 to index
        %swap3A_1630 = arith.index_cast %add3A_1589 : i32 to index
        %swap3A_1631 = arith.constant 32 : index
        %swap3A_1632 = tpu.vector_load %arg11[%swap3A_1629, %swap3A_1630, %swap3A_1631] {strides = array<i32>} : memref<2x200x64xf32, #tpu.memory_space<vmem>>, vector<16xf32>,
        tpu.vector_store %arg11[%swap3A_1629, %swap3A_1630, %swap3A_1631], %add3A_1627 {strides = array<i32>} : memref<2x200x64xf32, #tpu.memory_space<vmem>>, vector<16xf32>,
        %add3A_1633 = arith.addf %add3A_1574, %add3A_1627 : vector<16xf32>
        %get3A_1634 = arith.constant 1 : i32
        %get3A_1635 = arith.index_cast %get3A_1634 : i32 to index
        %get3A_1636 = arith.index_cast %add3A_1589 : i32 to index
        %get3A_1637 = arith.constant 48 : index
        %get3A_1638 = tpu.vector_load %arg10[%get3A_1635, %get3A_1636, %get3A_1637] {strides = array<i32>} : memref<2x200x64xf32, #tpu.memory_space<vmem>>, vector<16xf32>,
        %gather3A_1639 = tpu.vector_load_idx %arg12[%gather3A_1594, %add3A_17] : memref<200x64xf32, #tpu.memory_space<vmem>>[vector<16xi32>, vector<16xi32>], vector<16xf32>,
        %add3A_1640 = arith.addf %get3A_1638, %gather3A_1639 : vector<16xf32>
        %swap3A_1641 = arith.constant 1 : i32
        %swap3A_1642 = arith.index_cast %swap3A_1641 : i32 to index
        %swap3A_1643 = arith.index_cast %add3A_1589 : i32 to index
        %swap3A_1644 = arith.constant 48 : index
        %swap3A_1645 = tpu.vector_load %arg11[%swap3A_1642, %swap3A_1643, %swap3A_1644] {strides = array<i32>} : memref<2x200x64xf32, #tpu.memory_space<vmem>>, vector<16xf32>,
        tpu.vector_store %arg11[%swap3A_1642, %swap3A_1643, %swap3A_1644], %add3A_1640 {strides = array<i32>} : memref<2x200x64xf32, #tpu.memory_space<vmem>>, vector<16xf32>,
        %add3A_1646 = arith.addf %add3A_1587, %add3A_1640 : vector<16xf32>
        %add3A_1647 = arith.constant 6 : i32
        %add3A_1648 = arith.addi %multiple_of3A, %add3A_1647 : i32
        %broadcast_in_dim3A_1649 = arith.constant 6 : i32
        %broadcast_in_dim3A_1650 = vector.broadcast %broadcast_in_dim3A_1649 : i32 to vector<16xi32>
        %broadcast_in_dim3A_1651 = vector.shape_cast %broadcast_in_dim3A_1650 : vector<16xi32> to vector<16x1xi32>
        %gather3A_1652 = vector.shape_cast %broadcast_in_dim3A_1651 : vector<16x1xi32> to vector<16xi32>
        %gather3A_1653 = tpu.dynamic_gather %get3A_1292[%gather3A_1652] in [0] : vector<16xi32>, vector<16xi32> -> vector<16xi32>
        %get3A_1654 = arith.constant 1 : i32
        %get3A_1655 = arith.index_cast %get3A_1654 : i32 to index
        %get3A_1656 = arith.index_cast %add3A_1648 : i32 to index
        %get3A_1657 = arith.constant 0 : index
        %get3A_1658 = tpu.vector_load %arg10[%get3A_1655, %get3A_1656, %get3A_1657] {strides = array<i32>} : memref<2x200x64xf32, #tpu.memory_space<vmem>>, vector<16xf32>,
        %gather3A_1659 = tpu.vector_load_idx %arg12[%gather3A_1653, %add3A_5] : memref<200x64xf32, #tpu.memory_space<vmem>>[vector<16xi32>, vector<16xi32>], vector<16xf32>,
        %add3A_1660 = arith.addf %get3A_1658, %gather3A_1659 : vector<16xf32>
        %swap3A_1661 = arith.constant 1 : i32
        %swap3A_1662 = arith.index_cast %swap3A_1661 : i32 to index
        %swap3A_1663 = arith.index_cast %add3A_1648 : i32 to index
        %swap3A_1664 = arith.constant 0 : index
        %swap3A_1665 = tpu.vector_load %arg11[%swap3A_1662, %swap3A_1663, %swap3A_1664] {strides = array<i32>} : memref<2x200x64xf32, #tpu.memory_space<vmem>>, vector<16xf32>,
        tpu.vector_store %arg11[%swap3A_1662, %swap3A_1663, %swap3A_1664], %add3A_1660 {strides = array<i32>} : memref<2x200x64xf32, #tpu.memory_space<vmem>>, vector<16xf32>,
        %add3A_1666 = arith.addf %add3A_1607, %add3A_1660 : vector<16xf32>
        %get3A_1667 = arith.constant 1 : i32
        %get3A_1668 = arith.index_cast %get3A_1667 : i32 to index
        %get3A_1669 = arith.index_cast %add3A_1648 : i32 to index
        %get3A_1670 = arith.constant 16 : index
        %get3A_1671 = tpu.vector_load %arg10[%get3A_1668, %get3A_1669, %get3A_1670] {strides = array<i32>} : memref<2x200x64xf32, #tpu.memory_space<vmem>>, vector<16xf32>,
        %gather3A_1672 = tpu.vector_load_idx %arg12[%gather3A_1653, %add3A_9] : memref<200x64xf32, #tpu.memory_space<vmem>>[vector<16xi32>, vector<16xi32>], vector<16xf32>,
        %add3A_1673 = arith.addf %get3A_1671, %gather3A_1672 : vector<16xf32>
        %swap3A_1674 = arith.constant 1 : i32
        %swap3A_1675 = arith.index_cast %swap3A_1674 : i32 to index
        %swap3A_1676 = arith.index_cast %add3A_1648 : i32 to index
        %swap3A_1677 = arith.constant 16 : index
        %swap3A_1678 = tpu.vector_load %arg11[%swap3A_1675, %swap3A_1676, %swap3A_1677] {strides = array<i32>} : memref<2x200x64xf32, #tpu.memory_space<vmem>>, vector<16xf32>,
        tpu.vector_store %arg11[%swap3A_1675, %swap3A_1676, %swap3A_1677], %add3A_1673 {strides = array<i32>} : memref<2x200x64xf32, #tpu.memory_space<vmem>>, vector<16xf32>,
        %add3A_1679 = arith.addf %add3A_1620, %add3A_1673 : vector<16xf32>
        %get3A_1680 = arith.constant 1 : i32
        %get3A_1681 = arith.index_cast %get3A_1680 : i32 to index
        %get3A_1682 = arith.index_cast %add3A_1648 : i32 to index
        %get3A_1683 = arith.constant 32 : index
        %get3A_1684 = tpu.vector_load %arg10[%get3A_1681, %get3A_1682, %get3A_1683] {strides = array<i32>} : memref<2x200x64xf32, #tpu.memory_space<vmem>>, vector<16xf32>,
        %gather3A_1685 = tpu.vector_load_idx %arg12[%gather3A_1653, %add3A_13] : memref<200x64xf32, #tpu.memory_space<vmem>>[vector<16xi32>, vector<16xi32>], vector<16xf32>,
        %add3A_1686 = arith.addf %get3A_1684, %gather3A_1685 : vector<16xf32>
        %swap3A_1687 = arith.constant 1 : i32
        %swap3A_1688 = arith.index_cast %swap3A_1687 : i32 to index
        %swap3A_1689 = arith.index_cast %add3A_1648 : i32 to index
        %swap3A_1690 = arith.constant 32 : index
        %swap3A_1691 = tpu.vector_load %arg11[%swap3A_1688, %swap3A_1689, %swap3A_1690] {strides = array<i32>} : memref<2x200x64xf32, #tpu.memory_space<vmem>>, vector<16xf32>,
        tpu.vector_store %arg11[%swap3A_1688, %swap3A_1689, %swap3A_1690], %add3A_1686 {strides = array<i32>} : memref<2x200x64xf32, #tpu.memory_space<vmem>>, vector<16xf32>,
        %add3A_1692 = arith.addf %add3A_1633, %add3A_1686 : vector<16xf32>
        %get3A_1693 = arith.constant 1 : i32
        %get3A_1694 = arith.index_cast %get3A_1693 : i32 to index
        %get3A_1695 = arith.index_cast %add3A_1648 : i32 to index
        %get3A_1696 = arith.constant 48 : index
        %get3A_1697 = tpu.vector_load %arg10[%get3A_1694, %get3A_1695, %get3A_1696] {strides = array<i32>} : memref<2x200x64xf32, #tpu.memory_space<vmem>>, vector<16xf32>,
        %gather3A_1698 = tpu.vector_load_idx %arg12[%gather3A_1653, %add3A_17] : memref<200x64xf32, #tpu.memory_space<vmem>>[vector<16xi32>, vector<16xi32>], vector<16xf32>,
        %add3A_1699 = arith.addf %get3A_1697, %gather3A_1698 : vector<16xf32>
        %swap3A_1700 = arith.constant 1 : i32
        %swap3A_1701 = arith.index_cast %swap3A_1700 : i32 to index
        %swap3A_1702 = arith.index_cast %add3A_1648 : i32 to index
        %swap3A_1703 = arith.constant 48 : index
        %swap3A_1704 = tpu.vector_load %arg11[%swap3A_1701, %swap3A_1702, %swap3A_1703] {strides = array<i32>} : memref<2x200x64xf32, #tpu.memory_space<vmem>>, vector<16xf32>,
        tpu.vector_store %arg11[%swap3A_1701, %swap3A_1702, %swap3A_1703], %add3A_1699 {strides = array<i32>} : memref<2x200x64xf32, #tpu.memory_space<vmem>>, vector<16xf32>,
        %add3A_1705 = arith.addf %add3A_1646, %add3A_1699 : vector<16xf32>
        %add3A_1706 = arith.constant 7 : i32
        %add3A_1707 = arith.addi %multiple_of3A, %add3A_1706 : i32
        %broadcast_in_dim3A_1708 = arith.constant 7 : i32
        %broadcast_in_dim3A_1709 = vector.broadcast %broadcast_in_dim3A_1708 : i32 to vector<16xi32>
        %broadcast_in_dim3A_1710 = vector.shape_cast %broadcast_in_dim3A_1709 : vector<16xi32> to vector<16x1xi32>
        %gather3A_1711 = vector.shape_cast %broadcast_in_dim3A_1710 : vector<16x1xi32> to vector<16xi32>
        %gather3A_1712 = tpu.dynamic_gather %get3A_1292[%gather3A_1711] in [0] : vector<16xi32>, vector<16xi32> -> vector<16xi32>
        %get3A_1713 = arith.constant 1 : i32
        %get3A_1714 = arith.index_cast %get3A_1713 : i32 to index
        %get3A_1715 = arith.index_cast %add3A_1707 : i32 to index
        %get3A_1716 = arith.constant 0 : index
        %get3A_1717 = tpu.vector_load %arg10[%get3A_1714, %get3A_1715, %get3A_1716] {strides = array<i32>} : memref<2x200x64xf32, #tpu.memory_space<vmem>>, vector<16xf32>,
        %gather3A_1718 = tpu.vector_load_idx %arg12[%gather3A_1712, %add3A_5] : memref<200x64xf32, #tpu.memory_space<vmem>>[vector<16xi32>, vector<16xi32>], vector<16xf32>,
        %add3A_1719 = arith.addf %get3A_1717, %gather3A_1718 : vector<16xf32>
        %swap3A_1720 = arith.constant 1 : i32
        %swap3A_1721 = arith.index_cast %swap3A_1720 : i32 to index
        %swap3A_1722 = arith.index_cast %add3A_1707 : i32 to index
        %swap3A_1723 = arith.constant 0 : index
        %swap3A_1724 = tpu.vector_load %arg11[%swap3A_1721, %swap3A_1722, %swap3A_1723] {strides = array<i32>} : memref<2x200x64xf32, #tpu.memory_space<vmem>>, vector<16xf32>,
        tpu.vector_store %arg11[%swap3A_1721, %swap3A_1722, %swap3A_1723], %add3A_1719 {strides = array<i32>} : memref<2x200x64xf32, #tpu.memory_space<vmem>>, vector<16xf32>,
        %add3A_1725 = arith.addf %add3A_1666, %add3A_1719 : vector<16xf32>
        %get3A_1726 = arith.constant 1 : i32
        %get3A_1727 = arith.index_cast %get3A_1726 : i32 to index
        %get3A_1728 = arith.index_cast %add3A_1707 : i32 to index
        %get3A_1729 = arith.constant 16 : index
        %get3A_1730 = tpu.vector_load %arg10[%get3A_1727, %get3A_1728, %get3A_1729] {strides = array<i32>} : memref<2x200x64xf32, #tpu.memory_space<vmem>>, vector<16xf32>,
        %gather3A_1731 = tpu.vector_load_idx %arg12[%gather3A_1712, %add3A_9] : memref<200x64xf32, #tpu.memory_space<vmem>>[vector<16xi32>, vector<16xi32>], vector<16xf32>,
        %add3A_1732 = arith.addf %get3A_1730, %gather3A_1731 : vector<16xf32>
        %swap3A_1733 = arith.constant 1 : i32
        %swap3A_1734 = arith.index_cast %swap3A_1733 : i32 to index
        %swap3A_1735 = arith.index_cast %add3A_1707 : i32 to index
        %swap3A_1736 = arith.constant 16 : index
        %swap3A_1737 = tpu.vector_load %arg11[%swap3A_1734, %swap3A_1735, %swap3A_1736] {strides = array<i32>} : memref<2x200x64xf32, #tpu.memory_space<vmem>>, vector<16xf32>,
        tpu.vector_store %arg11[%swap3A_1734, %swap3A_1735, %swap3A_1736], %add3A_1732 {strides = array<i32>} : memref<2x200x64xf32, #tpu.memory_space<vmem>>, vector<16xf32>,
        %add3A_1738 = arith.addf %add3A_1679, %add3A_1732 : vector<16xf32>
        %get3A_1739 = arith.constant 1 : i32
        %get3A_1740 = arith.index_cast %get3A_1739 : i32 to index
        %get3A_1741 = arith.index_cast %add3A_1707 : i32 to index
        %get3A_1742 = arith.constant 32 : index
        %get3A_1743 = tpu.vector_load %arg10[%get3A_1740, %get3A_1741, %get3A_1742] {strides = array<i32>} : memref<2x200x64xf32, #tpu.memory_space<vmem>>, vector<16xf32>,
        %gather3A_1744 = tpu.vector_load_idx %arg12[%gather3A_1712, %add3A_13] : memref<200x64xf32, #tpu.memory_space<vmem>>[vector<16xi32>, vector<16xi32>], vector<16xf32>,
        %add3A_1745 = arith.addf %get3A_1743, %gather3A_1744 : vector<16xf32>
        %swap3A_1746 = arith.constant 1 : i32
        %swap3A_1747 = arith.index_cast %swap3A_1746 : i32 to index
        %swap3A_1748 = arith.index_cast %add3A_1707 : i32 to index
        %swap3A_1749 = arith.constant 32 : index
        %swap3A_1750 = tpu.vector_load %arg11[%swap3A_1747, %swap3A_1748, %swap3A_1749] {strides = array<i32>} : memref<2x200x64xf32, #tpu.memory_space<vmem>>, vector<16xf32>,
        tpu.vector_store %arg11[%swap3A_1747, %swap3A_1748, %swap3A_1749], %add3A_1745 {strides = array<i32>} : memref<2x200x64xf32, #tpu.memory_space<vmem>>, vector<16xf32>,
        %add3A_1751 = arith.addf %add3A_1692, %add3A_1745 : vector<16xf32>
        %get3A_1752 = arith.constant 1 : i32
        %get3A_1753 = arith.index_cast %get3A_1752 : i32 to index
        %get3A_1754 = arith.index_cast %add3A_1707 : i32 to index
        %get3A_1755 = arith.constant 48 : index
        %get3A_1756 = tpu.vector_load %arg10[%get3A_1753, %get3A_1754, %get3A_1755] {strides = array<i32>} : memref<2x200x64xf32, #tpu.memory_space<vmem>>, vector<16xf32>,
        %gather3A_1757 = tpu.vector_load_idx %arg12[%gather3A_1712, %add3A_17] : memref<200x64xf32, #tpu.memory_space<vmem>>[vector<16xi32>, vector<16xi32>], vector<16xf32>,
        %add3A_1758 = arith.addf %get3A_1756, %gather3A_1757 : vector<16xf32>
        %swap3A_1759 = arith.constant 1 : i32
        %swap3A_1760 = arith.index_cast %swap3A_1759 : i32 to index
        %swap3A_1761 = arith.index_cast %add3A_1707 : i32 to index
        %swap3A_1762 = arith.constant 48 : index
        %swap3A_1763 = tpu.vector_load %arg11[%swap3A_1760, %swap3A_1761, %swap3A_1762] {strides = array<i32>} : memref<2x200x64xf32, #tpu.memory_space<vmem>>, vector<16xf32>,
        tpu.vector_store %arg11[%swap3A_1760, %swap3A_1761, %swap3A_1762], %add3A_1758 {strides = array<i32>} : memref<2x200x64xf32, #tpu.memory_space<vmem>>, vector<16xf32>,
        %add3A_1764 = arith.addf %add3A_1705, %add3A_1758 : vector<16xf32>
        %add3A_1765 = arith.constant 8 : i32
        %add3A_1766 = arith.addi %multiple_of3A, %add3A_1765 : i32
        %broadcast_in_dim3A_1767 = arith.constant 8 : i32
        %broadcast_in_dim3A_1768 = vector.broadcast %broadcast_in_dim3A_1767 : i32 to vector<16xi32>
        %broadcast_in_dim3A_1769 = vector.shape_cast %broadcast_in_dim3A_1768 : vector<16xi32> to vector<16x1xi32>
        %gather3A_1770 = vector.shape_cast %broadcast_in_dim3A_1769 : vector<16x1xi32> to vector<16xi32>
        %gather3A_1771 = tpu.dynamic_gather %get3A_1292[%gather3A_1770] in [0] : vector<16xi32>, vector<16xi32> -> vector<16xi32>
        %get3A_1772 = arith.constant 1 : i32
        %get3A_1773 = arith.index_cast %get3A_1772 : i32 to index
        %get3A_1774 = arith.index_cast %add3A_1766 : i32 to index
        %get3A_1775 = arith.constant 0 : index
        %get3A_1776 = tpu.vector_load %arg10[%get3A_1773, %get3A_1774, %get3A_1775] {strides = array<i32>} : memref<2x200x64xf32, #tpu.memory_space<vmem>>, vector<16xf32>,
        %gather3A_1777 = tpu.vector_load_idx %arg12[%gather3A_1771, %add3A_5] : memref<200x64xf32, #tpu.memory_space<vmem>>[vector<16xi32>, vector<16xi32>], vector<16xf32>,
        %add3A_1778 = arith.addf %get3A_1776, %gather3A_1777 : vector<16xf32>
        %swap3A_1779 = arith.constant 1 : i32
        %swap3A_1780 = arith.index_cast %swap3A_1779 : i32 to index
        %swap3A_1781 = arith.index_cast %add3A_1766 : i32 to index
        %swap3A_1782 = arith.constant 0 : index
        %swap3A_1783 = tpu.vector_load %arg11[%swap3A_1780, %swap3A_1781, %swap3A_1782] {strides = array<i32>} : memref<2x200x64xf32, #tpu.memory_space<vmem>>, vector<16xf32>,
        tpu.vector_store %arg11[%swap3A_1780, %swap3A_1781, %swap3A_1782], %add3A_1778 {strides = array<i32>} : memref<2x200x64xf32, #tpu.memory_space<vmem>>, vector<16xf32>,
        %add3A_1784 = arith.addf %add3A_1725, %add3A_1778 : vector<16xf32>
        %get3A_1785 = arith.constant 1 : i32
        %get3A_1786 = arith.index_cast %get3A_1785 : i32 to index
        %get3A_1787 = arith.index_cast %add3A_1766 : i32 to index
        %get3A_1788 = arith.constant 16 : index
        %get3A_1789 = tpu.vector_load %arg10[%get3A_1786, %get3A_1787, %get3A_1788] {strides = array<i32>} : memref<2x200x64xf32, #tpu.memory_space<vmem>>, vector<16xf32>,
        %gather3A_1790 = tpu.vector_load_idx %arg12[%gather3A_1771, %add3A_9] : memref<200x64xf32, #tpu.memory_space<vmem>>[vector<16xi32>, vector<16xi32>], vector<16xf32>,
        %add3A_1791 = arith.addf %get3A_1789, %gather3A_1790 : vector<16xf32>
        %swap3A_1792 = arith.constant 1 : i32
        %swap3A_1793 = arith.index_cast %swap3A_1792 : i32 to index
        %swap3A_1794 = arith.index_cast %add3A_1766 : i32 to index
        %swap3A_1795 = arith.constant 16 : index
        %swap3A_1796 = tpu.vector_load %arg11[%swap3A_1793, %swap3A_1794, %swap3A_1795] {strides = array<i32>} : memref<2x200x64xf32, #tpu.memory_space<vmem>>, vector<16xf32>,
        tpu.vector_store %arg11[%swap3A_1793, %swap3A_1794, %swap3A_1795], %add3A_1791 {strides = array<i32>} : memref<2x200x64xf32, #tpu.memory_space<vmem>>, vector<16xf32>,
        %add3A_1797 = arith.addf %add3A_1738, %add3A_1791 : vector<16xf32>
        %get3A_1798 = arith.constant 1 : i32
        %get3A_1799 = arith.index_cast %get3A_1798 : i32 to index
        %get3A_1800 = arith.index_cast %add3A_1766 : i32 to index
        %get3A_1801 = arith.constant 32 : index
        %get3A_1802 = tpu.vector_load %arg10[%get3A_1799, %get3A_1800, %get3A_1801] {strides = array<i32>} : memref<2x200x64xf32, #tpu.memory_space<vmem>>, vector<16xf32>,
        %gather3A_1803 = tpu.vector_load_idx %arg12[%gather3A_1771, %add3A_13] : memref<200x64xf32, #tpu.memory_space<vmem>>[vector<16xi32>, vector<16xi32>], vector<16xf32>,
        %add3A_1804 = arith.addf %get3A_1802, %gather3A_1803 : vector<16xf32>
        %swap3A_1805 = arith.constant 1 : i32
        %swap3A_1806 = arith.index_cast %swap3A_1805 : i32 to index
        %swap3A_1807 = arith.index_cast %add3A_1766 : i32 to index
        %swap3A_1808 = arith.constant 32 : index
        %swap3A_1809 = tpu.vector_load %arg11[%swap3A_1806, %swap3A_1807, %swap3A_1808] {strides = array<i32>} : memref<2x200x64xf32, #tpu.memory_space<vmem>>, vector<16xf32>,
        tpu.vector_store %arg11[%swap3A_1806, %swap3A_1807, %swap3A_1808], %add3A_1804 {strides = array<i32>} : memref<2x200x64xf32, #tpu.memory_space<vmem>>, vector<16xf32>,
        %add3A_1810 = arith.addf %add3A_1751, %add3A_1804 : vector<16xf32>
        %get3A_1811 = arith.constant 1 : i32
        %get3A_1812 = arith.index_cast %get3A_1811 : i32 to index
        %get3A_1813 = arith.index_cast %add3A_1766 : i32 to index
        %get3A_1814 = arith.constant 48 : index
        %get3A_1815 = tpu.vector_load %arg10[%get3A_1812, %get3A_1813, %get3A_1814] {strides = array<i32>} : memref<2x200x64xf32, #tpu.memory_space<vmem>>, vector<16xf32>,
        %gather3A_1816 = tpu.vector_load_idx %arg12[%gather3A_1771, %add3A_17] : memref<200x64xf32, #tpu.memory_space<vmem>>[vector<16xi32>, vector<16xi32>], vector<16xf32>,
        %add3A_1817 = arith.addf %get3A_1815, %gather3A_1816 : vector<16xf32>
        %swap3A_1818 = arith.constant 1 : i32
        %swap3A_1819 = arith.index_cast %swap3A_1818 : i32 to index
        %swap3A_1820 = arith.index_cast %add3A_1766 : i32 to index
        %swap3A_1821 = arith.constant 48 : index
        %swap3A_1822 = tpu.vector_load %arg11[%swap3A_1819, %swap3A_1820, %swap3A_1821] {strides = array<i32>} : memref<2x200x64xf32, #tpu.memory_space<vmem>>, vector<16xf32>,
        tpu.vector_store %arg11[%swap3A_1819, %swap3A_1820, %swap3A_1821], %add3A_1817 {strides = array<i32>} : memref<2x200x64xf32, #tpu.memory_space<vmem>>, vector<16xf32>,
        %add3A_1823 = arith.addf %add3A_1764, %add3A_1817 : vector<16xf32>
        %add3A_1824 = arith.constant 9 : i32
        %add3A_1825 = arith.addi %multiple_of3A, %add3A_1824 : i32
        %broadcast_in_dim3A_1826 = arith.constant 9 : i32
        %broadcast_in_dim3A_1827 = vector.broadcast %broadcast_in_dim3A_1826 : i32 to vector<16xi32>
        %broadcast_in_dim3A_1828 = vector.shape_cast %broadcast_in_dim3A_1827 : vector<16xi32> to vector<16x1xi32>
        %gather3A_1829 = vector.shape_cast %broadcast_in_dim3A_1828 : vector<16x1xi32> to vector<16xi32>
        %gather3A_1830 = tpu.dynamic_gather %get3A_1292[%gather3A_1829] in [0] : vector<16xi32>, vector<16xi32> -> vector<16xi32>
        %get3A_1831 = arith.constant 1 : i32
        %get3A_1832 = arith.index_cast %get3A_1831 : i32 to index
        %get3A_1833 = arith.index_cast %add3A_1825 : i32 to index
        %get3A_1834 = arith.constant 0 : index
        %get3A_1835 = tpu.vector_load %arg10[%get3A_1832, %get3A_1833, %get3A_1834] {strides = array<i32>} : memref<2x200x64xf32, #tpu.memory_space<vmem>>, vector<16xf32>,
        %gather3A_1836 = tpu.vector_load_idx %arg12[%gather3A_1830, %add3A_5] : memref<200x64xf32, #tpu.memory_space<vmem>>[vector<16xi32>, vector<16xi32>], vector<16xf32>,
        %add3A_1837 = arith.addf %get3A_1835, %gather3A_1836 : vector<16xf32>
        %swap3A_1838 = arith.constant 1 : i32
        %swap3A_1839 = arith.index_cast %swap3A_1838 : i32 to index
        %swap3A_1840 = arith.index_cast %add3A_1825 : i32 to index
        %swap3A_1841 = arith.constant 0 : index
        %swap3A_1842 = tpu.vector_load %arg11[%swap3A_1839, %swap3A_1840, %swap3A_1841] {strides = array<i32>} : memref<2x200x64xf32, #tpu.memory_space<vmem>>, vector<16xf32>,
        tpu.vector_store %arg11[%swap3A_1839, %swap3A_1840, %swap3A_1841], %add3A_1837 {strides = array<i32>} : memref<2x200x64xf32, #tpu.memory_space<vmem>>, vector<16xf32>,
        %add3A_1843 = arith.addf %add3A_1784, %add3A_1837 : vector<16xf32>
        %get3A_1844 = arith.constant 1 : i32
        %get3A_1845 = arith.index_cast %get3A_1844 : i32 to index
        %get3A_1846 = arith.index_cast %add3A_1825 : i32 to index
        %get3A_1847 = arith.constant 16 : index
        %get3A_1848 = tpu.vector_load %arg10[%get3A_1845, %get3A_1846, %get3A_1847] {strides = array<i32>} : memref<2x200x64xf32, #tpu.memory_space<vmem>>, vector<16xf32>,
        %gather3A_1849 = tpu.vector_load_idx %arg12[%gather3A_1830, %add3A_9] : memref<200x64xf32, #tpu.memory_space<vmem>>[vector<16xi32>, vector<16xi32>], vector<16xf32>,
        %add3A_1850 = arith.addf %get3A_1848, %gather3A_1849 : vector<16xf32>
        %swap3A_1851 = arith.constant 1 : i32
        %swap3A_1852 = arith.index_cast %swap3A_1851 : i32 to index
        %swap3A_1853 = arith.index_cast %add3A_1825 : i32 to index
        %swap3A_1854 = arith.constant 16 : index
        %swap3A_1855 = tpu.vector_load %arg11[%swap3A_1852, %swap3A_1853, %swap3A_1854] {strides = array<i32>} : memref<2x200x64xf32, #tpu.memory_space<vmem>>, vector<16xf32>,
        tpu.vector_store %arg11[%swap3A_1852, %swap3A_1853, %swap3A_1854], %add3A_1850 {strides = array<i32>} : memref<2x200x64xf32, #tpu.memory_space<vmem>>, vector<16xf32>,
        %add3A_1856 = arith.addf %add3A_1797, %add3A_1850 : vector<16xf32>
        %get3A_1857 = arith.constant 1 : i32
        %get3A_1858 = arith.index_cast %get3A_1857 : i32 to index
        %get3A_1859 = arith.index_cast %add3A_1825 : i32 to index
        %get3A_1860 = arith.constant 32 : index
        %get3A_1861 = tpu.vector_load %arg10[%get3A_1858, %get3A_1859, %get3A_1860] {strides = array<i32>} : memref<2x200x64xf32, #tpu.memory_space<vmem>>, vector<16xf32>,
        %gather3A_1862 = tpu.vector_load_idx %arg12[%gather3A_1830, %add3A_13] : memref<200x64xf32, #tpu.memory_space<vmem>>[vector<16xi32>, vector<16xi32>], vector<16xf32>,
        %add3A_1863 = arith.addf %get3A_1861, %gather3A_1862 : vector<16xf32>
        %swap3A_1864 = arith.constant 1 : i32
        %swap3A_1865 = arith.index_cast %swap3A_1864 : i32 to index
        %swap3A_1866 = arith.index_cast %add3A_1825 : i32 to index
        %swap3A_1867 = arith.constant 32 : index
        %swap3A_1868 = tpu.vector_load %arg11[%swap3A_1865, %swap3A_1866, %swap3A_1867] {strides = array<i32>} : memref<2x200x64xf32, #tpu.memory_space<vmem>>, vector<16xf32>,
        tpu.vector_store %arg11[%swap3A_1865, %swap3A_1866, %swap3A_1867], %add3A_1863 {strides = array<i32>} : memref<2x200x64xf32, #tpu.memory_space<vmem>>, vector<16xf32>,
        %add3A_1869 = arith.addf %add3A_1810, %add3A_1863 : vector<16xf32>
        %get3A_1870 = arith.constant 1 : i32
        %get3A_1871 = arith.index_cast %get3A_1870 : i32 to index
        %get3A_1872 = arith.index_cast %add3A_1825 : i32 to index
        %get3A_1873 = arith.constant 48 : index
        %get3A_1874 = tpu.vector_load %arg10[%get3A_1871, %get3A_1872, %get3A_1873] {strides = array<i32>} : memref<2x200x64xf32, #tpu.memory_space<vmem>>, vector<16xf32>,
        %gather3A_1875 = tpu.vector_load_idx %arg12[%gather3A_1830, %add3A_17] : memref<200x64xf32, #tpu.memory_space<vmem>>[vector<16xi32>, vector<16xi32>], vector<16xf32>,
        %add3A_1876 = arith.addf %get3A_1874, %gather3A_1875 : vector<16xf32>
        %swap3A_1877 = arith.constant 1 : i32
        %swap3A_1878 = arith.index_cast %swap3A_1877 : i32 to index
        %swap3A_1879 = arith.index_cast %add3A_1825 : i32 to index
        %swap3A_1880 = arith.constant 48 : index
        %swap3A_1881 = tpu.vector_load %arg11[%swap3A_1878, %swap3A_1879, %swap3A_1880] {strides = array<i32>} : memref<2x200x64xf32, #tpu.memory_space<vmem>>, vector<16xf32>,
        tpu.vector_store %arg11[%swap3A_1878, %swap3A_1879, %swap3A_1880], %add3A_1876 {strides = array<i32>} : memref<2x200x64xf32, #tpu.memory_space<vmem>>, vector<16xf32>,
        %add3A_1882 = arith.addf %add3A_1823, %add3A_1876 : vector<16xf32>
        %add3A_1883 = arith.constant 10 : i32
        %add3A_1884 = arith.addi %multiple_of3A, %add3A_1883 : i32
        %broadcast_in_dim3A_1885 = arith.constant 10 : i32
        %broadcast_in_dim3A_1886 = vector.broadcast %broadcast_in_dim3A_1885 : i32 to vector<16xi32>
        %broadcast_in_dim3A_1887 = vector.shape_cast %broadcast_in_dim3A_1886 : vector<16xi32> to vector<16x1xi32>
        %gather3A_1888 = vector.shape_cast %broadcast_in_dim3A_1887 : vector<16x1xi32> to vector<16xi32>
        %gather3A_1889 = tpu.dynamic_gather %get3A_1292[%gather3A_1888] in [0] : vector<16xi32>, vector<16xi32> -> vector<16xi32>
        %get3A_1890 = arith.constant 1 : i32
        %get3A_1891 = arith.index_cast %get3A_1890 : i32 to index
        %get3A_1892 = arith.index_cast %add3A_1884 : i32 to index
        %get3A_1893 = arith.constant 0 : index
        %get3A_1894 = tpu.vector_load %arg10[%get3A_1891, %get3A_1892, %get3A_1893] {strides = array<i32>} : memref<2x200x64xf32, #tpu.memory_space<vmem>>, vector<16xf32>,
        %gather3A_1895 = tpu.vector_load_idx %arg12[%gather3A_1889, %add3A_5] : memref<200x64xf32, #tpu.memory_space<vmem>>[vector<16xi32>, vector<16xi32>], vector<16xf32>,
        %add3A_1896 = arith.addf %get3A_1894, %gather3A_1895 : vector<16xf32>
        %swap3A_1897 = arith.constant 1 : i32
        %swap3A_1898 = arith.index_cast %swap3A_1897 : i32 to index
        %swap3A_1899 = arith.index_cast %add3A_1884 : i32 to index
        %swap3A_1900 = arith.constant 0 : index
        %swap3A_1901 = tpu.vector_load %arg11[%swap3A_1898, %swap3A_1899, %swap3A_1900] {strides = array<i32>} : memref<2x200x64xf32, #tpu.memory_space<vmem>>, vector<16xf32>,
        tpu.vector_store %arg11[%swap3A_1898, %swap3A_1899, %swap3A_1900], %add3A_1896 {strides = array<i32>} : memref<2x200x64xf32, #tpu.memory_space<vmem>>, vector<16xf32>,
        %add3A_1902 = arith.addf %add3A_1843, %add3A_1896 : vector<16xf32>
        %get3A_1903 = arith.constant 1 : i32
        %get3A_1904 = arith.index_cast %get3A_1903 : i32 to index
        %get3A_1905 = arith.index_cast %add3A_1884 : i32 to index
        %get3A_1906 = arith.constant 16 : index
        %get3A_1907 = tpu.vector_load %arg10[%get3A_1904, %get3A_1905, %get3A_1906] {strides = array<i32>} : memref<2x200x64xf32, #tpu.memory_space<vmem>>, vector<16xf32>,
        %gather3A_1908 = tpu.vector_load_idx %arg12[%gather3A_1889, %add3A_9] : memref<200x64xf32, #tpu.memory_space<vmem>>[vector<16xi32>, vector<16xi32>], vector<16xf32>,
        %add3A_1909 = arith.addf %get3A_1907, %gather3A_1908 : vector<16xf32>
        %swap3A_1910 = arith.constant 1 : i32
        %swap3A_1911 = arith.index_cast %swap3A_1910 : i32 to index
        %swap3A_1912 = arith.index_cast %add3A_1884 : i32 to index
        %swap3A_1913 = arith.constant 16 : index
        %swap3A_1914 = tpu.vector_load %arg11[%swap3A_1911, %swap3A_1912, %swap3A_1913] {strides = array<i32>} : memref<2x200x64xf32, #tpu.memory_space<vmem>>, vector<16xf32>,
        tpu.vector_store %arg11[%swap3A_1911, %swap3A_1912, %swap3A_1913], %add3A_1909 {strides = array<i32>} : memref<2x200x64xf32, #tpu.memory_space<vmem>>, vector<16xf32>,
        %add3A_1915 = arith.addf %add3A_1856, %add3A_1909 : vector<16xf32>
        %get3A_1916 = arith.constant 1 : i32
        %get3A_1917 = arith.index_cast %get3A_1916 : i32 to index
        %get3A_1918 = arith.index_cast %add3A_1884 : i32 to index
        %get3A_1919 = arith.constant 32 : index
        %get3A_1920 = tpu.vector_load %arg10[%get3A_1917, %get3A_1918, %get3A_1919] {strides = array<i32>} : memref<2x200x64xf32, #tpu.memory_space<vmem>>, vector<16xf32>,
        %gather3A_1921 = tpu.vector_load_idx %arg12[%gather3A_1889, %add3A_13] : memref<200x64xf32, #tpu.memory_space<vmem>>[vector<16xi32>, vector<16xi32>], vector<16xf32>,
        %add3A_1922 = arith.addf %get3A_1920, %gather3A_1921 : vector<16xf32>
        %swap3A_1923 = arith.constant 1 : i32
        %swap3A_1924 = arith.index_cast %swap3A_1923 : i32 to index
        %swap3A_1925 = arith.index_cast %add3A_1884 : i32 to index
        %swap3A_1926 = arith.constant 32 : index
        %swap3A_1927 = tpu.vector_load %arg11[%swap3A_1924, %swap3A_1925, %swap3A_1926] {strides = array<i32>} : memref<2x200x64xf32, #tpu.memory_space<vmem>>, vector<16xf32>,
        tpu.vector_store %arg11[%swap3A_1924, %swap3A_1925, %swap3A_1926], %add3A_1922 {strides = array<i32>} : memref<2x200x64xf32, #tpu.memory_space<vmem>>, vector<16xf32>,
        %add3A_1928 = arith.addf %add3A_1869, %add3A_1922 : vector<16xf32>
        %get3A_1929 = arith.constant 1 : i32
        %get3A_1930 = arith.index_cast %get3A_1929 : i32 to index
        %get3A_1931 = arith.index_cast %add3A_1884 : i32 to index
        %get3A_1932 = arith.constant 48 : index
        %get3A_1933 = tpu.vector_load %arg10[%get3A_1930, %get3A_1931, %get3A_1932] {strides = array<i32>} : memref<2x200x64xf32, #tpu.memory_space<vmem>>, vector<16xf32>,
        %gather3A_1934 = tpu.vector_load_idx %arg12[%gather3A_1889, %add3A_17] : memref<200x64xf32, #tpu.memory_space<vmem>>[vector<16xi32>, vector<16xi32>], vector<16xf32>,
        %add3A_1935 = arith.addf %get3A_1933, %gather3A_1934 : vector<16xf32>
        %swap3A_1936 = arith.constant 1 : i32
        %swap3A_1937 = arith.index_cast %swap3A_1936 : i32 to index
        %swap3A_1938 = arith.index_cast %add3A_1884 : i32 to index
        %swap3A_1939 = arith.constant 48 : index
        %swap3A_1940 = tpu.vector_load %arg11[%swap3A_1937, %swap3A_1938, %swap3A_1939] {strides = array<i32>} : memref<2x200x64xf32, #tpu.memory_space<vmem>>, vector<16xf32>,
        tpu.vector_store %arg11[%swap3A_1937, %swap3A_1938, %swap3A_1939], %add3A_1935 {strides = array<i32>} : memref<2x200x64xf32, #tpu.memory_space<vmem>>, vector<16xf32>,
        %add3A_1941 = arith.addf %add3A_1882, %add3A_1935 : vector<16xf32>
        %add3A_1942 = arith.constant 11 : i32
        %add3A_1943 = arith.addi %multiple_of3A, %add3A_1942 : i32
        %broadcast_in_dim3A_1944 = arith.constant 11 : i32
        %broadcast_in_dim3A_1945 = vector.broadcast %broadcast_in_dim3A_1944 : i32 to vector<16xi32>
        %broadcast_in_dim3A_1946 = vector.shape_cast %broadcast_in_dim3A_1945 : vector<16xi32> to vector<16x1xi32>
        %gather3A_1947 = vector.shape_cast %broadcast_in_dim3A_1946 : vector<16x1xi32> to vector<16xi32>
        %gather3A_1948 = tpu.dynamic_gather %get3A_1292[%gather3A_1947] in [0] : vector<16xi32>, vector<16xi32> -> vector<16xi32>
        %get3A_1949 = arith.constant 1 : i32
        %get3A_1950 = arith.index_cast %get3A_1949 : i32 to index
        %get3A_1951 = arith.index_cast %add3A_1943 : i32 to index
        %get3A_1952 = arith.constant 0 : index
        %get3A_1953 = tpu.vector_load %arg10[%get3A_1950, %get3A_1951, %get3A_1952] {strides = array<i32>} : memref<2x200x64xf32, #tpu.memory_space<vmem>>, vector<16xf32>,
        %gather3A_1954 = tpu.vector_load_idx %arg12[%gather3A_1948, %add3A_5] : memref<200x64xf32, #tpu.memory_space<vmem>>[vector<16xi32>, vector<16xi32>], vector<16xf32>,
        %add3A_1955 = arith.addf %get3A_1953, %gather3A_1954 : vector<16xf32>
        %swap3A_1956 = arith.constant 1 : i32
        %swap3A_1957 = arith.index_cast %swap3A_1956 : i32 to index
        %swap3A_1958 = arith.index_cast %add3A_1943 : i32 to index
        %swap3A_1959 = arith.constant 0 : index
        %swap3A_1960 = tpu.vector_load %arg11[%swap3A_1957, %swap3A_1958, %swap3A_1959] {strides = array<i32>} : memref<2x200x64xf32, #tpu.memory_space<vmem>>, vector<16xf32>,
        tpu.vector_store %arg11[%swap3A_1957, %swap3A_1958, %swap3A_1959], %add3A_1955 {strides = array<i32>} : memref<2x200x64xf32, #tpu.memory_space<vmem>>, vector<16xf32>,
        %add3A_1961 = arith.addf %add3A_1902, %add3A_1955 : vector<16xf32>
        %get3A_1962 = arith.constant 1 : i32
        %get3A_1963 = arith.index_cast %get3A_1962 : i32 to index
        %get3A_1964 = arith.index_cast %add3A_1943 : i32 to index
        %get3A_1965 = arith.constant 16 : index
        %get3A_1966 = tpu.vector_load %arg10[%get3A_1963, %get3A_1964, %get3A_1965] {strides = array<i32>} : memref<2x200x64xf32, #tpu.memory_space<vmem>>, vector<16xf32>,
        %gather3A_1967 = tpu.vector_load_idx %arg12[%gather3A_1948, %add3A_9] : memref<200x64xf32, #tpu.memory_space<vmem>>[vector<16xi32>, vector<16xi32>], vector<16xf32>,
        %add3A_1968 = arith.addf %get3A_1966, %gather3A_1967 : vector<16xf32>
        %swap3A_1969 = arith.constant 1 : i32
        %swap3A_1970 = arith.index_cast %swap3A_1969 : i32 to index
        %swap3A_1971 = arith.index_cast %add3A_1943 : i32 to index
        %swap3A_1972 = arith.constant 16 : index
        %swap3A_1973 = tpu.vector_load %arg11[%swap3A_1970, %swap3A_1971, %swap3A_1972] {strides = array<i32>} : memref<2x200x64xf32, #tpu.memory_space<vmem>>, vector<16xf32>,
        tpu.vector_store %arg11[%swap3A_1970, %swap3A_1971, %swap3A_1972], %add3A_1968 {strides = array<i32>} : memref<2x200x64xf32, #tpu.memory_space<vmem>>, vector<16xf32>,
        %add3A_1974 = arith.addf %add3A_1915, %add3A_1968 : vector<16xf32>
        %get3A_1975 = arith.constant 1 : i32
        %get3A_1976 = arith.index_cast %get3A_1975 : i32 to index
        %get3A_1977 = arith.index_cast %add3A_1943 : i32 to index
        %get3A_1978 = arith.constant 32 : index
        %get3A_1979 = tpu.vector_load %arg10[%get3A_1976, %get3A_1977, %get3A_1978] {strides = array<i32>} : memref<2x200x64xf32, #tpu.memory_space<vmem>>, vector<16xf32>,
        %gather3A_1980 = tpu.vector_load_idx %arg12[%gather3A_1948, %add3A_13] : memref<200x64xf32, #tpu.memory_space<vmem>>[vector<16xi32>, vector<16xi32>], vector<16xf32>,
        %add3A_1981 = arith.addf %get3A_1979, %gather3A_1980 : vector<16xf32>
        %swap3A_1982 = arith.constant 1 : i32
        %swap3A_1983 = arith.index_cast %swap3A_1982 : i32 to index
        %swap3A_1984 = arith.index_cast %add3A_1943 : i32 to index
        %swap3A_1985 = arith.constant 32 : index
        %swap3A_1986 = tpu.vector_load %arg11[%swap3A_1983, %swap3A_1984, %swap3A_1985] {strides = array<i32>} : memref<2x200x64xf32, #tpu.memory_space<vmem>>, vector<16xf32>,
        tpu.vector_store %arg11[%swap3A_1983, %swap3A_1984, %swap3A_1985], %add3A_1981 {strides = array<i32>} : memref<2x200x64xf32, #tpu.memory_space<vmem>>, vector<16xf32>,
        %add3A_1987 = arith.addf %add3A_1928, %add3A_1981 : vector<16xf32>
        %get3A_1988 = arith.constant 1 : i32
        %get3A_1989 = arith.index_cast %get3A_1988 : i32 to index
        %get3A_1990 = arith.index_cast %add3A_1943 : i32 to index
        %get3A_1991 = arith.constant 48 : index
        %get3A_1992 = tpu.vector_load %arg10[%get3A_1989, %get3A_1990, %get3A_1991] {strides = array<i32>} : memref<2x200x64xf32, #tpu.memory_space<vmem>>, vector<16xf32>,
        %gather3A_1993 = tpu.vector_load_idx %arg12[%gather3A_1948, %add3A_17] : memref<200x64xf32, #tpu.memory_space<vmem>>[vector<16xi32>, vector<16xi32>], vector<16xf32>,
        %add3A_1994 = arith.addf %get3A_1992, %gather3A_1993 : vector<16xf32>
        %swap3A_1995 = arith.constant 1 : i32
        %swap3A_1996 = arith.index_cast %swap3A_1995 : i32 to index
        %swap3A_1997 = arith.index_cast %add3A_1943 : i32 to index
        %swap3A_1998 = arith.constant 48 : index
        %swap3A_1999 = tpu.vector_load %arg11[%swap3A_1996, %swap3A_1997, %swap3A_1998] {strides = array<i32>} : memref<2x200x64xf32, #tpu.memory_space<vmem>>, vector<16xf32>,
        tpu.vector_store %arg11[%swap3A_1996, %swap3A_1997, %swap3A_1998], %add3A_1994 {strides = array<i32>} : memref<2x200x64xf32, #tpu.memory_space<vmem>>, vector<16xf32>,
        %add3A_2000 = arith.addf %add3A_1941, %add3A_1994 : vector<16xf32>
        %add3A_2001 = arith.constant 12 : i32
        %add3A_2002 = arith.addi %multiple_of3A, %add3A_2001 : i32
        %broadcast_in_dim3A_2003 = arith.constant 12 : i32
        %broadcast_in_dim3A_2004 = vector.broadcast %broadcast_in_dim3A_2003 : i32 to vector<16xi32>
        %broadcast_in_dim3A_2005 = vector.shape_cast %broadcast_in_dim3A_2004 : vector<16xi32> to vector<16x1xi32>
        %gather3A_2006 = vector.shape_cast %broadcast_in_dim3A_2005 : vector<16x1xi32> to vector<16xi32>
        %gather3A_2007 = tpu.dynamic_gather %get3A_1292[%gather3A_2006] in [0] : vector<16xi32>, vector<16xi32> -> vector<16xi32>
        %get3A_2008 = arith.constant 1 : i32
        %get3A_2009 = arith.index_cast %get3A_2008 : i32 to index
        %get3A_2010 = arith.index_cast %add3A_2002 : i32 to index
        %get3A_2011 = arith.constant 0 : index
        %get3A_2012 = tpu.vector_load %arg10[%get3A_2009, %get3A_2010, %get3A_2011] {strides = array<i32>} : memref<2x200x64xf32, #tpu.memory_space<vmem>>, vector<16xf32>,
        %gather3A_2013 = tpu.vector_load_idx %arg12[%gather3A_2007, %add3A_5] : memref<200x64xf32, #tpu.memory_space<vmem>>[vector<16xi32>, vector<16xi32>], vector<16xf32>,
        %add3A_2014 = arith.addf %get3A_2012, %gather3A_2013 : vector<16xf32>
        %swap3A_2015 = arith.constant 1 : i32
        %swap3A_2016 = arith.index_cast %swap3A_2015 : i32 to index
        %swap3A_2017 = arith.index_cast %add3A_2002 : i32 to index
        %swap3A_2018 = arith.constant 0 : index
        %swap3A_2019 = tpu.vector_load %arg11[%swap3A_2016, %swap3A_2017, %swap3A_2018] {strides = array<i32>} : memref<2x200x64xf32, #tpu.memory_space<vmem>>, vector<16xf32>,
        tpu.vector_store %arg11[%swap3A_2016, %swap3A_2017, %swap3A_2018], %add3A_2014 {strides = array<i32>} : memref<2x200x64xf32, #tpu.memory_space<vmem>>, vector<16xf32>,
        %add3A_2020 = arith.addf %add3A_1961, %add3A_2014 : vector<16xf32>
        %get3A_2021 = arith.constant 1 : i32
        %get3A_2022 = arith.index_cast %get3A_2021 : i32 to index
        %get3A_2023 = arith.index_cast %add3A_2002 : i32 to index
        %get3A_2024 = arith.constant 16 : index
        %get3A_2025 = tpu.vector_load %arg10[%get3A_2022, %get3A_2023, %get3A_2024] {strides = array<i32>} : memref<2x200x64xf32, #tpu.memory_space<vmem>>, vector<16xf32>,
        %gather3A_2026 = tpu.vector_load_idx %arg12[%gather3A_2007, %add3A_9] : memref<200x64xf32, #tpu.memory_space<vmem>>[vector<16xi32>, vector<16xi32>], vector<16xf32>,
        %add3A_2027 = arith.addf %get3A_2025, %gather3A_2026 : vector<16xf32>
        %swap3A_2028 = arith.constant 1 : i32
        %swap3A_2029 = arith.index_cast %swap3A_2028 : i32 to index
        %swap3A_2030 = arith.index_cast %add3A_2002 : i32 to index
        %swap3A_2031 = arith.constant 16 : index
        %swap3A_2032 = tpu.vector_load %arg11[%swap3A_2029, %swap3A_2030, %swap3A_2031] {strides = array<i32>} : memref<2x200x64xf32, #tpu.memory_space<vmem>>, vector<16xf32>,
        tpu.vector_store %arg11[%swap3A_2029, %swap3A_2030, %swap3A_2031], %add3A_2027 {strides = array<i32>} : memref<2x200x64xf32, #tpu.memory_space<vmem>>, vector<16xf32>,
        %add3A_2033 = arith.addf %add3A_1974, %add3A_2027 : vector<16xf32>
        %get3A_2034 = arith.constant 1 : i32
        %get3A_2035 = arith.index_cast %get3A_2034 : i32 to index
        %get3A_2036 = arith.index_cast %add3A_2002 : i32 to index
        %get3A_2037 = arith.constant 32 : index
        %get3A_2038 = tpu.vector_load %arg10[%get3A_2035, %get3A_2036, %get3A_2037] {strides = array<i32>} : memref<2x200x64xf32, #tpu.memory_space<vmem>>, vector<16xf32>,
        %gather3A_2039 = tpu.vector_load_idx %arg12[%gather3A_2007, %add3A_13] : memref<200x64xf32, #tpu.memory_space<vmem>>[vector<16xi32>, vector<16xi32>], vector<16xf32>,
        %add3A_2040 = arith.addf %get3A_2038, %gather3A_2039 : vector<16xf32>
        %swap3A_2041 = arith.constant 1 : i32
        %swap3A_2042 = arith.index_cast %swap3A_2041 : i32 to index
        %swap3A_2043 = arith.index_cast %add3A_2002 : i32 to index
        %swap3A_2044 = arith.constant 32 : index
        %swap3A_2045 = tpu.vector_load %arg11[%swap3A_2042, %swap3A_2043, %swap3A_2044] {strides = array<i32>} : memref<2x200x64xf32, #tpu.memory_space<vmem>>, vector<16xf32>,
        tpu.vector_store %arg11[%swap3A_2042, %swap3A_2043, %swap3A_2044], %add3A_2040 {strides = array<i32>} : memref<2x200x64xf32, #tpu.memory_space<vmem>>, vector<16xf32>,
        %add3A_2046 = arith.addf %add3A_1987, %add3A_2040 : vector<16xf32>
        %get3A_2047 = arith.constant 1 : i32
        %get3A_2048 = arith.index_cast %get3A_2047 : i32 to index
        %get3A_2049 = arith.index_cast %add3A_2002 : i32 to index
        %get3A_2050 = arith.constant 48 : index
        %get3A_2051 = tpu.vector_load %arg10[%get3A_2048, %get3A_2049, %get3A_2050] {strides = array<i32>} : memref<2x200x64xf32, #tpu.memory_space<vmem>>, vector<16xf32>,
        %gather3A_2052 = tpu.vector_load_idx %arg12[%gather3A_2007, %add3A_17] : memref<200x64xf32, #tpu.memory_space<vmem>>[vector<16xi32>, vector<16xi32>], vector<16xf32>,
        %add3A_2053 = arith.addf %get3A_2051, %gather3A_2052 : vector<16xf32>
        %swap3A_2054 = arith.constant 1 : i32
        %swap3A_2055 = arith.index_cast %swap3A_2054 : i32 to index
        %swap3A_2056 = arith.index_cast %add3A_2002 : i32 to index
        %swap3A_2057 = arith.constant 48 : index
        %swap3A_2058 = tpu.vector_load %arg11[%swap3A_2055, %swap3A_2056, %swap3A_2057] {strides = array<i32>} : memref<2x200x64xf32, #tpu.memory_space<vmem>>, vector<16xf32>,
        tpu.vector_store %arg11[%swap3A_2055, %swap3A_2056, %swap3A_2057], %add3A_2053 {strides = array<i32>} : memref<2x200x64xf32, #tpu.memory_space<vmem>>, vector<16xf32>,
        %add3A_2059 = arith.addf %add3A_2000, %add3A_2053 : vector<16xf32>
        %add3A_2060 = arith.constant 13 : i32
        %add3A_2061 = arith.addi %multiple_of3A, %add3A_2060 : i32
        %broadcast_in_dim3A_2062 = arith.constant 13 : i32
        %broadcast_in_dim3A_2063 = vector.broadcast %broadcast_in_dim3A_2062 : i32 to vector<16xi32>
        %broadcast_in_dim3A_2064 = vector.shape_cast %broadcast_in_dim3A_2063 : vector<16xi32> to vector<16x1xi32>
        %gather3A_2065 = vector.shape_cast %broadcast_in_dim3A_2064 : vector<16x1xi32> to vector<16xi32>
        %gather3A_2066 = tpu.dynamic_gather %get3A_1292[%gather3A_2065] in [0] : vector<16xi32>, vector<16xi32> -> vector<16xi32>
        %get3A_2067 = arith.constant 1 : i32
        %get3A_2068 = arith.index_cast %get3A_2067 : i32 to index
        %get3A_2069 = arith.index_cast %add3A_2061 : i32 to index
        %get3A_2070 = arith.constant 0 : index
        %get3A_2071 = tpu.vector_load %arg10[%get3A_2068, %get3A_2069, %get3A_2070] {strides = array<i32>} : memref<2x200x64xf32, #tpu.memory_space<vmem>>, vector<16xf32>,
        %gather3A_2072 = tpu.vector_load_idx %arg12[%gather3A_2066, %add3A_5] : memref<200x64xf32, #tpu.memory_space<vmem>>[vector<16xi32>, vector<16xi32>], vector<16xf32>,
        %add3A_2073 = arith.addf %get3A_2071, %gather3A_2072 : vector<16xf32>
        %swap3A_2074 = arith.constant 1 : i32
        %swap3A_2075 = arith.index_cast %swap3A_2074 : i32 to index
        %swap3A_2076 = arith.index_cast %add3A_2061 : i32 to index
        %swap3A_2077 = arith.constant 0 : index
        %swap3A_2078 = tpu.vector_load %arg11[%swap3A_2075, %swap3A_2076, %swap3A_2077] {strides = array<i32>} : memref<2x200x64xf32, #tpu.memory_space<vmem>>, vector<16xf32>,
        tpu.vector_store %arg11[%swap3A_2075, %swap3A_2076, %swap3A_2077], %add3A_2073 {strides = array<i32>} : memref<2x200x64xf32, #tpu.memory_space<vmem>>, vector<16xf32>,
        %add3A_2079 = arith.addf %add3A_2020, %add3A_2073 : vector<16xf32>
        %get3A_2080 = arith.constant 1 : i32
        %get3A_2081 = arith.index_cast %get3A_2080 : i32 to index
        %get3A_2082 = arith.index_cast %add3A_2061 : i32 to index
        %get3A_2083 = arith.constant 16 : index
        %get3A_2084 = tpu.vector_load %arg10[%get3A_2081, %get3A_2082, %get3A_2083] {strides = array<i32>} : memref<2x200x64xf32, #tpu.memory_space<vmem>>, vector<16xf32>,
        %gather3A_2085 = tpu.vector_load_idx %arg12[%gather3A_2066, %add3A_9] : memref<200x64xf32, #tpu.memory_space<vmem>>[vector<16xi32>, vector<16xi32>], vector<16xf32>,
        %add3A_2086 = arith.addf %get3A_2084, %gather3A_2085 : vector<16xf32>
        %swap3A_2087 = arith.constant 1 : i32
        %swap3A_2088 = arith.index_cast %swap3A_2087 : i32 to index
        %swap3A_2089 = arith.index_cast %add3A_2061 : i32 to index
        %swap3A_2090 = arith.constant 16 : index
        %swap3A_2091 = tpu.vector_load %arg11[%swap3A_2088, %swap3A_2089, %swap3A_2090] {strides = array<i32>} : memref<2x200x64xf32, #tpu.memory_space<vmem>>, vector<16xf32>,
        tpu.vector_store %arg11[%swap3A_2088, %swap3A_2089, %swap3A_2090], %add3A_2086 {strides = array<i32>} : memref<2x200x64xf32, #tpu.memory_space<vmem>>, vector<16xf32>,
        %add3A_2092 = arith.addf %add3A_2033, %add3A_2086 : vector<16xf32>
        %get3A_2093 = arith.constant 1 : i32
        %get3A_2094 = arith.index_cast %get3A_2093 : i32 to index
        %get3A_2095 = arith.index_cast %add3A_2061 : i32 to index
        %get3A_2096 = arith.constant 32 : index
        %get3A_2097 = tpu.vector_load %arg10[%get3A_2094, %get3A_2095, %get3A_2096] {strides = array<i32>} : memref<2x200x64xf32, #tpu.memory_space<vmem>>, vector<16xf32>,
        %gather3A_2098 = tpu.vector_load_idx %arg12[%gather3A_2066, %add3A_13] : memref<200x64xf32, #tpu.memory_space<vmem>>[vector<16xi32>, vector<16xi32>], vector<16xf32>,
        %add3A_2099 = arith.addf %get3A_2097, %gather3A_2098 : vector<16xf32>
        %swap3A_2100 = arith.constant 1 : i32
        %swap3A_2101 = arith.index_cast %swap3A_2100 : i32 to index
        %swap3A_2102 = arith.index_cast %add3A_2061 : i32 to index
        %swap3A_2103 = arith.constant 32 : index
        %swap3A_2104 = tpu.vector_load %arg11[%swap3A_2101, %swap3A_2102, %swap3A_2103] {strides = array<i32>} : memref<2x200x64xf32, #tpu.memory_space<vmem>>, vector<16xf32>,
        tpu.vector_store %arg11[%swap3A_2101, %swap3A_2102, %swap3A_2103], %add3A_2099 {strides = array<i32>} : memref<2x200x64xf32, #tpu.memory_space<vmem>>, vector<16xf32>,
        %add3A_2105 = arith.addf %add3A_2046, %add3A_2099 : vector<16xf32>
        %get3A_2106 = arith.constant 1 : i32
        %get3A_2107 = arith.index_cast %get3A_2106 : i32 to index
        %get3A_2108 = arith.index_cast %add3A_2061 : i32 to index
        %get3A_2109 = arith.constant 48 : index
        %get3A_2110 = tpu.vector_load %arg10[%get3A_2107, %get3A_2108, %get3A_2109] {strides = array<i32>} : memref<2x200x64xf32, #tpu.memory_space<vmem>>, vector<16xf32>,
        %gather3A_2111 = tpu.vector_load_idx %arg12[%gather3A_2066, %add3A_17] : memref<200x64xf32, #tpu.memory_space<vmem>>[vector<16xi32>, vector<16xi32>], vector<16xf32>,
        %add3A_2112 = arith.addf %get3A_2110, %gather3A_2111 : vector<16xf32>
        %swap3A_2113 = arith.constant 1 : i32
        %swap3A_2114 = arith.index_cast %swap3A_2113 : i32 to index
        %swap3A_2115 = arith.index_cast %add3A_2061 : i32 to index
        %swap3A_2116 = arith.constant 48 : index
        %swap3A_2117 = tpu.vector_load %arg11[%swap3A_2114, %swap3A_2115, %swap3A_2116] {strides = array<i32>} : memref<2x200x64xf32, #tpu.memory_space<vmem>>, vector<16xf32>,
        tpu.vector_store %arg11[%swap3A_2114, %swap3A_2115, %swap3A_2116], %add3A_2112 {strides = array<i32>} : memref<2x200x64xf32, #tpu.memory_space<vmem>>, vector<16xf32>,
        %add3A_2118 = arith.addf %add3A_2059, %add3A_2112 : vector<16xf32>
        %add3A_2119 = arith.constant 14 : i32
        %add3A_2120 = arith.addi %multiple_of3A, %add3A_2119 : i32
        %broadcast_in_dim3A_2121 = arith.constant 14 : i32
        %broadcast_in_dim3A_2122 = vector.broadcast %broadcast_in_dim3A_2121 : i32 to vector<16xi32>
        %broadcast_in_dim3A_2123 = vector.shape_cast %broadcast_in_dim3A_2122 : vector<16xi32> to vector<16x1xi32>
        %gather3A_2124 = vector.shape_cast %broadcast_in_dim3A_2123 : vector<16x1xi32> to vector<16xi32>
        %gather3A_2125 = tpu.dynamic_gather %get3A_1292[%gather3A_2124] in [0] : vector<16xi32>, vector<16xi32> -> vector<16xi32>
        %get3A_2126 = arith.constant 1 : i32
        %get3A_2127 = arith.index_cast %get3A_2126 : i32 to index
        %get3A_2128 = arith.index_cast %add3A_2120 : i32 to index
        %get3A_2129 = arith.constant 0 : index
        %get3A_2130 = tpu.vector_load %arg10[%get3A_2127, %get3A_2128, %get3A_2129] {strides = array<i32>} : memref<2x200x64xf32, #tpu.memory_space<vmem>>, vector<16xf32>,
        %gather3A_2131 = tpu.vector_load_idx %arg12[%gather3A_2125, %add3A_5] : memref<200x64xf32, #tpu.memory_space<vmem>>[vector<16xi32>, vector<16xi32>], vector<16xf32>,
        %add3A_2132 = arith.addf %get3A_2130, %gather3A_2131 : vector<16xf32>
        %swap3A_2133 = arith.constant 1 : i32
        %swap3A_2134 = arith.index_cast %swap3A_2133 : i32 to index
        %swap3A_2135 = arith.index_cast %add3A_2120 : i32 to index
        %swap3A_2136 = arith.constant 0 : index
        %swap3A_2137 = tpu.vector_load %arg11[%swap3A_2134, %swap3A_2135, %swap3A_2136] {strides = array<i32>} : memref<2x200x64xf32, #tpu.memory_space<vmem>>, vector<16xf32>,
        tpu.vector_store %arg11[%swap3A_2134, %swap3A_2135, %swap3A_2136], %add3A_2132 {strides = array<i32>} : memref<2x200x64xf32, #tpu.memory_space<vmem>>, vector<16xf32>,
        %add3A_2138 = arith.addf %add3A_2079, %add3A_2132 : vector<16xf32>
        %get3A_2139 = arith.constant 1 : i32
        %get3A_2140 = arith.index_cast %get3A_2139 : i32 to index
        %get3A_2141 = arith.index_cast %add3A_2120 : i32 to index
        %get3A_2142 = arith.constant 16 : index
        %get3A_2143 = tpu.vector_load %arg10[%get3A_2140, %get3A_2141, %get3A_2142] {strides = array<i32>} : memref<2x200x64xf32, #tpu.memory_space<vmem>>, vector<16xf32>,
        %gather3A_2144 = tpu.vector_load_idx %arg12[%gather3A_2125, %add3A_9] : memref<200x64xf32, #tpu.memory_space<vmem>>[vector<16xi32>, vector<16xi32>], vector<16xf32>,
        %add3A_2145 = arith.addf %get3A_2143, %gather3A_2144 : vector<16xf32>
        %swap3A_2146 = arith.constant 1 : i32
        %swap3A_2147 = arith.index_cast %swap3A_2146 : i32 to index
        %swap3A_2148 = arith.index_cast %add3A_2120 : i32 to index
        %swap3A_2149 = arith.constant 16 : index
        %swap3A_2150 = tpu.vector_load %arg11[%swap3A_2147, %swap3A_2148, %swap3A_2149] {strides = array<i32>} : memref<2x200x64xf32, #tpu.memory_space<vmem>>, vector<16xf32>,
        tpu.vector_store %arg11[%swap3A_2147, %swap3A_2148, %swap3A_2149], %add3A_2145 {strides = array<i32>} : memref<2x200x64xf32, #tpu.memory_space<vmem>>, vector<16xf32>,
        %add3A_2151 = arith.addf %add3A_2092, %add3A_2145 : vector<16xf32>
        %get3A_2152 = arith.constant 1 : i32
        %get3A_2153 = arith.index_cast %get3A_2152 : i32 to index
        %get3A_2154 = arith.index_cast %add3A_2120 : i32 to index
        %get3A_2155 = arith.constant 32 : index
        %get3A_2156 = tpu.vector_load %arg10[%get3A_2153, %get3A_2154, %get3A_2155] {strides = array<i32>} : memref<2x200x64xf32, #tpu.memory_space<vmem>>, vector<16xf32>,
        %gather3A_2157 = tpu.vector_load_idx %arg12[%gather3A_2125, %add3A_13] : memref<200x64xf32, #tpu.memory_space<vmem>>[vector<16xi32>, vector<16xi32>], vector<16xf32>,
        %add3A_2158 = arith.addf %get3A_2156, %gather3A_2157 : vector<16xf32>
        %swap3A_2159 = arith.constant 1 : i32
        %swap3A_2160 = arith.index_cast %swap3A_2159 : i32 to index
        %swap3A_2161 = arith.index_cast %add3A_2120 : i32 to index
        %swap3A_2162 = arith.constant 32 : index
        %swap3A_2163 = tpu.vector_load %arg11[%swap3A_2160, %swap3A_2161, %swap3A_2162] {strides = array<i32>} : memref<2x200x64xf32, #tpu.memory_space<vmem>>, vector<16xf32>,
        tpu.vector_store %arg11[%swap3A_2160, %swap3A_2161, %swap3A_2162], %add3A_2158 {strides = array<i32>} : memref<2x200x64xf32, #tpu.memory_space<vmem>>, vector<16xf32>,
        %add3A_2164 = arith.addf %add3A_2105, %add3A_2158 : vector<16xf32>
        %get3A_2165 = arith.constant 1 : i32
        %get3A_2166 = arith.index_cast %get3A_2165 : i32 to index
        %get3A_2167 = arith.index_cast %add3A_2120 : i32 to index
        %get3A_2168 = arith.constant 48 : index
        %get3A_2169 = tpu.vector_load %arg10[%get3A_2166, %get3A_2167, %get3A_2168] {strides = array<i32>} : memref<2x200x64xf32, #tpu.memory_space<vmem>>, vector<16xf32>,
        %gather3A_2170 = tpu.vector_load_idx %arg12[%gather3A_2125, %add3A_17] : memref<200x64xf32, #tpu.memory_space<vmem>>[vector<16xi32>, vector<16xi32>], vector<16xf32>,
        %add3A_2171 = arith.addf %get3A_2169, %gather3A_2170 : vector<16xf32>
        %swap3A_2172 = arith.constant 1 : i32
        %swap3A_2173 = arith.index_cast %swap3A_2172 : i32 to index
        %swap3A_2174 = arith.index_cast %add3A_2120 : i32 to index
        %swap3A_2175 = arith.constant 48 : index
        %swap3A_2176 = tpu.vector_load %arg11[%swap3A_2173, %swap3A_2174, %swap3A_2175] {strides = array<i32>} : memref<2x200x64xf32, #tpu.memory_space<vmem>>, vector<16xf32>,
        tpu.vector_store %arg11[%swap3A_2173, %swap3A_2174, %swap3A_2175], %add3A_2171 {strides = array<i32>} : memref<2x200x64xf32, #tpu.memory_space<vmem>>, vector<16xf32>,
        %add3A_2177 = arith.addf %add3A_2118, %add3A_2171 : vector<16xf32>
        %add3A_2178 = arith.constant 15 : i32
        %add3A_2179 = arith.addi %multiple_of3A, %add3A_2178 : i32
        %broadcast_in_dim3A_2180 = arith.constant 15 : i32
        %broadcast_in_dim3A_2181 = vector.broadcast %broadcast_in_dim3A_2180 : i32 to vector<16xi32>
        %broadcast_in_dim3A_2182 = vector.shape_cast %broadcast_in_dim3A_2181 : vector<16xi32> to vector<16x1xi32>
        %gather3A_2183 = vector.shape_cast %broadcast_in_dim3A_2182 : vector<16x1xi32> to vector<16xi32>
        %gather3A_2184 = tpu.dynamic_gather %get3A_1292[%gather3A_2183] in [0] : vector<16xi32>, vector<16xi32> -> vector<16xi32>
        %get3A_2185 = arith.constant 1 : i32
        %get3A_2186 = arith.index_cast %get3A_2185 : i32 to index
        %get3A_2187 = arith.index_cast %add3A_2179 : i32 to index
        %get3A_2188 = arith.constant 0 : index
        %get3A_2189 = tpu.vector_load %arg10[%get3A_2186, %get3A_2187, %get3A_2188] {strides = array<i32>} : memref<2x200x64xf32, #tpu.memory_space<vmem>>, vector<16xf32>,
        %gather3A_2190 = tpu.vector_load_idx %arg12[%gather3A_2184, %add3A_5] : memref<200x64xf32, #tpu.memory_space<vmem>>[vector<16xi32>, vector<16xi32>], vector<16xf32>,
        %add3A_2191 = arith.addf %get3A_2189, %gather3A_2190 : vector<16xf32>
        %swap3A_2192 = arith.constant 1 : i32
        %swap3A_2193 = arith.index_cast %swap3A_2192 : i32 to index
        %swap3A_2194 = arith.index_cast %add3A_2179 : i32 to index
        %swap3A_2195 = arith.constant 0 : index
        %swap3A_2196 = tpu.vector_load %arg11[%swap3A_2193, %swap3A_2194, %swap3A_2195] {strides = array<i32>} : memref<2x200x64xf32, #tpu.memory_space<vmem>>, vector<16xf32>,
        tpu.vector_store %arg11[%swap3A_2193, %swap3A_2194, %swap3A_2195], %add3A_2191 {strides = array<i32>} : memref<2x200x64xf32, #tpu.memory_space<vmem>>, vector<16xf32>,
        %add3A_2197 = arith.addf %add3A_2138, %add3A_2191 : vector<16xf32>
        %get3A_2198 = arith.constant 1 : i32
        %get3A_2199 = arith.index_cast %get3A_2198 : i32 to index
        %get3A_2200 = arith.index_cast %add3A_2179 : i32 to index
        %get3A_2201 = arith.constant 16 : index
        %get3A_2202 = tpu.vector_load %arg10[%get3A_2199, %get3A_2200, %get3A_2201] {strides = array<i32>} : memref<2x200x64xf32, #tpu.memory_space<vmem>>, vector<16xf32>,
        %gather3A_2203 = tpu.vector_load_idx %arg12[%gather3A_2184, %add3A_9] : memref<200x64xf32, #tpu.memory_space<vmem>>[vector<16xi32>, vector<16xi32>], vector<16xf32>,
        %add3A_2204 = arith.addf %get3A_2202, %gather3A_2203 : vector<16xf32>
        %swap3A_2205 = arith.constant 1 : i32
        %swap3A_2206 = arith.index_cast %swap3A_2205 : i32 to index
        %swap3A_2207 = arith.index_cast %add3A_2179 : i32 to index
        %swap3A_2208 = arith.constant 16 : index
        %swap3A_2209 = tpu.vector_load %arg11[%swap3A_2206, %swap3A_2207, %swap3A_2208] {strides = array<i32>} : memref<2x200x64xf32, #tpu.memory_space<vmem>>, vector<16xf32>,
        tpu.vector_store %arg11[%swap3A_2206, %swap3A_2207, %swap3A_2208], %add3A_2204 {strides = array<i32>} : memref<2x200x64xf32, #tpu.memory_space<vmem>>, vector<16xf32>,
        %add3A_2210 = arith.addf %add3A_2151, %add3A_2204 : vector<16xf32>
        %get3A_2211 = arith.constant 1 : i32
        %get3A_2212 = arith.index_cast %get3A_2211 : i32 to index
        %get3A_2213 = arith.index_cast %add3A_2179 : i32 to index
        %get3A_2214 = arith.constant 32 : index
        %get3A_2215 = tpu.vector_load %arg10[%get3A_2212, %get3A_2213, %get3A_2214] {strides = array<i32>} : memref<2x200x64xf32, #tpu.memory_space<vmem>>, vector<16xf32>,
        %gather3A_2216 = tpu.vector_load_idx %arg12[%gather3A_2184, %add3A_13] : memref<200x64xf32, #tpu.memory_space<vmem>>[vector<16xi32>, vector<16xi32>], vector<16xf32>,
        %add3A_2217 = arith.addf %get3A_2215, %gather3A_2216 : vector<16xf32>
        %swap3A_2218 = arith.constant 1 : i32
        %swap3A_2219 = arith.index_cast %swap3A_2218 : i32 to index
        %swap3A_2220 = arith.index_cast %add3A_2179 : i32 to index
        %swap3A_2221 = arith.constant 32 : index
        %swap3A_2222 = tpu.vector_load %arg11[%swap3A_2219, %swap3A_2220, %swap3A_2221] {strides = array<i32>} : memref<2x200x64xf32, #tpu.memory_space<vmem>>, vector<16xf32>,
        tpu.vector_store %arg11[%swap3A_2219, %swap3A_2220, %swap3A_2221], %add3A_2217 {strides = array<i32>} : memref<2x200x64xf32, #tpu.memory_space<vmem>>, vector<16xf32>,
        %add3A_2223 = arith.addf %add3A_2164, %add3A_2217 : vector<16xf32>
        %get3A_2224 = arith.constant 1 : i32
        %get3A_2225 = arith.index_cast %get3A_2224 : i32 to index
        %get3A_2226 = arith.index_cast %add3A_2179 : i32 to index
        %get3A_2227 = arith.constant 48 : index
        %get3A_2228 = tpu.vector_load %arg10[%get3A_2225, %get3A_2226, %get3A_2227] {strides = array<i32>} : memref<2x200x64xf32, #tpu.memory_space<vmem>>, vector<16xf32>,
        %gather3A_2229 = tpu.vector_load_idx %arg12[%gather3A_2184, %add3A_17] : memref<200x64xf32, #tpu.memory_space<vmem>>[vector<16xi32>, vector<16xi32>], vector<16xf32>,
        %add3A_2230 = arith.addf %get3A_2228, %gather3A_2229 : vector<16xf32>
        %swap3A_2231 = arith.constant 1 : i32
        %swap3A_2232 = arith.index_cast %swap3A_2231 : i32 to index
        %swap3A_2233 = arith.index_cast %add3A_2179 : i32 to index
        %swap3A_2234 = arith.constant 48 : index
        %swap3A_2235 = tpu.vector_load %arg11[%swap3A_2232, %swap3A_2233, %swap3A_2234] {strides = array<i32>} : memref<2x200x64xf32, #tpu.memory_space<vmem>>, vector<16xf32>,
        tpu.vector_store %arg11[%swap3A_2232, %swap3A_2233, %swap3A_2234], %add3A_2230 {strides = array<i32>} : memref<2x200x64xf32, #tpu.memory_space<vmem>>, vector<16xf32>,
        %add3A_2236 = arith.addf %add3A_2177, %add3A_2230 : vector<16xf32>
        scf.yield %add3A_2197, %add3A_2210, %add3A_2223, %add3A_2236 : vector<16xf32>, vector<16xf32>, vector<16xf32>, vector<16xf32>
      }
      %scan3A_714 = arith.constant 12 : i32
      %get3A_715 = arith.index_cast %add3A_680 : i32 to index
      %get3A_716 = arith.constant 184 : index
      %get3A_717 = tpu.vector_load %arg9[%get3A_715, %get3A_716] {strides = array<i32>} : memref<128x200xi32, #tpu.memory_space<vmem>>, vector<16xi32>,
      %broadcast_in_dim3A_718 = arith.constant 8 : i32
      %broadcast_in_dim3A_719 = vector.broadcast %broadcast_in_dim3A_718 : i32 to vector<16xi32>
      %broadcast_in_dim3A_720 = vector.shape_cast %broadcast_in_dim3A_719 : vector<16xi32> to vector<16x1xi32>
      %gather3A_721 = vector.shape_cast %broadcast_in_dim3A_720 : vector<16x1xi32> to vector<16xi32>
      %gather3A_722 = tpu.dynamic_gather %get3A_717[%gather3A_721] in [0] : vector<16xi32>, vector<16xi32> -> vector<16xi32>
      %get3A_723 = arith.constant 1 : i32
      %get3A_724 = arith.constant 192 : i32
      %get3A_725 = arith.index_cast %get3A_723 : i32 to index
      %get3A_726 = arith.index_cast %get3A_724 : i32 to index
      %get3A_727 = arith.constant 0 : index
      %get3A_728 = tpu.vector_load %arg10[%get3A_725, %get3A_726, %get3A_727] {strides = array<i32>} : memref<2x200x64xf32, #tpu.memory_space<vmem>>, vector<16xf32>,
      %gather3A_729 = tpu.vector_load_idx %arg12[%gather3A_722, %add3A_5] : memref<200x64xf32, #tpu.memory_space<vmem>>[vector<16xi32>, vector<16xi32>], vector<16xf32>,
      %add3A_730 = arith.addf %get3A_728, %gather3A_729 : vector<16xf32>
      %swap3A_731 = arith.constant 1 : i32
      %swap3A_732 = arith.constant 192 : i32
      %swap3A_733 = arith.index_cast %swap3A_731 : i32 to index
      %swap3A_734 = arith.index_cast %swap3A_732 : i32 to index
      %swap3A_735 = arith.constant 0 : index
      %swap3A_736 = tpu.vector_load %arg11[%swap3A_733, %swap3A_734, %swap3A_735] {strides = array<i32>} : memref<2x200x64xf32, #tpu.memory_space<vmem>>, vector<16xf32>,
      tpu.vector_store %arg11[%swap3A_733, %swap3A_734, %swap3A_735], %add3A_730 {strides = array<i32>} : memref<2x200x64xf32, #tpu.memory_space<vmem>>, vector<16xf32>,
      %add3A_737 = arith.addf %scan3A_713#0, %add3A_730 : vector<16xf32>
      %get3A_738 = arith.constant 1 : i32
      %get3A_739 = arith.constant 192 : i32
      %get3A_740 = arith.index_cast %get3A_738 : i32 to index
      %get3A_741 = arith.index_cast %get3A_739 : i32 to index
      %get3A_742 = arith.constant 16 : index
      %get3A_743 = tpu.vector_load %arg10[%get3A_740, %get3A_741, %get3A_742] {strides = array<i32>} : memref<2x200x64xf32, #tpu.memory_space<vmem>>, vector<16xf32>,
      %gather3A_744 = tpu.vector_load_idx %arg12[%gather3A_722, %add3A_9] : memref<200x64xf32, #tpu.memory_space<vmem>>[vector<16xi32>, vector<16xi32>], vector<16xf32>,
      %add3A_745 = arith.addf %get3A_743, %gather3A_744 : vector<16xf32>
      %swap3A_746 = arith.constant 1 : i32
      %swap3A_747 = arith.constant 192 : i32
      %swap3A_748 = arith.index_cast %swap3A_746 : i32 to index
      %swap3A_749 = arith.index_cast %swap3A_747 : i32 to index
      %swap3A_750 = arith.constant 16 : index
      %swap3A_751 = tpu.vector_load %arg11[%swap3A_748, %swap3A_749, %swap3A_750] {strides = array<i32>} : memref<2x200x64xf32, #tpu.memory_space<vmem>>, vector<16xf32>,
      tpu.vector_store %arg11[%swap3A_748, %swap3A_749, %swap3A_750], %add3A_745 {strides = array<i32>} : memref<2x200x64xf32, #tpu.memory_space<vmem>>, vector<16xf32>,
      %add3A_752 = arith.addf %scan3A_713#1, %add3A_745 : vector<16xf32>
      %get3A_753 = arith.constant 1 : i32
      %get3A_754 = arith.constant 192 : i32
      %get3A_755 = arith.index_cast %get3A_753 : i32 to index
      %get3A_756 = arith.index_cast %get3A_754 : i32 to index
      %get3A_757 = arith.constant 32 : index
      %get3A_758 = tpu.vector_load %arg10[%get3A_755, %get3A_756, %get3A_757] {strides = array<i32>} : memref<2x200x64xf32, #tpu.memory_space<vmem>>, vector<16xf32>,
      %gather3A_759 = tpu.vector_load_idx %arg12[%gather3A_722, %add3A_13] : memref<200x64xf32, #tpu.memory_space<vmem>>[vector<16xi32>, vector<16xi32>], vector<16xf32>,
      %add3A_760 = arith.addf %get3A_758, %gather3A_759 : vector<16xf32>
      %swap3A_761 = arith.constant 1 : i32
      %swap3A_762 = arith.constant 192 : i32
      %swap3A_763 = arith.index_cast %swap3A_761 : i32 to index
      %swap3A_764 = arith.index_cast %swap3A_762 : i32 to index
      %swap3A_765 = arith.constant 32 : index
      %swap3A_766 = tpu.vector_load %arg11[%swap3A_763, %swap3A_764, %swap3A_765] {strides = array<i32>} : memref<2x200x64xf32, #tpu.memory_space<vmem>>, vector<16xf32>,
      tpu.vector_store %arg11[%swap3A_763, %swap3A_764, %swap3A_765], %add3A_760 {strides = array<i32>} : memref<2x200x64xf32, #tpu.memory_space<vmem>>, vector<16xf32>,
      %add3A_767 = arith.addf %scan3A_713#2, %add3A_760 : vector<16xf32>
      %get3A_768 = arith.constant 1 : i32
      %get3A_769 = arith.constant 192 : i32
      %get3A_770 = arith.index_cast %get3A_768 : i32 to index
      %get3A_771 = arith.index_cast %get3A_769 : i32 to index
      %get3A_772 = arith.constant 48 : index
      %get3A_773 = tpu.vector_load %arg10[%get3A_770, %get3A_771, %get3A_772] {strides = array<i32>} : memref<2x200x64xf32, #tpu.memory_space<vmem>>, vector<16xf32>,
      %gather3A_774 = tpu.vector_load_idx %arg12[%gather3A_722, %add3A_17] : memref<200x64xf32, #tpu.memory_space<vmem>>[vector<16xi32>, vector<16xi32>], vector<16xf32>,
      %add3A_775 = arith.addf %get3A_773, %gather3A_774 : vector<16xf32>
      %swap3A_776 = arith.constant 1 : i32
      %swap3A_777 = arith.constant 192 : i32
      %swap3A_778 = arith.index_cast %swap3A_776 : i32 to index
      %swap3A_779 = arith.index_cast %swap3A_777 : i32 to index
      %swap3A_780 = arith.constant 48 : index
      %swap3A_781 = tpu.vector_load %arg11[%swap3A_778, %swap3A_779, %swap3A_780] {strides = array<i32>} : memref<2x200x64xf32, #tpu.memory_space<vmem>>, vector<16xf32>,
      tpu.vector_store %arg11[%swap3A_778, %swap3A_779, %swap3A_780], %add3A_775 {strides = array<i32>} : memref<2x200x64xf32, #tpu.memory_space<vmem>>, vector<16xf32>,
      %add3A_782 = arith.addf %scan3A_713#3, %add3A_775 : vector<16xf32>
      %broadcast_in_dim3A_783 = arith.constant 9 : i32
      %broadcast_in_dim3A_784 = vector.broadcast %broadcast_in_dim3A_783 : i32 to vector<16xi32>
      %broadcast_in_dim3A_785 = vector.shape_cast %broadcast_in_dim3A_784 : vector<16xi32> to vector<16x1xi32>
      %gather3A_786 = vector.shape_cast %broadcast_in_dim3A_785 : vector<16x1xi32> to vector<16xi32>
      %gather3A_787 = tpu.dynamic_gather %get3A_717[%gather3A_786] in [0] : vector<16xi32>, vector<16xi32> -> vector<16xi32>
      %get3A_788 = arith.constant 1 : i32
      %get3A_789 = arith.constant 193 : i32
      %get3A_790 = arith.index_cast %get3A_788 : i32 to index
      %get3A_791 = arith.index_cast %get3A_789 : i32 to index
      %get3A_792 = arith.constant 0 : index
      %get3A_793 = tpu.vector_load %arg10[%get3A_790, %get3A_791, %get3A_792] {strides = array<i32>} : memref<2x200x64xf32, #tpu.memory_space<vmem>>, vector<16xf32>,
      %gather3A_794 = tpu.vector_load_idx %arg12[%gather3A_787, %add3A_5] : memref<200x64xf32, #tpu.memory_space<vmem>>[vector<16xi32>, vector<16xi32>], vector<16xf32>,
      %add3A_795 = arith.addf %get3A_793, %gather3A_794 : vector<16xf32>
      %swap3A_796 = arith.constant 1 : i32
      %swap3A_797 = arith.constant 193 : i32
      %swap3A_798 = arith.index_cast %swap3A_796 : i32 to index
      %swap3A_799 = arith.index_cast %swap3A_797 : i32 to index
      %swap3A_800 = arith.constant 0 : index
      %swap3A_801 = tpu.vector_load %arg11[%swap3A_798, %swap3A_799, %swap3A_800] {strides = array<i32>} : memref<2x200x64xf32, #tpu.memory_space<vmem>>, vector<16xf32>,
      tpu.vector_store %arg11[%swap3A_798, %swap3A_799, %swap3A_800], %add3A_795 {strides = array<i32>} : memref<2x200x64xf32, #tpu.memory_space<vmem>>, vector<16xf32>,
      %add3A_802 = arith.addf %add3A_737, %add3A_795 : vector<16xf32>
      %get3A_803 = arith.constant 1 : i32
      %get3A_804 = arith.constant 193 : i32
      %get3A_805 = arith.index_cast %get3A_803 : i32 to index
      %get3A_806 = arith.index_cast %get3A_804 : i32 to index
      %get3A_807 = arith.constant 16 : index
      %get3A_808 = tpu.vector_load %arg10[%get3A_805, %get3A_806, %get3A_807] {strides = array<i32>} : memref<2x200x64xf32, #tpu.memory_space<vmem>>, vector<16xf32>,
      %gather3A_809 = tpu.vector_load_idx %arg12[%gather3A_787, %add3A_9] : memref<200x64xf32, #tpu.memory_space<vmem>>[vector<16xi32>, vector<16xi32>], vector<16xf32>,
      %add3A_810 = arith.addf %get3A_808, %gather3A_809 : vector<16xf32>
      %swap3A_811 = arith.constant 1 : i32
      %swap3A_812 = arith.constant 193 : i32
      %swap3A_813 = arith.index_cast %swap3A_811 : i32 to index
      %swap3A_814 = arith.index_cast %swap3A_812 : i32 to index
      %swap3A_815 = arith.constant 16 : index
      %swap3A_816 = tpu.vector_load %arg11[%swap3A_813, %swap3A_814, %swap3A_815] {strides = array<i32>} : memref<2x200x64xf32, #tpu.memory_space<vmem>>, vector<16xf32>,
      tpu.vector_store %arg11[%swap3A_813, %swap3A_814, %swap3A_815], %add3A_810 {strides = array<i32>} : memref<2x200x64xf32, #tpu.memory_space<vmem>>, vector<16xf32>,
      %add3A_817 = arith.addf %add3A_752, %add3A_810 : vector<16xf32>
      %get3A_818 = arith.constant 1 : i32
      %get3A_819 = arith.constant 193 : i32
      %get3A_820 = arith.index_cast %get3A_818 : i32 to index
      %get3A_821 = arith.index_cast %get3A_819 : i32 to index
      %get3A_822 = arith.constant 32 : index
      %get3A_823 = tpu.vector_load %arg10[%get3A_820, %get3A_821, %get3A_822] {strides = array<i32>} : memref<2x200x64xf32, #tpu.memory_space<vmem>>, vector<16xf32>,
      %gather3A_824 = tpu.vector_load_idx %arg12[%gather3A_787, %add3A_13] : memref<200x64xf32, #tpu.memory_space<vmem>>[vector<16xi32>, vector<16xi32>], vector<16xf32>,
      %add3A_825 = arith.addf %get3A_823, %gather3A_824 : vector<16xf32>
      %swap3A_826 = arith.constant 1 : i32
      %swap3A_827 = arith.constant 193 : i32
      %swap3A_828 = arith.index_cast %swap3A_826 : i32 to index
      %swap3A_829 = arith.index_cast %swap3A_827 : i32 to index
      %swap3A_830 = arith.constant 32 : index
      %swap3A_831 = tpu.vector_load %arg11[%swap3A_828, %swap3A_829, %swap3A_830] {strides = array<i32>} : memref<2x200x64xf32, #tpu.memory_space<vmem>>, vector<16xf32>,
      tpu.vector_store %arg11[%swap3A_828, %swap3A_829, %swap3A_830], %add3A_825 {strides = array<i32>} : memref<2x200x64xf32, #tpu.memory_space<vmem>>, vector<16xf32>,
      %add3A_832 = arith.addf %add3A_767, %add3A_825 : vector<16xf32>
      %get3A_833 = arith.constant 1 : i32
      %get3A_834 = arith.constant 193 : i32
      %get3A_835 = arith.index_cast %get3A_833 : i32 to index
      %get3A_836 = arith.index_cast %get3A_834 : i32 to index
      %get3A_837 = arith.constant 48 : index
      %get3A_838 = tpu.vector_load %arg10[%get3A_835, %get3A_836, %get3A_837] {strides = array<i32>} : memref<2x200x64xf32, #tpu.memory_space<vmem>>, vector<16xf32>,
      %gather3A_839 = tpu.vector_load_idx %arg12[%gather3A_787, %add3A_17] : memref<200x64xf32, #tpu.memory_space<vmem>>[vector<16xi32>, vector<16xi32>], vector<16xf32>,
      %add3A_840 = arith.addf %get3A_838, %gather3A_839 : vector<16xf32>
      %swap3A_841 = arith.constant 1 : i32
      %swap3A_842 = arith.constant 193 : i32
      %swap3A_843 = arith.index_cast %swap3A_841 : i32 to index
      %swap3A_844 = arith.index_cast %swap3A_842 : i32 to index
      %swap3A_845 = arith.constant 48 : index
      %swap3A_846 = tpu.vector_load %arg11[%swap3A_843, %swap3A_844, %swap3A_845] {strides = array<i32>} : memref<2x200x64xf32, #tpu.memory_space<vmem>>, vector<16xf32>,
      tpu.vector_store %arg11[%swap3A_843, %swap3A_844, %swap3A_845], %add3A_840 {strides = array<i32>} : memref<2x200x64xf32, #tpu.memory_space<vmem>>, vector<16xf32>,
      %add3A_847 = arith.addf %add3A_782, %add3A_840 : vector<16xf32>
      %broadcast_in_dim3A_848 = arith.constant 10 : i32
      %broadcast_in_dim3A_849 = vector.broadcast %broadcast_in_dim3A_848 : i32 to vector<16xi32>
      %broadcast_in_dim3A_850 = vector.shape_cast %broadcast_in_dim3A_849 : vector<16xi32> to vector<16x1xi32>
      %gather3A_851 = vector.shape_cast %broadcast_in_dim3A_850 : vector<16x1xi32> to vector<16xi32>
      %gather3A_852 = tpu.dynamic_gather %get3A_717[%gather3A_851] in [0] : vector<16xi32>, vector<16xi32> -> vector<16xi32>
      %get3A_853 = arith.constant 1 : i32
      %get3A_854 = arith.constant 194 : i32
      %get3A_855 = arith.index_cast %get3A_853 : i32 to index
      %get3A_856 = arith.index_cast %get3A_854 : i32 to index
      %get3A_857 = arith.constant 0 : index
      %get3A_858 = tpu.vector_load %arg10[%get3A_855, %get3A_856, %get3A_857] {strides = array<i32>} : memref<2x200x64xf32, #tpu.memory_space<vmem>>, vector<16xf32>,
      %gather3A_859 = tpu.vector_load_idx %arg12[%gather3A_852, %add3A_5] : memref<200x64xf32, #tpu.memory_space<vmem>>[vector<16xi32>, vector<16xi32>], vector<16xf32>,
      %add3A_860 = arith.addf %get3A_858, %gather3A_859 : vector<16xf32>
      %swap3A_861 = arith.constant 1 : i32
      %swap3A_862 = arith.constant 194 : i32
      %swap3A_863 = arith.index_cast %swap3A_861 : i32 to index
      %swap3A_864 = arith.index_cast %swap3A_862 : i32 to index
      %swap3A_865 = arith.constant 0 : index
      %swap3A_866 = tpu.vector_load %arg11[%swap3A_863, %swap3A_864, %swap3A_865] {strides = array<i32>} : memref<2x200x64xf32, #tpu.memory_space<vmem>>, vector<16xf32>,
      tpu.vector_store %arg11[%swap3A_863, %swap3A_864, %swap3A_865], %add3A_860 {strides = array<i32>} : memref<2x200x64xf32, #tpu.memory_space<vmem>>, vector<16xf32>,
      %add3A_867 = arith.addf %add3A_802, %add3A_860 : vector<16xf32>
      %get3A_868 = arith.constant 1 : i32
      %get3A_869 = arith.constant 194 : i32
      %get3A_870 = arith.index_cast %get3A_868 : i32 to index
      %get3A_871 = arith.index_cast %get3A_869 : i32 to index
      %get3A_872 = arith.constant 16 : index
      %get3A_873 = tpu.vector_load %arg10[%get3A_870, %get3A_871, %get3A_872] {strides = array<i32>} : memref<2x200x64xf32, #tpu.memory_space<vmem>>, vector<16xf32>,
      %gather3A_874 = tpu.vector_load_idx %arg12[%gather3A_852, %add3A_9] : memref<200x64xf32, #tpu.memory_space<vmem>>[vector<16xi32>, vector<16xi32>], vector<16xf32>,
      %add3A_875 = arith.addf %get3A_873, %gather3A_874 : vector<16xf32>
      %swap3A_876 = arith.constant 1 : i32
      %swap3A_877 = arith.constant 194 : i32
      %swap3A_878 = arith.index_cast %swap3A_876 : i32 to index
      %swap3A_879 = arith.index_cast %swap3A_877 : i32 to index
      %swap3A_880 = arith.constant 16 : index
      %swap3A_881 = tpu.vector_load %arg11[%swap3A_878, %swap3A_879, %swap3A_880] {strides = array<i32>} : memref<2x200x64xf32, #tpu.memory_space<vmem>>, vector<16xf32>,
      tpu.vector_store %arg11[%swap3A_878, %swap3A_879, %swap3A_880], %add3A_875 {strides = array<i32>} : memref<2x200x64xf32, #tpu.memory_space<vmem>>, vector<16xf32>,
      %add3A_882 = arith.addf %add3A_817, %add3A_875 : vector<16xf32>
      %get3A_883 = arith.constant 1 : i32
      %get3A_884 = arith.constant 194 : i32
      %get3A_885 = arith.index_cast %get3A_883 : i32 to index
      %get3A_886 = arith.index_cast %get3A_884 : i32 to index
      %get3A_887 = arith.constant 32 : index
      %get3A_888 = tpu.vector_load %arg10[%get3A_885, %get3A_886, %get3A_887] {strides = array<i32>} : memref<2x200x64xf32, #tpu.memory_space<vmem>>, vector<16xf32>,
      %gather3A_889 = tpu.vector_load_idx %arg12[%gather3A_852, %add3A_13] : memref<200x64xf32, #tpu.memory_space<vmem>>[vector<16xi32>, vector<16xi32>], vector<16xf32>,
      %add3A_890 = arith.addf %get3A_888, %gather3A_889 : vector<16xf32>
      %swap3A_891 = arith.constant 1 : i32
      %swap3A_892 = arith.constant 194 : i32
      %swap3A_893 = arith.index_cast %swap3A_891 : i32 to index
      %swap3A_894 = arith.index_cast %swap3A_892 : i32 to index
      %swap3A_895 = arith.constant 32 : index
      %swap3A_896 = tpu.vector_load %arg11[%swap3A_893, %swap3A_894, %swap3A_895] {strides = array<i32>} : memref<2x200x64xf32, #tpu.memory_space<vmem>>, vector<16xf32>,
      tpu.vector_store %arg11[%swap3A_893, %swap3A_894, %swap3A_895], %add3A_890 {strides = array<i32>} : memref<2x200x64xf32, #tpu.memory_space<vmem>>, vector<16xf32>,
      %add3A_897 = arith.addf %add3A_832, %add3A_890 : vector<16xf32>
      %get3A_898 = arith.constant 1 : i32
      %get3A_899 = arith.constant 194 : i32
      %get3A_900 = arith.index_cast %get3A_898 : i32 to index
      %get3A_901 = arith.index_cast %get3A_899 : i32 to index
      %get3A_902 = arith.constant 48 : index
      %get3A_903 = tpu.vector_load %arg10[%get3A_900, %get3A_901, %get3A_902] {strides = array<i32>} : memref<2x200x64xf32, #tpu.memory_space<vmem>>, vector<16xf32>,
      %gather3A_904 = tpu.vector_load_idx %arg12[%gather3A_852, %add3A_17] : memref<200x64xf32, #tpu.memory_space<vmem>>[vector<16xi32>, vector<16xi32>], vector<16xf32>,
      %add3A_905 = arith.addf %get3A_903, %gather3A_904 : vector<16xf32>
      %swap3A_906 = arith.constant 1 : i32
      %swap3A_907 = arith.constant 194 : i32
      %swap3A_908 = arith.index_cast %swap3A_906 : i32 to index
      %swap3A_909 = arith.index_cast %swap3A_907 : i32 to index
      %swap3A_910 = arith.constant 48 : index
      %swap3A_911 = tpu.vector_load %arg11[%swap3A_908, %swap3A_909, %swap3A_910] {strides = array<i32>} : memref<2x200x64xf32, #tpu.memory_space<vmem>>, vector<16xf32>,
      tpu.vector_store %arg11[%swap3A_908, %swap3A_909, %swap3A_910], %add3A_905 {strides = array<i32>} : memref<2x200x64xf32, #tpu.memory_space<vmem>>, vector<16xf32>,
      %add3A_912 = arith.addf %add3A_847, %add3A_905 : vector<16xf32>
      %broadcast_in_dim3A_913 = arith.constant 11 : i32
      %broadcast_in_dim3A_914 = vector.broadcast %broadcast_in_dim3A_913 : i32 to vector<16xi32>
      %broadcast_in_dim3A_915 = vector.shape_cast %broadcast_in_dim3A_914 : vector<16xi32> to vector<16x1xi32>
      %gather3A_916 = vector.shape_cast %broadcast_in_dim3A_915 : vector<16x1xi32> to vector<16xi32>
      %gather3A_917 = tpu.dynamic_gather %get3A_717[%gather3A_916] in [0] : vector<16xi32>, vector<16xi32> -> vector<16xi32>
      %get3A_918 = arith.constant 1 : i32
      %get3A_919 = arith.constant 195 : i32
      %get3A_920 = arith.index_cast %get3A_918 : i32 to index
      %get3A_921 = arith.index_cast %get3A_919 : i32 to index
      %get3A_922 = arith.constant 0 : index
      %get3A_923 = tpu.vector_load %arg10[%get3A_920, %get3A_921, %get3A_922] {strides = array<i32>} : memref<2x200x64xf32, #tpu.memory_space<vmem>>, vector<16xf32>,
      %gather3A_924 = tpu.vector_load_idx %arg12[%gather3A_917, %add3A_5] : memref<200x64xf32, #tpu.memory_space<vmem>>[vector<16xi32>, vector<16xi32>], vector<16xf32>,
      %add3A_925 = arith.addf %get3A_923, %gather3A_924 : vector<16xf32>
      %swap3A_926 = arith.constant 1 : i32
      %swap3A_927 = arith.constant 195 : i32
      %swap3A_928 = arith.index_cast %swap3A_926 : i32 to index
      %swap3A_929 = arith.index_cast %swap3A_927 : i32 to index
      %swap3A_930 = arith.constant 0 : index
      %swap3A_931 = tpu.vector_load %arg11[%swap3A_928, %swap3A_929, %swap3A_930] {strides = array<i32>} : memref<2x200x64xf32, #tpu.memory_space<vmem>>, vector<16xf32>,
      tpu.vector_store %arg11[%swap3A_928, %swap3A_929, %swap3A_930], %add3A_925 {strides = array<i32>} : memref<2x200x64xf32, #tpu.memory_space<vmem>>, vector<16xf32>,
      %add3A_932 = arith.addf %add3A_867, %add3A_925 : vector<16xf32>
      %get3A_933 = arith.constant 1 : i32
      %get3A_934 = arith.constant 195 : i32
      %get3A_935 = arith.index_cast %get3A_933 : i32 to index
      %get3A_936 = arith.index_cast %get3A_934 : i32 to index
      %get3A_937 = arith.constant 16 : index
      %get3A_938 = tpu.vector_load %arg10[%get3A_935, %get3A_936, %get3A_937] {strides = array<i32>} : memref<2x200x64xf32, #tpu.memory_space<vmem>>, vector<16xf32>,
      %gather3A_939 = tpu.vector_load_idx %arg12[%gather3A_917, %add3A_9] : memref<200x64xf32, #tpu.memory_space<vmem>>[vector<16xi32>, vector<16xi32>], vector<16xf32>,
      %add3A_940 = arith.addf %get3A_938, %gather3A_939 : vector<16xf32>
      %swap3A_941 = arith.constant 1 : i32
      %swap3A_942 = arith.constant 195 : i32
      %swap3A_943 = arith.index_cast %swap3A_941 : i32 to index
      %swap3A_944 = arith.index_cast %swap3A_942 : i32 to index
      %swap3A_945 = arith.constant 16 : index
      %swap3A_946 = tpu.vector_load %arg11[%swap3A_943, %swap3A_944, %swap3A_945] {strides = array<i32>} : memref<2x200x64xf32, #tpu.memory_space<vmem>>, vector<16xf32>,
      tpu.vector_store %arg11[%swap3A_943, %swap3A_944, %swap3A_945], %add3A_940 {strides = array<i32>} : memref<2x200x64xf32, #tpu.memory_space<vmem>>, vector<16xf32>,
      %add3A_947 = arith.addf %add3A_882, %add3A_940 : vector<16xf32>
      %get3A_948 = arith.constant 1 : i32
      %get3A_949 = arith.constant 195 : i32
      %get3A_950 = arith.index_cast %get3A_948 : i32 to index
      %get3A_951 = arith.index_cast %get3A_949 : i32 to index
      %get3A_952 = arith.constant 32 : index
      %get3A_953 = tpu.vector_load %arg10[%get3A_950, %get3A_951, %get3A_952] {strides = array<i32>} : memref<2x200x64xf32, #tpu.memory_space<vmem>>, vector<16xf32>,
      %gather3A_954 = tpu.vector_load_idx %arg12[%gather3A_917, %add3A_13] : memref<200x64xf32, #tpu.memory_space<vmem>>[vector<16xi32>, vector<16xi32>], vector<16xf32>,
      %add3A_955 = arith.addf %get3A_953, %gather3A_954 : vector<16xf32>
      %swap3A_956 = arith.constant 1 : i32
      %swap3A_957 = arith.constant 195 : i32
      %swap3A_958 = arith.index_cast %swap3A_956 : i32 to index
      %swap3A_959 = arith.index_cast %swap3A_957 : i32 to index
      %swap3A_960 = arith.constant 32 : index
      %swap3A_961 = tpu.vector_load %arg11[%swap3A_958, %swap3A_959, %swap3A_960] {strides = array<i32>} : memref<2x200x64xf32, #tpu.memory_space<vmem>>, vector<16xf32>,
      tpu.vector_store %arg11[%swap3A_958, %swap3A_959, %swap3A_960], %add3A_955 {strides = array<i32>} : memref<2x200x64xf32, #tpu.memory_space<vmem>>, vector<16xf32>,
      %add3A_962 = arith.addf %add3A_897, %add3A_955 : vector<16xf32>
      %get3A_963 = arith.constant 1 : i32
      %get3A_964 = arith.constant 195 : i32
      %get3A_965 = arith.index_cast %get3A_963 : i32 to index
      %get3A_966 = arith.index_cast %get3A_964 : i32 to index
      %get3A_967 = arith.constant 48 : index
      %get3A_968 = tpu.vector_load %arg10[%get3A_965, %get3A_966, %get3A_967] {strides = array<i32>} : memref<2x200x64xf32, #tpu.memory_space<vmem>>, vector<16xf32>,
      %gather3A_969 = tpu.vector_load_idx %arg12[%gather3A_917, %add3A_17] : memref<200x64xf32, #tpu.memory_space<vmem>>[vector<16xi32>, vector<16xi32>], vector<16xf32>,
      %add3A_970 = arith.addf %get3A_968, %gather3A_969 : vector<16xf32>
      %swap3A_971 = arith.constant 1 : i32
      %swap3A_972 = arith.constant 195 : i32
      %swap3A_973 = arith.index_cast %swap3A_971 : i32 to index
      %swap3A_974 = arith.index_cast %swap3A_972 : i32 to index
      %swap3A_975 = arith.constant 48 : index
      %swap3A_976 = tpu.vector_load %arg11[%swap3A_973, %swap3A_974, %swap3A_975] {strides = array<i32>} : memref<2x200x64xf32, #tpu.memory_space<vmem>>, vector<16xf32>,
      tpu.vector_store %arg11[%swap3A_973, %swap3A_974, %swap3A_975], %add3A_970 {strides = array<i32>} : memref<2x200x64xf32, #tpu.memory_space<vmem>>, vector<16xf32>,
      %add3A_977 = arith.addf %add3A_912, %add3A_970 : vector<16xf32>
      %broadcast_in_dim3A_978 = arith.constant 12 : i32
      %broadcast_in_dim3A_979 = vector.broadcast %broadcast_in_dim3A_978 : i32 to vector<16xi32>
      %broadcast_in_dim3A_980 = vector.shape_cast %broadcast_in_dim3A_979 : vector<16xi32> to vector<16x1xi32>
      %gather3A_981 = vector.shape_cast %broadcast_in_dim3A_980 : vector<16x1xi32> to vector<16xi32>
      %gather3A_982 = tpu.dynamic_gather %get3A_717[%gather3A_981] in [0] : vector<16xi32>, vector<16xi32> -> vector<16xi32>
      %get3A_983 = arith.constant 1 : i32
      %get3A_984 = arith.constant 196 : i32
      %get3A_985 = arith.index_cast %get3A_983 : i32 to index
      %get3A_986 = arith.index_cast %get3A_984 : i32 to index
      %get3A_987 = arith.constant 0 : index
      %get3A_988 = tpu.vector_load %arg10[%get3A_985, %get3A_986, %get3A_987] {strides = array<i32>} : memref<2x200x64xf32, #tpu.memory_space<vmem>>, vector<16xf32>,
      %gather3A_989 = tpu.vector_load_idx %arg12[%gather3A_982, %add3A_5] : memref<200x64xf32, #tpu.memory_space<vmem>>[vector<16xi32>, vector<16xi32>], vector<16xf32>,
      %add3A_990 = arith.addf %get3A_988, %gather3A_989 : vector<16xf32>
      %swap3A_991 = arith.constant 1 : i32
      %swap3A_992 = arith.constant 196 : i32
      %swap3A_993 = arith.index_cast %swap3A_991 : i32 to index
      %swap3A_994 = arith.index_cast %swap3A_992 : i32 to index
      %swap3A_995 = arith.constant 0 : index
      %swap3A_996 = tpu.vector_load %arg11[%swap3A_993, %swap3A_994, %swap3A_995] {strides = array<i32>} : memref<2x200x64xf32, #tpu.memory_space<vmem>>, vector<16xf32>,
      tpu.vector_store %arg11[%swap3A_993, %swap3A_994, %swap3A_995], %add3A_990 {strides = array<i32>} : memref<2x200x64xf32, #tpu.memory_space<vmem>>, vector<16xf32>,
      %add3A_997 = arith.addf %add3A_932, %add3A_990 : vector<16xf32>
      %get3A_998 = arith.constant 1 : i32
      %get3A_999 = arith.constant 196 : i32
      %get3A_1000 = arith.index_cast %get3A_998 : i32 to index
      %get3A_1001 = arith.index_cast %get3A_999 : i32 to index
      %get3A_1002 = arith.constant 16 : index
      %get3A_1003 = tpu.vector_load %arg10[%get3A_1000, %get3A_1001, %get3A_1002] {strides = array<i32>} : memref<2x200x64xf32, #tpu.memory_space<vmem>>, vector<16xf32>,
      %gather3A_1004 = tpu.vector_load_idx %arg12[%gather3A_982, %add3A_9] : memref<200x64xf32, #tpu.memory_space<vmem>>[vector<16xi32>, vector<16xi32>], vector<16xf32>,
      %add3A_1005 = arith.addf %get3A_1003, %gather3A_1004 : vector<16xf32>
      %swap3A_1006 = arith.constant 1 : i32
      %swap3A_1007 = arith.constant 196 : i32
      %swap3A_1008 = arith.index_cast %swap3A_1006 : i32 to index
      %swap3A_1009 = arith.index_cast %swap3A_1007 : i32 to index
      %swap3A_1010 = arith.constant 16 : index
      %swap3A_1011 = tpu.vector_load %arg11[%swap3A_1008, %swap3A_1009, %swap3A_1010] {strides = array<i32>} : memref<2x200x64xf32, #tpu.memory_space<vmem>>, vector<16xf32>,
      tpu.vector_store %arg11[%swap3A_1008, %swap3A_1009, %swap3A_1010], %add3A_1005 {strides = array<i32>} : memref<2x200x64xf32, #tpu.memory_space<vmem>>, vector<16xf32>,
      %add3A_1012 = arith.addf %add3A_947, %add3A_1005 : vector<16xf32>
      %get3A_1013 = arith.constant 1 : i32
      %get3A_1014 = arith.constant 196 : i32
      %get3A_1015 = arith.index_cast %get3A_1013 : i32 to index
      %get3A_1016 = arith.index_cast %get3A_1014 : i32 to index
      %get3A_1017 = arith.constant 32 : index
      %get3A_1018 = tpu.vector_load %arg10[%get3A_1015, %get3A_1016, %get3A_1017] {strides = array<i32>} : memref<2x200x64xf32, #tpu.memory_space<vmem>>, vector<16xf32>,
      %gather3A_1019 = tpu.vector_load_idx %arg12[%gather3A_982, %add3A_13] : memref<200x64xf32, #tpu.memory_space<vmem>>[vector<16xi32>, vector<16xi32>], vector<16xf32>,
      %add3A_1020 = arith.addf %get3A_1018, %gather3A_1019 : vector<16xf32>
      %swap3A_1021 = arith.constant 1 : i32
      %swap3A_1022 = arith.constant 196 : i32
      %swap3A_1023 = arith.index_cast %swap3A_1021 : i32 to index
      %swap3A_1024 = arith.index_cast %swap3A_1022 : i32 to index
      %swap3A_1025 = arith.constant 32 : index
      %swap3A_1026 = tpu.vector_load %arg11[%swap3A_1023, %swap3A_1024, %swap3A_1025] {strides = array<i32>} : memref<2x200x64xf32, #tpu.memory_space<vmem>>, vector<16xf32>,
      tpu.vector_store %arg11[%swap3A_1023, %swap3A_1024, %swap3A_1025], %add3A_1020 {strides = array<i32>} : memref<2x200x64xf32, #tpu.memory_space<vmem>>, vector<16xf32>,
      %add3A_1027 = arith.addf %add3A_962, %add3A_1020 : vector<16xf32>
      %get3A_1028 = arith.constant 1 : i32
      %get3A_1029 = arith.constant 196 : i32
      %get3A_1030 = arith.index_cast %get3A_1028 : i32 to index
      %get3A_1031 = arith.index_cast %get3A_1029 : i32 to index
      %get3A_1032 = arith.constant 48 : index
      %get3A_1033 = tpu.vector_load %arg10[%get3A_1030, %get3A_1031, %get3A_1032] {strides = array<i32>} : memref<2x200x64xf32, #tpu.memory_space<vmem>>, vector<16xf32>,
      %gather3A_1034 = tpu.vector_load_idx %arg12[%gather3A_982, %add3A_17] : memref<200x64xf32, #tpu.memory_space<vmem>>[vector<16xi32>, vector<16xi32>], vector<16xf32>,
      %add3A_1035 = arith.addf %get3A_1033, %gather3A_1034 : vector<16xf32>
      %swap3A_1036 = arith.constant 1 : i32
      %swap3A_1037 = arith.constant 196 : i32
      %swap3A_1038 = arith.index_cast %swap3A_1036 : i32 to index
      %swap3A_1039 = arith.index_cast %swap3A_1037 : i32 to index
      %swap3A_1040 = arith.constant 48 : index
      %swap3A_1041 = tpu.vector_load %arg11[%swap3A_1038, %swap3A_1039, %swap3A_1040] {strides = array<i32>} : memref<2x200x64xf32, #tpu.memory_space<vmem>>, vector<16xf32>,
      tpu.vector_store %arg11[%swap3A_1038, %swap3A_1039, %swap3A_1040], %add3A_1035 {strides = array<i32>} : memref<2x200x64xf32, #tpu.memory_space<vmem>>, vector<16xf32>,
      %add3A_1042 = arith.addf %add3A_977, %add3A_1035 : vector<16xf32>
      %broadcast_in_dim3A_1043 = arith.constant 13 : i32
      %broadcast_in_dim3A_1044 = vector.broadcast %broadcast_in_dim3A_1043 : i32 to vector<16xi32>
      %broadcast_in_dim3A_1045 = vector.shape_cast %broadcast_in_dim3A_1044 : vector<16xi32> to vector<16x1xi32>
      %gather3A_1046 = vector.shape_cast %broadcast_in_dim3A_1045 : vector<16x1xi32> to vector<16xi32>
      %gather3A_1047 = tpu.dynamic_gather %get3A_717[%gather3A_1046] in [0] : vector<16xi32>, vector<16xi32> -> vector<16xi32>
      %get3A_1048 = arith.constant 1 : i32
      %get3A_1049 = arith.constant 197 : i32
      %get3A_1050 = arith.index_cast %get3A_1048 : i32 to index
      %get3A_1051 = arith.index_cast %get3A_1049 : i32 to index
      %get3A_1052 = arith.constant 0 : index
      %get3A_1053 = tpu.vector_load %arg10[%get3A_1050, %get3A_1051, %get3A_1052] {strides = array<i32>} : memref<2x200x64xf32, #tpu.memory_space<vmem>>, vector<16xf32>,
      %gather3A_1054 = tpu.vector_load_idx %arg12[%gather3A_1047, %add3A_5] : memref<200x64xf32, #tpu.memory_space<vmem>>[vector<16xi32>, vector<16xi32>], vector<16xf32>,
      %add3A_1055 = arith.addf %get3A_1053, %gather3A_1054 : vector<16xf32>
      %swap3A_1056 = arith.constant 1 : i32
      %swap3A_1057 = arith.constant 197 : i32
      %swap3A_1058 = arith.index_cast %swap3A_1056 : i32 to index
      %swap3A_1059 = arith.index_cast %swap3A_1057 : i32 to index
      %swap3A_1060 = arith.constant 0 : index
      %swap3A_1061 = tpu.vector_load %arg11[%swap3A_1058, %swap3A_1059, %swap3A_1060] {strides = array<i32>} : memref<2x200x64xf32, #tpu.memory_space<vmem>>, vector<16xf32>,
      tpu.vector_store %arg11[%swap3A_1058, %swap3A_1059, %swap3A_1060], %add3A_1055 {strides = array<i32>} : memref<2x200x64xf32, #tpu.memory_space<vmem>>, vector<16xf32>,
      %add3A_1062 = arith.addf %add3A_997, %add3A_1055 : vector<16xf32>
      %get3A_1063 = arith.constant 1 : i32
      %get3A_1064 = arith.constant 197 : i32
      %get3A_1065 = arith.index_cast %get3A_1063 : i32 to index
      %get3A_1066 = arith.index_cast %get3A_1064 : i32 to index
      %get3A_1067 = arith.constant 16 : index
      %get3A_1068 = tpu.vector_load %arg10[%get3A_1065, %get3A_1066, %get3A_1067] {strides = array<i32>} : memref<2x200x64xf32, #tpu.memory_space<vmem>>, vector<16xf32>,
      %gather3A_1069 = tpu.vector_load_idx %arg12[%gather3A_1047, %add3A_9] : memref<200x64xf32, #tpu.memory_space<vmem>>[vector<16xi32>, vector<16xi32>], vector<16xf32>,
      %add3A_1070 = arith.addf %get3A_1068, %gather3A_1069 : vector<16xf32>
      %swap3A_1071 = arith.constant 1 : i32
      %swap3A_1072 = arith.constant 197 : i32
      %swap3A_1073 = arith.index_cast %swap3A_1071 : i32 to index
      %swap3A_1074 = arith.index_cast %swap3A_1072 : i32 to index
      %swap3A_1075 = arith.constant 16 : index
      %swap3A_1076 = tpu.vector_load %arg11[%swap3A_1073, %swap3A_1074, %swap3A_1075] {strides = array<i32>} : memref<2x200x64xf32, #tpu.memory_space<vmem>>, vector<16xf32>,
      tpu.vector_store %arg11[%swap3A_1073, %swap3A_1074, %swap3A_1075], %add3A_1070 {strides = array<i32>} : memref<2x200x64xf32, #tpu.memory_space<vmem>>, vector<16xf32>,
      %add3A_1077 = arith.addf %add3A_1012, %add3A_1070 : vector<16xf32>
      %get3A_1078 = arith.constant 1 : i32
      %get3A_1079 = arith.constant 197 : i32
      %get3A_1080 = arith.index_cast %get3A_1078 : i32 to index
      %get3A_1081 = arith.index_cast %get3A_1079 : i32 to index
      %get3A_1082 = arith.constant 32 : index
      %get3A_1083 = tpu.vector_load %arg10[%get3A_1080, %get3A_1081, %get3A_1082] {strides = array<i32>} : memref<2x200x64xf32, #tpu.memory_space<vmem>>, vector<16xf32>,
      %gather3A_1084 = tpu.vector_load_idx %arg12[%gather3A_1047, %add3A_13] : memref<200x64xf32, #tpu.memory_space<vmem>>[vector<16xi32>, vector<16xi32>], vector<16xf32>,
      %add3A_1085 = arith.addf %get3A_1083, %gather3A_1084 : vector<16xf32>
      %swap3A_1086 = arith.constant 1 : i32
      %swap3A_1087 = arith.constant 197 : i32
      %swap3A_1088 = arith.index_cast %swap3A_1086 : i32 to index
      %swap3A_1089 = arith.index_cast %swap3A_1087 : i32 to index
      %swap3A_1090 = arith.constant 32 : index
      %swap3A_1091 = tpu.vector_load %arg11[%swap3A_1088, %swap3A_1089, %swap3A_1090] {strides = array<i32>} : memref<2x200x64xf32, #tpu.memory_space<vmem>>, vector<16xf32>,
      tpu.vector_store %arg11[%swap3A_1088, %swap3A_1089, %swap3A_1090], %add3A_1085 {strides = array<i32>} : memref<2x200x64xf32, #tpu.memory_space<vmem>>, vector<16xf32>,
      %add3A_1092 = arith.addf %add3A_1027, %add3A_1085 : vector<16xf32>
      %get3A_1093 = arith.constant 1 : i32
      %get3A_1094 = arith.constant 197 : i32
      %get3A_1095 = arith.index_cast %get3A_1093 : i32 to index
      %get3A_1096 = arith.index_cast %get3A_1094 : i32 to index
      %get3A_1097 = arith.constant 48 : index
      %get3A_1098 = tpu.vector_load %arg10[%get3A_1095, %get3A_1096, %get3A_1097] {strides = array<i32>} : memref<2x200x64xf32, #tpu.memory_space<vmem>>, vector<16xf32>,
      %gather3A_1099 = tpu.vector_load_idx %arg12[%gather3A_1047, %add3A_17] : memref<200x64xf32, #tpu.memory_space<vmem>>[vector<16xi32>, vector<16xi32>], vector<16xf32>,
      %add3A_1100 = arith.addf %get3A_1098, %gather3A_1099 : vector<16xf32>
      %swap3A_1101 = arith.constant 1 : i32
      %swap3A_1102 = arith.constant 197 : i32
      %swap3A_1103 = arith.index_cast %swap3A_1101 : i32 to index
      %swap3A_1104 = arith.index_cast %swap3A_1102 : i32 to index
      %swap3A_1105 = arith.constant 48 : index
      %swap3A_1106 = tpu.vector_load %arg11[%swap3A_1103, %swap3A_1104, %swap3A_1105] {strides = array<i32>} : memref<2x200x64xf32, #tpu.memory_space<vmem>>, vector<16xf32>,
      tpu.vector_store %arg11[%swap3A_1103, %swap3A_1104, %swap3A_1105], %add3A_1100 {strides = array<i32>} : memref<2x200x64xf32, #tpu.memory_space<vmem>>, vector<16xf32>,
      %add3A_1107 = arith.addf %add3A_1042, %add3A_1100 : vector<16xf32>
      %broadcast_in_dim3A_1108 = arith.constant 14 : i32
      %broadcast_in_dim3A_1109 = vector.broadcast %broadcast_in_dim3A_1108 : i32 to vector<16xi32>
      %broadcast_in_dim3A_1110 = vector.shape_cast %broadcast_in_dim3A_1109 : vector<16xi32> to vector<16x1xi32>
      %gather3A_1111 = vector.shape_cast %broadcast_in_dim3A_1110 : vector<16x1xi32> to vector<16xi32>
      %gather3A_1112 = tpu.dynamic_gather %get3A_717[%gather3A_1111] in [0] : vector<16xi32>, vector<16xi32> -> vector<16xi32>
      %get3A_1113 = arith.constant 1 : i32
      %get3A_1114 = arith.constant 198 : i32
      %get3A_1115 = arith.index_cast %get3A_1113 : i32 to index
      %get3A_1116 = arith.index_cast %get3A_1114 : i32 to index
      %get3A_1117 = arith.constant 0 : index
      %get3A_1118 = tpu.vector_load %arg10[%get3A_1115, %get3A_1116, %get3A_1117] {strides = array<i32>} : memref<2x200x64xf32, #tpu.memory_space<vmem>>, vector<16xf32>,
      %gather3A_1119 = tpu.vector_load_idx %arg12[%gather3A_1112, %add3A_5] : memref<200x64xf32, #tpu.memory_space<vmem>>[vector<16xi32>, vector<16xi32>], vector<16xf32>,
      %add3A_1120 = arith.addf %get3A_1118, %gather3A_1119 : vector<16xf32>
      %swap3A_1121 = arith.constant 1 : i32
      %swap3A_1122 = arith.constant 198 : i32
      %swap3A_1123 = arith.index_cast %swap3A_1121 : i32 to index
      %swap3A_1124 = arith.index_cast %swap3A_1122 : i32 to index
      %swap3A_1125 = arith.constant 0 : index
      %swap3A_1126 = tpu.vector_load %arg11[%swap3A_1123, %swap3A_1124, %swap3A_1125] {strides = array<i32>} : memref<2x200x64xf32, #tpu.memory_space<vmem>>, vector<16xf32>,
      tpu.vector_store %arg11[%swap3A_1123, %swap3A_1124, %swap3A_1125], %add3A_1120 {strides = array<i32>} : memref<2x200x64xf32, #tpu.memory_space<vmem>>, vector<16xf32>,
      %add3A_1127 = arith.addf %add3A_1062, %add3A_1120 : vector<16xf32>
      %get3A_1128 = arith.constant 1 : i32
      %get3A_1129 = arith.constant 198 : i32
      %get3A_1130 = arith.index_cast %get3A_1128 : i32 to index
      %get3A_1131 = arith.index_cast %get3A_1129 : i32 to index
      %get3A_1132 = arith.constant 16 : index
      %get3A_1133 = tpu.vector_load %arg10[%get3A_1130, %get3A_1131, %get3A_1132] {strides = array<i32>} : memref<2x200x64xf32, #tpu.memory_space<vmem>>, vector<16xf32>,
      %gather3A_1134 = tpu.vector_load_idx %arg12[%gather3A_1112, %add3A_9] : memref<200x64xf32, #tpu.memory_space<vmem>>[vector<16xi32>, vector<16xi32>], vector<16xf32>,
      %add3A_1135 = arith.addf %get3A_1133, %gather3A_1134 : vector<16xf32>
      %swap3A_1136 = arith.constant 1 : i32
      %swap3A_1137 = arith.constant 198 : i32
      %swap3A_1138 = arith.index_cast %swap3A_1136 : i32 to index
      %swap3A_1139 = arith.index_cast %swap3A_1137 : i32 to index
      %swap3A_1140 = arith.constant 16 : index
      %swap3A_1141 = tpu.vector_load %arg11[%swap3A_1138, %swap3A_1139, %swap3A_1140] {strides = array<i32>} : memref<2x200x64xf32, #tpu.memory_space<vmem>>, vector<16xf32>,
      tpu.vector_store %arg11[%swap3A_1138, %swap3A_1139, %swap3A_1140], %add3A_1135 {strides = array<i32>} : memref<2x200x64xf32, #tpu.memory_space<vmem>>, vector<16xf32>,
      %add3A_1142 = arith.addf %add3A_1077, %add3A_1135 : vector<16xf32>
      %get3A_1143 = arith.constant 1 : i32
      %get3A_1144 = arith.constant 198 : i32
      %get3A_1145 = arith.index_cast %get3A_1143 : i32 to index
      %get3A_1146 = arith.index_cast %get3A_1144 : i32 to index
      %get3A_1147 = arith.constant 32 : index
      %get3A_1148 = tpu.vector_load %arg10[%get3A_1145, %get3A_1146, %get3A_1147] {strides = array<i32>} : memref<2x200x64xf32, #tpu.memory_space<vmem>>, vector<16xf32>,
      %gather3A_1149 = tpu.vector_load_idx %arg12[%gather3A_1112, %add3A_13] : memref<200x64xf32, #tpu.memory_space<vmem>>[vector<16xi32>, vector<16xi32>], vector<16xf32>,
      %add3A_1150 = arith.addf %get3A_1148, %gather3A_1149 : vector<16xf32>
      %swap3A_1151 = arith.constant 1 : i32
      %swap3A_1152 = arith.constant 198 : i32
      %swap3A_1153 = arith.index_cast %swap3A_1151 : i32 to index
      %swap3A_1154 = arith.index_cast %swap3A_1152 : i32 to index
      %swap3A_1155 = arith.constant 32 : index
      %swap3A_1156 = tpu.vector_load %arg11[%swap3A_1153, %swap3A_1154, %swap3A_1155] {strides = array<i32>} : memref<2x200x64xf32, #tpu.memory_space<vmem>>, vector<16xf32>,
      tpu.vector_store %arg11[%swap3A_1153, %swap3A_1154, %swap3A_1155], %add3A_1150 {strides = array<i32>} : memref<2x200x64xf32, #tpu.memory_space<vmem>>, vector<16xf32>,
      %add3A_1157 = arith.addf %add3A_1092, %add3A_1150 : vector<16xf32>
      %get3A_1158 = arith.constant 1 : i32
      %get3A_1159 = arith.constant 198 : i32
      %get3A_1160 = arith.index_cast %get3A_1158 : i32 to index
      %get3A_1161 = arith.index_cast %get3A_1159 : i32 to index
      %get3A_1162 = arith.constant 48 : index
      %get3A_1163 = tpu.vector_load %arg10[%get3A_1160, %get3A_1161, %get3A_1162] {strides = array<i32>} : memref<2x200x64xf32, #tpu.memory_space<vmem>>, vector<16xf32>,
      %gather3A_1164 = tpu.vector_load_idx %arg12[%gather3A_1112, %add3A_17] : memref<200x64xf32, #tpu.memory_space<vmem>>[vector<16xi32>, vector<16xi32>], vector<16xf32>,
      %add3A_1165 = arith.addf %get3A_1163, %gather3A_1164 : vector<16xf32>
      %swap3A_1166 = arith.constant 1 : i32
      %swap3A_1167 = arith.constant 198 : i32
      %swap3A_1168 = arith.index_cast %swap3A_1166 : i32 to index
      %swap3A_1169 = arith.index_cast %swap3A_1167 : i32 to index
      %swap3A_1170 = arith.constant 48 : index
      %swap3A_1171 = tpu.vector_load %arg11[%swap3A_1168, %swap3A_1169, %swap3A_1170] {strides = array<i32>} : memref<2x200x64xf32, #tpu.memory_space<vmem>>, vector<16xf32>,
      tpu.vector_store %arg11[%swap3A_1168, %swap3A_1169, %swap3A_1170], %add3A_1165 {strides = array<i32>} : memref<2x200x64xf32, #tpu.memory_space<vmem>>, vector<16xf32>,
      %add3A_1172 = arith.addf %add3A_1107, %add3A_1165 : vector<16xf32>
      %broadcast_in_dim3A_1173 = arith.constant 15 : i32
      %broadcast_in_dim3A_1174 = vector.broadcast %broadcast_in_dim3A_1173 : i32 to vector<16xi32>
      %broadcast_in_dim3A_1175 = vector.shape_cast %broadcast_in_dim3A_1174 : vector<16xi32> to vector<16x1xi32>
      %gather3A_1176 = vector.shape_cast %broadcast_in_dim3A_1175 : vector<16x1xi32> to vector<16xi32>
      %gather3A_1177 = tpu.dynamic_gather %get3A_717[%gather3A_1176] in [0] : vector<16xi32>, vector<16xi32> -> vector<16xi32>
      %get3A_1178 = arith.constant 1 : i32
      %get3A_1179 = arith.constant 199 : i32
      %get3A_1180 = arith.index_cast %get3A_1178 : i32 to index
      %get3A_1181 = arith.index_cast %get3A_1179 : i32 to index
      %get3A_1182 = arith.constant 0 : index
      %get3A_1183 = tpu.vector_load %arg10[%get3A_1180, %get3A_1181, %get3A_1182] {strides = array<i32>} : memref<2x200x64xf32, #tpu.memory_space<vmem>>, vector<16xf32>,
      %gather3A_1184 = tpu.vector_load_idx %arg12[%gather3A_1177, %add3A_5] : memref<200x64xf32, #tpu.memory_space<vmem>>[vector<16xi32>, vector<16xi32>], vector<16xf32>,
      %add3A_1185 = arith.addf %get3A_1183, %gather3A_1184 : vector<16xf32>
      %swap3A_1186 = arith.constant 1 : i32
      %swap3A_1187 = arith.constant 199 : i32
      %swap3A_1188 = arith.index_cast %swap3A_1186 : i32 to index
      %swap3A_1189 = arith.index_cast %swap3A_1187 : i32 to index
      %swap3A_1190 = arith.constant 0 : index
      %swap3A_1191 = tpu.vector_load %arg11[%swap3A_1188, %swap3A_1189, %swap3A_1190] {strides = array<i32>} : memref<2x200x64xf32, #tpu.memory_space<vmem>>, vector<16xf32>,
      tpu.vector_store %arg11[%swap3A_1188, %swap3A_1189, %swap3A_1190], %add3A_1185 {strides = array<i32>} : memref<2x200x64xf32, #tpu.memory_space<vmem>>, vector<16xf32>,
      %add3A_1192 = arith.addf %add3A_1127, %add3A_1185 : vector<16xf32>
      %get3A_1193 = arith.constant 1 : i32
      %get3A_1194 = arith.constant 199 : i32
      %get3A_1195 = arith.index_cast %get3A_1193 : i32 to index
      %get3A_1196 = arith.index_cast %get3A_1194 : i32 to index
      %get3A_1197 = arith.constant 16 : index
      %get3A_1198 = tpu.vector_load %arg10[%get3A_1195, %get3A_1196, %get3A_1197] {strides = array<i32>} : memref<2x200x64xf32, #tpu.memory_space<vmem>>, vector<16xf32>,
      %gather3A_1199 = tpu.vector_load_idx %arg12[%gather3A_1177, %add3A_9] : memref<200x64xf32, #tpu.memory_space<vmem>>[vector<16xi32>, vector<16xi32>], vector<16xf32>,
      %add3A_1200 = arith.addf %get3A_1198, %gather3A_1199 : vector<16xf32>
      %swap3A_1201 = arith.constant 1 : i32
      %swap3A_1202 = arith.constant 199 : i32
      %swap3A_1203 = arith.index_cast %swap3A_1201 : i32 to index
      %swap3A_1204 = arith.index_cast %swap3A_1202 : i32 to index
      %swap3A_1205 = arith.constant 16 : index
      %swap3A_1206 = tpu.vector_load %arg11[%swap3A_1203, %swap3A_1204, %swap3A_1205] {strides = array<i32>} : memref<2x200x64xf32, #tpu.memory_space<vmem>>, vector<16xf32>,
      tpu.vector_store %arg11[%swap3A_1203, %swap3A_1204, %swap3A_1205], %add3A_1200 {strides = array<i32>} : memref<2x200x64xf32, #tpu.memory_space<vmem>>, vector<16xf32>,
      %add3A_1207 = arith.addf %add3A_1142, %add3A_1200 : vector<16xf32>
      %get3A_1208 = arith.constant 1 : i32
      %get3A_1209 = arith.constant 199 : i32
      %get3A_1210 = arith.index_cast %get3A_1208 : i32 to index
      %get3A_1211 = arith.index_cast %get3A_1209 : i32 to index
      %get3A_1212 = arith.constant 32 : index
      %get3A_1213 = tpu.vector_load %arg10[%get3A_1210, %get3A_1211, %get3A_1212] {strides = array<i32>} : memref<2x200x64xf32, #tpu.memory_space<vmem>>, vector<16xf32>,
      %gather3A_1214 = tpu.vector_load_idx %arg12[%gather3A_1177, %add3A_13] : memref<200x64xf32, #tpu.memory_space<vmem>>[vector<16xi32>, vector<16xi32>], vector<16xf32>,
      %add3A_1215 = arith.addf %get3A_1213, %gather3A_1214 : vector<16xf32>
      %swap3A_1216 = arith.constant 1 : i32
      %swap3A_1217 = arith.constant 199 : i32
      %swap3A_1218 = arith.index_cast %swap3A_1216 : i32 to index
      %swap3A_1219 = arith.index_cast %swap3A_1217 : i32 to index
      %swap3A_1220 = arith.constant 32 : index
      %swap3A_1221 = tpu.vector_load %arg11[%swap3A_1218, %swap3A_1219, %swap3A_1220] {strides = array<i32>} : memref<2x200x64xf32, #tpu.memory_space<vmem>>, vector<16xf32>,
      tpu.vector_store %arg11[%swap3A_1218, %swap3A_1219, %swap3A_1220], %add3A_1215 {strides = array<i32>} : memref<2x200x64xf32, #tpu.memory_space<vmem>>, vector<16xf32>,
      %add3A_1222 = arith.addf %add3A_1157, %add3A_1215 : vector<16xf32>
      %get3A_1223 = arith.constant 1 : i32
      %get3A_1224 = arith.constant 199 : i32
      %get3A_1225 = arith.index_cast %get3A_1223 : i32 to index
      %get3A_1226 = arith.index_cast %get3A_1224 : i32 to index
      %get3A_1227 = arith.constant 48 : index
      %get3A_1228 = tpu.vector_load %arg10[%get3A_1225, %get3A_1226, %get3A_1227] {strides = array<i32>} : memref<2x200x64xf32, #tpu.memory_space<vmem>>, vector<16xf32>,
      %gather3A_1229 = tpu.vector_load_idx %arg12[%gather3A_1177, %add3A_17] : memref<200x64xf32, #tpu.memory_space<vmem>>[vector<16xi32>, vector<16xi32>], vector<16xf32>,
      %add3A_1230 = arith.addf %get3A_1228, %gather3A_1229 : vector<16xf32>
      %swap3A_1231 = arith.constant 1 : i32
      %swap3A_1232 = arith.constant 199 : i32
      %swap3A_1233 = arith.index_cast %swap3A_1231 : i32 to index
      %swap3A_1234 = arith.index_cast %swap3A_1232 : i32 to index
      %swap3A_1235 = arith.constant 48 : index
      %swap3A_1236 = tpu.vector_load %arg11[%swap3A_1233, %swap3A_1234, %swap3A_1235] {strides = array<i32>} : memref<2x200x64xf32, #tpu.memory_space<vmem>>, vector<16xf32>,
      tpu.vector_store %arg11[%swap3A_1233, %swap3A_1234, %swap3A_1235], %add3A_1230 {strides = array<i32>} : memref<2x200x64xf32, #tpu.memory_space<vmem>>, vector<16xf32>,
      %add3A_1237 = arith.addf %add3A_1172, %add3A_1230 : vector<16xf32>
      %mul3A_1238 = vector.broadcast %scan3A_41 : f32 to vector<16xf32>
      %mul3A_1239 = arith.mulf %add3A_1192, %mul3A_1238 : vector<16xf32>
      %swap3A_1240 = arith.index_cast %add3A_680 : i32 to index
      %swap3A_1241 = arith.constant 0 : index
      %swap3A_1242 = tpu.vector_load %arg13[%swap3A_1240, %swap3A_1241] {strides = array<i32>} : memref<128x64xf32, #tpu.memory_space<vmem>>, vector<16xf32>,
      tpu.vector_store %arg13[%swap3A_1240, %swap3A_1241], %mul3A_1239 {strides = array<i32>} : memref<128x64xf32, #tpu.memory_space<vmem>>, vector<16xf32>,
      %mul3A_1243 = vector.broadcast %scan3A_41 : f32 to vector<16xf32>
      %mul3A_1244 = arith.mulf %add3A_1207, %mul3A_1243 : vector<16xf32>
      %swap3A_1245 = arith.index_cast %add3A_680 : i32 to index
      %swap3A_1246 = arith.constant 16 : index
      %swap3A_1247 = tpu.vector_load %arg13[%swap3A_1245, %swap3A_1246] {strides = array<i32>} : memref<128x64xf32, #tpu.memory_space<vmem>>, vector<16xf32>,
      tpu.vector_store %arg13[%swap3A_1245, %swap3A_1246], %mul3A_1244 {strides = array<i32>} : memref<128x64xf32, #tpu.memory_space<vmem>>, vector<16xf32>,
      %mul3A_1248 = vector.broadcast %scan3A_41 : f32 to vector<16xf32>
      %mul3A_1249 = arith.mulf %add3A_1222, %mul3A_1248 : vector<16xf32>
      %swap3A_1250 = arith.index_cast %add3A_680 : i32 to index
      %swap3A_1251 = arith.constant 32 : index
      %swap3A_1252 = tpu.vector_load %arg13[%swap3A_1250, %swap3A_1251] {strides = array<i32>} : memref<128x64xf32, #tpu.memory_space<vmem>>, vector<16xf32>,
      tpu.vector_store %arg13[%swap3A_1250, %swap3A_1251], %mul3A_1249 {strides = array<i32>} : memref<128x64xf32, #tpu.memory_space<vmem>>, vector<16xf32>,
      %mul3A_1253 = vector.broadcast %scan3A_41 : f32 to vector<16xf32>
      %mul3A_1254 = arith.mulf %add3A_1237, %mul3A_1253 : vector<16xf32>
      %swap3A_1255 = arith.index_cast %add3A_680 : i32 to index
      %swap3A_1256 = arith.constant 48 : index
      %swap3A_1257 = tpu.vector_load %arg13[%swap3A_1255, %swap3A_1256] {strides = array<i32>} : memref<128x64xf32, #tpu.memory_space<vmem>>, vector<16xf32>,
      tpu.vector_store %arg13[%swap3A_1255, %swap3A_1256], %mul3A_1254 {strides = array<i32>} : memref<128x64xf32, #tpu.memory_space<vmem>>, vector<16xf32>,
      %add3A_1258 = arith.addi %mul3A_2, %add3A_680 : i32
      %dma_start3A_1259 = arith.constant 1 : i32
      %dma_start3A_1260 = arith.constant 0 : i32
      %dma_start3A_1261 = arith.constant 0 : i32
      %dma_start3A_1262 = tpu.memref_slice %arg11[%dma_start3A_1259, %dma_start3A_1260, %dma_start3A_1261] : memref<2x200x64xf32, #tpu.memory_space<vmem>> -> memref<1x200x64xf32, #tpu.memory_space<vmem>>
      %dma_start3A_1263 = tpu.memref_squeeze %dma_start3A_1262 : memref<1x200x64xf32, #tpu.memory_space<vmem>> -> memref<200x64xf32, #tpu.memory_space<vmem>>
      %dma_start3A_1264 = arith.constant 0 : i32
      %dma_start3A_1265 = arith.constant 0 : i32
      %dma_start3A_1266 = tpu.memref_slice %arg6[%add3A_1258, %dma_start3A_1264, %dma_start3A_1265] : memref<4096x200x64xf32, #tpu.memory_space<hbm>> -> memref<1x200x64xf32, #tpu.memory_space<hbm>>
      %dma_start3A_1267 = tpu.memref_squeeze %dma_start3A_1266 : memref<1x200x64xf32, #tpu.memory_space<hbm>> -> memref<200x64xf32, #tpu.memory_space<hbm>>
      %dma_start3A_1268 = arith.constant 0 : i32
      %dma_start3A_1269 = arith.constant 0 : i32
      %dma_start3A_1270 = tpu.memref_slice %arg6[%add3A_1258, %dma_start3A_1268, %dma_start3A_1269] : memref<4096x200x64xf32, #tpu.memory_space<hbm>> -> memref<1x200x64xf32, #tpu.memory_space<hbm>>
      %dma_start3A_1271 = tpu.memref_squeeze %dma_start3A_1270 : memref<1x200x64xf32, #tpu.memory_space<hbm>> -> memref<200x64xf32, #tpu.memory_space<hbm>>
      %dma_start3A_1272 = arith.constant 0 : i32
      %dma_start3A_1273 = arith.constant 0 : i32
      %dma_start3A_1274 = tpu.memref_slice %arg11[%dma_start3A_1259, %dma_start3A_1272, %dma_start3A_1273] : memref<2x200x64xf32, #tpu.memory_space<vmem>> -> memref<1x200x64xf32, #tpu.memory_space<vmem>>
      %dma_start3A_1275 = tpu.memref_squeeze %dma_start3A_1274 : memref<1x200x64xf32, #tpu.memory_space<vmem>> -> memref<200x64xf32, #tpu.memory_space<vmem>>
      tpu.enqueue_dma source(%dma_start3A_1275 : memref<200x64xf32, #tpu.memory_space<vmem>>) target(%dma_start3A_1271 : memref<200x64xf32, #tpu.memory_space<hbm>>) target_semaphore(%arg17 : memref<!tpu.dma_semaphore, #tpu.memory_space<semaphore_mem>>)
      %add3A_1276 = arith.constant 2 : i32
      %add3A_1277 = arith.addi %add3A_680, %add3A_1276 : i32
      %lt3A_1278 = arith.constant 128 : i32
      %lt3A_1279 = arith.cmpi slt, %add3A_1277, %lt3A_1278 : i32
      %convert_element_type3A_1280 = arith.extui %lt3A_1279 : i1 to i32
      %cond3A_1281 = arith.constant 0 : i32
      %cond3A_1282 = arith.cmpi ne, %convert_element_type3A_1280, %cond3A_1281 : i32
      scf.if %cond3A_1282 {
        %add3A_1283 = arith.constant 2 : i32
        %add3A_1284 = arith.addi %add3A_680, %add3A_1283 : i32
        %dma_start3A_1285 = arith.constant 1 : i32
        %dma_start3A_1286 = arith.constant 0 : i32
        %dma_start3A_1287 = arith.constant 0 : i32
        %dma_start3A_1288 = tpu.memref_slice %arg10[%dma_start3A_1285, %dma_start3A_1286, %dma_start3A_1287] : memref<2x200x64xf32, #tpu.memory_space<vmem>> -> memref<1x200x64xf32, #tpu.memory_space<vmem>>
        %dma_start3A_1289 = tpu.memref_squeeze %dma_start3A_1288 : memref<1x200x64xf32, #tpu.memory_space<vmem>> -> memref<200x64xf32, #tpu.memory_space<vmem>>
        %dma_start3A_1290 = arith.constant 0 : i32
        %dma_start3A_1291 = tpu.memref_slice %arg8[%add3A_1284, %dma_start3A_1290] : memref<128x200xi32, #tpu.memory_space<vmem>> -> memref<1x200xi32, #tpu.memory_space<vmem>>
        %dma_start3A_1292 = tpu.memref_squeeze %dma_start3A_1291 : memref<1x200xi32, #tpu.memory_space<vmem>> -> memref<200xi32, #tpu.memory_space<vmem>>
        %dma_start3A_1293 = arith.constant 0 : i32
        %dma_start3A_1294 = arith.constant 0 : i32
        %dma_start3A_1295 = tpu.memref_slice %arg4[%dma_start3A_1293, %dma_start3A_1294] : memref<1000000x64xf32, #tpu.memory_space<hbm>> -> memref<1000000x64xf32, #tpu.memory_space<hbm>>
        tpu.enqueue_indirect_dma source(%dma_start3A_1295 : memref<1000000x64xf32, #tpu.memory_space<hbm>>) target(%dma_start3A_1289 : memref<200x64xf32, #tpu.memory_space<vmem>>) offsets(%dma_start3A_1292 : memref<200xi32, #tpu.memory_space<vmem>>) semaphore(%arg15 : memref<!tpu.dma_semaphore, #tpu.memory_space<semaphore_mem>>)
      } else {
      }
    }
    %scan3A_46 = arith.constant 64 : i32
    %dma_wait3A = arith.constant 0 : i32
    %dma_wait3A_47 = arith.constant 0 : i32
    %dma_wait3A_48 = arith.constant 0 : i32
    %dma_wait3A_49 = tpu.memref_slice %arg11[%dma_wait3A, %dma_wait3A_47, %dma_wait3A_48] : memref<2x200x64xf32, #tpu.memory_space<vmem>> -> memref<1x200x64xf32, #tpu.memory_space<vmem>>
    %dma_wait3A_50 = tpu.memref_squeeze %dma_wait3A_49 : memref<1x200x64xf32, #tpu.memory_space<vmem>> -> memref<200x64xf32, #tpu.memory_space<vmem>>
    %dma_wait3A_51 = arith.constant 0 : i32
    %dma_wait3A_52 = arith.constant 0 : i32
    %dma_wait3A_53 = tpu.memref_slice %arg6[%mul3A_2, %dma_wait3A_51, %dma_wait3A_52] : memref<4096x200x64xf32, #tpu.memory_space<hbm>> -> memref<1x200x64xf32, #tpu.memory_space<hbm>>
    %dma_wait3A_54 = tpu.memref_squeeze %dma_wait3A_53 : memref<1x200x64xf32, #tpu.memory_space<hbm>> -> memref<200x64xf32, #tpu.memory_space<hbm>>
    %dma_wait3A_55 = arith.constant 0 : i32
    %dma_wait3A_56 = arith.constant 0 : i32
    %dma_wait3A_57 = tpu.memref_slice %arg6[%mul3A_2, %dma_wait3A_55, %dma_wait3A_56] : memref<4096x200x64xf32, #tpu.memory_space<hbm>> -> memref<1x200x64xf32, #tpu.memory_space<hbm>>
    %dma_wait3A_58 = tpu.memref_squeeze %dma_wait3A_57 : memref<1x200x64xf32, #tpu.memory_space<hbm>> -> memref<200x64xf32, #tpu.memory_space<hbm>>
    %dma_wait3A_59 = arith.constant 0 : i32
    %dma_wait3A_60 = arith.constant 0 : i32
    %dma_wait3A_61 = tpu.memref_slice %arg11[%dma_wait3A, %dma_wait3A_59, %dma_wait3A_60] : memref<2x200x64xf32, #tpu.memory_space<vmem>> -> memref<1x200x64xf32, #tpu.memory_space<vmem>>
    %dma_wait3A_62 = tpu.memref_squeeze %dma_wait3A_61 : memref<1x200x64xf32, #tpu.memory_space<vmem>> -> memref<200x64xf32, #tpu.memory_space<vmem>>
    tpu.wait_dma2 semaphore(%arg16 : memref<!tpu.dma_semaphore, #tpu.memory_space<semaphore_mem>>) src(%dma_wait3A_62 : memref<200x64xf32, #tpu.memory_space<vmem>>) dst(%dma_wait3A_58 : memref<200x64xf32, #tpu.memory_space<hbm>>)
    %dma_wait3A_63 = arith.constant 1 : i32
    %dma_wait3A_64 = arith.constant 0 : i32
    %dma_wait3A_65 = arith.constant 0 : i32
    %dma_wait3A_66 = tpu.memref_slice %arg11[%dma_wait3A_63, %dma_wait3A_64, %dma_wait3A_65] : memref<2x200x64xf32, #tpu.memory_space<vmem>> -> memref<1x200x64xf32, #tpu.memory_space<vmem>>
    %dma_wait3A_67 = tpu.memref_squeeze %dma_wait3A_66 : memref<1x200x64xf32, #tpu.memory_space<vmem>> -> memref<200x64xf32, #tpu.memory_space<vmem>>
    %dma_wait3A_68 = arith.constant 0 : i32
    %dma_wait3A_69 = arith.constant 0 : i32
    %dma_wait3A_70 = tpu.memref_slice %arg6[%mul3A_2, %dma_wait3A_68, %dma_wait3A_69] : memref<4096x200x64xf32, #tpu.memory_space<hbm>> -> memref<1x200x64xf32, #tpu.memory_space<hbm>>
    %dma_wait3A_71 = tpu.memref_squeeze %dma_wait3A_70 : memref<1x200x64xf32, #tpu.memory_space<hbm>> -> memref<200x64xf32, #tpu.memory_space<hbm>>
    %dma_wait3A_72 = arith.constant 0 : i32
    %dma_wait3A_73 = arith.constant 0 : i32
    %dma_wait3A_74 = tpu.memref_slice %arg6[%mul3A_2, %dma_wait3A_72, %dma_wait3A_73] : memref<4096x200x64xf32, #tpu.memory_space<hbm>> -> memref<1x200x64xf32, #tpu.memory_space<hbm>>
    %dma_wait3A_75 = tpu.memref_squeeze %dma_wait3A_74 : memref<1x200x64xf32, #tpu.memory_space<hbm>> -> memref<200x64xf32, #tpu.memory_space<hbm>>
    %dma_wait3A_76 = arith.constant 0 : i32
    %dma_wait3A_77 = arith.constant 0 : i32
    %dma_wait3A_78 = tpu.memref_slice %arg11[%dma_wait3A_63, %dma_wait3A_76, %dma_wait3A_77] : memref<2x200x64xf32, #tpu.memory_space<vmem>> -> memref<1x200x64xf32, #tpu.memory_space<vmem>>
    %dma_wait3A_79 = tpu.memref_squeeze %dma_wait3A_78 : memref<1x200x64xf32, #tpu.memory_space<vmem>> -> memref<200x64xf32, #tpu.memory_space<vmem>>
    tpu.wait_dma2 semaphore(%arg17 : memref<!tpu.dma_semaphore, #tpu.memory_space<semaphore_mem>>) src(%dma_wait3A_79 : memref<200x64xf32, #tpu.memory_space<vmem>>) dst(%dma_wait3A_75 : memref<200x64xf32, #tpu.memory_space<hbm>>)
    "tpu.region"() ({
      %run_scoped3A = tpu.sem_alloc : memref<!tpu.dma_semaphore, #tpu.memory_space<semaphore_mem>>
      %dma_start3A_80 = arith.constant 0 : i32
      %dma_start3A_81 = tpu.memref_slice %arg7[%mul3A_2, %dma_start3A_80] : memref<4096x64xf32, #tpu.memory_space<hbm>> -> memref<128x64xf32, #tpu.memory_space<hbm>>
      %dma_start3A_82 = arith.constant 0 : i32
      %dma_start3A_83 = tpu.memref_slice %arg7[%mul3A_2, %dma_start3A_82] : memref<4096x64xf32, #tpu.memory_space<hbm>> -> memref<128x64xf32, #tpu.memory_space<hbm>>
      tpu.enqueue_dma source(%arg13 : memref<128x64xf32, #tpu.memory_space<vmem>>) target(%dma_start3A_83 : memref<128x64xf32, #tpu.memory_space<hbm>>) target_semaphore(%run_scoped3A : memref<!tpu.dma_semaphore, #tpu.memory_space<semaphore_mem>>)
      %dma_wait3A_84 = arith.constant 0 : i32
      %dma_wait3A_85 = tpu.memref_slice %arg7[%mul3A_2, %dma_wait3A_84] : memref<4096x64xf32, #tpu.memory_space<hbm>> -> memref<128x64xf32, #tpu.memory_space<hbm>>
      %dma_wait3A_86 = arith.constant 0 : i32
      %dma_wait3A_87 = tpu.memref_slice %arg7[%mul3A_2, %dma_wait3A_86] : memref<4096x64xf32, #tpu.memory_space<hbm>> -> memref<128x64xf32, #tpu.memory_space<hbm>>
      tpu.wait_dma2 semaphore(%run_scoped3A : memref<!tpu.dma_semaphore, #tpu.memory_space<semaphore_mem>>) src(%arg13 : memref<128x64xf32, #tpu.memory_space<vmem>>) dst(%dma_wait3A_87 : memref<128x64xf32, #tpu.memory_space<hbm>>)
      tpu.yield
    }) : () -> ()
    return
  }
}

</mosaic_0001>

<sc_bundles>
// kernel: kernel.3.cloned.1.call-start
scs
__scs_entry_jumppad:
0x0: {  	(pc) =	sbr.rel $0x88, $3  }
0x1: {  	(tag) =	ssettag $0x0;
	lr =	simm.s32 $0x1  }
0x2: {  	[smem:$0x3F9D] =	sst lr;
	_ =	strace $0xD0000000  }
0x3: {  	_ = 	snop  }
0x4: {  	_ = 	snop  }
0x5: {  	_ = 	snop  }
0x6: {  	_ = 	snop  }
0x7: {  	_ = 	snop  }
__scs_overlays_trampoline_lowered:
0x8: {  	[smem:$0x3FAC] =	sst s0  }
0x9: {  	[smem:$0x3FAD] =	sst s1  }
0xa: {  	[smem:$0x3FAE] =	sst s2  }
0xb: {  	[smem:$0x3FAF] =	sst s3  }
0xc: {  	[smem:$0x3FB0] =	sst s4  }
0xd: {  	[smem:$0x3FB1] =	sst s5  }
0xe: {  	[smem:$0x3FB2] =	sst s6  }
0xf: {  	[smem:$0x3FB3] =	sst s7  }
0x10: {  	[smem:$0x3FB4] =	sst s8  }
0x11: {  	[smem:$0x3FB5] =	sst s9;
	s0 =	simm.s32 @!p0 $0x0  }
0x12: {  	s1 =	sld [smem:$0x3F9B];
	s0 =	simm.s32 @p0 $0x1  }
0x13: {  	[smem:$0x3FB6] =	sst s0;
	s0 =	simm.s32 @!p1 $0x0  }
0x14: {  	s2 =	sld [smem:$0x3F9A];
	s0 =	simm.s32 @p1 $0x1  }
0x15: {  	[smem:$0x3FB7] =	sst s0;
	s0 =	simm.s32 @!p2 $0x0  }
0x16: {  	s3 =	sld [smem:$0x3FDB];
	s0 =	simm.s32 @p2 $0x1  }
0x17: {  	s4 =	simm.s32 $0x1BF5;
	[smem:$0x3FB9] =	sst s0  }
0x18: {  	s0 =	sld [smem:$0x3F9C];
	_ =	swait.ge [sflag:s4], $0x0  }
0x19: {  	s7 =	sld [smem:$0x3F9D]  }
0x1a: {  	s8 =	sadd.s32 $0xFFFFE003, lr  }
0x1b: {  	s9 =	sadd.s32 $0xFFFFFEF7, lr;
	s5 =	simm.s32 $0xFFFFFFFF;
	p2 =	slt.u32 s8, $0xFFFFF086  }
0x1c: {  	p1 =	slt.u32 s9, $0xF7A;
	s5 =	simm.s32 @!p2 $0x0  }
0x1d: {  	s5 =	simm.s32 @p1 $0x1;
	p0 =	seq.s32 s7, s2  }
0x1e: {  	s7 =	smul.u32 @!p0 $0xF7A, s2;
	p2 =	seq.s32 @!p0 s5, $0x0  }
0x1f: {  	s9 =	smul.u32 $0xF7A, s1;
	s8 =	simm.s32 @!p0 $0x1BF5;
	p2 =	por !p2, p0  }
0x20: {  	[sflag:s8] =	ssyncset.s32 @!p0 $0xFFFFF086;
	s6 =	sadd.s32 @!p0 s3, s7;
	s7 =	simm.s32 @!p0 $0x108  }
0x21: {  	s3 =	sadd.s32 s3, s9;
	s6 =	sadd.s32 @!p0 $0x88, s6;
	s7 =	simm.s32 @p2 $0x1082  }
0x22: {  	[simem:s7], [sflag:s8] =	dma.local @!p0 [hbm:s6], $0xF7A  }
0x23: {  	s9 =	sor.u32 $0xD0000000, s2;
	s6 =	simm.s32 $0x108;
	_ =	swait.ge @!p0 [sflag:s8], $0x0  }
0x24: {  	s3 =	sadd.s32 $0x88, s3;
	s6 =	simm.s32 @!p1 $0x1082;
	[sflag:s4] =	ssyncset.s32 $0xFFFFF086  }
0x25: {  	[simem:s6], [sflag:s4] =	dma.local [hbm:s3], $0xF7A  }
0x26: {  	[smem:$0x3F9D] =	sst s1;
	(tag) =	ssettag s2;
	_ =	strace s9  }
0x27: {  	s1 =	sld [smem:$0x3FAD]  }
0x28: {  	s2 =	sld [smem:$0x3FAE]  }
0x29: {  	s4 =	sld [smem:$0x3FB0]  }
0x2a: {  	p0 =	seq.s32 s5, $0x0;
	s5 =	sld [smem:$0x3FB1]  }
0x2b: {  	s6 =	sld [smem:$0x3FB2]  }
0x2c: {  	s7 =	sld [smem:$0x3FB3]  }
0x2d: {  	s3 =	simm.s32 $0x108;
	s8 =	sld [smem:$0x3FB4]  }
0x2e: {  	s3 =	simm.s32 @!p0 $0x1082;
	s9 =	sld [smem:$0x3FB5]  }
0x2f: {  	lr =	sadd.s32 s0, s3;
	s0 =	sld [smem:$0x3FAC]  }
0x30: {  	s3 =	sld [smem:$0x3FAF]  }
0x31: {  	[smem:$0x3FB8] =	sst s10  }
0x32: {  	s10 =	sld [smem:$0x3FB6];
	_ =	sdelay $0x3  }
0x33: {  	p0 =	seq.s32 s10, $0x1;
	s10 =	sld [smem:$0x3FB8];
	_ =	sdelay $0x3  }
0x34: {  	[smem:$0x3FB8] =	sst s10  }
0x35: {  	s10 =	sld [smem:$0x3FB7];
	_ =	sdelay $0x3  }
0x36: {  	p1 =	seq.s32 s10, $0x1;
	s10 =	sld [smem:$0x3FB8];
	_ =	sdelay $0x3  }
0x37: {  	[smem:$0x3FB8] =	sst s10  }
0x38: {  	s10 =	sld [smem:$0x3FB9]  }
0x39: {  	_ = 	snop;
	(pc) =	sbr.ind lr, $3  }
0x3a: {  	_ = 	snop  }
0x3b: {  	_ = 	snop  }
0x3c: {  	p2 =	seq.s32 s10, $0x1;
	s10 =	sld [smem:$0x3FB8]  }
0x3d: {  	_ =	shalt  }
0x3e: {  	_ =	shalt  }
0x3f: {  	_ =	shalt  }
0x40: {  	_ =	shalt  }
0x41: {  	_ =	shalt  }
0x42: {  	_ =	shalt  }
0x43: {  	_ =	shalt  }
0x44: {  	_ =	shalt  }
0x45: {  	_ =	shalt  }
0x46: {  	_ =	shalt  }
0x47: {  	_ =	shalt  }
0x48: {  	_ =	shalt  }
0x49: {  	_ =	shalt  }
0x4a: {  	_ =	shalt  }
0x4b: {  	_ =	shalt  }
0x4c: {  	_ =	shalt  }
0x4d: {  	_ =	shalt  }
0x4e: {  	_ =	shalt  }
0x4f: {  	_ =	shalt  }
0x50: {  	_ =	shalt  }
0x51: {  	_ =	shalt  }
0x52: {  	_ =	shalt  }
0x53: {  	_ =	shalt  }
0x54: {  	_ =	shalt  }
0x55: {  	_ =	shalt  }
0x56: {  	_ =	shalt  }
0x57: {  	_ =	shalt  }
0x58: {  	_ =	shalt  }
0x59: {  	_ =	shalt  }
0x5a: {  	_ =	shalt  }
0x5b: {  	_ =	shalt  }
0x5c: {  	_ =	shalt  }
0x5d: {  	_ =	shalt  }
0x5e: {  	_ =	shalt  }
0x5f: {  	_ =	shalt  }
0x60: {  	_ =	shalt  }
0x61: {  	_ =	shalt  }
0x62: {  	_ =	shalt  }
0x63: {  	_ =	shalt  }
0x64: {  	_ =	shalt  }
0x65: {  	_ =	shalt  }
0x66: {  	_ =	shalt  }
0x67: {  	_ =	shalt  }
0x68: {  	_ =	shalt  }
0x69: {  	_ =	shalt  }
0x6a: {  	_ =	shalt  }
0x6b: {  	_ =	shalt  }
0x6c: {  	_ =	shalt  }
0x6d: {  	_ =	shalt  }
0x6e: {  	_ =	shalt  }
0x6f: {  	_ =	shalt  }
0x70: {  	_ =	shalt  }
0x71: {  	_ =	shalt  }
0x72: {  	_ =	shalt  }
0x73: {  	_ =	shalt  }
0x74: {  	_ =	shalt  }
0x75: {  	_ =	shalt  }
0x76: {  	_ =	shalt  }
0x77: {  	_ =	shalt  }
0x78: {  	_ =	shalt  }
0x79: {  	_ =	shalt  }
0x7a: {  	_ =	shalt  }
0x7b: {  	_ =	shalt  }
0x7c: {  	_ =	shalt  }
0x7d: {  	_ =	shalt  }
0x7e: {  	_ =	shalt  }
0x7f: {  	_ =	shalt  }
0x80: {  	_ =	shalt  }
0x81: {  	_ =	shalt  }
0x82: {  	_ =	shalt  }
0x83: {  	_ =	shalt  }
0x84: {  	_ =	shalt  }
0x85: {  	_ =	shalt  }
0x86: {  	_ =	shalt  }
0x87: {  	_ =	shalt  }
.Lfunc_end0:
.L_simem_size_0:
called_computation.1_lowered:
.L_overlay_start_0:
0x88: {  	s2 =	sld [smem:$0x3FD9]  }
0x89: {  	s3 =	sld [smem:$0x3FFE];
	_ =	sdelay $0x1  }
0x8a: {  	s1 =	srdreg.scid  }
0x8b: {  	s0 =	sand.u32 $0x1, s1  }
0x8c: {  	s14 =	sshll.u32 s0, $0xA;
	s2 =	sadd.s32 s3, s2  }
0x8d: {  	s2 =	sadd.s32 s2, s14  }
0x8e: {  	[smem:$0x3FC4] =	sst s2  }
0x8f: {  	_ = 	snop  }
0x90: {  	s2 =	sld [smem:$0x3FD0];
	_ =	sdelay $0x2  }
0x91: {  	s15 =	simm.s32 $0xA;
	s4 =	simm.s32 $0x10  }
0x92: {  	[smem:s4], [sflag:s15] =	dma.local [hbm:s2], $0x1  }
0x93: {  	_ =	swait.eq [sflag:s15], $0x1  }
0x94: {  	[sflag:s15] =	ssyncset.done $0x0  }
0x95: {  	s16 =	sld [smem:$0x10];
	[sflag:s15] =	ssyncadd.s32 $0xFFFFFFFF  }
0x96: {  	s17 =	sld [smem:$0x11];
	(tm) =	ssettm $0x1  }
0x97: {  	s18 =	sld [smem:$0x3FFB];
	_ =	sdelay $0x3  }
0x98: {  	_ =	strace s18  }
0x99: {  	s4 =	sld [smem:$0x3FFC];
	_ =	sdelay $0x3  }
0x9a: {  	_ =	strace s4  }
0x9b: {  	s4 =	sld [smem:$0x3FFD];
	_ =	sdelay $0x3  }
0x9c: {  	_ =	strace s4  }
0x9d: {  	_ =	strace $0x8FFFFFFF  }
0x9e: {  	s19 =	sld [smem:$0x3FDB];
	_ =	sdelay $0x1  }
0x9f: {  	s5 =	simm.s32 $_scs_section_size  }
0xa0: {  	s6 =	simm.s32 $_size__tile_overlayer_lowered;
	s7 =	simm.s32 $_tile_overlayer_lowered  }
0xa1: {  	s22 =	simm.s32 $0x1BFF;
	s21 =	sshll.u32 s7, $0x1;
	s4 =	sadd.s32 s5, s19  }
0xa2: {  	s8 =	simm.s32 $0x0;
	s20 =	sshll.u32 s6, $0x1;
	s6 =	sadd.s32 s21, s4  }
0xa3: {  	[timem:s8], [sflag:s22] =	dma.local [hbm:s6], s20  }
0xa4: {  	_ =	swait.ge [sflag:s22], s20  }
0xa5: {  	s5 =	ssub.s32 $0x0, s20;
	[sflag:s22] =	ssyncset.done $0x0  }
0xa6: {  	[sflag:s22] =	ssyncadd.s32 s5;
	_ =	sdelay $0x1  }
0xa7: {  	s23 =	simm.s32 $0x1B8B  }
0xa8: {  	_ =	swait.ge [sflag:s23], $0x1  }
0xa9: {  	[sflag:s23] =	ssyncset.done $0x0  }
0xaa: {  	s25 =	simm.s32 $0x1B8E;
	s24 =	sld [smem:$0x3FFE];
	[sflag:s23] =	ssyncadd.s32 $0xFFFFFFFF  }
0xab: {  	s26 =	simm.s32 $execute0_lowered;
	[smem:$0x3FD2] =	sst s25  }
0xac: {  	s6 =	sshll.u32 s26, $0x1;
	_ =	strace $0x80000046;
	[dreg:$0x1] =	wrdreg $0xFFFFFFFF  }
0xad: {  	s28 =	simm.s32 $_size_execute0_lowered;
	s4 =	sadd.s32 s4, s6;
	[dreg:$0x0] =	wrdreg $0x0  }
0xae: {  	s6 =	sshll.u32 s28, $0x1;
	[dreg:$0x2] =	wrdreg s4  }
0xaf: {  	[dreg:$0x3] =	wrdreg s6  }
0xb0: {  	[dreg:$0x4] =	wrdreg $0xC0  }
0xb1: {  	_ =	task [dreg:s8], $0x5FFFF  }
0xb2: {  	[dreg:$0x1] =	wrdreg $0xFFFFFFFF  }
0xb3: {  	[dreg:$0x0] =	wrdreg $0x60  }
0xb4: {  	[dreg:$0x2] =	wrdreg s24  }
0xb5: {  	[dreg:$0x3] =	wrdreg s17  }
0xb6: {  	[dreg:$0x4] =	wrdreg s16  }
0xb7: {  	[dreg:$0x5] =	wrdreg $0x9  }
0xb8: {  	_ =	task.clear_ibuf [dreg:s8], $0x6FFFF;
	_ =	strace $0x90000046  }
0xb9: {  	s29 =	simm.s32 $0x9;
	_ =	strace $0x80000048  }
0xba: {  	_ =	swait.ge [sflag:s29], $0x1  }
0xbb: {  	[sflag:s29] =	ssyncadd.s32 $0xFFFFFFFF  }
0xbc: {  	_ =	strace $0x90000048  }
0xbd: {  	_ =	sfence  }
0xbe: {  	s30 =	sld [smem:$0x0];
	_ =	sdelay $0x2  }
0xbf: {  	s31 =	sshll.u32 s1, $0xD;
	s1 =	sshrl.u32 s1, $0x2  }
0xc0: {  	s3 =	sand.u32 $0x4000, s31;
	s1 =	sadd.s32 s1, s30  }
0xc1: {  	s0 =	sor.u32 s3, s0;
	s1 =	sshll.u32 s1, $0x11  }
0xc2: {  	s0 =	sor.u32 s1, s0  }
0xc3: {  	s0 =	sadd.s32 $0x8F2B, s0  }
0xc4: {  	[sflag:s0] =	ssyncadd.remote.s32 $0x1  }
0xc5: {  	_ =	sfence.sel $0xFFFF  }
0xc6: {  	[dreg:$0x0] =	wrdreg $0xFFFFFFFF;
	(pc) =	sbr.abs _section_cstart, $3  }
0xc7: {  	[dreg:$0x1] =	wrdreg $0xFFFFFFFF  }
0xc8: {  	_ =	task.clear_ibuf [dreg:s8], $0x2FFFF;
	_ =	strace $0x9FFFFFFF  }
0xc9: {  	(tm) =	ssettm $0x7FFFFFFF  }
tec
execute0_lowered:
.L_overlay_start_1:
0x0: {  	(tag) =	ssettag $0x1  }
0x1: {  	s1 =	rddreg [dreg:$0x0]  }
0x2: {  	s0 =	srdreg.scid;
	s2 =	rddreg [dreg:$0x1]  }
0x3: {  	s3 =	stileid.u32;
	s9 =	rddreg [dreg:$0x2]  }
0x4: {  	s11 =	simm.s32 $0x19000;
	s12 =	simm.s32 $0x5;
	s13 =	simm.s32 $0xC8  }
0x5: {  	s14 =	simm.s32 $0xC800;
	s15 =	simm.s32 $0xFA00;
	s16 =	simm.s32 $0x1  }
0x6: {  	s17 =	simm.s32 $0x12C00;
	s18 =	simm.s32 $0x2;
	s19 =	simm.s32 $0x15E00  }
0x7: {  	s20 =	simm.s32 $0x3;
	s21 =	simm.s32 $0x4;
	s22 =	simm.s32 $0x1C200  }
0x8: {  	v36 =	vimm.s32 $0x0;
	s23 =	simm.s32 $0x0;
	s0 =	sand.u32 $0x1, s0;
	s3 =	sshll.u32 s3, $0x8  }
0x9: {  	v40 =	vlaneseq.u32;
	v48 =	vimm.s32 $0x6;
	v37 =	vimm.s32 $0x1;
	s6 =	sadd.s32 $0x33400, s1;
	s4 =	sshll.u32 s0, $0x7;
	s0 =	ssub.s32 $0x2, s0  }
.Ltmp0:
0xa: {  	v38 =	vimm.s32 $0x2;
	v39 =	vimm.s32 $0x3;
	v41 =	vimm.s32 $0x4;
	s3 =	sor.u32 s4, s3;
	s4 =	simm.s32 $0x0;
	(pc) =	sbr.rel .LBB2_1-.Ltmp0, $4  }
0xb: {  	v44 =	vimm.s32 $0x5;
	v52 =	vimm.s32 $0x7;
	v60 =	vimm.s32 $0x9;
	s7 =	sshrl.u32 s0, $0x1;
	s5 =	smul.u32 $0x19, s3;
	[smem:$0x7FF] =	sst s4  }
0xc: {  	v13 =	vimm.s32 $0xA;
	v11 =	vimm.s32 $0xB;
	v15 =	vimm.s32 $0xC;
	s0 =	ssub.s32 s0, s7;
	s31 =	sshll.u32 s3, $0x3;
	_ =	strace $0x80000047  }
0xd: {  	v25 =	vimm.s32 $0xD;
	v29 =	vimm.s32 $0xE;
	v3 =	vor.u32 $0x10, v40;
	s9 =	sadd.s32 s9, s31;
	s10 =	smax.u32 s0, $0x1;
	s8 =	sadd.s32 s5, s1  }
0xe: {  	v56 =	vimm.s32 $0x8;
	v4 =	vor.u32 $0x20, v40;
	v5 =	vor.u32 $0x30, v40;
	s5 =	sadd.s32 $0xF43800, s1;
	s7 =	sadd.s32 $0x1A400, s8;
	s8 =	sadd.s32 $0x1400, s8  }
.LBB2_8:
0xf: {  	_ =	swait.ge [sflag:s20], $0x3200  }
0x10: {  	[sflag:s20] =	ssyncset.done $0x0  }
0x11: {  	[sflag:s20] =	ssyncadd.s32 $0xFFFFCE00  }
0x12: {  	s23 =	sadd.s32 $0x1, s23;
	_ =	swait.ge [sflag:s21], $0x3200  }
0x13: {  	p0 =	sne.s32 s23, s10;
	[sflag:s21] =	ssyncset.done $0x0  }
.Ltmp1:
0x14: {  	[sflag:s21] =	ssyncadd.s32 $0xFFFFCE00;
	(pc) =	sbr.rel @!p0 .LBB2_9-.Ltmp1, $4  }
0x15: {  	[hbm4b:s9+s4] =	stream.linear.scatter [tilespmem:s22], [sflag:$0x5], $0x2000, $0x38;
	[tilespmem:$0x1E200] =	vst v63  }
0x16: {  	_ =	swait.ge [sflag:s12], $0x2000  }
0x17: {  	v13 =	vimm.s32 $0xA;
	v11 =	vimm.s32 $0xB;
	[sflag:s12] =	ssyncset.done $0x0  }
0x18: {  	v15 =	vimm.s32 $0xC;
	v25 =	vimm.s32 $0xD;
	v29 =	vimm.s32 $0xE;
	[sflag:s12] =	ssyncadd.s32 $0xFFFFE000  }
.LBB2_1:
0x19: {  	[tilespmem:s11], [sflag:$0x5] =	stream.linear.gather [hbm4b:s6+s4], $0x3200, $0x38;
	[tilespmem:$0x1E200] =	vst v63  }
0x1a: {  	_ =	swait.ge [sflag:s12], $0x3200  }
0x1b: {  	[sflag:s12] =	ssyncset.done $0x0  }
0x1c: {  	[sflag:s12] =	ssyncadd.s32 $0xFFFFCE00  }
0x1d: {  	[tilespmem:s4], [sflag:$0x5] =	stream.linear.gather [hbm4b:s7+s4], $0x6400, $0x38;
	[tilespmem:$0x1E200] =	vst v63  }
0x1e: {  	_ =	swait.ge [sflag:s12], $0x6400  }
0x1f: {  	[sflag:s12] =	ssyncset.done $0x0  }
0x20: {  	s1 =	simm.s32 $0x6400;
	[sflag:s12] =	ssyncadd.s32 $0xFFFF9C00  }
0x21: {  	[tilespmem:s1], [sflag:$0x5] =	stream.linear.gather [hbm4b:s8+s4], $0x6400, $0x38;
	[tilespmem:$0x1E200] =	vst v63  }
0x22: {  	_ =	swait.ge [sflag:s12], $0x6400  }
0x23: {  	[sflag:s12] =	ssyncset.done $0x0  }
0x24: {  	[sflag:s12] =	ssyncadd.s32 $0xFFFF9C00  }
0x25: {  	[tilespmem:s14], [sflag:$0x1] =	stream.indirect.gather [hbm4b:s5+s13], $0x40, s4, s13, $0xb8;
	[tilespmem:$0x1E200] =	vst v63  }
0x26: {  	s25 =	simm.s32 $0x64C8;
	s26 =	simm.s32 $0x0  }
0x27: {  	[tilespmem:s15], [sflag:$0x2] =	stream.indirect.gather [hbm4b:s5+s13], $0x40, s13, s13, $0xb8;
	[tilespmem:$0x1E200] =	vst v63  }
.LBB2_2:
0x28: {  	_ =	swait.ge [sflag:s16], $0x3200  }
0x29: {  	p0 =	seq.s32 s26, $0x0;
	[sflag:s16] =	ssyncset.done $0x0  }
0x2a: {  	s0 =	simm.s32 @!p0 $0x3;
	[sflag:s16] =	ssyncadd.s32 $0xFFFFCE00  }
0x2b: {  	s30 =	smul.u32 $0x640, s26;
	_ =	swait.ge @!p0 [sflag:s0], $0x3200  }
0x2c: {  	s29 =	sshll.u32 s26, $0x1;
	v0 =	vimm.f32 $0.0e+00;
	s31 =	simm.s32 $0xFC0;
	[sflag:s0] =	ssyncset.done @!p0 $0x0  }
0x2d: {  	s24 =	smov.u32 s1;
	v28 =	vimm.f32 $0.0e+00;
	v27 =	vimm.f32 $0.0e+00;
	v46 =	vimm.f32 $0.0e+00;
	s28 =	sshra.s32 s30, $0x2;
	[tilespmem:$0x1FFF0] =	vst v0;
	[sflag:s0] =	ssyncadd.s32 @!p0 $0xFFFFCE00  }
.LBB2_3:
0x2e: {  	v24 =	vld [tilespmem:s24+$0x0];
	_ =	sdelay $0x4  }
0x2f: {  	v0 =	vperm.xlane v24, v36;
	_ =	sdelay $0x1  }
0x30: {  	v0 =	vshll.u32 v0, $0x6  }
0x31: {  	v2 =	vor.u32 v40, v0;
	_ =	sdelay $0x2  }
0x32: {  	s0 =	sshra.s32 s31, $0x2  }
0x33: {  	v6 =	vld [tilespmem:s0+$0xC410]  }
0x34: {  	v2 =	vld.idx.msk [tilespmem:v2+s11+$0x0], $0xffff;
	_ =	sdelay $0x2  }
0x35: {  	v7 =	vor.u32 v3, v0;
	_ =	sdelay $0x1  }
0x36: {  	v1 =	vadd.f32 v2, v6;
	_ =	sdelay $0x1  }
0x37: {  	v2 =	vld [tilespmem:s0+$0xC420];
	[tilespmem:s0+$0x12810] =	vst v1  }
0x38: {  	v6 =	vld.idx.msk [tilespmem:v7+s11+$0x0], $0xffff;
	_ =	sdelay $0x2  }
0x39: {  	v7 =	vor.u32 v4, v0;
	_ =	sdelay $0x1  }
0x3a: {  	[tilespmem:$0x1FF70] =	vst v1;
	v1 =	vadd.f32 v6, v2;
	_ =	sdelay $0x1  }
0x3b: {  	v2 =	vld [tilespmem:s0+$0xC430];
	[tilespmem:s0+$0x12820] =	vst v1  }
0x3c: {  	v6 =	vld.idx.msk [tilespmem:v7+s11+$0x0], $0xffff;
	_ =	sdelay $0x2  }
0x3d: {  	v0 =	vor.u32 v5, v0;
	_ =	sdelay $0x1  }
0x3e: {  	[tilespmem:$0x1FF80] =	vst v1;
	v1 =	vadd.f32 v6, v2;
	_ =	sdelay $0x1  }
0x3f: {  	v2 =	vld [tilespmem:s0+$0xC440];
	[tilespmem:s0+$0x12830] =	vst v1  }
0x40: {  	v0 =	vld.idx.msk [tilespmem:v0+s11+$0x0], $0xffff  }
0x41: {  	v6 =	vperm.xlane v24, v37;
	_ =	sdelay $0x1  }
0x42: {  	v6 =	vshll.u32 v6, $0x6  }
0x43: {  	v7 =	vor.u32 v40, v6  }
0x44: {  	v0 =	vadd.f32 v0, v2;
	_ =	sdelay $0x1  }
0x45: {  	[tilespmem:$0x1FFA0] =	vst v0  }
0x46: {  	[tilespmem:s0+$0x12840] =	vst v0;
	v0 =	vld [tilespmem:s0+$0xC450]  }
0x47: {  	v2 =	vld.idx.msk [tilespmem:v7+s11+$0x0], $0xffff;
	_ =	sdelay $0x3  }
0x48: {  	v7 =	vor.u32 v3, v6  }
0x49: {  	v0 =	vadd.f32 v2, v0;
	_ =	sdelay $0x1  }
0x4a: {  	[tilespmem:$0x1FFB0] =	vst v0  }
0x4b: {  	[tilespmem:s0+$0x12850] =	vst v0;
	v0 =	vld [tilespmem:s0+$0xC460]  }
0x4c: {  	v2 =	vld.idx.msk [tilespmem:v7+s11+$0x0], $0xffff;
	_ =	sdelay $0x3  }
0x4d: {  	v7 =	vor.u32 v4, v6  }
0x4e: {  	v0 =	vadd.f32 v2, v0;
	_ =	sdelay $0x1  }
0x4f: {  	[tilespmem:$0x1FFC0] =	vst v0  }
0x50: {  	[tilespmem:s0+$0x12860] =	vst v0;
	v0 =	vld [tilespmem:s0+$0xC470]  }
0x51: {  	v2 =	vld.idx.msk [tilespmem:v7+s11+$0x0], $0xffff;
	_ =	sdelay $0x3  }
0x52: {  	v6 =	vor.u32 v5, v6  }
0x53: {  	v0 =	vadd.f32 v2, v0;
	_ =	sdelay $0x1  }
0x54: {  	[tilespmem:$0x1FFD0] =	vst v0  }
0x55: {  	[tilespmem:s0+$0x12870] =	vst v0;
	v0 =	vld [tilespmem:s0+$0xC480]  }
0x56: {  	v2 =	vld.idx.msk [tilespmem:v6+s11+$0x0], $0xffff  }
0x57: {  	v6 =	vperm.xlane v24, v38;
	_ =	sdelay $0x1  }
0x58: {  	v6 =	vshll.u32 v6, $0x6  }
0x59: {  	v7 =	vor.u32 v40, v6  }
0x5a: {  	v0 =	vadd.f32 v2, v0;
	_ =	sdelay $0x1  }
0x5b: {  	[tilespmem:$0x1FFE0] =	vst v0  }
0x5c: {  	[tilespmem:s0+$0x12880] =	vst v0;
	v0 =	vld [tilespmem:s0+$0xC490]  }
0x5d: {  	v2 =	vld.idx.msk [tilespmem:v7+s11+$0x0], $0xffff;
	_ =	sdelay $0x2  }
0x5e: {  	v7 =	vor.u32 v3, v6;
	_ =	sdelay $0x1  }
0x5f: {  	v33 =	vadd.f32 v2, v0;
	_ =	sdelay $0x1  }
0x60: {  	v0 =	vld [tilespmem:s0+$0xC4A0];
	[tilespmem:s0+$0x12890] =	vst v33  }
0x61: {  	v2 =	vld.idx.msk [tilespmem:v7+s11+$0x0], $0xffff;
	_ =	sdelay $0x2  }
0x62: {  	v7 =	vor.u32 v4, v6;
	_ =	sdelay $0x1  }
0x63: {  	v31 =	vadd.f32 v2, v0;
	_ =	sdelay $0x1  }
0x64: {  	v0 =	vld [tilespmem:s0+$0xC4B0];
	[tilespmem:s0+$0x128A0] =	vst v31  }
0x65: {  	v2 =	vld.idx.msk [tilespmem:v7+s11+$0x0], $0xffff;
	_ =	sdelay $0x2  }
0x66: {  	v6 =	vor.u32 v5, v6;
	_ =	sdelay $0x1  }
0x67: {  	v34 =	vadd.f32 v2, v0;
	_ =	sdelay $0x1  }
0x68: {  	v0 =	vld [tilespmem:s0+$0xC4C0];
	[tilespmem:s0+$0x128B0] =	vst v34  }
0x69: {  	v2 =	vld.idx.msk [tilespmem:v6+s11+$0x0], $0xffff;
	v6 =	vperm.xlane v24, v39;
	_ =	sdelay $0x1  }
0x6a: {  	v6 =	vshll.u32 v6, $0x6  }
0x6b: {  	v7 =	vor.u32 v40, v6;
	_ =	sdelay $0x1  }
0x6c: {  	v35 =	vadd.f32 v2, v0;
	_ =	sdelay $0x1  }
0x6d: {  	v0 =	vld [tilespmem:s0+$0xC4D0];
	[tilespmem:s0+$0x128C0] =	vst v35  }
0x6e: {  	v2 =	vld.idx.msk [tilespmem:v7+s11+$0x0], $0xffff;
	_ =	sdelay $0x2  }
0x6f: {  	v7 =	vor.u32 v3, v6;
	_ =	sdelay $0x1  }
0x70: {  	v36 =	vadd.f32 v2, v0;
	_ =	sdelay $0x1  }
0x71: {  	v0 =	vld [tilespmem:s0+$0xC4E0];
	[tilespmem:s0+$0x128D0] =	vst v36  }
0x72: {  	v2 =	vld.idx.msk [tilespmem:v7+s11+$0x0], $0xffff;
	_ =	sdelay $0x2  }
0x73: {  	v7 =	vor.u32 v4, v6;
	_ =	sdelay $0x1  }
0x74: {  	v37 =	vadd.f32 v2, v0;
	_ =	sdelay $0x1  }
0x75: {  	v0 =	vld [tilespmem:s0+$0xC4F0];
	[tilespmem:s0+$0x128E0] =	vst v37  }
0x76: {  	v2 =	vld.idx.msk [tilespmem:v7+s11+$0x0], $0xffff;
	_ =	sdelay $0x2  }
0x77: {  	v6 =	vor.u32 v5, v6;
	_ =	sdelay $0x1  }
0x78: {  	v38 =	vadd.f32 v2, v0;
	_ =	sdelay $0x1  }
0x79: {  	v0 =	vld [tilespmem:s0+$0xC500];
	[tilespmem:s0+$0x128F0] =	vst v38  }
0x7a: {  	v2 =	vld.idx.msk [tilespmem:v6+s11+$0x0], $0xffff;
	v6 =	vperm.xlane v24, v41;
	_ =	sdelay $0x1  }
0x7b: {  	v6 =	vshll.u32 v6, $0x6  }
0x7c: {  	v7 =	vor.u32 v40, v6;
	_ =	sdelay $0x1  }
0x7d: {  	v39 =	vadd.f32 v2, v0;
	_ =	sdelay $0x1  }
0x7e: {  	v0 =	vld [tilespmem:s0+$0xC510];
	[tilespmem:s0+$0x12900] =	vst v39  }
0x7f: {  	v2 =	vld.idx.msk [tilespmem:v7+s11+$0x0], $0xffff;
	_ =	sdelay $0x2  }
0x80: {  	v7 =	vor.u32 v3, v6;
	_ =	sdelay $0x1  }
0x81: {  	v41 =	vadd.f32 v2, v0;
	_ =	sdelay $0x1  }
0x82: {  	v0 =	vld [tilespmem:s0+$0xC520];
	[tilespmem:s0+$0x12910] =	vst v41  }
0x83: {  	v2 =	vld.idx.msk [tilespmem:v7+s11+$0x0], $0xffff;
	_ =	sdelay $0x2  }
0x84: {  	v7 =	vor.u32 v4, v6;
	_ =	sdelay $0x1  }
0x85: {  	v42 =	vadd.f32 v2, v0;
	_ =	sdelay $0x1  }
0x86: {  	v0 =	vld [tilespmem:s0+$0xC530];
	[tilespmem:s0+$0x12920] =	vst v42  }
0x87: {  	v2 =	vld.idx.msk [tilespmem:v7+s11+$0x0], $0xffff;
	_ =	sdelay $0x2  }
0x88: {  	v6 =	vor.u32 v5, v6;
	_ =	sdelay $0x1  }
0x89: {  	v43 =	vadd.f32 v2, v0;
	_ =	sdelay $0x1  }
0x8a: {  	v0 =	vld [tilespmem:s0+$0xC540];
	[tilespmem:s0+$0x12930] =	vst v43  }
0x8b: {  	v2 =	vld.idx.msk [tilespmem:v6+s11+$0x0], $0xffff;
	v6 =	vperm.xlane v24, v44;
	_ =	sdelay $0x1  }
0x8c: {  	v6 =	vshll.u32 v6, $0x6  }
0x8d: {  	v7 =	vor.u32 v40, v6;
	_ =	sdelay $0x1  }
0x8e: {  	v44 =	vadd.f32 v2, v0;
	_ =	sdelay $0x1  }
0x8f: {  	v0 =	vld [tilespmem:s0+$0xC550];
	[tilespmem:s0+$0x12940] =	vst v44  }
0x90: {  	v2 =	vld.idx.msk [tilespmem:v7+s11+$0x0], $0xffff;
	_ =	sdelay $0x2  }
0x91: {  	v7 =	vor.u32 v3, v6;
	_ =	sdelay $0x1  }
0x92: {  	v45 =	vadd.f32 v2, v0;
	_ =	sdelay $0x1  }
0x93: {  	v0 =	vld [tilespmem:s0+$0xC560];
	[tilespmem:s0+$0x12950] =	vst v45  }
0x94: {  	v2 =	vld.idx.msk [tilespmem:v7+s11+$0x0], $0xffff;
	_ =	sdelay $0x2  }
0x95: {  	v7 =	vor.u32 v4, v6;
	_ =	sdelay $0x1  }
0x96: {  	v30 =	vmov v46;
	v46 =	vadd.f32 v2, v0;
	_ =	sdelay $0x1  }
0x97: {  	v0 =	vld [tilespmem:s0+$0xC570];
	[tilespmem:s0+$0x12960] =	vst v46  }
0x98: {  	v2 =	vld.idx.msk [tilespmem:v7+s11+$0x0], $0xffff;
	_ =	sdelay $0x2  }
0x99: {  	v6 =	vor.u32 v5, v6;
	_ =	sdelay $0x1  }
0x9a: {  	v47 =	vadd.f32 v2, v0;
	_ =	sdelay $0x1  }
0x9b: {  	v0 =	vld [tilespmem:s0+$0xC580];
	[tilespmem:s0+$0x12970] =	vst v47  }
0x9c: {  	v2 =	vld.idx.msk [tilespmem:v6+s11+$0x0], $0xffff;
	v6 =	vperm.xlane v24, v48;
	_ =	sdelay $0x1  }
0x9d: {  	v6 =	vshll.u32 v6, $0x6  }
0x9e: {  	v7 =	vor.u32 v40, v6;
	_ =	sdelay $0x1  }
0x9f: {  	v48 =	vadd.f32 v2, v0;
	_ =	sdelay $0x1  }
0xa0: {  	v0 =	vld [tilespmem:s0+$0xC590];
	[tilespmem:s0+$0x12980] =	vst v48  }
0xa1: {  	v2 =	vld.idx.msk [tilespmem:v7+s11+$0x0], $0xffff;
	_ =	sdelay $0x2  }
0xa2: {  	v7 =	vor.u32 v3, v6;
	_ =	sdelay $0x1  }
0xa3: {  	v49 =	vadd.f32 v2, v0;
	_ =	sdelay $0x1  }
0xa4: {  	v0 =	vld [tilespmem:s0+$0xC5A0];
	[tilespmem:s0+$0x12990] =	vst v49  }
0xa5: {  	v2 =	vld.idx.msk [tilespmem:v7+s11+$0x0], $0xffff;
	_ =	sdelay $0x2  }
0xa6: {  	v7 =	vor.u32 v4, v6;
	_ =	sdelay $0x1  }
0xa7: {  	v50 =	vadd.f32 v2, v0;
	_ =	sdelay $0x1  }
0xa8: {  	v0 =	vld [tilespmem:s0+$0xC5B0];
	[tilespmem:s0+$0x129A0] =	vst v50  }
0xa9: {  	v2 =	vld.idx.msk [tilespmem:v7+s11+$0x0], $0xffff;
	_ =	sdelay $0x2  }
0xaa: {  	v6 =	vor.u32 v5, v6;
	_ =	sdelay $0x1  }
0xab: {  	v51 =	vadd.f32 v2, v0;
	_ =	sdelay $0x1  }
0xac: {  	v0 =	vld [tilespmem:s0+$0xC5C0];
	[tilespmem:s0+$0x129B0] =	vst v51  }
0xad: {  	v2 =	vld.idx.msk [tilespmem:v6+s11+$0x0], $0xffff;
	v6 =	vperm.xlane v24, v52;
	_ =	sdelay $0x1  }
0xae: {  	v6 =	vshll.u32 v6, $0x6  }
0xaf: {  	v7 =	vor.u32 v40, v6;
	_ =	sdelay $0x1  }
0xb0: {  	v52 =	vadd.f32 v2, v0;
	_ =	sdelay $0x1  }
0xb1: {  	v0 =	vld [tilespmem:s0+$0xC5D0];
	[tilespmem:s0+$0x129C0] =	vst v52  }
0xb2: {  	v2 =	vld.idx.msk [tilespmem:v7+s11+$0x0], $0xffff;
	_ =	sdelay $0x2  }
0xb3: {  	v7 =	vor.u32 v3, v6;
	_ =	sdelay $0x1  }
0xb4: {  	v53 =	vadd.f32 v2, v0;
	_ =	sdelay $0x1  }
0xb5: {  	v0 =	vld [tilespmem:s0+$0xC5E0];
	[tilespmem:s0+$0x129D0] =	vst v53  }
0xb6: {  	v2 =	vld.idx.msk [tilespmem:v7+s11+$0x0], $0xffff;
	_ =	sdelay $0x2  }
0xb7: {  	v7 =	vor.u32 v4, v6;
	_ =	sdelay $0x1  }
0xb8: {  	v54 =	vadd.f32 v2, v0;
	_ =	sdelay $0x1  }
0xb9: {  	v0 =	vld [tilespmem:s0+$0xC5F0];
	[tilespmem:s0+$0x129E0] =	vst v54  }
0xba: {  	v2 =	vld.idx.msk [tilespmem:v7+s11+$0x0], $0xffff;
	_ =	sdelay $0x2  }
0xbb: {  	v6 =	vor.u32 v5, v6;
	_ =	sdelay $0x1  }
0xbc: {  	v55 =	vadd.f32 v2, v0;
	_ =	sdelay $0x1  }
0xbd: {  	v0 =	vld [tilespmem:s0+$0xC600];
	[tilespmem:s0+$0x129F0] =	vst v55  }
0xbe: {  	v2 =	vld.idx.msk [tilespmem:v6+s11+$0x0], $0xffff;
	v6 =	vperm.xlane v24, v56;
	_ =	sdelay $0x1  }
0xbf: {  	v6 =	vshll.u32 v6, $0x6  }
0xc0: {  	v7 =	vor.u32 v40, v6;
	_ =	sdelay $0x1  }
0xc1: {  	v56 =	vadd.f32 v2, v0;
	_ =	sdelay $0x1  }
0xc2: {  	v0 =	vld [tilespmem:s0+$0xC610];
	[tilespmem:s0+$0x12A00] =	vst v56  }
0xc3: {  	v2 =	vld.idx.msk [tilespmem:v7+s11+$0x0], $0xffff;
	_ =	sdelay $0x2  }
0xc4: {  	v7 =	vor.u32 v3, v6;
	_ =	sdelay $0x1  }
0xc5: {  	v57 =	vadd.f32 v2, v0;
	_ =	sdelay $0x1  }
0xc6: {  	v0 =	vld [tilespmem:s0+$0xC620];
	[tilespmem:s0+$0x12A10] =	vst v57  }
0xc7: {  	v2 =	vld.idx.msk [tilespmem:v7+s11+$0x0], $0xffff;
	_ =	sdelay $0x2  }
0xc8: {  	v7 =	vor.u32 v4, v6;
	_ =	sdelay $0x1  }
0xc9: {  	v58 =	vadd.f32 v2, v0;
	_ =	sdelay $0x1  }
0xca: {  	v0 =	vld [tilespmem:s0+$0xC630];
	[tilespmem:s0+$0x12A20] =	vst v58  }
0xcb: {  	v2 =	vld.idx.msk [tilespmem:v7+s11+$0x0], $0xffff;
	_ =	sdelay $0x2  }
0xcc: {  	v6 =	vor.u32 v5, v6;
	_ =	sdelay $0x1  }
0xcd: {  	v59 =	vadd.f32 v2, v0;
	_ =	sdelay $0x1  }
0xce: {  	v0 =	vld [tilespmem:s0+$0xC640];
	[tilespmem:s0+$0x12A30] =	vst v59  }
0xcf: {  	v2 =	vld.idx.msk [tilespmem:v6+s11+$0x0], $0xffff;
	v6 =	vperm.xlane v24, v60;
	_ =	sdelay $0x1  }
0xd0: {  	v6 =	vshll.u32 v6, $0x6  }
0xd1: {  	v7 =	vor.u32 v40, v6;
	_ =	sdelay $0x1  }
0xd2: {  	v60 =	vadd.f32 v2, v0;
	_ =	sdelay $0x1  }
0xd3: {  	v0 =	vld [tilespmem:s0+$0xC650];
	[tilespmem:s0+$0x12A40] =	vst v60  }
0xd4: {  	v2 =	vld.idx.msk [tilespmem:v7+s11+$0x0], $0xffff;
	_ =	sdelay $0x2  }
0xd5: {  	v7 =	vor.u32 v3, v6;
	_ =	sdelay $0x1  }
0xd6: {  	v61 =	vadd.f32 v2, v0;
	_ =	sdelay $0x1  }
0xd7: {  	v0 =	vld [tilespmem:s0+$0xC660];
	[tilespmem:s0+$0x12A50] =	vst v61  }
0xd8: {  	v2 =	vld.idx.msk [tilespmem:v7+s11+$0x0], $0xffff;
	_ =	sdelay $0x2  }
0xd9: {  	v7 =	vor.u32 v4, v6;
	_ =	sdelay $0x1  }
0xda: {  	v62 =	vadd.f32 v2, v0;
	_ =	sdelay $0x1  }
0xdb: {  	v0 =	vld [tilespmem:s0+$0xC670];
	[tilespmem:s0+$0x12A60] =	vst v62  }
0xdc: {  	v2 =	vld.idx.msk [tilespmem:v7+s11+$0x0], $0xffff;
	_ =	sdelay $0x2  }
0xdd: {  	v6 =	vor.u32 v5, v6;
	_ =	sdelay $0x1  }
0xde: {  	v63 =	vadd.f32 v2, v0;
	_ =	sdelay $0x1  }
0xdf: {  	v0 =	vld [tilespmem:s0+$0xC680];
	[tilespmem:s0+$0x12A70] =	vst v63  }
0xe0: {  	v2 =	vld.idx.msk [tilespmem:v6+s11+$0x0], $0xffff;
	v6 =	vperm.xlane v24, v13;
	_ =	sdelay $0x1  }
0xe1: {  	v7 =	vshll.u32 v6, $0x6  }
0xe2: {  	v6 =	vor.u32 v40, v7;
	_ =	sdelay $0x1  }
0xe3: {  	v0 =	vadd.f32 v2, v0;
	_ =	sdelay $0x1  }
0xe4: {  	v2 =	vld [tilespmem:s0+$0xC690];
	[tilespmem:s0+$0x12A80] =	vst v0  }
0xe5: {  	v6 =	vld.idx.msk [tilespmem:v6+s11+$0x0], $0xffff;
	_ =	sdelay $0x2  }
0xe6: {  	v8 =	vor.u32 v3, v7;
	_ =	sdelay $0x1  }
0xe7: {  	v2 =	vadd.f32 v6, v2;
	_ =	sdelay $0x1  }
0xe8: {  	v6 =	vld [tilespmem:s0+$0xC6A0];
	[tilespmem:s0+$0x12A90] =	vst v2  }
0xe9: {  	v8 =	vld.idx.msk [tilespmem:v8+s11+$0x0], $0xffff;
	_ =	sdelay $0x2  }
0xea: {  	v9 =	vor.u32 v4, v7;
	_ =	sdelay $0x1  }
0xeb: {  	v6 =	vadd.f32 v8, v6;
	_ =	sdelay $0x1  }
0xec: {  	v8 =	vld [tilespmem:s0+$0xC6B0];
	[tilespmem:s0+$0x12AA0] =	vst v6  }
0xed: {  	v9 =	vld.idx.msk [tilespmem:v9+s11+$0x0], $0xffff;
	_ =	sdelay $0x2  }
0xee: {  	v10 =	vor.u32 v5, v7;
	_ =	sdelay $0x1  }
0xef: {  	v7 =	vadd.f32 v9, v8;
	_ =	sdelay $0x1  }
0xf0: {  	v8 =	vld [tilespmem:s0+$0xC6C0];
	[tilespmem:s0+$0x12AB0] =	vst v7  }
0xf1: {  	v9 =	vld.idx.msk [tilespmem:v10+s11+$0x0], $0xffff;
	v10 =	vperm.xlane v24, v11;
	_ =	sdelay $0x1  }
0xf2: {  	v11 =	vshll.u32 v10, $0x6  }
0xf3: {  	v10 =	vor.u32 v40, v11;
	_ =	sdelay $0x1  }
0xf4: {  	v8 =	vadd.f32 v9, v8;
	_ =	sdelay $0x1  }
0xf5: {  	v9 =	vld [tilespmem:s0+$0xC6D0];
	[tilespmem:s0+$0x12AC0] =	vst v8  }
0xf6: {  	v10 =	vld.idx.msk [tilespmem:v10+s11+$0x0], $0xffff;
	_ =	sdelay $0x2  }
0xf7: {  	v12 =	vor.u32 v3, v11;
	_ =	sdelay $0x1  }
0xf8: {  	v9 =	vadd.f32 v10, v9;
	_ =	sdelay $0x1  }
0xf9: {  	v10 =	vld [tilespmem:s0+$0xC6E0];
	[tilespmem:s0+$0x12AD0] =	vst v9  }
0xfa: {  	v12 =	vld.idx.msk [tilespmem:v12+s11+$0x0], $0xffff;
	_ =	sdelay $0x2  }
0xfb: {  	v13 =	vor.u32 v4, v11;
	_ =	sdelay $0x1  }
0xfc: {  	v10 =	vadd.f32 v12, v10;
	_ =	sdelay $0x1  }
0xfd: {  	v12 =	vld [tilespmem:s0+$0xC6F0];
	[tilespmem:s0+$0x12AE0] =	vst v10  }
0xfe: {  	v13 =	vld.idx.msk [tilespmem:v13+s11+$0x0], $0xffff;
	_ =	sdelay $0x2  }
0xff: {  	v14 =	vor.u32 v5, v11;
	_ =	sdelay $0x1  }
0x100: {  	v11 =	vadd.f32 v13, v12;
	_ =	sdelay $0x1  }
0x101: {  	v12 =	vld [tilespmem:s0+$0xC700];
	[tilespmem:s0+$0x12AF0] =	vst v11  }
0x102: {  	v13 =	vld.idx.msk [tilespmem:v14+s11+$0x0], $0xffff;
	v14 =	vperm.xlane v24, v15;
	_ =	sdelay $0x1  }
0x103: {  	v14 =	vshll.u32 v14, $0x6  }
0x104: {  	v15 =	vor.u32 v40, v14;
	_ =	sdelay $0x1  }
0x105: {  	v12 =	vadd.f32 v13, v12;
	_ =	sdelay $0x1  }
0x106: {  	v13 =	vld [tilespmem:s0+$0xC710];
	[tilespmem:s0+$0x12B00] =	vst v12  }
0x107: {  	v15 =	vld.idx.msk [tilespmem:v15+s11+$0x0], $0xffff;
	_ =	sdelay $0x2  }
0x108: {  	v16 =	vor.u32 v3, v14;
	_ =	sdelay $0x1  }
0x109: {  	v13 =	vadd.f32 v15, v13;
	_ =	sdelay $0x1  }
0x10a: {  	v15 =	vld [tilespmem:s0+$0xC720];
	[tilespmem:s0+$0x12B10] =	vst v13  }
0x10b: {  	v16 =	vld.idx.msk [tilespmem:v16+s11+$0x0], $0xffff;
	_ =	sdelay $0x2  }
0x10c: {  	v17 =	vor.u32 v4, v14;
	_ =	sdelay $0x1  }
0x10d: {  	v15 =	vadd.f32 v16, v15;
	_ =	sdelay $0x1  }
0x10e: {  	v16 =	vld [tilespmem:s0+$0xC730];
	[tilespmem:s0+$0x12B20] =	vst v15  }
0x10f: {  	v17 =	vld.idx.msk [tilespmem:v17+s11+$0x0], $0xffff;
	_ =	sdelay $0x2  }
0x110: {  	v14 =	vor.u32 v5, v14;
	_ =	sdelay $0x1  }
0x111: {  	v16 =	vadd.f32 v17, v16;
	_ =	sdelay $0x1  }
0x112: {  	v17 =	vld [tilespmem:s0+$0xC740];
	[tilespmem:s0+$0x12B30] =	vst v16  }
0x113: {  	v18 =	vperm.xlane v24, v25;
	v14 =	vld.idx.msk [tilespmem:v14+s11+$0x0], $0xffff;
	_ =	sdelay $0x1  }
0x114: {  	v18 =	vshll.u32 v18, $0x6  }
0x115: {  	v19 =	vor.u32 v40, v18;
	_ =	sdelay $0x1  }
0x116: {  	v14 =	vadd.f32 v14, v17;
	_ =	sdelay $0x1  }
0x117: {  	v17 =	vld [tilespmem:s0+$0xC750];
	[tilespmem:s0+$0x12B40] =	vst v14  }
0x118: {  	v19 =	vld.idx.msk [tilespmem:v19+s11+$0x0], $0xffff;
	_ =	sdelay $0x2  }
0x119: {  	v20 =	vor.u32 v3, v18;
	_ =	sdelay $0x1  }
0x11a: {  	v17 =	vadd.f32 v19, v17;
	_ =	sdelay $0x1  }
0x11b: {  	v32 =	vld [tilespmem:s0+$0xC760];
	[tilespmem:s0+$0x12B50] =	vst v17  }
0x11c: {  	v20 =	vld.idx.msk [tilespmem:v20+s11+$0x0], $0xffff;
	_ =	sdelay $0x2  }
0x11d: {  	v21 =	vor.u32 v4, v18;
	_ =	sdelay $0x1  }
0x11e: {  	v19 =	vadd.f32 v20, v32;
	_ =	sdelay $0x1  }
0x11f: {  	v32 =	vld [tilespmem:s0+$0xC770];
	[tilespmem:s0+$0x12B60] =	vst v19  }
0x120: {  	v21 =	vld.idx.msk [tilespmem:v21+s11+$0x0], $0xffff;
	_ =	sdelay $0x2  }
0x121: {  	v18 =	vor.u32 v5, v18;
	_ =	sdelay $0x1  }
0x122: {  	v20 =	vadd.f32 v21, v32;
	_ =	sdelay $0x1  }
0x123: {  	v32 =	vld [tilespmem:s0+$0xC780];
	[tilespmem:s0+$0x12B70] =	vst v20  }
0x124: {  	v22 =	vperm.xlane v24, v29;
	v18 =	vld.idx.msk [tilespmem:v18+s11+$0x0], $0xffff;
	_ =	sdelay $0x1  }
0x125: {  	v22 =	vshll.u32 v22, $0x6  }
0x126: {  	v23 =	vor.u32 v40, v22;
	_ =	sdelay $0x1  }
0x127: {  	v18 =	vadd.f32 v18, v32;
	_ =	sdelay $0x1  }
0x128: {  	v32 =	vld [tilespmem:s0+$0xC790];
	[tilespmem:s0+$0x12B80] =	vst v18  }
0x129: {  	v23 =	vld.idx.msk [tilespmem:v23+s11+$0x0], $0xffff;
	_ =	sdelay $0x2  }
0x12a: {  	[tilespmem:$0x1FF90] =	vst v1;
	v1 =	vor.u32 v3, v22;
	_ =	sdelay $0x1  }
0x12b: {  	v21 =	vadd.f32 v23, v32;
	_ =	sdelay $0x1  }
0x12c: {  	v32 =	vld [tilespmem:s0+$0xC7A0];
	[tilespmem:s0+$0x12B90] =	vst v21  }
0x12d: {  	v1 =	vld.idx.msk [tilespmem:v1+s11+$0x0], $0xffff;
	_ =	sdelay $0x2  }
0x12e: {  	v25 =	vor.u32 v4, v22;
	_ =	sdelay $0x1  }
0x12f: {  	v1 =	vadd.f32 v1, v32;
	_ =	sdelay $0x1  }
0x130: {  	[tilespmem:s0+$0x12BA0] =	vst v1  }
0x131: {  	v32 =	vld.idx.msk [tilespmem:v25+s11+$0x0], $0xffff  }
0x132: {  	v25 =	vld [tilespmem:s0+$0xC7B0];
	_ =	sdelay $0x2  }
0x133: {  	v22 =	vor.u32 v5, v22;
	_ =	sdelay $0x1  }
0x134: {  	v23 =	vadd.f32 v32, v25  }
0x135: {  	v25 =	vimm.s32 $0xF  }
0x136: {  	v24 =	vperm.xlane v24, v25;
	v25 =	vld [tilespmem:s0+$0xC7C0];
	[tilespmem:s0+$0x12BB0] =	vst v23  }
0x137: {  	v22 =	vld.idx.msk [tilespmem:v22+s11+$0x0], $0xffff;
	_ =	sdelay $0x4  }
0x138: {  	v22 =	vadd.f32 v22, v25;
	v25 =	vld [tilespmem:$0x1FF70];
	_ =	sdelay $0x1  }
0x139: {  	v32 =	vld [tilespmem:$0x1FFB0]  }
0x13a: {  	v29 =	vld [tilespmem:$0x1FF80];
	_ =	sdelay $0x1  }
0x13b: {  	v25 =	vadd.f32 v25, v30;
	_ =	sdelay $0x1  }
0x13c: {  	v25 =	vadd.f32 v32, v25;
	v32 =	vld [tilespmem:$0x1FFC0]  }
0x13d: {  	v27 =	vadd.f32 v29, v27;
	v29 =	vld [tilespmem:$0x1FF90];
	_ =	sdelay $0x3  }
0x13e: {  	v24 =	vshll.u32 v24, $0x6;
	v27 =	vadd.f32 v32, v27;
	v32 =	vld [tilespmem:$0x1FFD0]  }
0x13f: {  	v28 =	vadd.f32 v29, v28;
	v29 =	vld [tilespmem:$0x1FFF0];
	v26 =	vor.u32 v40, v24  }
0x140: {  	v30 =	vld [tilespmem:$0x1FFA0];
	_ =	sdelay $0x2  }
0x141: {  	[tilespmem:s0+$0x12BC0] =	vst v22;
	v28 =	vadd.f32 v32, v28;
	v32 =	vld [tilespmem:$0x1FFE0]  }
0x142: {  	v26 =	vld.idx.msk [tilespmem:v26+s11+$0x0], $0xffff;
	v25 =	vadd.f32 v33, v25  }
0x143: {  	v29 =	vadd.f32 v30, v29;
	v30 =	vld [tilespmem:s0+$0xC7D0]  }
0x144: {  	v25 =	vadd.f32 v36, v25  }
0x145: {  	v27 =	vadd.f32 v31, v27  }
0x146: {  	v25 =	vadd.f32 v41, v25;
	v29 =	vadd.f32 v32, v29;
	v32 =	vor.u32 v3, v24  }
0x147: {  	v27 =	vadd.f32 v37, v27;
	v28 =	vadd.f32 v34, v28  }
0x148: {  	v26 =	vadd.f32 v26, v30;
	v29 =	vadd.f32 v35, v29  }
0x149: {  	v27 =	vadd.f32 v42, v27;
	v28 =	vadd.f32 v38, v28  }
0x14a: {  	v30 =	vld [tilespmem:s0+$0xC7E0];
	v25 =	vadd.f32 v45, v25;
	[tilespmem:s0+$0x12BD0] =	vst v26;
	v29 =	vadd.f32 v39, v29  }
0x14b: {  	v27 =	vadd.f32 v46, v27;
	v28 =	vadd.f32 v43, v28;
	v32 =	vld.idx.msk [tilespmem:v32+s11+$0x0], $0xffff  }
0x14c: {  	v25 =	vadd.f32 v49, v25;
	v29 =	vadd.f32 v44, v29  }
0x14d: {  	v27 =	vadd.f32 v50, v27;
	v28 =	vadd.f32 v47, v28  }
0x14e: {  	v25 =	vadd.f32 v53, v25;
	v50 =	vor.u32 v4, v24;
	v29 =	vadd.f32 v48, v29  }
0x14f: {  	v27 =	vadd.f32 v54, v27;
	v28 =	vadd.f32 v51, v28  }
0x150: {  	v29 =	vadd.f32 v52, v29;
	v30 =	vadd.f32 v32, v30  }
0x151: {  	v25 =	vadd.f32 v57, v25;
	v28 =	vadd.f32 v55, v28  }
0x152: {  	v27 =	vadd.f32 v58, v27;
	v58 =	vld [tilespmem:s0+$0xC7F0];
	v29 =	vadd.f32 v56, v29;
	[tilespmem:s0+$0x12BE0] =	vst v30  }
0x153: {  	v28 =	vadd.f32 v59, v28;
	v33 =	vld.idx.msk [tilespmem:v50+s11+$0x0], $0xffff  }
0x154: {  	v25 =	vadd.f32 v61, v25;
	v29 =	vadd.f32 v60, v29  }
0x155: {  	v27 =	vadd.f32 v62, v27;
	v28 =	vadd.f32 v63, v28  }
0x156: {  	v24 =	vor.u32 v5, v24;
	v2 =	vadd.f32 v2, v25;
	v0 =	vadd.f32 v0, v29  }
0x157: {  	v6 =	vadd.f32 v6, v27;
	v7 =	vadd.f32 v7, v28  }
0x158: {  	v0 =	vadd.f32 v8, v0;
	v8 =	vadd.f32 v33, v58  }
0x159: {  	v36 =	vimm.s32 $0x0;
	v6 =	vadd.f32 v10, v6;
	v7 =	vadd.f32 v11, v7  }
0x15a: {  	v41 =	vimm.s32 $0x4;
	v2 =	vadd.f32 v9, v2;
	v9 =	vld [tilespmem:s0+$0xC800];
	v0 =	vadd.f32 v12, v0;
	[tilespmem:s0+$0x12BF0] =	vst v8  }
0x15b: {  	v37 =	vimm.s32 $0x1;
	v6 =	vadd.f32 v15, v6;
	v7 =	vadd.f32 v16, v7;
	v10 =	vld.idx.msk [tilespmem:v24+s11+$0x0], $0xffff  }
0x15c: {  	v38 =	vimm.s32 $0x2;
	v2 =	vadd.f32 v13, v2;
	v0 =	vadd.f32 v14, v0  }
0x15d: {  	v25 =	vimm.s32 $0xD;
	v6 =	vadd.f32 v19, v6;
	v7 =	vadd.f32 v20, v7  }
0x15e: {  	v39 =	vimm.s32 $0x3;
	v2 =	vadd.f32 v17, v2;
	v0 =	vadd.f32 v18, v0  }
0x15f: {  	p1 =	sne.s32 s31, $0xBFC0;
	v44 =	vimm.s32 $0x5;
	v1 =	vadd.f32 v1, v6;
	v6 =	vadd.f32 v23, v7  }
.Ltmp2:
0x160: {  	v13 =	vimm.s32 $0xA;
	v0 =	vadd.f32 v22, v0;
	v7 =	vadd.f32 v10, v9;
	(pc) =	sbr.rel @p1 .LBB2_3-.Ltmp2, $4  }
0x161: {  	v48 =	vimm.s32 $0x6;
	v52 =	vimm.s32 $0x7;
	v2 =	vadd.f32 v21, v2  }
0x162: {  	v56 =	vimm.s32 $0x8;
	v15 =	vimm.s32 $0xC;
	v0 =	vadd.f32 v7, v0  }
0x163: {  	v46 =	vadd.f32 v26, v2;
	v60 =	vimm.s32 $0x9;
	v11 =	vimm.s32 $0xB;
	[tilespmem:s0+$0x12C00] =	vst v7  }
0x164: {  	s24 =	sadd.s32 $0x10, s24;
	s31 =	sadd.s32 $0x1000, s31;
	v29 =	vimm.s32 $0xE;
	v27 =	vadd.f32 v30, v1;
	v28 =	vadd.f32 v8, v6;
	[tilespmem:$0x1FFF0] =	vst v0  }
0x165: {  	v6 =	vld [tilespmem:s28+$0x64B8];
	_ =	sdelay $0x4  }
0x166: {  	v0 =	vperm.xlane v6, v56;
	_ =	sdelay $0x1  }
0x167: {  	v1 =	vshll.u32 v0, $0x6  }
0x168: {  	v0 =	vor.u32 v40, v1;
	_ =	sdelay $0x3  }
0x169: {  	v2 =	vld [tilespmem:$0xF800]  }
0x16a: {  	v0 =	vld.idx.msk [tilespmem:v0+s11+$0x0], $0xffff;
	_ =	sdelay $0x2  }
0x16b: {  	v7 =	vor.u32 v3, v1;
	_ =	sdelay $0x1  }
0x16c: {  	v0 =	vadd.f32 v0, v2;
	_ =	sdelay $0x1  }
0x16d: {  	v2 =	vld [tilespmem:$0xF810];
	[tilespmem:$0x15C00] =	vst v0  }
0x16e: {  	v7 =	vld.idx.msk [tilespmem:v7+s11+$0x0], $0xffff;
	_ =	sdelay $0x2  }
0x16f: {  	v8 =	vor.u32 v4, v1;
	_ =	sdelay $0x1  }
0x170: {  	v2 =	vadd.f32 v7, v2;
	_ =	sdelay $0x1  }
0x171: {  	v7 =	vld [tilespmem:$0xF820];
	[tilespmem:$0x15C10] =	vst v2  }
0x172: {  	v8 =	vld.idx.msk [tilespmem:v8+s11+$0x0], $0xffff;
	_ =	sdelay $0x2  }
0x173: {  	v1 =	vor.u32 v5, v1;
	_ =	sdelay $0x1  }
0x174: {  	v7 =	vadd.f32 v8, v7;
	_ =	sdelay $0x1  }
0x175: {  	v58 =	vld [tilespmem:$0xF830];
	[tilespmem:$0x15C20] =	vst v7  }
0x176: {  	v9 =	vperm.xlane v6, v60;
	v1 =	vld.idx.msk [tilespmem:v1+s11+$0x0], $0xffff;
	_ =	sdelay $0x1  }
0x177: {  	v10 =	vshll.u32 v9, $0x6  }
0x178: {  	v9 =	vor.u32 v40, v10;
	_ =	sdelay $0x1  }
0x179: {  	v8 =	vadd.f32 v1, v58;
	_ =	sdelay $0x1  }
0x17a: {  	v1 =	vld [tilespmem:$0xF840];
	[tilespmem:$0x15C30] =	vst v8  }
0x17b: {  	v9 =	vld.idx.msk [tilespmem:v9+s11+$0x0], $0xffff;
	_ =	sdelay $0x2  }
0x17c: {  	v11 =	vor.u32 v3, v10;
	_ =	sdelay $0x1  }
0x17d: {  	v24 =	vadd.f32 v9, v1;
	_ =	sdelay $0x1  }
0x17e: {  	v1 =	vld [tilespmem:$0xF850];
	[tilespmem:$0x15C40] =	vst v24  }
0x17f: {  	v59 =	vld.idx.msk [tilespmem:v11+s11+$0x0], $0xffff;
	_ =	sdelay $0x2  }
0x180: {  	v61 =	vor.u32 v4, v10;
	_ =	sdelay $0x1  }
0x181: {  	v9 =	vadd.f32 v59, v1;
	_ =	sdelay $0x1  }
0x182: {  	v1 =	vld [tilespmem:$0xF860];
	[tilespmem:$0x15C50] =	vst v9  }
0x183: {  	v11 =	vld.idx.msk [tilespmem:v61+s11+$0x0], $0xffff;
	_ =	sdelay $0x2  }
0x184: {  	v12 =	vor.u32 v5, v10;
	_ =	sdelay $0x1  }
0x185: {  	v62 =	vadd.f32 v11, v1;
	_ =	sdelay $0x1  }
0x186: {  	v1 =	vld [tilespmem:$0xF870];
	[tilespmem:$0x15C60] =	vst v62  }
0x187: {  	v16 =	vperm.xlane v6, v13;
	v63 =	vld.idx.msk [tilespmem:v12+s11+$0x0], $0xffff;
	_ =	sdelay $0x1  }
0x188: {  	v12 =	vshll.u32 v16, $0x6  }
0x189: {  	v17 =	vor.u32 v40, v12;
	_ =	sdelay $0x1  }
0x18a: {  	v11 =	vadd.f32 v63, v1;
	_ =	sdelay $0x1  }
0x18b: {  	v1 =	vld [tilespmem:$0xF880];
	[tilespmem:$0x15C70] =	vst v11  }
0x18c: {  	v13 =	vld.idx.msk [tilespmem:v17+s11+$0x0], $0xffff;
	_ =	sdelay $0x2  }
0x18d: {  	v14 =	vor.u32 v3, v12;
	_ =	sdelay $0x1  }
0x18e: {  	v1 =	vadd.f32 v13, v1;
	_ =	sdelay $0x1  }
0x18f: {  	v18 =	vld [tilespmem:$0xF890];
	[tilespmem:$0x15C80] =	vst v1  }
0x190: {  	v14 =	vld.idx.msk [tilespmem:v14+s11+$0x0], $0xffff;
	_ =	sdelay $0x2  }
0x191: {  	v15 =	vor.u32 v4, v12;
	_ =	sdelay $0x1  }
0x192: {  	v13 =	vadd.f32 v14, v18;
	_ =	sdelay $0x1  }
0x193: {  	v19 =	vld [tilespmem:$0xF8A0];
	[tilespmem:$0x15C90] =	vst v13  }
0x194: {  	v15 =	vld.idx.msk [tilespmem:v15+s11+$0x0], $0xffff;
	_ =	sdelay $0x2  }
0x195: {  	v12 =	vor.u32 v5, v12;
	_ =	sdelay $0x1  }
0x196: {  	v14 =	vadd.f32 v15, v19;
	_ =	sdelay $0x1  }
0x197: {  	v20 =	vld [tilespmem:$0xF8B0];
	v16 =	vimm.s32 $0xB;
	[tilespmem:$0x15CA0] =	vst v14  }
0x198: {  	v16 =	vperm.xlane v6, v16;
	v12 =	vld.idx.msk [tilespmem:v12+s11+$0x0], $0xffff;
	_ =	sdelay $0x1  }
0x199: {  	v16 =	vshll.u32 v16, $0x6  }
0x19a: {  	v17 =	vor.u32 v40, v16;
	_ =	sdelay $0x1  }
0x19b: {  	v12 =	vadd.f32 v12, v20;
	_ =	sdelay $0x1  }
0x19c: {  	v21 =	vld [tilespmem:$0xF8C0];
	[tilespmem:$0x15CB0] =	vst v12  }
0x19d: {  	v17 =	vld.idx.msk [tilespmem:v17+s11+$0x0], $0xffff;
	_ =	sdelay $0x2  }
0x19e: {  	v18 =	vor.u32 v3, v16;
	_ =	sdelay $0x1  }
0x19f: {  	v15 =	vadd.f32 v17, v21;
	_ =	sdelay $0x1  }
0x1a0: {  	v22 =	vld [tilespmem:$0xF8D0];
	[tilespmem:$0x15CC0] =	vst v15  }
0x1a1: {  	v18 =	vld.idx.msk [tilespmem:v18+s11+$0x0], $0xffff;
	_ =	sdelay $0x2  }
0x1a2: {  	v19 =	vor.u32 v4, v16;
	_ =	sdelay $0x1  }
0x1a3: {  	v17 =	vadd.f32 v18, v22;
	_ =	sdelay $0x1  }
0x1a4: {  	v23 =	vld [tilespmem:$0xF8E0];
	[tilespmem:$0x15CD0] =	vst v17  }
0x1a5: {  	v19 =	vld.idx.msk [tilespmem:v19+s11+$0x0], $0xffff;
	_ =	sdelay $0x2  }
0x1a6: {  	v16 =	vor.u32 v5, v16;
	_ =	sdelay $0x1  }
0x1a7: {  	v18 =	vadd.f32 v19, v23;
	_ =	sdelay $0x1  }
0x1a8: {  	v25 =	vld [tilespmem:$0xF8F0];
	v20 =	vimm.s32 $0xC;
	[tilespmem:$0x15CE0] =	vst v18  }
0x1a9: {  	v20 =	vperm.xlane v6, v20;
	v16 =	vld.idx.msk [tilespmem:v16+s11+$0x0], $0xffff;
	_ =	sdelay $0x1  }
0x1aa: {  	v20 =	vshll.u32 v20, $0x6  }
0x1ab: {  	v21 =	vor.u32 v40, v20;
	_ =	sdelay $0x1  }
0x1ac: {  	v16 =	vadd.f32 v16, v25;
	_ =	sdelay $0x1  }
0x1ad: {  	v26 =	vld [tilespmem:$0xF900];
	[tilespmem:$0x15CF0] =	vst v16  }
0x1ae: {  	v21 =	vld.idx.msk [tilespmem:v21+s11+$0x0], $0xffff;
	_ =	sdelay $0x2  }
0x1af: {  	v22 =	vor.u32 v3, v20;
	_ =	sdelay $0x1  }
0x1b0: {  	v19 =	vadd.f32 v21, v26;
	_ =	sdelay $0x1  }
0x1b1: {  	v29 =	vld [tilespmem:$0xF910];
	[tilespmem:$0x15D00] =	vst v19  }
0x1b2: {  	v22 =	vld.idx.msk [tilespmem:v22+s11+$0x0], $0xffff;
	_ =	sdelay $0x2  }
0x1b3: {  	v23 =	vor.u32 v4, v20;
	_ =	sdelay $0x1  }
0x1b4: {  	v21 =	vadd.f32 v22, v29;
	_ =	sdelay $0x1  }
0x1b5: {  	v30 =	vld [tilespmem:$0xF920];
	[tilespmem:$0x15D10] =	vst v21  }
0x1b6: {  	v23 =	vld.idx.msk [tilespmem:v23+s11+$0x0], $0xffff;
	_ =	sdelay $0x2  }
0x1b7: {  	v20 =	vor.u32 v5, v20;
	_ =	sdelay $0x1  }
0x1b8: {  	v22 =	vadd.f32 v23, v30;
	_ =	sdelay $0x1  }
0x1b9: {  	v31 =	vld [tilespmem:$0xF930];
	v25 =	vimm.s32 $0xD;
	[tilespmem:$0x15D20] =	vst v22  }
0x1ba: {  	v25 =	vperm.xlane v6, v25;
	v20 =	vld.idx.msk [tilespmem:v20+s11+$0x0], $0xffff;
	_ =	sdelay $0x1  }
0x1bb: {  	v25 =	vshll.u32 v25, $0x6  }
0x1bc: {  	v26 =	vor.u32 v40, v25;
	_ =	sdelay $0x1  }
0x1bd: {  	v20 =	vadd.f32 v20, v31;
	_ =	sdelay $0x1  }
0x1be: {  	v32 =	vld [tilespmem:$0xF940];
	[tilespmem:$0x15D30] =	vst v20  }
0x1bf: {  	v26 =	vld.idx.msk [tilespmem:v26+s11+$0x0], $0xffff;
	_ =	sdelay $0x2  }
0x1c0: {  	v33 =	vor.u32 v3, v25;
	_ =	sdelay $0x1  }
0x1c1: {  	v23 =	vadd.f32 v26, v32;
	_ =	sdelay $0x1  }
0x1c2: {  	v34 =	vld [tilespmem:$0xF950];
	[tilespmem:$0x15D40] =	vst v23  }
0x1c3: {  	v45 =	vmov v27;
	v27 =	vld.idx.msk [tilespmem:v33+s11+$0x0], $0xffff;
	_ =	sdelay $0x2  }
0x1c4: {  	v35 =	vor.u32 v4, v25;
	_ =	sdelay $0x1  }
0x1c5: {  	v26 =	vadd.f32 v27, v34;
	_ =	sdelay $0x1  }
0x1c6: {  	v42 =	vld [tilespmem:$0xF960];
	[tilespmem:$0x15D50] =	vst v26  }
0x1c7: {  	v43 =	vmov v28;
	v28 =	vld.idx.msk [tilespmem:v35+s11+$0x0], $0xffff;
	_ =	sdelay $0x2  }
0x1c8: {  	v25 =	vor.u32 v5, v25;
	_ =	sdelay $0x1  }
0x1c9: {  	v27 =	vadd.f32 v28, v42;
	_ =	sdelay $0x1  }
0x1ca: {  	v47 =	vld [tilespmem:$0xF970];
	v29 =	vimm.s32 $0xE;
	[tilespmem:$0x15D60] =	vst v27  }
0x1cb: {  	v29 =	vperm.xlane v6, v29;
	v25 =	vld.idx.msk [tilespmem:v25+s11+$0x0], $0xffff;
	_ =	sdelay $0x1  }
0x1cc: {  	v29 =	vshll.u32 v29, $0x6  }
0x1cd: {  	v30 =	vor.u32 v40, v29;
	_ =	sdelay $0x1  }
0x1ce: {  	v25 =	vadd.f32 v25, v47;
	_ =	sdelay $0x1  }
0x1cf: {  	v49 =	vld [tilespmem:$0xF980];
	[tilespmem:$0x15D70] =	vst v25  }
0x1d0: {  	v30 =	vld.idx.msk [tilespmem:v30+s11+$0x0], $0xffff;
	_ =	sdelay $0x2  }
0x1d1: {  	v32 =	vor.u32 v3, v29;
	_ =	sdelay $0x1  }
0x1d2: {  	v28 =	vadd.f32 v30, v49;
	_ =	sdelay $0x1  }
0x1d3: {  	v50 =	vld [tilespmem:$0xF990];
	[tilespmem:$0x15D80] =	vst v28  }
0x1d4: {  	v32 =	vld.idx.msk [tilespmem:v32+s11+$0x0], $0xffff;
	_ =	sdelay $0x2  }
0x1d5: {  	v33 =	vor.u32 v4, v29;
	_ =	sdelay $0x1  }
0x1d6: {  	v30 =	vadd.f32 v32, v50;
	_ =	sdelay $0x1  }
0x1d7: {  	v51 =	vld [tilespmem:$0xF9A0];
	[tilespmem:$0x15D90] =	vst v30  }
0x1d8: {  	v33 =	vld.idx.msk [tilespmem:v33+s11+$0x0], $0xffff;
	_ =	sdelay $0x2  }
0x1d9: {  	v29 =	vor.u32 v5, v29;
	_ =	sdelay $0x1  }
0x1da: {  	v32 =	vadd.f32 v33, v51;
	_ =	sdelay $0x1  }
0x1db: {  	v53 =	vld [tilespmem:$0xF9B0];
	v31 =	vimm.s32 $0xF;
	[tilespmem:$0x15DA0] =	vst v32  }
0x1dc: {  	v6 =	vperm.xlane v6, v31;
	v29 =	vld.idx.msk [tilespmem:v29+s11+$0x0], $0xffff;
	_ =	sdelay $0x1  }
0x1dd: {  	v6 =	vshll.u32 v6, $0x6  }
0x1de: {  	v54 =	vor.u32 v40, v6;
	_ =	sdelay $0x1  }
0x1df: {  	v29 =	vadd.f32 v29, v53;
	_ =	sdelay $0x1  }
0x1e0: {  	v55 =	vld [tilespmem:$0xF9C0];
	[tilespmem:$0x15DB0] =	vst v29  }
0x1e1: {  	v31 =	vld.idx.msk [tilespmem:v54+s11+$0x0], $0xffff;
	_ =	sdelay $0x2  }
0x1e2: {  	v34 =	vor.u32 v3, v6;
	_ =	sdelay $0x1  }
0x1e3: {  	v33 =	vadd.f32 v31, v55;
	_ =	sdelay $0x1  }
0x1e4: {  	v57 =	vld [tilespmem:$0xF9D0];
	[tilespmem:$0x15DC0] =	vst v33  }
0x1e5: {  	v34 =	vld.idx.msk [tilespmem:v34+s11+$0x0], $0xffff;
	_ =	sdelay $0x1  }
0x1e6: {  	v58 =	vld [tilespmem:$0x1FFF0]  }
0x1e7: {  	v35 =	vor.u32 v4, v6;
	_ =	sdelay $0x1  }
0x1e8: {  	v31 =	vadd.f32 v34, v57  }
0x1e9: {  	v0 =	vadd.f32 v0, v46;
	v2 =	vadd.f32 v2, v45  }
0x1ea: {  	v7 =	vadd.f32 v7, v43;
	v8 =	vadd.f32 v8, v58;
	v59 =	vld [tilespmem:$0xF9E0];
	[tilespmem:$0x15DD0] =	vst v31  }
0x1eb: {  	v0 =	vadd.f32 v24, v0;
	v2 =	vadd.f32 v9, v2;
	v61 =	vld.idx.msk [tilespmem:v35+s11+$0x0], $0xffff  }
0x1ec: {  	v7 =	vadd.f32 v62, v7;
	v8 =	vadd.f32 v11, v8  }
0x1ed: {  	v0 =	vadd.f32 v1, v0;
	v1 =	vadd.f32 v13, v2  }
0x1ee: {  	v2 =	vadd.f32 v14, v7;
	v7 =	vadd.f32 v12, v8;
	v6 =	vor.u32 v5, v6  }
0x1ef: {  	v0 =	vadd.f32 v15, v0;
	v1 =	vadd.f32 v17, v1  }
0x1f0: {  	v2 =	vadd.f32 v18, v2;
	v62 =	vadd.f32 v61, v59  }
0x1f1: {  	v7 =	vadd.f32 v16, v7;
	v0 =	vadd.f32 v19, v0  }
0x1f2: {  	v63 =	vld [tilespmem:$0xF9F0];
	v1 =	vadd.f32 v21, v1;
	v2 =	vadd.f32 v22, v2;
	[tilespmem:$0x15DE0] =	vst v62  }
0x1f3: {  	v7 =	vadd.f32 v20, v7;
	v0 =	vadd.f32 v23, v0;
	v6 =	vld.idx.msk [tilespmem:v6+s11+$0x0], $0xffff  }
0x1f4: {  	v1 =	vadd.f32 v26, v1;
	v2 =	vadd.f32 v27, v2  }
0x1f5: {  	v7 =	vadd.f32 v25, v7;
	v0 =	vadd.f32 v28, v0  }
0x1f6: {  	v1 =	vadd.f32 v30, v1;
	v2 =	vadd.f32 v32, v2  }
0x1f7: {  	v7 =	vadd.f32 v29, v7;
	v0 =	vadd.f32 v33, v0  }
0x1f8: {  	v1 =	vadd.f32 v31, v1;
	v6 =	vadd.f32 v6, v63  }
0x1f9: {  	s0 =	sshll.u32 s26, $0x7;
	v0 =	vmul.f32 $4.999999890e-03, v0;
	v2 =	vadd.f32 v62, v2  }
0x1fa: {  	s0 =	sand.u32 $0x3FFFFF80, s0;
	v1 =	vmul.f32 $4.999999890e-03, v1;
	[tilespmem:$0x15DF0] =	vst v6;
	v6 =	vadd.f32 v6, v7  }
0x1fb: {  	s24 =	sadd.s32 s3, s29;
	[tilespmem:s0+$0x1C200] =	vst v0;
	v0 =	vmul.f32 $4.999999890e-03, v2  }
0x1fc: {  	s24 =	smul.u32 $0x640, s24;
	[tilespmem:s0+$0x1C210] =	vst v1;
	v1 =	vmul.f32 $4.999999890e-03, v6  }
0x1fd: {  	p1 =	seq.s32 s26, $0x3F;
	[tilespmem:s0+$0x1C220] =	vst v0  }
0x1fe: {  	s24 =	sadd.s32 s2, s24;
	[tilespmem:s0+$0x1C230] =	vst v1;
	s0 =	sshra.s32 @!p1 s30, $0x2  }
0x1ff: {  	[hbm4b:s24+s4] =	stream.linear.scatter [tilespmem:s17], [sflag:$0x3], $0x3200, $0x38;
	[tilespmem:$0x1E200] =	vst v63  }
0x200: {  	s30 =	simm.s32 @!p1 $0xC800;
	s0 =	sadd.s32 @!p1 $0x190, s0;
	s24 =	simm.s32 @!p1 $0xC8  }
0x201: {  	[tilespmem:s30], [sflag:$0x1] =	stream.indirect.gather @!p1 [hbm4b:s5+s24], $0x40, s0, s24, $0xb8;
	[tilespmem:$0x1E200] =	vst v63  }
0x202: {  	_ =	swait.ge [sflag:s18], $0x3200  }
0x203: {  	[sflag:s18] =	ssyncset.done $0x0  }
0x204: {  	s29 =	sor.u32 $0x1, s29;
	s0 =	simm.s32 @!p0 $0x4;
	[sflag:s18] =	ssyncadd.s32 $0xFFFFCE00  }
0x205: {  	s24 =	smul.u32 $0x320, s29;
	_ =	swait.ge @!p0 [sflag:s0], $0x3200  }
0x206: {  	s31 =	simm.s32 $0x0;
	v46 =	vimm.f32 $0.0e+00;
	[sflag:s0] =	ssyncset.done @!p0 $0x0  }
0x207: {  	v45 =	vimm.f32 $0.0e+00;
	v43 =	vimm.f32 $0.0e+00;
	v42 =	vimm.f32 $0.0e+00;
	s30 =	sshra.s32 s24, $0x2;
	s24 =	smov.u32 s25;
	[sflag:s0] =	ssyncadd.s32 @!p0 $0xFFFFCE00  }
.LBB2_5:
0x208: {  	v24 =	vld [tilespmem:s24+$0x0];
	_ =	sdelay $0x4  }
0x209: {  	v0 =	vperm.xlane v24, v36;
	_ =	sdelay $0x1  }
0x20a: {  	v0 =	vshll.u32 v0, $0x6  }
0x20b: {  	v1 =	vor.u32 v40, v0;
	_ =	sdelay $0x2  }
0x20c: {  	s0 =	sshra.s32 s31, $0x2  }
0x20d: {  	v2 =	vld [tilespmem:s0+$0xFA00]  }
0x20e: {  	v1 =	vld.idx.msk [tilespmem:v1+s11+$0x0], $0xffff;
	_ =	sdelay $0x2  }
0x20f: {  	v6 =	vor.u32 v3, v0;
	_ =	sdelay $0x1  }
0x210: {  	v1 =	vadd.f32 v1, v2;
	_ =	sdelay $0x1  }
0x211: {  	v2 =	vld [tilespmem:s0+$0xFA10];
	[tilespmem:s0+$0x15E00] =	vst v1  }
0x212: {  	v6 =	vld.idx.msk [tilespmem:v6+s11+$0x0], $0xffff;
	_ =	sdelay $0x2  }
0x213: {  	v7 =	vor.u32 v4, v0;
	_ =	sdelay $0x1  }
0x214: {  	[tilespmem:$0x1FEF0] =	vst v1;
	v1 =	vadd.f32 v6, v2;
	_ =	sdelay $0x1  }
0x215: {  	v2 =	vld [tilespmem:s0+$0xFA20];
	[tilespmem:s0+$0x15E10] =	vst v1  }
0x216: {  	v6 =	vld.idx.msk [tilespmem:v7+s11+$0x0], $0xffff;
	_ =	sdelay $0x2  }
0x217: {  	v0 =	vor.u32 v5, v0;
	_ =	sdelay $0x1  }
0x218: {  	[tilespmem:$0x1FF00] =	vst v1;
	v1 =	vadd.f32 v6, v2;
	_ =	sdelay $0x1  }
0x219: {  	v2 =	vld [tilespmem:s0+$0xFA30];
	[tilespmem:s0+$0x15E20] =	vst v1  }
0x21a: {  	v0 =	vld.idx.msk [tilespmem:v0+s11+$0x0], $0xffff  }
0x21b: {  	v6 =	vperm.xlane v24, v37;
	_ =	sdelay $0x1  }
0x21c: {  	v6 =	vshll.u32 v6, $0x6  }
0x21d: {  	v7 =	vor.u32 v40, v6  }
0x21e: {  	v0 =	vadd.f32 v0, v2;
	_ =	sdelay $0x1  }
0x21f: {  	[tilespmem:$0x1FF20] =	vst v0  }
0x220: {  	[tilespmem:s0+$0x15E30] =	vst v0;
	v0 =	vld [tilespmem:s0+$0xFA40]  }
0x221: {  	v2 =	vld.idx.msk [tilespmem:v7+s11+$0x0], $0xffff;
	_ =	sdelay $0x3  }
0x222: {  	v7 =	vor.u32 v3, v6  }
0x223: {  	v0 =	vadd.f32 v2, v0;
	_ =	sdelay $0x1  }
0x224: {  	[tilespmem:$0x1FF30] =	vst v0  }
0x225: {  	[tilespmem:s0+$0x15E40] =	vst v0;
	v0 =	vld [tilespmem:s0+$0xFA50]  }
0x226: {  	v2 =	vld.idx.msk [tilespmem:v7+s11+$0x0], $0xffff;
	_ =	sdelay $0x3  }
0x227: {  	v7 =	vor.u32 v4, v6  }
0x228: {  	v0 =	vadd.f32 v2, v0;
	_ =	sdelay $0x1  }
0x229: {  	[tilespmem:$0x1FF40] =	vst v0  }
0x22a: {  	[tilespmem:s0+$0x15E50] =	vst v0;
	v0 =	vld [tilespmem:s0+$0xFA60]  }
0x22b: {  	v2 =	vld.idx.msk [tilespmem:v7+s11+$0x0], $0xffff;
	_ =	sdelay $0x3  }
0x22c: {  	v6 =	vor.u32 v5, v6  }
0x22d: {  	v0 =	vadd.f32 v2, v0;
	_ =	sdelay $0x1  }
0x22e: {  	[tilespmem:$0x1FF50] =	vst v0  }
0x22f: {  	[tilespmem:s0+$0x15E60] =	vst v0;
	v0 =	vld [tilespmem:s0+$0xFA70]  }
0x230: {  	v2 =	vld.idx.msk [tilespmem:v6+s11+$0x0], $0xffff  }
0x231: {  	v6 =	vperm.xlane v24, v38;
	_ =	sdelay $0x1  }
0x232: {  	v6 =	vshll.u32 v6, $0x6  }
0x233: {  	v7 =	vor.u32 v40, v6  }
0x234: {  	v0 =	vadd.f32 v2, v0;
	_ =	sdelay $0x1  }
0x235: {  	[tilespmem:$0x1FF60] =	vst v0  }
0x236: {  	[tilespmem:s0+$0x15E70] =	vst v0;
	v0 =	vld [tilespmem:s0+$0xFA80]  }
0x237: {  	v2 =	vld.idx.msk [tilespmem:v7+s11+$0x0], $0xffff;
	_ =	sdelay $0x2  }
0x238: {  	v7 =	vor.u32 v3, v6;
	_ =	sdelay $0x1  }
0x239: {  	v33 =	vadd.f32 v2, v0;
	_ =	sdelay $0x1  }
0x23a: {  	v0 =	vld [tilespmem:s0+$0xFA90];
	[tilespmem:s0+$0x15E80] =	vst v33  }
0x23b: {  	v2 =	vld.idx.msk [tilespmem:v7+s11+$0x0], $0xffff;
	_ =	sdelay $0x2  }
0x23c: {  	v7 =	vor.u32 v4, v6;
	_ =	sdelay $0x1  }
0x23d: {  	v18 =	vadd.f32 v2, v0;
	_ =	sdelay $0x1  }
0x23e: {  	v0 =	vld [tilespmem:s0+$0xFAA0];
	[tilespmem:s0+$0x15E90] =	vst v18  }
0x23f: {  	v2 =	vld.idx.msk [tilespmem:v7+s11+$0x0], $0xffff;
	_ =	sdelay $0x2  }
0x240: {  	v6 =	vor.u32 v5, v6;
	_ =	sdelay $0x1  }
0x241: {  	v17 =	vadd.f32 v2, v0;
	_ =	sdelay $0x1  }
0x242: {  	v0 =	vld [tilespmem:s0+$0xFAB0];
	[tilespmem:s0+$0x15EA0] =	vst v17  }
0x243: {  	v2 =	vld.idx.msk [tilespmem:v6+s11+$0x0], $0xffff;
	v6 =	vperm.xlane v24, v39;
	_ =	sdelay $0x1  }
0x244: {  	v6 =	vshll.u32 v6, $0x6  }
0x245: {  	v7 =	vor.u32 v40, v6;
	_ =	sdelay $0x1  }
0x246: {  	v16 =	vadd.f32 v2, v0;
	_ =	sdelay $0x1  }
0x247: {  	v0 =	vld [tilespmem:s0+$0xFAC0];
	[tilespmem:s0+$0x15EB0] =	vst v16  }
0x248: {  	v2 =	vld.idx.msk [tilespmem:v7+s11+$0x0], $0xffff;
	_ =	sdelay $0x2  }
0x249: {  	v7 =	vor.u32 v3, v6;
	_ =	sdelay $0x1  }
0x24a: {  	v15 =	vadd.f32 v2, v0;
	_ =	sdelay $0x1  }
0x24b: {  	v0 =	vld [tilespmem:s0+$0xFAD0];
	[tilespmem:s0+$0x15EC0] =	vst v15  }
0x24c: {  	v2 =	vld.idx.msk [tilespmem:v7+s11+$0x0], $0xffff;
	_ =	sdelay $0x2  }
0x24d: {  	v7 =	vor.u32 v4, v6;
	_ =	sdelay $0x1  }
0x24e: {  	v14 =	vadd.f32 v2, v0;
	_ =	sdelay $0x1  }
0x24f: {  	v0 =	vld [tilespmem:s0+$0xFAE0];
	[tilespmem:s0+$0x15ED0] =	vst v14  }
0x250: {  	v2 =	vld.idx.msk [tilespmem:v7+s11+$0x0], $0xffff;
	_ =	sdelay $0x2  }
0x251: {  	v6 =	vor.u32 v5, v6;
	_ =	sdelay $0x1  }
0x252: {  	v13 =	vadd.f32 v2, v0;
	_ =	sdelay $0x1  }
0x253: {  	v0 =	vld [tilespmem:s0+$0xFAF0];
	[tilespmem:s0+$0x15EE0] =	vst v13  }
0x254: {  	v2 =	vld.idx.msk [tilespmem:v6+s11+$0x0], $0xffff;
	v6 =	vperm.xlane v24, v41;
	_ =	sdelay $0x1  }
0x255: {  	v6 =	vshll.u32 v6, $0x6  }
0x256: {  	v7 =	vor.u32 v40, v6;
	_ =	sdelay $0x1  }
0x257: {  	[tilespmem:$0x1FF10] =	vst v1;
	v1 =	vadd.f32 v2, v0;
	_ =	sdelay $0x1  }
0x258: {  	v0 =	vld [tilespmem:s0+$0xFB00];
	[tilespmem:s0+$0x15EF0] =	vst v1  }
0x259: {  	v2 =	vld.idx.msk [tilespmem:v7+s11+$0x0], $0xffff;
	_ =	sdelay $0x2  }
0x25a: {  	v7 =	vor.u32 v3, v6;
	_ =	sdelay $0x1  }
0x25b: {  	v41 =	vadd.f32 v2, v0;
	_ =	sdelay $0x1  }
0x25c: {  	v0 =	vld [tilespmem:s0+$0xFB10];
	[tilespmem:s0+$0x15F00] =	vst v41  }
0x25d: {  	v2 =	vld.idx.msk [tilespmem:v7+s11+$0x0], $0xffff;
	_ =	sdelay $0x2  }
0x25e: {  	v7 =	vor.u32 v4, v6;
	_ =	sdelay $0x1  }
0x25f: {  	v38 =	vmov v42;
	v42 =	vadd.f32 v2, v0;
	_ =	sdelay $0x1  }
0x260: {  	v0 =	vld [tilespmem:s0+$0xFB20];
	[tilespmem:s0+$0x15F10] =	vst v42  }
0x261: {  	v2 =	vld.idx.msk [tilespmem:v7+s11+$0x0], $0xffff;
	_ =	sdelay $0x2  }
0x262: {  	v6 =	vor.u32 v5, v6;
	_ =	sdelay $0x1  }
0x263: {  	v37 =	vmov v43;
	v43 =	vadd.f32 v2, v0;
	_ =	sdelay $0x1  }
0x264: {  	v0 =	vld [tilespmem:s0+$0xFB30];
	[tilespmem:s0+$0x15F20] =	vst v43  }
0x265: {  	v2 =	vld.idx.msk [tilespmem:v6+s11+$0x0], $0xffff;
	v6 =	vperm.xlane v24, v44;
	_ =	sdelay $0x1  }
0x266: {  	v6 =	vshll.u32 v6, $0x6  }
0x267: {  	v7 =	vor.u32 v40, v6;
	_ =	sdelay $0x1  }
0x268: {  	v44 =	vadd.f32 v2, v0;
	_ =	sdelay $0x1  }
0x269: {  	v0 =	vld [tilespmem:s0+$0xFB40];
	[tilespmem:s0+$0x15F30] =	vst v44  }
0x26a: {  	v2 =	vld.idx.msk [tilespmem:v7+s11+$0x0], $0xffff;
	_ =	sdelay $0x2  }
0x26b: {  	v7 =	vor.u32 v3, v6;
	_ =	sdelay $0x1  }
0x26c: {  	v36 =	vmov v45;
	v45 =	vadd.f32 v2, v0;
	_ =	sdelay $0x1  }
0x26d: {  	v0 =	vld [tilespmem:s0+$0xFB50];
	[tilespmem:s0+$0x15F40] =	vst v45  }
0x26e: {  	v2 =	vld.idx.msk [tilespmem:v7+s11+$0x0], $0xffff;
	_ =	sdelay $0x2  }
0x26f: {  	v7 =	vor.u32 v4, v6;
	_ =	sdelay $0x1  }
0x270: {  	v39 =	vmov v46;
	v46 =	vadd.f32 v2, v0;
	_ =	sdelay $0x1  }
0x271: {  	v0 =	vld [tilespmem:s0+$0xFB60];
	[tilespmem:s0+$0x15F50] =	vst v46  }
0x272: {  	v2 =	vld.idx.msk [tilespmem:v7+s11+$0x0], $0xffff;
	_ =	sdelay $0x2  }
0x273: {  	v6 =	vor.u32 v5, v6;
	_ =	sdelay $0x1  }
0x274: {  	v47 =	vadd.f32 v2, v0;
	_ =	sdelay $0x1  }
0x275: {  	v0 =	vld [tilespmem:s0+$0xFB70];
	[tilespmem:s0+$0x15F60] =	vst v47  }
0x276: {  	v2 =	vld.idx.msk [tilespmem:v6+s11+$0x0], $0xffff;
	v6 =	vperm.xlane v24, v48;
	_ =	sdelay $0x1  }
0x277: {  	v6 =	vshll.u32 v6, $0x6  }
0x278: {  	v7 =	vor.u32 v40, v6;
	_ =	sdelay $0x1  }
0x279: {  	v48 =	vadd.f32 v2, v0;
	_ =	sdelay $0x1  }
0x27a: {  	v0 =	vld [tilespmem:s0+$0xFB80];
	[tilespmem:s0+$0x15F70] =	vst v48  }
0x27b: {  	v2 =	vld.idx.msk [tilespmem:v7+s11+$0x0], $0xffff;
	_ =	sdelay $0x2  }
0x27c: {  	v7 =	vor.u32 v3, v6;
	_ =	sdelay $0x1  }
0x27d: {  	v49 =	vadd.f32 v2, v0;
	_ =	sdelay $0x1  }
0x27e: {  	v0 =	vld [tilespmem:s0+$0xFB90];
	[tilespmem:s0+$0x15F80] =	vst v49  }
0x27f: {  	v2 =	vld.idx.msk [tilespmem:v7+s11+$0x0], $0xffff;
	_ =	sdelay $0x2  }
0x280: {  	v7 =	vor.u32 v4, v6;
	_ =	sdelay $0x1  }
0x281: {  	v50 =	vadd.f32 v2, v0;
	_ =	sdelay $0x1  }
0x282: {  	v0 =	vld [tilespmem:s0+$0xFBA0];
	[tilespmem:s0+$0x15F90] =	vst v50  }
0x283: {  	v2 =	vld.idx.msk [tilespmem:v7+s11+$0x0], $0xffff;
	_ =	sdelay $0x2  }
0x284: {  	v6 =	vor.u32 v5, v6;
	_ =	sdelay $0x1  }
0x285: {  	v51 =	vadd.f32 v2, v0;
	_ =	sdelay $0x1  }
0x286: {  	v0 =	vld [tilespmem:s0+$0xFBB0];
	[tilespmem:s0+$0x15FA0] =	vst v51  }
0x287: {  	v2 =	vld.idx.msk [tilespmem:v6+s11+$0x0], $0xffff;
	v6 =	vperm.xlane v24, v52;
	_ =	sdelay $0x1  }
0x288: {  	v6 =	vshll.u32 v6, $0x6  }
0x289: {  	v7 =	vor.u32 v40, v6;
	_ =	sdelay $0x1  }
0x28a: {  	v52 =	vadd.f32 v2, v0;
	_ =	sdelay $0x1  }
0x28b: {  	v0 =	vld [tilespmem:s0+$0xFBC0];
	[tilespmem:s0+$0x15FB0] =	vst v52  }
0x28c: {  	v2 =	vld.idx.msk [tilespmem:v7+s11+$0x0], $0xffff;
	_ =	sdelay $0x2  }
0x28d: {  	v7 =	vor.u32 v3, v6;
	_ =	sdelay $0x1  }
0x28e: {  	v53 =	vadd.f32 v2, v0;
	_ =	sdelay $0x1  }
0x28f: {  	v0 =	vld [tilespmem:s0+$0xFBD0];
	[tilespmem:s0+$0x15FC0] =	vst v53  }
0x290: {  	v2 =	vld.idx.msk [tilespmem:v7+s11+$0x0], $0xffff;
	_ =	sdelay $0x2  }
0x291: {  	v7 =	vor.u32 v4, v6;
	_ =	sdelay $0x1  }
0x292: {  	v54 =	vadd.f32 v2, v0;
	_ =	sdelay $0x1  }
0x293: {  	v0 =	vld [tilespmem:s0+$0xFBE0];
	[tilespmem:s0+$0x15FD0] =	vst v54  }
0x294: {  	v2 =	vld.idx.msk [tilespmem:v7+s11+$0x0], $0xffff;
	_ =	sdelay $0x2  }
0x295: {  	v6 =	vor.u32 v5, v6;
	_ =	sdelay $0x1  }
0x296: {  	v55 =	vadd.f32 v2, v0;
	_ =	sdelay $0x1  }
0x297: {  	v0 =	vld [tilespmem:s0+$0xFBF0];
	[tilespmem:s0+$0x15FE0] =	vst v55  }
0x298: {  	v2 =	vld.idx.msk [tilespmem:v6+s11+$0x0], $0xffff;
	v6 =	vperm.xlane v24, v56;
	_ =	sdelay $0x1  }
0x299: {  	v6 =	vshll.u32 v6, $0x6  }
0x29a: {  	v7 =	vor.u32 v40, v6;
	_ =	sdelay $0x1  }
0x29b: {  	v56 =	vadd.f32 v2, v0;
	_ =	sdelay $0x1  }
0x29c: {  	v0 =	vld [tilespmem:s0+$0xFC00];
	[tilespmem:s0+$0x15FF0] =	vst v56  }
0x29d: {  	v2 =	vld.idx.msk [tilespmem:v7+s11+$0x0], $0xffff;
	_ =	sdelay $0x2  }
0x29e: {  	v7 =	vor.u32 v3, v6;
	_ =	sdelay $0x1  }
0x29f: {  	v57 =	vadd.f32 v2, v0;
	_ =	sdelay $0x1  }
0x2a0: {  	v0 =	vld [tilespmem:s0+$0xFC10];
	[tilespmem:s0+$0x16000] =	vst v57  }
0x2a1: {  	v2 =	vld.idx.msk [tilespmem:v7+s11+$0x0], $0xffff;
	_ =	sdelay $0x2  }
0x2a2: {  	v7 =	vor.u32 v4, v6;
	_ =	sdelay $0x1  }
0x2a3: {  	v58 =	vadd.f32 v2, v0;
	_ =	sdelay $0x1  }
0x2a4: {  	v0 =	vld [tilespmem:s0+$0xFC20];
	[tilespmem:s0+$0x16010] =	vst v58  }
0x2a5: {  	v2 =	vld.idx.msk [tilespmem:v7+s11+$0x0], $0xffff;
	_ =	sdelay $0x2  }
0x2a6: {  	v6 =	vor.u32 v5, v6;
	_ =	sdelay $0x1  }
0x2a7: {  	v59 =	vadd.f32 v2, v0;
	_ =	sdelay $0x1  }
0x2a8: {  	v0 =	vld [tilespmem:s0+$0xFC30];
	[tilespmem:s0+$0x16020] =	vst v59  }
0x2a9: {  	v2 =	vld.idx.msk [tilespmem:v6+s11+$0x0], $0xffff;
	v6 =	vperm.xlane v24, v60;
	_ =	sdelay $0x1  }
0x2aa: {  	v6 =	vshll.u32 v6, $0x6  }
0x2ab: {  	v7 =	vor.u32 v40, v6;
	_ =	sdelay $0x1  }
0x2ac: {  	v60 =	vadd.f32 v2, v0;
	_ =	sdelay $0x1  }
0x2ad: {  	v0 =	vld [tilespmem:s0+$0xFC40];
	[tilespmem:s0+$0x16030] =	vst v60  }
0x2ae: {  	v2 =	vld.idx.msk [tilespmem:v7+s11+$0x0], $0xffff;
	_ =	sdelay $0x2  }
0x2af: {  	v7 =	vor.u32 v3, v6;
	_ =	sdelay $0x1  }
0x2b0: {  	v61 =	vadd.f32 v2, v0;
	_ =	sdelay $0x1  }
0x2b1: {  	v0 =	vld [tilespmem:s0+$0xFC50];
	[tilespmem:s0+$0x16040] =	vst v61  }
0x2b2: {  	v2 =	vld.idx.msk [tilespmem:v7+s11+$0x0], $0xffff;
	_ =	sdelay $0x2  }
0x2b3: {  	v7 =	vor.u32 v4, v6;
	_ =	sdelay $0x1  }
0x2b4: {  	v62 =	vadd.f32 v2, v0;
	_ =	sdelay $0x1  }
0x2b5: {  	v0 =	vld [tilespmem:s0+$0xFC60];
	[tilespmem:s0+$0x16050] =	vst v62  }
0x2b6: {  	v2 =	vld.idx.msk [tilespmem:v7+s11+$0x0], $0xffff;
	_ =	sdelay $0x2  }
0x2b7: {  	v6 =	vor.u32 v5, v6;
	_ =	sdelay $0x1  }
0x2b8: {  	v63 =	vadd.f32 v2, v0;
	_ =	sdelay $0x1  }
0x2b9: {  	[tilespmem:s0+$0x16060] =	vst v63  }
0x2ba: {  	v2 =	vld.idx.msk [tilespmem:v6+s11+$0x0], $0xffff;
	v6 =	vimm.s32 $0xA  }
0x2bb: {  	v0 =	vld [tilespmem:s0+$0xFC70];
	v6 =	vperm.xlane v24, v6;
	_ =	sdelay $0x1  }
0x2bc: {  	v7 =	vshll.u32 v6, $0x6  }
0x2bd: {  	v6 =	vor.u32 v40, v7;
	_ =	sdelay $0x1  }
0x2be: {  	v0 =	vadd.f32 v2, v0;
	_ =	sdelay $0x1  }
0x2bf: {  	v2 =	vld [tilespmem:s0+$0xFC80];
	[tilespmem:s0+$0x16070] =	vst v0  }
0x2c0: {  	v6 =	vld.idx.msk [tilespmem:v6+s11+$0x0], $0xffff;
	_ =	sdelay $0x2  }
0x2c1: {  	v8 =	vor.u32 v3, v7;
	_ =	sdelay $0x1  }
0x2c2: {  	v2 =	vadd.f32 v6, v2;
	_ =	sdelay $0x1  }
0x2c3: {  	v6 =	vld [tilespmem:s0+$0xFC90];
	[tilespmem:s0+$0x16080] =	vst v2  }
0x2c4: {  	v8 =	vld.idx.msk [tilespmem:v8+s11+$0x0], $0xffff;
	_ =	sdelay $0x2  }
0x2c5: {  	v9 =	vor.u32 v4, v7;
	_ =	sdelay $0x1  }
0x2c6: {  	v6 =	vadd.f32 v8, v6;
	_ =	sdelay $0x1  }
0x2c7: {  	v35 =	vld [tilespmem:s0+$0xFCA0];
	[tilespmem:s0+$0x16090] =	vst v6  }
0x2c8: {  	v9 =	vld.idx.msk [tilespmem:v9+s11+$0x0], $0xffff;
	_ =	sdelay $0x2  }
0x2c9: {  	v10 =	vor.u32 v5, v7;
	_ =	sdelay $0x1  }
0x2ca: {  	v7 =	vadd.f32 v9, v35;
	_ =	sdelay $0x1  }
0x2cb: {  	v20 =	vimm.s32 $0xB;
	v12 =	vld [tilespmem:s0+$0xFCB0];
	[tilespmem:s0+$0x160A0] =	vst v7  }
0x2cc: {  	v19 =	vld.idx.msk [tilespmem:v10+s11+$0x0], $0xffff;
	v10 =	vperm.xlane v24, v20;
	_ =	sdelay $0x1  }
0x2cd: {  	v11 =	vshll.u32 v10, $0x6  }
0x2ce: {  	v10 =	vor.u32 v40, v11;
	_ =	sdelay $0x1  }
0x2cf: {  	v8 =	vadd.f32 v19, v12;
	_ =	sdelay $0x1  }
0x2d0: {  	v21 =	vld [tilespmem:s0+$0xFCC0];
	[tilespmem:s0+$0x160B0] =	vst v8  }
0x2d1: {  	v10 =	vld.idx.msk [tilespmem:v10+s11+$0x0], $0xffff;
	_ =	sdelay $0x2  }
0x2d2: {  	v12 =	vor.u32 v3, v11;
	_ =	sdelay $0x1  }
0x2d3: {  	v9 =	vadd.f32 v10, v21;
	_ =	sdelay $0x1  }
0x2d4: {  	v22 =	vld [tilespmem:s0+$0xFCD0];
	[tilespmem:s0+$0x160C0] =	vst v9  }
0x2d5: {  	v12 =	vld.idx.msk [tilespmem:v12+s11+$0x0], $0xffff;
	_ =	sdelay $0x2  }
0x2d6: {  	v19 =	vor.u32 v4, v11;
	_ =	sdelay $0x1  }
0x2d7: {  	v10 =	vadd.f32 v12, v22;
	_ =	sdelay $0x1  }
0x2d8: {  	v23 =	vld [tilespmem:s0+$0xFCE0];
	[tilespmem:s0+$0x160D0] =	vst v10  }
0x2d9: {  	v19 =	vld.idx.msk [tilespmem:v19+s11+$0x0], $0xffff;
	_ =	sdelay $0x2  }
0x2da: {  	v25 =	vor.u32 v5, v11;
	_ =	sdelay $0x1  }
0x2db: {  	v11 =	vadd.f32 v19, v23;
	_ =	sdelay $0x1  }
0x2dc: {  	v28 =	vld [tilespmem:s0+$0xFCF0];
	v20 =	vimm.s32 $0xC;
	[tilespmem:s0+$0x160E0] =	vst v11  }
0x2dd: {  	v30 =	vperm.xlane v24, v20;
	v29 =	vld.idx.msk [tilespmem:v25+s11+$0x0], $0xffff;
	_ =	sdelay $0x1  }
0x2de: {  	v25 =	vshll.u32 v30, $0x6  }
0x2df: {  	v26 =	vor.u32 v40, v25;
	_ =	sdelay $0x1  }
0x2e0: {  	v12 =	vadd.f32 v29, v28;
	_ =	sdelay $0x1  }
0x2e1: {  	v31 =	vld [tilespmem:s0+$0xFD00];
	[tilespmem:s0+$0x160F0] =	vst v12  }
0x2e2: {  	v26 =	vld.idx.msk [tilespmem:v26+s11+$0x0], $0xffff;
	_ =	sdelay $0x2  }
0x2e3: {  	v27 =	vor.u32 v3, v25;
	_ =	sdelay $0x1  }
0x2e4: {  	v19 =	vadd.f32 v26, v31;
	_ =	sdelay $0x1  }
0x2e5: {  	v32 =	vld [tilespmem:s0+$0xFD10];
	[tilespmem:s0+$0x16100] =	vst v19  }
0x2e6: {  	v27 =	vld.idx.msk [tilespmem:v27+s11+$0x0], $0xffff;
	_ =	sdelay $0x2  }
0x2e7: {  	v28 =	vor.u32 v4, v25;
	_ =	sdelay $0x1  }
0x2e8: {  	v26 =	vadd.f32 v27, v32;
	_ =	sdelay $0x1  }
0x2e9: {  	v34 =	vld [tilespmem:s0+$0xFD20];
	[tilespmem:s0+$0x16110] =	vst v26  }
0x2ea: {  	v28 =	vld.idx.msk [tilespmem:v28+s11+$0x0], $0xffff;
	_ =	sdelay $0x2  }
0x2eb: {  	v25 =	vor.u32 v5, v25;
	_ =	sdelay $0x1  }
0x2ec: {  	v27 =	vadd.f32 v28, v34;
	_ =	sdelay $0x1  }
0x2ed: {  	v35 =	vld [tilespmem:s0+$0xFD30];
	v32 =	vimm.s32 $0xD;
	[tilespmem:s0+$0x16120] =	vst v27  }
0x2ee: {  	v29 =	vperm.xlane v24, v32;
	v25 =	vld.idx.msk [tilespmem:v25+s11+$0x0], $0xffff;
	_ =	sdelay $0x1  }
0x2ef: {  	v29 =	vshll.u32 v29, $0x6  }
0x2f0: {  	v30 =	vor.u32 v40, v29;
	_ =	sdelay $0x1  }
0x2f1: {  	v25 =	vadd.f32 v25, v35;
	_ =	sdelay $0x1  }
0x2f2: {  	v34 =	vld [tilespmem:s0+$0xFD40];
	[tilespmem:s0+$0x16130] =	vst v25  }
0x2f3: {  	v30 =	vld.idx.msk [tilespmem:v30+s11+$0x0], $0xffff;
	_ =	sdelay $0x2  }
0x2f4: {  	v35 =	vor.u32 v3, v29;
	_ =	sdelay $0x1  }
0x2f5: {  	v28 =	vadd.f32 v30, v34;
	_ =	sdelay $0x1  }
0x2f6: {  	v34 =	vld [tilespmem:s0+$0xFD50];
	[tilespmem:s0+$0x16140] =	vst v28  }
0x2f7: {  	v20 =	vld.idx.msk [tilespmem:v35+s11+$0x0], $0xffff;
	_ =	sdelay $0x2  }
0x2f8: {  	v21 =	vor.u32 v4, v29;
	_ =	sdelay $0x1  }
0x2f9: {  	v20 =	vadd.f32 v20, v34;
	_ =	sdelay $0x1  }
0x2fa: {  	v35 =	vld [tilespmem:s0+$0xFD60];
	[tilespmem:s0+$0x16150] =	vst v20  }
0x2fb: {  	v21 =	vld.idx.msk [tilespmem:v21+s11+$0x0], $0xffff;
	_ =	sdelay $0x2  }
0x2fc: {  	v29 =	vor.u32 v5, v29;
	_ =	sdelay $0x1  }
0x2fd: {  	v21 =	vadd.f32 v21, v35;
	_ =	sdelay $0x1  }
0x2fe: {  	v22 =	vimm.s32 $0xE;
	v34 =	vld [tilespmem:s0+$0xFD70];
	[tilespmem:s0+$0x16160] =	vst v21  }
0x2ff: {  	v22 =	vperm.xlane v24, v22;
	v29 =	vld.idx.msk [tilespmem:v29+s11+$0x0], $0xffff;
	_ =	sdelay $0x1  }
0x300: {  	v22 =	vshll.u32 v22, $0x6  }
0x301: {  	v23 =	vor.u32 v40, v22;
	_ =	sdelay $0x1  }
0x302: {  	v29 =	vadd.f32 v29, v34;
	_ =	sdelay $0x1  }
0x303: {  	v35 =	vld [tilespmem:s0+$0xFD80];
	[tilespmem:s0+$0x16170] =	vst v29  }
0x304: {  	v23 =	vld.idx.msk [tilespmem:v23+s11+$0x0], $0xffff;
	_ =	sdelay $0x2  }
0x305: {  	v31 =	vor.u32 v3, v22;
	_ =	sdelay $0x1  }
0x306: {  	v23 =	vadd.f32 v23, v35;
	_ =	sdelay $0x1  }
0x307: {  	[tilespmem:s0+$0x16180] =	vst v23  }
0x308: {  	v30 =	vld.idx.msk [tilespmem:v31+s11+$0x0], $0xffff  }
0x309: {  	v31 =	vld [tilespmem:s0+$0xFD90];
	_ =	sdelay $0x2  }
0x30a: {  	v34 =	vor.u32 v4, v22;
	_ =	sdelay $0x1  }
0x30b: {  	v30 =	vadd.f32 v30, v31;
	_ =	sdelay $0x1  }
0x30c: {  	v32 =	vld [tilespmem:$0x1FF00];
	[tilespmem:s0+$0x16190] =	vst v30  }
0x30d: {  	v31 =	vld.idx.msk [tilespmem:v34+s11+$0x0], $0xffff  }
0x30e: {  	v34 =	vld [tilespmem:s0+$0xFDA0];
	_ =	sdelay $0x2  }
0x30f: {  	v22 =	vor.u32 v5, v22;
	_ =	sdelay $0x1  }
0x310: {  	v36 =	vadd.f32 v32, v36;
	v32 =	vld [tilespmem:$0x1FF10];
	v31 =	vadd.f32 v31, v34  }
0x311: {  	v34 =	vimm.s32 $0xF  }
0x312: {  	v24 =	vperm.xlane v24, v34;
	v34 =	vld [tilespmem:s0+$0xFDB0];
	[tilespmem:s0+$0x161A0] =	vst v31  }
0x313: {  	v22 =	vld.idx.msk [tilespmem:v22+s11+$0x0], $0xffff;
	_ =	sdelay $0x1  }
0x314: {  	v37 =	vadd.f32 v32, v37;
	v32 =	vld [tilespmem:$0x1FF20];
	_ =	sdelay $0x2  }
0x315: {  	v22 =	vadd.f32 v22, v34;
	v34 =	vld [tilespmem:$0x1FEF0];
	_ =	sdelay $0x1  }
0x316: {  	v38 =	vadd.f32 v32, v38;
	v32 =	vld [tilespmem:$0x1FF30];
	_ =	sdelay $0x2  }
0x317: {  	v34 =	vadd.f32 v34, v39;
	_ =	sdelay $0x1  }
0x318: {  	v34 =	vadd.f32 v32, v34;
	v32 =	vld [tilespmem:$0x1FF40];
	_ =	sdelay $0x4  }
0x319: {  	v36 =	vadd.f32 v32, v36;
	v32 =	vld [tilespmem:$0x1FF50];
	_ =	sdelay $0x1  }
0x31a: {  	v24 =	vshll.u32 v24, $0x6  }
0x31b: {  	v35 =	vor.u32 v40, v24;
	_ =	sdelay $0x1  }
0x31c: {  	v37 =	vadd.f32 v32, v37;
	v32 =	vld [tilespmem:$0x1FF60];
	_ =	sdelay $0x1  }
0x31d: {  	[tilespmem:s0+$0x161B0] =	vst v22  }
0x31e: {  	v35 =	vld.idx.msk [tilespmem:v35+s11+$0x0], $0xffff  }
0x31f: {  	v39 =	vld [tilespmem:s0+$0xFDC0];
	v33 =	vadd.f32 v33, v34  }
0x320: {  	v32 =	vadd.f32 v32, v38  }
0x321: {  	v15 =	vadd.f32 v15, v33;
	v17 =	vadd.f32 v17, v37  }
0x322: {  	v18 =	vadd.f32 v18, v36;
	v16 =	vadd.f32 v16, v32;
	v32 =	vor.u32 v3, v24  }
0x323: {  	v15 =	vadd.f32 v41, v15;
	v13 =	vadd.f32 v13, v17  }
0x324: {  	v14 =	vadd.f32 v14, v18;
	v17 =	vadd.f32 v35, v39  }
0x325: {  	v13 =	vadd.f32 v43, v13;
	v1 =	vadd.f32 v1, v16  }
0x326: {  	v15 =	vadd.f32 v45, v15;
	v14 =	vadd.f32 v42, v14;
	[tilespmem:s0+$0x161C0] =	vst v17;
	v16 =	vld [tilespmem:s0+$0xFDD0]  }
0x327: {  	v13 =	vadd.f32 v47, v13;
	v1 =	vadd.f32 v44, v1;
	v45 =	vld.idx.msk [tilespmem:v32+s11+$0x0], $0xffff  }
0x328: {  	v15 =	vadd.f32 v49, v15;
	v14 =	vadd.f32 v46, v14  }
0x329: {  	v13 =	vadd.f32 v51, v13;
	v1 =	vadd.f32 v48, v1  }
0x32a: {  	v15 =	vadd.f32 v53, v15;
	v14 =	vadd.f32 v50, v14;
	v50 =	vor.u32 v4, v24  }
0x32b: {  	v13 =	vadd.f32 v55, v13;
	v1 =	vadd.f32 v52, v1  }
0x32c: {  	v14 =	vadd.f32 v54, v14;
	v16 =	vadd.f32 v45, v16  }
0x32d: {  	v13 =	vadd.f32 v59, v13;
	v1 =	vadd.f32 v56, v1  }
0x32e: {  	v15 =	vadd.f32 v57, v15;
	v14 =	vadd.f32 v58, v14;
	v58 =	vld [tilespmem:s0+$0xFDE0];
	[tilespmem:s0+$0x161D0] =	vst v16  }
0x32f: {  	v13 =	vadd.f32 v63, v13;
	v1 =	vadd.f32 v60, v1;
	v32 =	vld.idx.msk [tilespmem:v50+s11+$0x0], $0xffff  }
0x330: {  	v15 =	vadd.f32 v61, v15;
	v14 =	vadd.f32 v62, v14  }
0x331: {  	v7 =	vadd.f32 v7, v13;
	v0 =	vadd.f32 v0, v1  }
0x332: {  	v1 =	vadd.f32 v2, v15;
	v2 =	vadd.f32 v6, v14;
	v6 =	vor.u32 v5, v24  }
0x333: {  	v7 =	vadd.f32 v11, v7  }
0x334: {  	v0 =	vadd.f32 v8, v0;
	v62 =	vadd.f32 v32, v58  }
0x335: {  	v41 =	vimm.s32 $0x4;
	v1 =	vadd.f32 v9, v1;
	v2 =	vadd.f32 v10, v2  }
0x336: {  	v36 =	vimm.s32 $0x0;
	v63 =	vld [tilespmem:s0+$0xFDF0];
	v7 =	vadd.f32 v27, v7;
	v0 =	vadd.f32 v12, v0;
	[tilespmem:s0+$0x161E0] =	vst v62  }
0x337: {  	v37 =	vimm.s32 $0x1;
	v1 =	vadd.f32 v19, v1;
	v2 =	vadd.f32 v26, v2;
	v6 =	vld.idx.msk [tilespmem:v6+s11+$0x0], $0xffff  }
0x338: {  	v39 =	vimm.s32 $0x3;
	v7 =	vadd.f32 v21, v7;
	v0 =	vadd.f32 v25, v0  }
0x339: {  	p0 =	sne.s32 s31, $0xB000;
	v38 =	vimm.s32 $0x2;
	v1 =	vadd.f32 v28, v1;
	v2 =	vadd.f32 v20, v2  }
.Ltmp3:
0x33a: {  	v44 =	vimm.s32 $0x5;
	v7 =	vadd.f32 v31, v7;
	v0 =	vadd.f32 v29, v0;
	(pc) =	sbr.rel @p0 .LBB2_5-.Ltmp3, $4  }
0x33b: {  	v48 =	vimm.s32 $0x6;
	v1 =	vadd.f32 v23, v1;
	v2 =	vadd.f32 v30, v2  }
0x33c: {  	v52 =	vimm.s32 $0x7;
	v0 =	vadd.f32 v22, v0;
	v6 =	vadd.f32 v6, v63  }
0x33d: {  	v56 =	vimm.s32 $0x8;
	v43 =	vadd.f32 v62, v7;
	v46 =	vadd.f32 v17, v1  }
0x33e: {  	s24 =	sadd.s32 $0x10, s24;
	s31 =	sadd.s32 $0x1000, s31;
	v60 =	vimm.s32 $0x9;
	v45 =	vadd.f32 v16, v2;
	[tilespmem:s0+$0x161F0] =	vst v6;
	v42 =	vadd.f32 v6, v0  }
0x33f: {  	v6 =	vld [tilespmem:s30+$0x64B8];
	_ =	sdelay $0x4  }
0x340: {  	v0 =	vperm.xlane v6, v56;
	_ =	sdelay $0x1  }
0x341: {  	v1 =	vshll.u32 v0, $0x6  }
0x342: {  	v0 =	vor.u32 v40, v1;
	_ =	sdelay $0x3  }
0x343: {  	v2 =	vld [tilespmem:$0x12A00]  }
0x344: {  	v0 =	vld.idx.msk [tilespmem:v0+s11+$0x0], $0xffff;
	_ =	sdelay $0x2  }
0x345: {  	v7 =	vor.u32 v3, v1;
	_ =	sdelay $0x1  }
0x346: {  	v0 =	vadd.f32 v0, v2;
	_ =	sdelay $0x1  }
0x347: {  	v2 =	vld [tilespmem:$0x12A10];
	[tilespmem:$0x18E00] =	vst v0  }
0x348: {  	v7 =	vld.idx.msk [tilespmem:v7+s11+$0x0], $0xffff;
	_ =	sdelay $0x2  }
0x349: {  	v8 =	vor.u32 v4, v1;
	_ =	sdelay $0x1  }
0x34a: {  	v2 =	vadd.f32 v7, v2;
	_ =	sdelay $0x1  }
0x34b: {  	v7 =	vld [tilespmem:$0x12A20];
	[tilespmem:$0x18E10] =	vst v2  }
0x34c: {  	v8 =	vld.idx.msk [tilespmem:v8+s11+$0x0], $0xffff;
	_ =	sdelay $0x2  }
0x34d: {  	v1 =	vor.u32 v5, v1;
	_ =	sdelay $0x1  }
0x34e: {  	v7 =	vadd.f32 v8, v7;
	_ =	sdelay $0x1  }
0x34f: {  	v59 =	vld [tilespmem:$0x12A30];
	[tilespmem:$0x18E20] =	vst v7  }
0x350: {  	v9 =	vperm.xlane v6, v60;
	v1 =	vld.idx.msk [tilespmem:v1+s11+$0x0], $0xffff;
	_ =	sdelay $0x1  }
0x351: {  	v10 =	vshll.u32 v9, $0x6  }
0x352: {  	v9 =	vor.u32 v40, v10;
	_ =	sdelay $0x1  }
0x353: {  	v8 =	vadd.f32 v1, v59;
	_ =	sdelay $0x1  }
0x354: {  	v1 =	vld [tilespmem:$0x12A40];
	[tilespmem:$0x18E30] =	vst v8  }
0x355: {  	v9 =	vld.idx.msk [tilespmem:v9+s11+$0x0], $0xffff;
	_ =	sdelay $0x2  }
0x356: {  	v11 =	vor.u32 v3, v10;
	_ =	sdelay $0x1  }
0x357: {  	v24 =	vadd.f32 v9, v1;
	_ =	sdelay $0x1  }
0x358: {  	v1 =	vld [tilespmem:$0x12A50];
	[tilespmem:$0x18E40] =	vst v24  }
0x359: {  	v61 =	vld.idx.msk [tilespmem:v11+s11+$0x0], $0xffff;
	_ =	sdelay $0x2  }
0x35a: {  	v62 =	vor.u32 v4, v10;
	_ =	sdelay $0x1  }
0x35b: {  	v9 =	vadd.f32 v61, v1;
	_ =	sdelay $0x1  }
0x35c: {  	v1 =	vld [tilespmem:$0x12A60];
	[tilespmem:$0x18E50] =	vst v9  }
0x35d: {  	v11 =	vld.idx.msk [tilespmem:v62+s11+$0x0], $0xffff;
	_ =	sdelay $0x2  }
0x35e: {  	v12 =	vor.u32 v5, v10;
	_ =	sdelay $0x1  }
0x35f: {  	v63 =	vadd.f32 v11, v1;
	_ =	sdelay $0x1  }
0x360: {  	v21 =	vimm.s32 $0xA;
	v1 =	vld [tilespmem:$0x12A70];
	[tilespmem:$0x18E60] =	vst v63  }
0x361: {  	v20 =	vld.idx.msk [tilespmem:v12+s11+$0x0], $0xffff;
	v12 =	vperm.xlane v6, v21;
	_ =	sdelay $0x1  }
0x362: {  	v12 =	vshll.u32 v12, $0x6  }
0x363: {  	v13 =	vor.u32 v40, v12;
	_ =	sdelay $0x1  }
0x364: {  	v11 =	vadd.f32 v20, v1;
	_ =	sdelay $0x1  }
0x365: {  	v1 =	vld [tilespmem:$0x12A80];
	[tilespmem:$0x18E70] =	vst v11  }
0x366: {  	v13 =	vld.idx.msk [tilespmem:v13+s11+$0x0], $0xffff;
	_ =	sdelay $0x2  }
0x367: {  	v14 =	vor.u32 v3, v12;
	_ =	sdelay $0x1  }
0x368: {  	v1 =	vadd.f32 v13, v1;
	_ =	sdelay $0x1  }
0x369: {  	v22 =	vld [tilespmem:$0x12A90];
	[tilespmem:$0x18E80] =	vst v1  }
0x36a: {  	v14 =	vld.idx.msk [tilespmem:v14+s11+$0x0], $0xffff;
	_ =	sdelay $0x2  }
0x36b: {  	v15 =	vor.u32 v4, v12;
	_ =	sdelay $0x1  }
0x36c: {  	v13 =	vadd.f32 v14, v22;
	_ =	sdelay $0x1  }
0x36d: {  	v23 =	vld [tilespmem:$0x12AA0];
	[tilespmem:$0x18E90] =	vst v13  }
0x36e: {  	v15 =	vld.idx.msk [tilespmem:v15+s11+$0x0], $0xffff;
	_ =	sdelay $0x2  }
0x36f: {  	v12 =	vor.u32 v5, v12;
	_ =	sdelay $0x1  }
0x370: {  	v14 =	vadd.f32 v15, v23;
	_ =	sdelay $0x1  }
0x371: {  	v25 =	vld [tilespmem:$0x12AB0];
	v16 =	vimm.s32 $0xB;
	[tilespmem:$0x18EA0] =	vst v14  }
0x372: {  	v16 =	vperm.xlane v6, v16;
	v12 =	vld.idx.msk [tilespmem:v12+s11+$0x0], $0xffff;
	_ =	sdelay $0x1  }
0x373: {  	v16 =	vshll.u32 v16, $0x6  }
0x374: {  	v17 =	vor.u32 v40, v16;
	_ =	sdelay $0x1  }
0x375: {  	v12 =	vadd.f32 v12, v25;
	_ =	sdelay $0x1  }
0x376: {  	v26 =	vld [tilespmem:$0x12AC0];
	[tilespmem:$0x18EB0] =	vst v12  }
0x377: {  	v17 =	vld.idx.msk [tilespmem:v17+s11+$0x0], $0xffff;
	_ =	sdelay $0x2  }
0x378: {  	v18 =	vor.u32 v3, v16;
	_ =	sdelay $0x1  }
0x379: {  	v15 =	vadd.f32 v17, v26;
	_ =	sdelay $0x1  }
0x37a: {  	v27 =	vld [tilespmem:$0x12AD0];
	[tilespmem:$0x18EC0] =	vst v15  }
0x37b: {  	v18 =	vld.idx.msk [tilespmem:v18+s11+$0x0], $0xffff;
	_ =	sdelay $0x2  }
0x37c: {  	v19 =	vor.u32 v4, v16;
	_ =	sdelay $0x1  }
0x37d: {  	v17 =	vadd.f32 v18, v27;
	_ =	sdelay $0x1  }
0x37e: {  	v28 =	vld [tilespmem:$0x12AE0];
	[tilespmem:$0x18ED0] =	vst v17  }
0x37f: {  	v19 =	vld.idx.msk [tilespmem:v19+s11+$0x0], $0xffff;
	_ =	sdelay $0x2  }
0x380: {  	v16 =	vor.u32 v5, v16;
	_ =	sdelay $0x1  }
0x381: {  	v18 =	vadd.f32 v19, v28;
	_ =	sdelay $0x1  }
0x382: {  	v29 =	vld [tilespmem:$0x12AF0];
	v20 =	vimm.s32 $0xC;
	[tilespmem:$0x18EE0] =	vst v18  }
0x383: {  	v20 =	vperm.xlane v6, v20;
	v16 =	vld.idx.msk [tilespmem:v16+s11+$0x0], $0xffff;
	_ =	sdelay $0x1  }
0x384: {  	v20 =	vshll.u32 v20, $0x6  }
0x385: {  	v21 =	vor.u32 v40, v20;
	_ =	sdelay $0x1  }
0x386: {  	v16 =	vadd.f32 v16, v29;
	_ =	sdelay $0x1  }
0x387: {  	v30 =	vld [tilespmem:$0x12B00];
	[tilespmem:$0x18EF0] =	vst v16  }
0x388: {  	v21 =	vld.idx.msk [tilespmem:v21+s11+$0x0], $0xffff;
	_ =	sdelay $0x2  }
0x389: {  	v22 =	vor.u32 v3, v20;
	_ =	sdelay $0x1  }
0x38a: {  	v19 =	vadd.f32 v21, v30;
	_ =	sdelay $0x1  }
0x38b: {  	v31 =	vld [tilespmem:$0x12B10];
	[tilespmem:$0x18F00] =	vst v19  }
0x38c: {  	v22 =	vld.idx.msk [tilespmem:v22+s11+$0x0], $0xffff;
	_ =	sdelay $0x2  }
0x38d: {  	v23 =	vor.u32 v4, v20;
	_ =	sdelay $0x1  }
0x38e: {  	v21 =	vadd.f32 v22, v31;
	_ =	sdelay $0x1  }
0x38f: {  	v32 =	vld [tilespmem:$0x12B20];
	[tilespmem:$0x18F10] =	vst v21  }
0x390: {  	v23 =	vld.idx.msk [tilespmem:v23+s11+$0x0], $0xffff;
	_ =	sdelay $0x2  }
0x391: {  	v20 =	vor.u32 v5, v20;
	_ =	sdelay $0x1  }
0x392: {  	v22 =	vadd.f32 v23, v32;
	_ =	sdelay $0x1  }
0x393: {  	v33 =	vld [tilespmem:$0x12B30];
	v25 =	vimm.s32 $0xD;
	[tilespmem:$0x18F20] =	vst v22  }
0x394: {  	v25 =	vperm.xlane v6, v25;
	v20 =	vld.idx.msk [tilespmem:v20+s11+$0x0], $0xffff;
	_ =	sdelay $0x1  }
0x395: {  	v25 =	vshll.u32 v25, $0x6  }
0x396: {  	v26 =	vor.u32 v40, v25;
	_ =	sdelay $0x1  }
0x397: {  	v20 =	vadd.f32 v20, v33;
	_ =	sdelay $0x1  }
0x398: {  	v34 =	vld [tilespmem:$0x12B40];
	[tilespmem:$0x18F30] =	vst v20  }
0x399: {  	v26 =	vld.idx.msk [tilespmem:v26+s11+$0x0], $0xffff;
	_ =	sdelay $0x2  }
0x39a: {  	v27 =	vor.u32 v3, v25;
	_ =	sdelay $0x1  }
0x39b: {  	v23 =	vadd.f32 v26, v34;
	_ =	sdelay $0x1  }
0x39c: {  	v35 =	vld [tilespmem:$0x12B50];
	[tilespmem:$0x18F40] =	vst v23  }
0x39d: {  	v27 =	vld.idx.msk [tilespmem:v27+s11+$0x0], $0xffff;
	_ =	sdelay $0x2  }
0x39e: {  	v28 =	vor.u32 v4, v25;
	_ =	sdelay $0x1  }
0x39f: {  	v26 =	vadd.f32 v27, v35;
	_ =	sdelay $0x1  }
0x3a0: {  	v47 =	vld [tilespmem:$0x12B60];
	[tilespmem:$0x18F50] =	vst v26  }
0x3a1: {  	v28 =	vld.idx.msk [tilespmem:v28+s11+$0x0], $0xffff;
	_ =	sdelay $0x2  }
0x3a2: {  	v25 =	vor.u32 v5, v25;
	_ =	sdelay $0x1  }
0x3a3: {  	v27 =	vadd.f32 v28, v47;
	_ =	sdelay $0x1  }
0x3a4: {  	v49 =	vld [tilespmem:$0x12B70];
	v29 =	vimm.s32 $0xE;
	[tilespmem:$0x18F60] =	vst v27  }
0x3a5: {  	v29 =	vperm.xlane v6, v29;
	v25 =	vld.idx.msk [tilespmem:v25+s11+$0x0], $0xffff;
	_ =	sdelay $0x1  }
0x3a6: {  	v29 =	vshll.u32 v29, $0x6  }
0x3a7: {  	v30 =	vor.u32 v40, v29;
	_ =	sdelay $0x1  }
0x3a8: {  	v25 =	vadd.f32 v25, v49;
	_ =	sdelay $0x1  }
0x3a9: {  	v50 =	vld [tilespmem:$0x12B80];
	[tilespmem:$0x18F70] =	vst v25  }
0x3aa: {  	v30 =	vld.idx.msk [tilespmem:v30+s11+$0x0], $0xffff;
	_ =	sdelay $0x2  }
0x3ab: {  	v31 =	vor.u32 v3, v29;
	_ =	sdelay $0x1  }
0x3ac: {  	v28 =	vadd.f32 v30, v50;
	_ =	sdelay $0x1  }
0x3ad: {  	v51 =	vld [tilespmem:$0x12B90];
	[tilespmem:$0x18F80] =	vst v28  }
0x3ae: {  	v31 =	vld.idx.msk [tilespmem:v31+s11+$0x0], $0xffff;
	_ =	sdelay $0x2  }
0x3af: {  	v32 =	vor.u32 v4, v29;
	_ =	sdelay $0x1  }
0x3b0: {  	v30 =	vadd.f32 v31, v51;
	_ =	sdelay $0x1  }
0x3b1: {  	v53 =	vld [tilespmem:$0x12BA0];
	[tilespmem:$0x18F90] =	vst v30  }
0x3b2: {  	v32 =	vld.idx.msk [tilespmem:v32+s11+$0x0], $0xffff;
	_ =	sdelay $0x2  }
0x3b3: {  	v29 =	vor.u32 v5, v29;
	_ =	sdelay $0x1  }
0x3b4: {  	v31 =	vadd.f32 v32, v53;
	_ =	sdelay $0x1  }
0x3b5: {  	v54 =	vld [tilespmem:$0x12BB0];
	v33 =	vimm.s32 $0xF;
	[tilespmem:$0x18FA0] =	vst v31  }
0x3b6: {  	v6 =	vperm.xlane v6, v33;
	v29 =	vld.idx.msk [tilespmem:v29+s11+$0x0], $0xffff;
	_ =	sdelay $0x1  }
0x3b7: {  	v6 =	vshll.u32 v6, $0x6  }
0x3b8: {  	v55 =	vor.u32 v40, v6;
	_ =	sdelay $0x1  }
0x3b9: {  	v29 =	vadd.f32 v29, v54;
	_ =	sdelay $0x1  }
0x3ba: {  	v57 =	vld [tilespmem:$0x12BC0];
	[tilespmem:$0x18FB0] =	vst v29  }
0x3bb: {  	v33 =	vld.idx.msk [tilespmem:v55+s11+$0x0], $0xffff;
	_ =	sdelay $0x2  }
0x3bc: {  	v34 =	vor.u32 v3, v6;
	_ =	sdelay $0x1  }
0x3bd: {  	v32 =	vadd.f32 v33, v57;
	_ =	sdelay $0x1  }
0x3be: {  	v58 =	vld [tilespmem:$0x12BD0];
	[tilespmem:$0x18FC0] =	vst v32  }
0x3bf: {  	v34 =	vld.idx.msk [tilespmem:v34+s11+$0x0], $0xffff;
	_ =	sdelay $0x2  }
0x3c0: {  	v35 =	vor.u32 v4, v6;
	_ =	sdelay $0x1  }
0x3c1: {  	v33 =	vadd.f32 v34, v58  }
0x3c2: {  	v0 =	vadd.f32 v0, v46;
	v2 =	vadd.f32 v2, v45  }
0x3c3: {  	v7 =	vadd.f32 v7, v43;
	v59 =	vld [tilespmem:$0x12BE0];
	v8 =	vadd.f32 v8, v42;
	[tilespmem:$0x18FD0] =	vst v33  }
0x3c4: {  	v0 =	vadd.f32 v24, v0;
	v2 =	vadd.f32 v9, v2;
	v61 =	vld.idx.msk [tilespmem:v35+s11+$0x0], $0xffff  }
0x3c5: {  	v7 =	vadd.f32 v63, v7;
	v8 =	vadd.f32 v11, v8  }
0x3c6: {  	v0 =	vadd.f32 v1, v0;
	v1 =	vadd.f32 v13, v2  }
0x3c7: {  	v2 =	vadd.f32 v14, v7;
	v7 =	vadd.f32 v12, v8;
	v6 =	vor.u32 v5, v6  }
0x3c8: {  	v0 =	vadd.f32 v15, v0;
	v1 =	vadd.f32 v17, v1  }
0x3c9: {  	v2 =	vadd.f32 v18, v2;
	v62 =	vadd.f32 v61, v59  }
0x3ca: {  	v7 =	vadd.f32 v16, v7;
	v0 =	vadd.f32 v19, v0  }
0x3cb: {  	v63 =	vld [tilespmem:$0x12BF0];
	v1 =	vadd.f32 v21, v1;
	v2 =	vadd.f32 v22, v2;
	[tilespmem:$0x18FE0] =	vst v62  }
0x3cc: {  	v7 =	vadd.f32 v20, v7;
	v0 =	vadd.f32 v23, v0;
	v6 =	vld.idx.msk [tilespmem:v6+s11+$0x0], $0xffff  }
0x3cd: {  	v1 =	vadd.f32 v26, v1;
	v2 =	vadd.f32 v27, v2  }
0x3ce: {  	v7 =	vadd.f32 v25, v7;
	v0 =	vadd.f32 v28, v0  }
0x3cf: {  	v1 =	vadd.f32 v30, v1;
	v2 =	vadd.f32 v31, v2  }
0x3d0: {  	v7 =	vadd.f32 v29, v7;
	v0 =	vadd.f32 v32, v0  }
0x3d1: {  	v1 =	vadd.f32 v33, v1;
	v6 =	vadd.f32 v6, v63  }
0x3d2: {  	s0 =	sshll.u32 s29, $0x6;
	v0 =	vmul.f32 $4.999999890e-03, v0;
	v2 =	vadd.f32 v62, v2  }
0x3d3: {  	s0 =	sand.u32 $0x3FFFFFC0, s0;
	v1 =	vmul.f32 $4.999999890e-03, v1;
	[tilespmem:$0x18FF0] =	vst v6;
	v6 =	vadd.f32 v6, v7  }
.Ltmp4:
0x3d4: {  	s24 =	sadd.s32 s3, s29;
	[tilespmem:s0+$0x1C200] =	vst v0;
	v0 =	vmul.f32 $4.999999890e-03, v2;
	(pc) =	sbr.rel @p1 .LBB2_8-.Ltmp4, $4  }
0x3d5: {  	s24 =	smul.u32 $0x640, s24;
	[tilespmem:s0+$0x1C210] =	vst v1;
	v1 =	vmul.f32 $4.999999890e-03, v6  }
0x3d6: {  	[tilespmem:s0+$0x1C220] =	vst v0  }
0x3d7: {  	s31 =	sadd.s32 s2, s24;
	[tilespmem:s0+$0x1C230] =	vst v1  }
0x3d8: {  	[hbm4b:s31+s4] =	stream.linear.scatter [tilespmem:s19], [sflag:$0x4], $0x3200, $0x38;
	[tilespmem:$0x1E200] =	vst v63  }
.Ltmp5:
0x3d9: {  	(pc) =	sbr.rel .LBB2_2-.Ltmp5, $4  }
0x3da: {  	_ = 	snop  }
0x3db: {  	s0 =	sadd.s32 $0x258, s28  }
0x3dc: {  	s26 =	sadd.s32 $0x1, s26;
	s1 =	sadd.s32 $0x190, s1;
	s25 =	sadd.s32 $0x190, s25;
	v13 =	vimm.s32 $0xA;
	v11 =	vimm.s32 $0xB  }
0x3dd: {  	v15 =	vimm.s32 $0xC;
	v25 =	vimm.s32 $0xD;
	v29 =	vimm.s32 $0xE;
	[tilespmem:s15], [sflag:$0x2] =	stream.indirect.gather [hbm4b:s5+s13], $0x40, s0, s13, $0xb8;
	[tilespmem:$0x1E200] =	vst v63  }
.LBB2_9:
0x3de: {  	_ =	sfence.sel $0x180000  }
0x3df: {  	[bflag:$0x0] =	sbarrier.arrive $0xFFFF  }
0x3e0: {  	_ =	strace $0x90000047  }
0x3e1: {  	s0 =	stileid.u32;
	[bflag:$0x2] =	sbarrier.arrive $0xFFFF  }
0x3e2: {  	p0 =	sne.s32 s0, $0x0;
	s0 =	rddreg [dreg:$0x3]  }
0x3e3: {  	s0 =	sadd.s32 @!p0 $0x100000, s0  }
0x3e4: {  	[sflag:s0] =	ssyncadd.tile.s32 @!p0 $0x1;
	_ =	shalt  }
.Lfunc_end2:
_tile_overlayer_lowered:
.L_overlay_start_2:
0x3e5: {  	(tag) =	ssettag $0x2  }
0x3e6: {  	s0 =	rddreg [dreg:$0x0];
	s2 =	stileid.u32  }
0x3e7: {  	s1 =	rddreg [dreg:$0x1];
	p0 =	sne.s32 s2, $0x0  }
0x3e8: {  	s3 =	rddreg [dreg:$0x2];
	[bflag:$0x3] =	sbarrier.arrive $0xFFFF;
	s2 =	simm.s32 @!p0 $0x1C05  }
0x3e9: {  	[timem:s3], [sflag:s2] =	dma.local @!p0 [hbm:s0], s1  }
0x3ea: {  	s0 =	simm.s32 @!p0 $0x5  }
0x3eb: {  	_ =	swait.ge @!p0 [sflag:s0], s1  }
0x3ec: {  	s1 =	ssub.s32 @!p0 $0x0, s1;
	[sflag:s0] =	ssyncset.done @!p0 $0x0  }
0x3ed: {  	[sflag:s0] =	ssyncadd.s32 @!p0 s1  }
0x3ee: {  	[bflag:$0x3] =	sbarrier.arrive $0xFFFF  }
0x3ef: {  	_ =	shalt  }

// kernel: sparse-core-data-format-call.cloned.1.call-start
scs
called_computation_lowered:
.L_overlay_start_0:
0x0: {  	s2 =	sld [smem:$0x3FD9]  }
0x1: {  	s3 =	sld [smem:$0x3FFE];
	_ =	sdelay $0x1  }
0x2: {  	s1 =	srdreg.scid  }
0x3: {  	s0 =	sand.u32 $0x1, s1  }
0x4: {  	s15 =	sshll.u32 s0, $0xA;
	s2 =	sadd.s32 s3, s2  }
0x5: {  	s2 =	sadd.s32 s2, s15  }
0x6: {  	[smem:$0x3FC4] =	sst s2  }
0x7: {  	_ = 	snop  }
0x8: {  	s2 =	sld [smem:$0x3FD0];
	_ =	sdelay $0x2  }
0x9: {  	s16 =	simm.s32 $0xA;
	s4 =	simm.s32 $0x10  }
0xa: {  	[smem:s4], [sflag:s16] =	dma.local [hbm:s2], $0x1  }
0xb: {  	_ =	swait.eq [sflag:s16], $0x1  }
0xc: {  	[sflag:s16] =	ssyncset.done $0x0  }
0xd: {  	[sflag:s16] =	ssyncadd.s32 $0xFFFFFFFF  }
0xe: {  	s17 =	sld [smem:$0x11];
	(tm) =	ssettm $0x1  }
0xf: {  	s18 =	sld [smem:$0x3FFB];
	_ =	sdelay $0x3  }
0x10: {  	_ =	strace s18  }
0x11: {  	s3 =	sld [smem:$0x3FFC];
	_ =	sdelay $0x3  }
0x12: {  	_ =	strace s3  }
0x13: {  	s3 =	sld [smem:$0x3FFD];
	_ =	sdelay $0x3  }
0x14: {  	_ =	strace s3  }
0x15: {  	_ =	strace $0x8FFFFFFF  }
0x16: {  	s19 =	sld [smem:$0x3FDB];
	_ =	sdelay $0x1  }
0x17: {  	s20 =	simm.s32 $_scs_section_size  }
0x18: {  	s5 =	simm.s32 $_size__tile_overlayer_lowered;
	s6 =	simm.s32 $_tile_overlayer_lowered  }
0x19: {  	s23 =	simm.s32 $0x1BFF;
	s22 =	sshll.u32 s6, $0x1;
	s3 =	sadd.s32 s20, s19  }
0x1a: {  	s7 =	simm.s32 $0x0;
	s21 =	sshll.u32 s5, $0x1;
	s5 =	sadd.s32 s22, s3  }
0x1b: {  	[timem:s7], [sflag:s23] =	dma.local [hbm:s5], s21  }
0x1c: {  	_ =	swait.ge [sflag:s23], s21  }
0x1d: {  	s4 =	ssub.s32 $0x0, s21;
	[sflag:s23] =	ssyncset.done $0x0  }
0x1e: {  	[sflag:s23] =	ssyncadd.s32 s4;
	_ =	sdelay $0x1  }
0x1f: {  	s24 =	simm.s32 $0x1B8B  }
0x20: {  	_ =	swait.ge [sflag:s24], $0x1  }
0x21: {  	[sflag:s24] =	ssyncset.done $0x0  }
0x22: {  	s26 =	simm.s32 $0x1B8E;
	s25 =	sld [smem:$0x3FFE];
	[sflag:s24] =	ssyncadd.s32 $0xFFFFFFFF  }
0x23: {  	s27 =	simm.s32 $execute0_lowered;
	[smem:$0x3FD2] =	sst s26  }
0x24: {  	s5 =	sshll.u32 s27, $0x1;
	_ =	strace $0x80000049;
	[dreg:$0x1] =	wrdreg $0xFFFFFFFF  }
0x25: {  	s28 =	simm.s32 $_size_execute0_lowered;
	s3 =	sadd.s32 s3, s5;
	[dreg:$0x0] =	wrdreg $0x0  }
0x26: {  	s5 =	sshll.u32 s28, $0x1;
	[dreg:$0x2] =	wrdreg s3  }
0x27: {  	[dreg:$0x3] =	wrdreg s5  }
0x28: {  	[dreg:$0x4] =	wrdreg $0xC0  }
0x29: {  	_ =	task [dreg:s7], $0x5FFFF  }
0x2a: {  	[dreg:$0x1] =	wrdreg $0xFFFFFFFF  }
0x2b: {  	[dreg:$0x0] =	wrdreg $0x60  }
0x2c: {  	[dreg:$0x2] =	wrdreg s25  }
0x2d: {  	[dreg:$0x3] =	wrdreg s17  }
0x2e: {  	[dreg:$0x4] =	wrdreg $0x9  }
0x2f: {  	_ =	task.clear_ibuf [dreg:s7], $0x5FFFF;
	_ =	strace $0x90000049  }
0x30: {  	s29 =	simm.s32 $0x9;
	_ =	strace $0x8000004B  }
0x31: {  	_ =	swait.ge [sflag:s29], $0x1  }
0x32: {  	[sflag:s29] =	ssyncadd.s32 $0xFFFFFFFF  }
0x33: {  	_ =	strace $0x9000004B  }
0x34: {  	_ =	sfence  }
0x35: {  	s30 =	sld [smem:$0x0];
	_ =	sdelay $0x2  }
0x36: {  	s31 =	sshll.u32 s1, $0xD;
	s1 =	sshrl.u32 s1, $0x2  }
0x37: {  	s3 =	sand.u32 $0x4000, s31;
	s1 =	sadd.s32 s1, s30  }
0x38: {  	s0 =	sor.u32 s3, s0;
	s1 =	sshll.u32 s1, $0x11  }
0x39: {  	s0 =	sor.u32 s1, s0  }
0x3a: {  	s0 =	sadd.s32 $0x8F2B, s0  }
0x3b: {  	[sflag:s0] =	ssyncadd.remote.s32 $0x1  }
0x3c: {  	_ =	sfence.sel $0xFFFF  }
0x3d: {  	[dreg:$0x0] =	wrdreg $0xFFFFFFFF;
	(pc) =	sbr.abs _section_cstart, $3  }
0x3e: {  	[dreg:$0x1] =	wrdreg $0xFFFFFFFF  }
0x3f: {  	_ =	task.clear_ibuf [dreg:s7], $0x2FFFF;
	_ =	strace $0x9FFFFFFF  }
0x40: {  	(tm) =	ssettm $0x7FFFFFFF  }
0x41: {  	_ =	shalt  }
tec
execute0_lowered:
.L_overlay_start_1:
0x0: {  	(tag) =	ssettag $0x1  }
0x1: {  	s0 =	srdreg.scid  }
0x2: {  	s1 =	sshll.u32 s0, $0x4  }
0x3: {  	s0 =	stileid.u32;
	s1 =	sand.u32 $0x10, s1  }
0x4: {  	s1 =	sor.u32 s0, s1  }
0x5: {  	s6 =	rddreg [dreg:$0x0];
	s4 =	simm.s32 $0x1;
	s2 =	sshll.u32 s1, $0x7  }
0x6: {  	s7 =	simm.s32 $0x2;
	s12 =	simm.s32 $0x0;
	s1 =	ssub.s32 $0x1000, s2  }
0x7: {  	s8 =	simm.s32 $0x8000;
	s13 =	simm.s32 $0x0;
	s3 =	sand.u32 $0xF80, s1  }
0x8: {  	s9 =	simm.s32 $0x0;
	s5 =	sshrl.u32 s1, $0xC;
	p0 =	sne.s32 s3, $0x0  }
.Ltmp0:
0x9: {  	s1 =	rddreg [dreg:$0x2];
	s4 =	simm.s32 @!p0 $0x0;
	(pc) =	sbr.rel .LBB1_1-.Ltmp0, $4  }
0xa: {  	s11 =	simm.s32 $0x0;
	s3 =	rddreg [dreg:$0x1];
	s5 =	sadd.s32 s4, s5  }
0xb: {  	_ =	strace $0x8000004A;
	s4 =	simm.s32 $0x1;
	s5 =	smul.u32 $0xC8, s5  }
0xc: {  	s6 =	sadd.s32 $0x1400, s6;
	s10 =	smov.u32 s2;
	[sflag:s4] =	ssyncpa.u1 $0x0  }
0xd: {  	p0 =	por $0x0, $0x0;
	[sflag:s7] =	ssyncpa.u1 $0x0;
	s7 =	sor.u32 $0x1, s5  }
.LBB1_4:
0xe: {  	s16 =	sshll.u32 s13, $0x3;
	s17 =	sand.u32 $0x78, s13  }
0xf: {  	s30 =	sand.u32 $0x7E00, s13;
	s12 =	sshll.u32 s12, $0xF;
	s16 =	sand.u32 $0xC00, s16  }
0x10: {  	[tilespmem:s15+$0x810 ss:$0x81] =	vst.msk $0xffff, v2;
	s31 =	sand.u32 $0x7, s13;
	s16 =	sor.u32 s17, s16;
	s17 =	sadd.s32 s3, s30  }
0x11: {  	[tilespmem:s15+$0x1020 ss:$0x81] =	vst.msk $0xffff, v0;
	s13 =	sshll.u32 s31, $0x12;
	s12 =	sadd.s32 s12, s17;
	s16 =	sshrl.u32 s16, $0x3  }
0x12: {  	[tilespmem:s15+$0x0 ss:$0x81] =	vst.msk $0xffff, v1;
	s13 =	sor.u32 $0x400, s13;
	s12 =	sadd.s32 s16, s12  }
0x13: {  	[hbm4b:s12+s13] =	stream.strided.scatter [tilespmem:s14], [sflag:$0x2], $0x2000, s8, s13, $0x20;
	[tilespmem:$0x8080] =	vst v63  }
.LBB1_5:
0x14: {  	s14 =	sadd.s32 $0x1, s9  }
0x15: {  	s12 =	sadd.s32 $0x1000, s10;
	s16 =	smov.u32 s10;
	p2 =	sgt.s32 s14, $0xC7  }
0x16: {  	s16 =	smov.u32 @p2 s12  }
0x17: {  	s14 =	simm.s32 @p2 $0x0;
	p2 =	sgt.s32 s16, $0xFFF  }
0x18: {  	s16 =	smov.u32 @p2 s2;
	p2 =	sne.s32 s11, s7  }
.Ltmp1:
0x19: {  	p1 =	slt.u32 s11, $0x2;
	(pc) =	sbr.rel @!p2 .LBB1_6-.Ltmp1, $4  }
0x1a: {  	s15 =	simm.s32 @!p1 $0x2  }
0x1b: {  	s13 =	smov.u32 s10;
	p0 =	por !p0, !p0;
	_ =	swait.ge @!p1 [sflag:s15], $0x2000  }
0x1c: {  	s12 =	smov.u32 s9;
	[sflag:s15] =	ssyncset.done @!p1 $0x0;
	s9 =	smov.u32 s14  }
0x1d: {  	s11 =	sadd.s32 $0x1, s11;
	[sflag:s15] =	ssyncadd.s32 @!p1 $0xFFFFE000;
	s10 =	smov.u32 s16  }
.LBB1_1:
0x1e: {  	p1 =	sge.u32 s11, s5  }
0x1f: {  	s14 =	sand.u32 @!p1 $0x1FFFFFF, s9  }
0x20: {  	s15 =	smulhi.u32 @!p1 $0x147AE15, s14;
	_ =	sdelay $0x1  }
0x21: {  	s15 =	smul.u32 @!p1 $0xC8, s15  }
0x22: {  	s16 =	sxor.u32 @!p1 $0xFFFFFFFF, s11;
	s17 =	smul.u32 @!p1 $0xC80, s10  }
0x23: {  	s31 =	sadd.s32 $0xFFFFFFFF, s11;
	s16 =	sshll.u32 @!p1 s16, $0xD;
	s14 =	ssub.s32 @!p1 s14, s15  }
0x24: {  	s15 =	sand.u32 @!p1 $0x2000, s16;
	s16 =	sadd.s32 @!p1 s6, s17;
	s14 =	sshll.u32 @!p1 s14, $0x4  }
0x25: {  	s17 =	simm.s32 @!p1 $0x6400;
	s14 =	sadd.s32 @!p1 s14, s16;
	s16 =	simm.s32 @!p1 $0x40  }
0x26: {  	[tilespmem:s15], [sflag:$0x1] =	stream.strided.gather @!p1 [hbm4b:s14+s16], $0x2000, s17, s16, $0x38;
	[tilespmem:$0x8080] =	vst v63  }
0x27: {  	p1 =	sge.u32 s31, s5  }
.Ltmp2:
0x28: {  	_ = 	snop;
	(pc) =	sbr.rel @p1 .LBB1_5-.Ltmp2, $1  }
0x29: {  	_ =	sdelay $0x3  }
0x2a: {  	s14 =	simm.s32 $0x1  }
0x2b: {  	_ =	swait.ge [sflag:s4], $0x2000;
	s14 =	simm.s32 @!p0 $0x0  }
0x2c: {  	[sflag:s4] =	ssyncset.done $0x0;
	s15 =	sshll.u32 s14, $0xD  }
0x2d: {  	[sflag:s4] =	ssyncadd.s32 $0xFFFFE000;
	s18 =	sor.u32 $0x20, s15  }
0x2e: {  	s14 =	smul.u32 $0x8100, s14;
	v3 =	vld [tilespmem:s18+$0x10]  }
0x2f: {  	s30 =	sand.u32 $0x1, s11;
	v2 =	vld [tilespmem:s18+$0xFFFFFFF0]  }
0x30: {  	s15 =	smul.u32 $0x8100, s30;
	s14 =	sshrl.u32 s14, $0x2;
	v0 =	vld [tilespmem:s18+$0x0]  }
0x31: {  	v1 =	vld [tilespmem:s18+$0xFFFFFFE0];
	s16 =	sor.u32 $0x4000, s14  }
0x32: {  	s31 =	sshrl.u32 s15, $0x2;
	s15 =	sadd.s32 $0x0, s16  }
0x33: {  	s17 =	simm.s32 $0x4;
	s18 =	sadd.s32 $0x40, s18;
	s14 =	sor.u32 $0x4000, s31;
	[tilespmem:s15+$0x1830 ss:$0x81] =	vst.msk $0xffff, v3  }
.LBB1_3:
0x34: {  	v3 =	vld [tilespmem:s18+$0x10];
	p1 =	sne.s32 s17, $0x1FC;
	[tilespmem:s15+$0x810 ss:$0x81] =	vst.msk $0xffff, v2;
	s19 =	smov.u32 s17;
	s17 =	sadd.s32 $0x4, s17  }
.Ltmp3:
0x35: {  	v2 =	vld [tilespmem:s18+$0xFFFFFFF0];
	[tilespmem:s15+$0x1020 ss:$0x81] =	vst.msk $0xffff, v0;
	(pc) =	sbr.rel @p1 .LBB1_3-.Ltmp3, $4  }
0x36: {  	v0 =	vld [tilespmem:s18+$0x0];
	[tilespmem:s15+$0x0 ss:$0x81] =	vst.msk $0xffff, v1  }
0x37: {  	s15 =	sshra.s32 s19, $0x2;
	v1 =	vld [tilespmem:s18+$0xFFFFFFE0]  }
0x38: {  	s15 =	sadd.s32 s15, s16  }
0x39: {  	s18 =	sadd.s32 $0x40, s18;
	[tilespmem:s15+$0x1830 ss:$0x81] =	vst.msk $0xffff, v3  }
.Ltmp4:
0x3a: {  	_ = 	snop;
	(pc) =	sbr.rel .LBB1_4-.Ltmp4, $1  }
0x3b: {  	_ =	sdelay $0x3  }
.LBB1_6:
0x3c: {  	_ =	sfence.sel $0x180000  }
0x3d: {  	s2 =	simm.s32 $0x1;
	[bflag:$0x0] =	sbarrier.arrive $0xFFFF  }
0x3e: {  	s31 =	simm.s32 $0x2;
	[sflag:s2] =	ssyncpa.u1 $0x1  }
0x3f: {  	[sflag:s31] =	ssyncpa.u1 $0x1  }
0x40: {  	p0 =	sne.s32 s0, $0x0;
	_ =	strace $0x9000004A  }
0x41: {  	s0 =	sadd.s32 @!p0 $0x100000, s1;
	[bflag:$0x2] =	sbarrier.arrive $0xFFFF  }
0x42: {  	[sflag:s0] =	ssyncadd.tile.s32 @!p0 $0x1;
	_ =	shalt  }
.Lfunc_end1:
_tile_overlayer_lowered:
.L_overlay_start_2:
0x43: {  	(tag) =	ssettag $0x2  }
0x44: {  	s0 =	rddreg [dreg:$0x0];
	s2 =	stileid.u32  }
0x45: {  	s1 =	rddreg [dreg:$0x1];
	p0 =	sne.s32 s2, $0x0  }
0x46: {  	s3 =	rddreg [dreg:$0x2];
	[bflag:$0x3] =	sbarrier.arrive $0xFFFF;
	s2 =	simm.s32 @!p0 $0x1C01  }
0x47: {  	[timem:s3], [sflag:s2] =	dma.local @!p0 [hbm:s0], s1  }
0x48: {  	s0 =	simm.s32 @!p0 $0x1  }
0x49: {  	_ =	swait.ge @!p0 [sflag:s0], s1  }
0x4a: {  	s1 =	ssub.s32 @!p0 $0x0, s1;
	[sflag:s0] =	ssyncset.done @!p0 $0x0  }
0x4b: {  	[sflag:s0] =	ssyncadd.s32 @!p0 s1  }
0x4c: {  	[bflag:$0x3] =	sbarrier.arrive $0xFFFF  }
0x4d: {  	_ =	shalt  }

</sc_bundles>
